<compile_context>
chip_gen: v7x
topology: tpu7x:2x2x1
jax: 0.10.2.dev20260603
libtpu: 0.0.44.dev20260713+nightly
codegen_flags: <defaults>
</compile_context>

<pallas_src>
import functools

import jax
import jax.numpy as jnp
from jax import lax
from jax.experimental import pallas as pl
from jax.experimental.pallas import tpu as pltpu
from jax.experimental.pallas import tpu_sc as plsc

VOCAB = 1000000
MAX_LEN = 200
EMBED_DIM = 64
BATCH = 4096

NUM_CORES = 2
NUM_SUBCORES = 16
NW = NUM_CORES * NUM_SUBCORES
CB = 4
SBB = CB * 128
NSB = MAX_LEN * (BATCH // SBB)
SB_PER_W = NSB // NW
GIDX = 128
NG = SBB // GIDX
DG = EMBED_DIM // 16
C4 = BATCH // SBB


def _build():
  mesh = plsc.VectorSubcoreMesh(core_axis_name="c", subcore_axis_name="s")

  @functools.partial(
      pl.kernel,
      mesh=mesh,
      compiler_params=pltpu.CompilerParams(use_tc_tiling_on_sc=False,
                                           needs_layout_passes=False),
      out_type=jax.ShapeDtypeStruct((MAX_LEN, 8, BATCH // 128, 8, 128),
                                    jnp.float32),
      scratch_types=[
          pltpu.VMEM((NG, GIDX), jnp.int32),
          pltpu.VMEM((NG, GIDX), jnp.int32),
          pltpu.VMEM((SBB, EMBED_DIM), jnp.float32),
          pltpu.VMEM((SBB, EMBED_DIM), jnp.float32),
          pltpu.VMEM((8, CB, 8, 144), jnp.float32),
          pltpu.VMEM((MAX_LEN, EMBED_DIM), jnp.float32),
          pltpu.SemaphoreType.DMA,
          pltpu.SemaphoreType.DMA,
          pltpu.SemaphoreType.DMA,
      ],
  )
  def emb_kernel(idx_hbm, table_hbm, pos_hbm, out_hbm,
                 idx_a, idx_b, g_a, g_b, tbuf, pos_v,
                 gsem_a, gsem_b, wsem):
    wid = lax.axis_index("s") * NUM_CORES + lax.axis_index("c")
    sb0 = wid * SB_PER_W

    pltpu.sync_copy(pos_hbm, pos_v)

    iota16 = lax.iota(jnp.int32, 16)
    gvecs = [(dg * 16 + iota16) >> 3 for dg in range(DG)]
    rvecs = [(dg * 16 + iota16) & 7 for dg in range(DG)]

    bufs = ((idx_a, g_a, gsem_a), (idx_b, g_b, gsem_b))

    def fire(buf, i):
      idx_v, gbuf, gsem = buf
      pltpu.sync_copy(idx_hbm.at[pl.ds((sb0 + i) * NG, NG)], idx_v)
      for js in range(NG):
        pltpu.async_copy(
            table_hbm.at[idx_v.at[js]],
            gbuf.at[pl.ds(js * GIDX, GIDX)], gsem)

    def wait_write():
      pltpu.make_async_copy(tbuf.at[:, :, :, pl.ds(0, 128)],
                            out_hbm.at[0, :, pl.ds(0, CB), :, :],
                            wsem).wait()

    def process(buf, i, first):
      idx_v, gbuf, gsem = buf
      sbid = sb0 + i
      l = sbid // C4
      c_start = (sbid - l * C4) * CB
      for js in range(NG):
        pltpu.make_async_copy(
            table_hbm.at[idx_v.at[js]],
            gbuf.at[pl.ds(js * GIDX, GIDX)], gsem).wait()
      if not first:
        wait_write()
      posvecs = [pos_v[l, pl.ds(dg * 16, 16)] for dg in range(DG)]

      @plsc.parallel_loop(0, SBB, unroll=8)
      def jj_body(jj):
        cl = jnp.full((16,), jj >> 7, jnp.int32)
        lane = jnp.full((16,), jj & 127, jnp.int32)
        for dg in range(DG):
          val = gbuf[jj, pl.ds(dg * 16, 16)] + posvecs[dg]
          plsc.store_scatter(tbuf, [gvecs[dg], cl, rvecs[dg], lane], val)

      pltpu.async_copy(tbuf.at[:, :, :, pl.ds(0, 128)],
                       out_hbm.at[l, :, pl.ds(c_start, CB), :, :], wsem)

    fire(bufs[0], 0)
    fire(bufs[1], 1)

    process(bufs[0], 0, True)
    fire(bufs[0], 2)
    process(bufs[1], 1, False)
    fire(bufs[1], 3)

    def pair_body(i, carry):
      k = 2 * i
      process(bufs[0], k, False)
      fire(bufs[0], k + 2)
      process(bufs[1], k + 1, False)
      fire(bufs[1], k + 3)
      return carry

    lax.fori_loop(1, SB_PER_W // 2 - 1, pair_body, 0)

    last = SB_PER_W - 2
    process(bufs[0], last, False)
    process(bufs[1], last + 1, False)
    wait_write()

  return emb_kernel


_emb = _build()


def kernel(inputs, token_table, pos_table):
  idx2d = inputs.astype(jnp.int32).T.reshape(-1, GIDX)
  W = _emb(idx2d, token_table, pos_table)
  return W.transpose(2, 4, 0, 1, 3).reshape(BATCH, MAX_LEN, EMBED_DIM)

# --- scband reference (transcript-rebuilt; emitter-appended) ---
"""Pipeline reference for scband-token-and-position-embedding-29489245454488 (READ-ONLY COPY).

The authoritative reference and input builder live on the scoring server;
editing this copy changes nothing except your own understanding.
"""

import jax, jax.numpy as jnp
import numpy as np

VOCAB = 1000000
MAX_LEN = 200
EMBED_DIM = 64
BATCH = 4096


def setup_inputs(seed: int = 0) -> dict:
    key = jax.random.key(seed)
    k1, k2, k3 = jax.random.split(key, 3)
    inputs = jax.random.randint(k1, (BATCH, MAX_LEN), 0, VOCAB, dtype=jnp.int64 if jax.config.jax_enable_x64 else jnp.int32)
    token_table = jax.random.normal(k2, (VOCAB, EMBED_DIM), dtype=jnp.float32) * 0.02
    pos_table = jax.random.normal(k3, (MAX_LEN, EMBED_DIM), dtype=jnp.float32) * 0.02
    return {"inputs": inputs, "token_table": token_table, "pos_table": pos_table}


def reference(inputs, token_table, pos_table):
    # tokens = token_embeddings(inputs)
    tokens = jnp.take(token_table, inputs, axis=0)  # [B, L, D]
    # positions = position_embeddings(range(maxlen))
    maxlen = inputs.shape[-1]
    positions = jnp.take(pos_table, jnp.arange(maxlen), axis=0)  # [L, D]
    return tokens + positions[None, :, :]

if __name__ == "__main__":
    import jax
    _d = setup_inputs()
    print(jax.jit(kernel)(*tuple(_d.values())))

</pallas_src>

<mosaic_0001>
#map = affine_map<(d0, d1) -> (0, 0)>
#map1 = affine_map<(d0, d1) -> (0, 0, 0, 0, 0)>
module attributes {stable_mosaic.version = 14 : i64} {
  func.func @emb_kernel(%arg0: i32, %arg1: i32, %arg2: memref<6400x128xi32, #tpu.memory_space<hbm>>, %arg3: memref<1000000x64xf32, #tpu.memory_space<hbm>>, %arg4: memref<200x64xf32, #tpu.memory_space<hbm>>, %arg5: memref<200x8x32x8x128xf32, #tpu.memory_space<hbm>>, %arg6: memref<4x128xi32, #tpu.memory_space<vmem>>, %arg7: memref<4x128xi32, #tpu.memory_space<vmem>>, %arg8: memref<512x64xf32, #tpu.memory_space<vmem>>, %arg9: memref<512x64xf32, #tpu.memory_space<vmem>>, %arg10: memref<8x4x8x144xf32, #tpu.memory_space<vmem>>, %arg11: memref<200x64xf32, #tpu.memory_space<vmem>>, %arg12: memref<!tpu.dma_semaphore, #tpu.memory_space<semaphore_mem>>, %arg13: memref<!tpu.dma_semaphore, #tpu.memory_space<semaphore_mem>>, %arg14: memref<!tpu.dma_semaphore, #tpu.memory_space<semaphore_mem>>) attributes {dimension_semantics = [#tpu.dimension_semantics<core_parallel>, #tpu.dimension_semantics<subcore_parallel>], iteration_bounds = array<i64: 2, 16>, scalar_prefetch = 0 : i64, scratch_operands = 9 : i64, tpu.core_type = #tpu.core_type<sc_vector_subcore>, window_params = [{transform_indices = #map}, {transform_indices = #map}, {transform_indices = #map}, {transform_indices = #map1}]} {
    %mul3A = arith.constant 2 : i32
    %mul3A_0 = arith.muli %arg1, %mul3A : i32
    %add3A = arith.addi %mul3A_0, %arg0 : i32
    %mul3A_1 = arith.constant 50 : i32
    %mul3A_2 = arith.muli %add3A, %mul3A_1 : i32
    "tpu.region"() ({
      %run_scoped3A = tpu.sem_alloc : memref<!tpu.dma_semaphore, #tpu.memory_space<semaphore_mem>>
      tpu.enqueue_dma source(%arg4 : memref<200x64xf32, #tpu.memory_space<hbm>>) target(%arg11 : memref<200x64xf32, #tpu.memory_space<vmem>>) target_semaphore(%run_scoped3A : memref<!tpu.dma_semaphore, #tpu.memory_space<semaphore_mem>>)
      tpu.wait_dma2 semaphore(%run_scoped3A : memref<!tpu.dma_semaphore, #tpu.memory_space<semaphore_mem>>) src(%arg4 : memref<200x64xf32, #tpu.memory_space<hbm>>) dst(%arg11 : memref<200x64xf32, #tpu.memory_space<vmem>>)
      tpu.yield
    }) : () -> ()
    %iota3A = tpu.iota {dimensions = array<i32: 0>} : vector<16xi32>
    %add3A_3 = arith.constant 0 : i32
    %add3A_4 = vector.broadcast %add3A_3 : i32 to vector<16xi32>
    %add3A_5 = arith.addi %add3A_4, %iota3A : vector<16xi32>
    %shift_right_arithmetic3A = arith.constant 3 : i32
    %shift_right_arithmetic3A_6 = vector.broadcast %shift_right_arithmetic3A : i32 to vector<16xi32>
    %shift_right_arithmetic3A_7 = arith.shrsi %add3A_5, %shift_right_arithmetic3A_6 : vector<16xi32>
    %add3A_8 = arith.constant 16 : i32
    %add3A_9 = vector.broadcast %add3A_8 : i32 to vector<16xi32>
    %add3A_10 = arith.addi %add3A_9, %iota3A : vector<16xi32>
    %shift_right_arithmetic3A_11 = arith.constant 3 : i32
    %shift_right_arithmetic3A_12 = vector.broadcast %shift_right_arithmetic3A_11 : i32 to vector<16xi32>
    %shift_right_arithmetic3A_13 = arith.shrsi %add3A_10, %shift_right_arithmetic3A_12 : vector<16xi32>
    %add3A_14 = arith.constant 32 : i32
    %add3A_15 = vector.broadcast %add3A_14 : i32 to vector<16xi32>
    %add3A_16 = arith.addi %add3A_15, %iota3A : vector<16xi32>
    %shift_right_arithmetic3A_17 = arith.constant 3 : i32
    %shift_right_arithmetic3A_18 = vector.broadcast %shift_right_arithmetic3A_17 : i32 to vector<16xi32>
    %shift_right_arithmetic3A_19 = arith.shrsi %add3A_16, %shift_right_arithmetic3A_18 : vector<16xi32>
    %add3A_20 = arith.constant 48 : i32
    %add3A_21 = vector.broadcast %add3A_20 : i32 to vector<16xi32>
    %add3A_22 = arith.addi %add3A_21, %iota3A : vector<16xi32>
    %shift_right_arithmetic3A_23 = arith.constant 3 : i32
    %shift_right_arithmetic3A_24 = vector.broadcast %shift_right_arithmetic3A_23 : i32 to vector<16xi32>
    %shift_right_arithmetic3A_25 = arith.shrsi %add3A_22, %shift_right_arithmetic3A_24 : vector<16xi32>
    %add3A_26 = arith.constant 0 : i32
    %add3A_27 = vector.broadcast %add3A_26 : i32 to vector<16xi32>
    %add3A_28 = arith.addi %add3A_27, %iota3A : vector<16xi32>
    %and3A = arith.constant 7 : i32
    %and3A_29 = vector.broadcast %and3A : i32 to vector<16xi32>
    %and3A_30 = arith.andi %add3A_28, %and3A_29 : vector<16xi32>
    %add3A_31 = arith.constant 16 : i32
    %add3A_32 = vector.broadcast %add3A_31 : i32 to vector<16xi32>
    %add3A_33 = arith.addi %add3A_32, %iota3A : vector<16xi32>
    %and3A_34 = arith.constant 7 : i32
    %and3A_35 = vector.broadcast %and3A_34 : i32 to vector<16xi32>
    %and3A_36 = arith.andi %add3A_33, %and3A_35 : vector<16xi32>
    %add3A_37 = arith.constant 32 : i32
    %add3A_38 = vector.broadcast %add3A_37 : i32 to vector<16xi32>
    %add3A_39 = arith.addi %add3A_38, %iota3A : vector<16xi32>
    %and3A_40 = arith.constant 7 : i32
    %and3A_41 = vector.broadcast %and3A_40 : i32 to vector<16xi32>
    %and3A_42 = arith.andi %add3A_39, %and3A_41 : vector<16xi32>
    %add3A_43 = arith.constant 48 : i32
    %add3A_44 = vector.broadcast %add3A_43 : i32 to vector<16xi32>
    %add3A_45 = arith.addi %add3A_44, %iota3A : vector<16xi32>
    %and3A_46 = arith.constant 7 : i32
    %and3A_47 = vector.broadcast %and3A_46 : i32 to vector<16xi32>
    %and3A_48 = arith.andi %add3A_45, %and3A_47 : vector<16xi32>
    %add3A_49 = arith.constant 0 : i32
    %add3A_50 = arith.addi %mul3A_2, %add3A_49 : i32
    %mul3A_51 = arith.constant 4 : i32
    %mul3A_52 = arith.muli %add3A_50, %mul3A_51 : i32
    "tpu.region"() ({
      %run_scoped3A = tpu.sem_alloc : memref<!tpu.dma_semaphore, #tpu.memory_space<semaphore_mem>>
      %dma_start3A_735 = arith.constant 0 : i32
      %dma_start3A_736 = tpu.memref_slice %arg2[%mul3A_52, %dma_start3A_735] : memref<6400x128xi32, #tpu.memory_space<hbm>> -> memref<4x128xi32, #tpu.memory_space<hbm>>
      %dma_start3A_737 = arith.constant 0 : i32
      %dma_start3A_738 = tpu.memref_slice %arg2[%mul3A_52, %dma_start3A_737] : memref<6400x128xi32, #tpu.memory_space<hbm>> -> memref<4x128xi32, #tpu.memory_space<hbm>>
      tpu.enqueue_dma source(%dma_start3A_738 : memref<4x128xi32, #tpu.memory_space<hbm>>) target(%arg6 : memref<4x128xi32, #tpu.memory_space<vmem>>) target_semaphore(%run_scoped3A : memref<!tpu.dma_semaphore, #tpu.memory_space<semaphore_mem>>)
      %dma_wait3A_739 = arith.constant 0 : i32
      %dma_wait3A_740 = tpu.memref_slice %arg2[%mul3A_52, %dma_wait3A_739] : memref<6400x128xi32, #tpu.memory_space<hbm>> -> memref<4x128xi32, #tpu.memory_space<hbm>>
      %dma_wait3A_741 = arith.constant 0 : i32
      %dma_wait3A_742 = tpu.memref_slice %arg2[%mul3A_52, %dma_wait3A_741] : memref<6400x128xi32, #tpu.memory_space<hbm>> -> memref<4x128xi32, #tpu.memory_space<hbm>>
      tpu.wait_dma2 semaphore(%run_scoped3A : memref<!tpu.dma_semaphore, #tpu.memory_space<semaphore_mem>>) src(%dma_wait3A_742 : memref<4x128xi32, #tpu.memory_space<hbm>>) dst(%arg6 : memref<4x128xi32, #tpu.memory_space<vmem>>)
      tpu.yield
    }) : () -> ()
    %dma_start3A = arith.constant 0 : i32
    %dma_start3A_53 = arith.constant 0 : i32
    %dma_start3A_54 = arith.constant 0 : i32
    %dma_start3A_55 = tpu.memref_slice %arg8[%dma_start3A_53, %dma_start3A_54] : memref<512x64xf32, #tpu.memory_space<vmem>> -> memref<128x64xf32, #tpu.memory_space<vmem>>
    %dma_start3A_56 = arith.constant 0 : i32
    %dma_start3A_57 = tpu.memref_slice %arg6[%dma_start3A, %dma_start3A_56] : memref<4x128xi32, #tpu.memory_space<vmem>> -> memref<1x128xi32, #tpu.memory_space<vmem>>
    %dma_start3A_58 = tpu.memref_squeeze %dma_start3A_57 : memref<1x128xi32, #tpu.memory_space<vmem>> -> memref<128xi32, #tpu.memory_space<vmem>>
    %dma_start3A_59 = arith.constant 0 : i32
    %dma_start3A_60 = arith.constant 0 : i32
    %dma_start3A_61 = tpu.memref_slice %arg3[%dma_start3A_59, %dma_start3A_60] : memref<1000000x64xf32, #tpu.memory_space<hbm>> -> memref<1000000x64xf32, #tpu.memory_space<hbm>>
    tpu.enqueue_indirect_dma source(%dma_start3A_61 : memref<1000000x64xf32, #tpu.memory_space<hbm>>) target(%dma_start3A_55 : memref<128x64xf32, #tpu.memory_space<vmem>>) offsets(%dma_start3A_58 : memref<128xi32, #tpu.memory_space<vmem>>) semaphore(%arg12 : memref<!tpu.dma_semaphore, #tpu.memory_space<semaphore_mem>>)
    %dma_start3A_62 = arith.constant 1 : i32
    %dma_start3A_63 = arith.constant 128 : i32
    %dma_start3A_64 = arith.constant 0 : i32
    %dma_start3A_65 = tpu.memref_slice %arg8[%dma_start3A_63, %dma_start3A_64] : memref<512x64xf32, #tpu.memory_space<vmem>> -> memref<128x64xf32, #tpu.memory_space<vmem>>
    %dma_start3A_66 = arith.constant 0 : i32
    %dma_start3A_67 = tpu.memref_slice %arg6[%dma_start3A_62, %dma_start3A_66] : memref<4x128xi32, #tpu.memory_space<vmem>> -> memref<1x128xi32, #tpu.memory_space<vmem>>
    %dma_start3A_68 = tpu.memref_squeeze %dma_start3A_67 : memref<1x128xi32, #tpu.memory_space<vmem>> -> memref<128xi32, #tpu.memory_space<vmem>>
    %dma_start3A_69 = arith.constant 0 : i32
    %dma_start3A_70 = arith.constant 0 : i32
    %dma_start3A_71 = tpu.memref_slice %arg3[%dma_start3A_69, %dma_start3A_70] : memref<1000000x64xf32, #tpu.memory_space<hbm>> -> memref<1000000x64xf32, #tpu.memory_space<hbm>>
    tpu.enqueue_indirect_dma source(%dma_start3A_71 : memref<1000000x64xf32, #tpu.memory_space<hbm>>) target(%dma_start3A_65 : memref<128x64xf32, #tpu.memory_space<vmem>>) offsets(%dma_start3A_68 : memref<128xi32, #tpu.memory_space<vmem>>) semaphore(%arg12 : memref<!tpu.dma_semaphore, #tpu.memory_space<semaphore_mem>>)
    %dma_start3A_72 = arith.constant 2 : i32
    %dma_start3A_73 = arith.constant 256 : i32
    %dma_start3A_74 = arith.constant 0 : i32
    %dma_start3A_75 = tpu.memref_slice %arg8[%dma_start3A_73, %dma_start3A_74] : memref<512x64xf32, #tpu.memory_space<vmem>> -> memref<128x64xf32, #tpu.memory_space<vmem>>
    %dma_start3A_76 = arith.constant 0 : i32
    %dma_start3A_77 = tpu.memref_slice %arg6[%dma_start3A_72, %dma_start3A_76] : memref<4x128xi32, #tpu.memory_space<vmem>> -> memref<1x128xi32, #tpu.memory_space<vmem>>
    %dma_start3A_78 = tpu.memref_squeeze %dma_start3A_77 : memref<1x128xi32, #tpu.memory_space<vmem>> -> memref<128xi32, #tpu.memory_space<vmem>>
    %dma_start3A_79 = arith.constant 0 : i32
    %dma_start3A_80 = arith.constant 0 : i32
    %dma_start3A_81 = tpu.memref_slice %arg3[%dma_start3A_79, %dma_start3A_80] : memref<1000000x64xf32, #tpu.memory_space<hbm>> -> memref<1000000x64xf32, #tpu.memory_space<hbm>>
    tpu.enqueue_indirect_dma source(%dma_start3A_81 : memref<1000000x64xf32, #tpu.memory_space<hbm>>) target(%dma_start3A_75 : memref<128x64xf32, #tpu.memory_space<vmem>>) offsets(%dma_start3A_78 : memref<128xi32, #tpu.memory_space<vmem>>) semaphore(%arg12 : memref<!tpu.dma_semaphore, #tpu.memory_space<semaphore_mem>>)
    %dma_start3A_82 = arith.constant 3 : i32
    %dma_start3A_83 = arith.constant 384 : i32
    %dma_start3A_84 = arith.constant 0 : i32
    %dma_start3A_85 = tpu.memref_slice %arg8[%dma_start3A_83, %dma_start3A_84] : memref<512x64xf32, #tpu.memory_space<vmem>> -> memref<128x64xf32, #tpu.memory_space<vmem>>
    %dma_start3A_86 = arith.constant 0 : i32
    %dma_start3A_87 = tpu.memref_slice %arg6[%dma_start3A_82, %dma_start3A_86] : memref<4x128xi32, #tpu.memory_space<vmem>> -> memref<1x128xi32, #tpu.memory_space<vmem>>
    %dma_start3A_88 = tpu.memref_squeeze %dma_start3A_87 : memref<1x128xi32, #tpu.memory_space<vmem>> -> memref<128xi32, #tpu.memory_space<vmem>>
    %dma_start3A_89 = arith.constant 0 : i32
    %dma_start3A_90 = arith.constant 0 : i32
    %dma_start3A_91 = tpu.memref_slice %arg3[%dma_start3A_89, %dma_start3A_90] : memref<1000000x64xf32, #tpu.memory_space<hbm>> -> memref<1000000x64xf32, #tpu.memory_space<hbm>>
    tpu.enqueue_indirect_dma source(%dma_start3A_91 : memref<1000000x64xf32, #tpu.memory_space<hbm>>) target(%dma_start3A_85 : memref<128x64xf32, #tpu.memory_space<vmem>>) offsets(%dma_start3A_88 : memref<128xi32, #tpu.memory_space<vmem>>) semaphore(%arg12 : memref<!tpu.dma_semaphore, #tpu.memory_space<semaphore_mem>>)
    %add3A_92 = arith.constant 1 : i32
    %add3A_93 = arith.addi %mul3A_2, %add3A_92 : i32
    %mul3A_94 = arith.constant 4 : i32
    %mul3A_95 = arith.muli %add3A_93, %mul3A_94 : i32
    "tpu.region"() ({
      %run_scoped3A = tpu.sem_alloc : memref<!tpu.dma_semaphore, #tpu.memory_space<semaphore_mem>>
      %dma_start3A_735 = arith.constant 0 : i32
      %dma_start3A_736 = tpu.memref_slice %arg2[%mul3A_95, %dma_start3A_735] : memref<6400x128xi32, #tpu.memory_space<hbm>> -> memref<4x128xi32, #tpu.memory_space<hbm>>
      %dma_start3A_737 = arith.constant 0 : i32
      %dma_start3A_738 = tpu.memref_slice %arg2[%mul3A_95, %dma_start3A_737] : memref<6400x128xi32, #tpu.memory_space<hbm>> -> memref<4x128xi32, #tpu.memory_space<hbm>>
      tpu.enqueue_dma source(%dma_start3A_738 : memref<4x128xi32, #tpu.memory_space<hbm>>) target(%arg7 : memref<4x128xi32, #tpu.memory_space<vmem>>) target_semaphore(%run_scoped3A : memref<!tpu.dma_semaphore, #tpu.memory_space<semaphore_mem>>)
      %dma_wait3A_739 = arith.constant 0 : i32
      %dma_wait3A_740 = tpu.memref_slice %arg2[%mul3A_95, %dma_wait3A_739] : memref<6400x128xi32, #tpu.memory_space<hbm>> -> memref<4x128xi32, #tpu.memory_space<hbm>>
      %dma_wait3A_741 = arith.constant 0 : i32
      %dma_wait3A_742 = tpu.memref_slice %arg2[%mul3A_95, %dma_wait3A_741] : memref<6400x128xi32, #tpu.memory_space<hbm>> -> memref<4x128xi32, #tpu.memory_space<hbm>>
      tpu.wait_dma2 semaphore(%run_scoped3A : memref<!tpu.dma_semaphore, #tpu.memory_space<semaphore_mem>>) src(%dma_wait3A_742 : memref<4x128xi32, #tpu.memory_space<hbm>>) dst(%arg7 : memref<4x128xi32, #tpu.memory_space<vmem>>)
      tpu.yield
    }) : () -> ()
    %dma_start3A_96 = arith.constant 0 : i32
    %dma_start3A_97 = arith.constant 0 : i32
    %dma_start3A_98 = arith.constant 0 : i32
    %dma_start3A_99 = tpu.memref_slice %arg9[%dma_start3A_97, %dma_start3A_98] : memref<512x64xf32, #tpu.memory_space<vmem>> -> memref<128x64xf32, #tpu.memory_space<vmem>>
    %dma_start3A_100 = arith.constant 0 : i32
    %dma_start3A_101 = tpu.memref_slice %arg7[%dma_start3A_96, %dma_start3A_100] : memref<4x128xi32, #tpu.memory_space<vmem>> -> memref<1x128xi32, #tpu.memory_space<vmem>>
    %dma_start3A_102 = tpu.memref_squeeze %dma_start3A_101 : memref<1x128xi32, #tpu.memory_space<vmem>> -> memref<128xi32, #tpu.memory_space<vmem>>
    %dma_start3A_103 = arith.constant 0 : i32
    %dma_start3A_104 = arith.constant 0 : i32
    %dma_start3A_105 = tpu.memref_slice %arg3[%dma_start3A_103, %dma_start3A_104] : memref<1000000x64xf32, #tpu.memory_space<hbm>> -> memref<1000000x64xf32, #tpu.memory_space<hbm>>
    tpu.enqueue_indirect_dma source(%dma_start3A_105 : memref<1000000x64xf32, #tpu.memory_space<hbm>>) target(%dma_start3A_99 : memref<128x64xf32, #tpu.memory_space<vmem>>) offsets(%dma_start3A_102 : memref<128xi32, #tpu.memory_space<vmem>>) semaphore(%arg13 : memref<!tpu.dma_semaphore, #tpu.memory_space<semaphore_mem>>)
    %dma_start3A_106 = arith.constant 1 : i32
    %dma_start3A_107 = arith.constant 128 : i32
    %dma_start3A_108 = arith.constant 0 : i32
    %dma_start3A_109 = tpu.memref_slice %arg9[%dma_start3A_107, %dma_start3A_108] : memref<512x64xf32, #tpu.memory_space<vmem>> -> memref<128x64xf32, #tpu.memory_space<vmem>>
    %dma_start3A_110 = arith.constant 0 : i32
    %dma_start3A_111 = tpu.memref_slice %arg7[%dma_start3A_106, %dma_start3A_110] : memref<4x128xi32, #tpu.memory_space<vmem>> -> memref<1x128xi32, #tpu.memory_space<vmem>>
    %dma_start3A_112 = tpu.memref_squeeze %dma_start3A_111 : memref<1x128xi32, #tpu.memory_space<vmem>> -> memref<128xi32, #tpu.memory_space<vmem>>
    %dma_start3A_113 = arith.constant 0 : i32
    %dma_start3A_114 = arith.constant 0 : i32
    %dma_start3A_115 = tpu.memref_slice %arg3[%dma_start3A_113, %dma_start3A_114] : memref<1000000x64xf32, #tpu.memory_space<hbm>> -> memref<1000000x64xf32, #tpu.memory_space<hbm>>
    tpu.enqueue_indirect_dma source(%dma_start3A_115 : memref<1000000x64xf32, #tpu.memory_space<hbm>>) target(%dma_start3A_109 : memref<128x64xf32, #tpu.memory_space<vmem>>) offsets(%dma_start3A_112 : memref<128xi32, #tpu.memory_space<vmem>>) semaphore(%arg13 : memref<!tpu.dma_semaphore, #tpu.memory_space<semaphore_mem>>)
    %dma_start3A_116 = arith.constant 2 : i32
    %dma_start3A_117 = arith.constant 256 : i32
    %dma_start3A_118 = arith.constant 0 : i32
    %dma_start3A_119 = tpu.memref_slice %arg9[%dma_start3A_117, %dma_start3A_118] : memref<512x64xf32, #tpu.memory_space<vmem>> -> memref<128x64xf32, #tpu.memory_space<vmem>>
    %dma_start3A_120 = arith.constant 0 : i32
    %dma_start3A_121 = tpu.memref_slice %arg7[%dma_start3A_116, %dma_start3A_120] : memref<4x128xi32, #tpu.memory_space<vmem>> -> memref<1x128xi32, #tpu.memory_space<vmem>>
    %dma_start3A_122 = tpu.memref_squeeze %dma_start3A_121 : memref<1x128xi32, #tpu.memory_space<vmem>> -> memref<128xi32, #tpu.memory_space<vmem>>
    %dma_start3A_123 = arith.constant 0 : i32
    %dma_start3A_124 = arith.constant 0 : i32
    %dma_start3A_125 = tpu.memref_slice %arg3[%dma_start3A_123, %dma_start3A_124] : memref<1000000x64xf32, #tpu.memory_space<hbm>> -> memref<1000000x64xf32, #tpu.memory_space<hbm>>
    tpu.enqueue_indirect_dma source(%dma_start3A_125 : memref<1000000x64xf32, #tpu.memory_space<hbm>>) target(%dma_start3A_119 : memref<128x64xf32, #tpu.memory_space<vmem>>) offsets(%dma_start3A_122 : memref<128xi32, #tpu.memory_space<vmem>>) semaphore(%arg13 : memref<!tpu.dma_semaphore, #tpu.memory_space<semaphore_mem>>)
    %dma_start3A_126 = arith.constant 3 : i32
    %dma_start3A_127 = arith.constant 384 : i32
    %dma_start3A_128 = arith.constant 0 : i32
    %dma_start3A_129 = tpu.memref_slice %arg9[%dma_start3A_127, %dma_start3A_128] : memref<512x64xf32, #tpu.memory_space<vmem>> -> memref<128x64xf32, #tpu.memory_space<vmem>>
    %dma_start3A_130 = arith.constant 0 : i32
    %dma_start3A_131 = tpu.memref_slice %arg7[%dma_start3A_126, %dma_start3A_130] : memref<4x128xi32, #tpu.memory_space<vmem>> -> memref<1x128xi32, #tpu.memory_space<vmem>>
    %dma_start3A_132 = tpu.memref_squeeze %dma_start3A_131 : memref<1x128xi32, #tpu.memory_space<vmem>> -> memref<128xi32, #tpu.memory_space<vmem>>
    %dma_start3A_133 = arith.constant 0 : i32
    %dma_start3A_134 = arith.constant 0 : i32
    %dma_start3A_135 = tpu.memref_slice %arg3[%dma_start3A_133, %dma_start3A_134] : memref<1000000x64xf32, #tpu.memory_space<hbm>> -> memref<1000000x64xf32, #tpu.memory_space<hbm>>
    tpu.enqueue_indirect_dma source(%dma_start3A_135 : memref<1000000x64xf32, #tpu.memory_space<hbm>>) target(%dma_start3A_129 : memref<128x64xf32, #tpu.memory_space<vmem>>) offsets(%dma_start3A_132 : memref<128xi32, #tpu.memory_space<vmem>>) semaphore(%arg13 : memref<!tpu.dma_semaphore, #tpu.memory_space<semaphore_mem>>)
    %add3A_136 = arith.constant 0 : i32
    %add3A_137 = arith.addi %mul3A_2, %add3A_136 : i32
    %jit3A = arith.constant 8 : i32
    %div3A = arith.divsi %add3A_137, %jit3A : i32
    %sign3A = arith.constant 0 : i32
    %sign3A_138 = arith.cmpi sgt, %add3A_137, %sign3A : i32
    %sign3A_139 = arith.extui %sign3A_138 : i1 to i32
    %sign3A_140 = arith.constant 0 : i32
    %sign3A_141 = arith.cmpi slt, %add3A_137, %sign3A_140 : i32
    %sign3A_142 = arith.extui %sign3A_141 : i1 to i32
    %sign3A_143 = arith.subi %sign3A_139, %sign3A_142 : i32
    %sign3A_144 = arith.constant 0 : i32
    %sign3A_145 = arith.cmpi sgt, %jit3A, %sign3A_144 : i32
    %sign3A_146 = arith.extui %sign3A_145 : i1 to i32
    %sign3A_147 = arith.constant 0 : i32
    %sign3A_148 = arith.cmpi slt, %jit3A, %sign3A_147 : i32
    %sign3A_149 = arith.extui %sign3A_148 : i1 to i32
    %sign3A_150 = arith.subi %sign3A_146, %sign3A_149 : i32
    %ne3A = arith.cmpi ne, %sign3A_143, %sign3A_150 : i32
    %rem3A = arith.remsi %add3A_137, %jit3A : i32
    %ne3A_151 = arith.constant 0 : i32
    %ne3A_152 = arith.cmpi ne, %rem3A, %ne3A_151 : i32
    %and3A_153 = arith.andi %ne3A, %ne3A_152 : i1
    %sub3A = arith.constant 1 : i32
    %sub3A_154 = arith.subi %div3A, %sub3A : i32
    %select_n3A = arith.select %and3A_153, %sub3A_154, %div3A : i32
    %mul3A_155 = arith.constant 8 : i32
    %mul3A_156 = arith.muli %select_n3A, %mul3A_155 : i32
    %sub3A_157 = arith.subi %add3A_137, %mul3A_156 : i32
    %mul3A_158 = arith.constant 4 : i32
    %mul3A_159 = arith.muli %sub3A_157, %mul3A_158 : i32
    %dma_wait3A = arith.constant 0 : i32
    %dma_wait3A_160 = arith.constant 0 : i32
    %dma_wait3A_161 = arith.constant 0 : i32
    %dma_wait3A_162 = tpu.memref_slice %arg8[%dma_wait3A_160, %dma_wait3A_161] : memref<512x64xf32, #tpu.memory_space<vmem>> -> memref<128x64xf32, #tpu.memory_space<vmem>>
    %dma_wait3A_163 = arith.constant 0 : i32
    %dma_wait3A_164 = tpu.memref_slice %arg6[%dma_wait3A, %dma_wait3A_163] : memref<4x128xi32, #tpu.memory_space<vmem>> -> memref<1x128xi32, #tpu.memory_space<vmem>>
    %dma_wait3A_165 = tpu.memref_squeeze %dma_wait3A_164 : memref<1x128xi32, #tpu.memory_space<vmem>> -> memref<128xi32, #tpu.memory_space<vmem>>
    %dma_wait3A_166 = arith.constant 0 : i32
    %dma_wait3A_167 = arith.constant 0 : i32
    %dma_wait3A_168 = tpu.memref_slice %arg3[%dma_wait3A_166, %dma_wait3A_167] : memref<1000000x64xf32, #tpu.memory_space<hbm>> -> memref<1000000x64xf32, #tpu.memory_space<hbm>>
    tpu.wait_indirect_dma semaphore(%arg12 : memref<!tpu.dma_semaphore, #tpu.memory_space<semaphore_mem>>) src(%dma_wait3A_168 : memref<1000000x64xf32, #tpu.memory_space<hbm>>) dst(%dma_wait3A_162 : memref<128x64xf32, #tpu.memory_space<vmem>>)
    %dma_wait3A_169 = arith.constant 1 : i32
    %dma_wait3A_170 = arith.constant 128 : i32
    %dma_wait3A_171 = arith.constant 0 : i32
    %dma_wait3A_172 = tpu.memref_slice %arg8[%dma_wait3A_170, %dma_wait3A_171] : memref<512x64xf32, #tpu.memory_space<vmem>> -> memref<128x64xf32, #tpu.memory_space<vmem>>
    %dma_wait3A_173 = arith.constant 0 : i32
    %dma_wait3A_174 = tpu.memref_slice %arg6[%dma_wait3A_169, %dma_wait3A_173] : memref<4x128xi32, #tpu.memory_space<vmem>> -> memref<1x128xi32, #tpu.memory_space<vmem>>
    %dma_wait3A_175 = tpu.memref_squeeze %dma_wait3A_174 : memref<1x128xi32, #tpu.memory_space<vmem>> -> memref<128xi32, #tpu.memory_space<vmem>>
    %dma_wait3A_176 = arith.constant 0 : i32
    %dma_wait3A_177 = arith.constant 0 : i32
    %dma_wait3A_178 = tpu.memref_slice %arg3[%dma_wait3A_176, %dma_wait3A_177] : memref<1000000x64xf32, #tpu.memory_space<hbm>> -> memref<1000000x64xf32, #tpu.memory_space<hbm>>
    tpu.wait_indirect_dma semaphore(%arg12 : memref<!tpu.dma_semaphore, #tpu.memory_space<semaphore_mem>>) src(%dma_wait3A_178 : memref<1000000x64xf32, #tpu.memory_space<hbm>>) dst(%dma_wait3A_172 : memref<128x64xf32, #tpu.memory_space<vmem>>)
    %dma_wait3A_179 = arith.constant 2 : i32
    %dma_wait3A_180 = arith.constant 256 : i32
    %dma_wait3A_181 = arith.constant 0 : i32
    %dma_wait3A_182 = tpu.memref_slice %arg8[%dma_wait3A_180, %dma_wait3A_181] : memref<512x64xf32, #tpu.memory_space<vmem>> -> memref<128x64xf32, #tpu.memory_space<vmem>>
    %dma_wait3A_183 = arith.constant 0 : i32
    %dma_wait3A_184 = tpu.memref_slice %arg6[%dma_wait3A_179, %dma_wait3A_183] : memref<4x128xi32, #tpu.memory_space<vmem>> -> memref<1x128xi32, #tpu.memory_space<vmem>>
    %dma_wait3A_185 = tpu.memref_squeeze %dma_wait3A_184 : memref<1x128xi32, #tpu.memory_space<vmem>> -> memref<128xi32, #tpu.memory_space<vmem>>
    %dma_wait3A_186 = arith.constant 0 : i32
    %dma_wait3A_187 = arith.constant 0 : i32
    %dma_wait3A_188 = tpu.memref_slice %arg3[%dma_wait3A_186, %dma_wait3A_187] : memref<1000000x64xf32, #tpu.memory_space<hbm>> -> memref<1000000x64xf32, #tpu.memory_space<hbm>>
    tpu.wait_indirect_dma semaphore(%arg12 : memref<!tpu.dma_semaphore, #tpu.memory_space<semaphore_mem>>) src(%dma_wait3A_188 : memref<1000000x64xf32, #tpu.memory_space<hbm>>) dst(%dma_wait3A_182 : memref<128x64xf32, #tpu.memory_space<vmem>>)
    %dma_wait3A_189 = arith.constant 3 : i32
    %dma_wait3A_190 = arith.constant 384 : i32
    %dma_wait3A_191 = arith.constant 0 : i32
    %dma_wait3A_192 = tpu.memref_slice %arg8[%dma_wait3A_190, %dma_wait3A_191] : memref<512x64xf32, #tpu.memory_space<vmem>> -> memref<128x64xf32, #tpu.memory_space<vmem>>
    %dma_wait3A_193 = arith.constant 0 : i32
    %dma_wait3A_194 = tpu.memref_slice %arg6[%dma_wait3A_189, %dma_wait3A_193] : memref<4x128xi32, #tpu.memory_space<vmem>> -> memref<1x128xi32, #tpu.memory_space<vmem>>
    %dma_wait3A_195 = tpu.memref_squeeze %dma_wait3A_194 : memref<1x128xi32, #tpu.memory_space<vmem>> -> memref<128xi32, #tpu.memory_space<vmem>>
    %dma_wait3A_196 = arith.constant 0 : i32
    %dma_wait3A_197 = arith.constant 0 : i32
    %dma_wait3A_198 = tpu.memref_slice %arg3[%dma_wait3A_196, %dma_wait3A_197] : memref<1000000x64xf32, #tpu.memory_space<hbm>> -> memref<1000000x64xf32, #tpu.memory_space<hbm>>
    tpu.wait_indirect_dma semaphore(%arg12 : memref<!tpu.dma_semaphore, #tpu.memory_space<semaphore_mem>>) src(%dma_wait3A_198 : memref<1000000x64xf32, #tpu.memory_space<hbm>>) dst(%dma_wait3A_192 : memref<128x64xf32, #tpu.memory_space<vmem>>)
    %get3A = arith.index_cast %select_n3A : i32 to index
    %get3A_199 = arith.constant 0 : index
    %get3A_200 = tpu.vector_load %arg11[%get3A, %get3A_199] {strides = array<i32>} : memref<200x64xf32, #tpu.memory_space<vmem>>, vector<16xf32>,
    %get3A_201 = arith.index_cast %select_n3A : i32 to index
    %get3A_202 = arith.constant 16 : index
    %get3A_203 = tpu.vector_load %arg11[%get3A_201, %get3A_202] {strides = array<i32>} : memref<200x64xf32, #tpu.memory_space<vmem>>, vector<16xf32>,
    %get3A_204 = arith.index_cast %select_n3A : i32 to index
    %get3A_205 = arith.constant 32 : index
    %get3A_206 = tpu.vector_load %arg11[%get3A_204, %get3A_205] {strides = array<i32>} : memref<200x64xf32, #tpu.memory_space<vmem>>, vector<16xf32>,
    %get3A_207 = arith.index_cast %select_n3A : i32 to index
    %get3A_208 = arith.constant 48 : index
    %get3A_209 = tpu.vector_load %arg11[%get3A_207, %get3A_208] {strides = array<i32>} : memref<200x64xf32, #tpu.memory_space<vmem>>, vector<16xf32>,
    %parallel_loop3A = arith.constant 0 : i32
    %parallel_loop3A_210 = arith.constant 512 : i32
    %parallel_loop3A_211 = arith.constant 1 : i32
    scf.for %parallel_loop3A_735 = %parallel_loop3A to %parallel_loop3A_210 step %parallel_loop3A_211  : i32 {
      %parallel_loop3A_736 = arith.constant 7 : i32
      %parallel_loop3A_737 = arith.shrsi %parallel_loop3A_735, %parallel_loop3A_736 : i32
      %parallel_loop3A_738 = vector.broadcast %parallel_loop3A_737 : i32 to vector<16xi32>
      %parallel_loop3A_739 = arith.constant 127 : i32
      %parallel_loop3A_740 = arith.andi %parallel_loop3A_735, %parallel_loop3A_739 : i32
      %parallel_loop3A_741 = vector.broadcast %parallel_loop3A_740 : i32 to vector<16xi32>
      %parallel_loop3A_742 = arith.index_cast %parallel_loop3A_735 : i32 to index
      %parallel_loop3A_743 = arith.constant 0 : index
      %parallel_loop3A_744 = tpu.vector_load %arg8[%parallel_loop3A_742, %parallel_loop3A_743] {strides = array<i32>} : memref<512x64xf32, #tpu.memory_space<vmem>>, vector<16xf32>,
      %parallel_loop3A_745 = arith.addf %parallel_loop3A_744, %get3A_200 : vector<16xf32>
      tpu.vector_store_idx %arg10[%shift_right_arithmetic3A_7, %parallel_loop3A_738, %and3A_30, %parallel_loop3A_741], %parallel_loop3A_745 : memref<8x4x8x144xf32, #tpu.memory_space<vmem>>[vector<16xi32>, vector<16xi32>, vector<16xi32>, vector<16xi32>], vector<16xf32>,
      %parallel_loop3A_746 = arith.index_cast %parallel_loop3A_735 : i32 to index
      %parallel_loop3A_747 = arith.constant 16 : index
      %parallel_loop3A_748 = tpu.vector_load %arg8[%parallel_loop3A_746, %parallel_loop3A_747] {strides = array<i32>} : memref<512x64xf32, #tpu.memory_space<vmem>>, vector<16xf32>,
      %parallel_loop3A_749 = arith.addf %parallel_loop3A_748, %get3A_203 : vector<16xf32>
      tpu.vector_store_idx %arg10[%shift_right_arithmetic3A_13, %parallel_loop3A_738, %and3A_36, %parallel_loop3A_741], %parallel_loop3A_749 : memref<8x4x8x144xf32, #tpu.memory_space<vmem>>[vector<16xi32>, vector<16xi32>, vector<16xi32>, vector<16xi32>], vector<16xf32>,
      %parallel_loop3A_750 = arith.index_cast %parallel_loop3A_735 : i32 to index
      %parallel_loop3A_751 = arith.constant 32 : index
      %parallel_loop3A_752 = tpu.vector_load %arg8[%parallel_loop3A_750, %parallel_loop3A_751] {strides = array<i32>} : memref<512x64xf32, #tpu.memory_space<vmem>>, vector<16xf32>,
      %parallel_loop3A_753 = arith.addf %parallel_loop3A_752, %get3A_206 : vector<16xf32>
      tpu.vector_store_idx %arg10[%shift_right_arithmetic3A_19, %parallel_loop3A_738, %and3A_42, %parallel_loop3A_741], %parallel_loop3A_753 : memref<8x4x8x144xf32, #tpu.memory_space<vmem>>[vector<16xi32>, vector<16xi32>, vector<16xi32>, vector<16xi32>], vector<16xf32>,
      %parallel_loop3A_754 = arith.index_cast %parallel_loop3A_735 : i32 to index
      %parallel_loop3A_755 = arith.constant 48 : index
      %parallel_loop3A_756 = tpu.vector_load %arg8[%parallel_loop3A_754, %parallel_loop3A_755] {strides = array<i32>} : memref<512x64xf32, #tpu.memory_space<vmem>>, vector<16xf32>,
      %parallel_loop3A_757 = arith.addf %parallel_loop3A_756, %get3A_209 : vector<16xf32>
      tpu.vector_store_idx %arg10[%shift_right_arithmetic3A_25, %parallel_loop3A_738, %and3A_48, %parallel_loop3A_741], %parallel_loop3A_757 : memref<8x4x8x144xf32, #tpu.memory_space<vmem>>[vector<16xi32>, vector<16xi32>, vector<16xi32>, vector<16xi32>], vector<16xf32>,
    } {sc.loop_unroll_factor = 8 : i64, sc.parallel_access}
    %dma_start3A_212 = arith.constant 0 : i32
    %dma_start3A_213 = arith.constant 0 : i32
    %dma_start3A_214 = arith.constant 0 : i32
    %dma_start3A_215 = arith.constant 0 : i32
    %dma_start3A_216 = tpu.memref_slice %arg10[%dma_start3A_212, %dma_start3A_213, %dma_start3A_214, %dma_start3A_215] : memref<8x4x8x144xf32, #tpu.memory_space<vmem>> -> memref<8x4x8x128xf32, #tpu.memory_space<vmem>>
    %dma_start3A_217 = arith.constant 0 : i32
    %dma_start3A_218 = arith.constant 0 : i32
    %dma_start3A_219 = arith.constant 0 : i32
    %dma_start3A_220 = tpu.memref_slice %arg5[%select_n3A, %dma_start3A_217, %mul3A_159, %dma_start3A_218, %dma_start3A_219] : memref<200x8x32x8x128xf32, #tpu.memory_space<hbm>> -> memref<1x8x4x8x128xf32, #tpu.memory_space<hbm>>
    %dma_start3A_221 = tpu.memref_squeeze %dma_start3A_220 : memref<1x8x4x8x128xf32, #tpu.memory_space<hbm>> -> memref<8x4x8x128xf32, #tpu.memory_space<hbm>>
    %dma_start3A_222 = arith.constant 0 : i32
    %dma_start3A_223 = arith.constant 0 : i32
    %dma_start3A_224 = arith.constant 0 : i32
    %dma_start3A_225 = tpu.memref_slice %arg5[%select_n3A, %dma_start3A_222, %mul3A_159, %dma_start3A_223, %dma_start3A_224] : memref<200x8x32x8x128xf32, #tpu.memory_space<hbm>> -> memref<1x8x4x8x128xf32, #tpu.memory_space<hbm>>
    %dma_start3A_226 = tpu.memref_squeeze %dma_start3A_225 : memref<1x8x4x8x128xf32, #tpu.memory_space<hbm>> -> memref<8x4x8x128xf32, #tpu.memory_space<hbm>>
    %dma_start3A_227 = arith.constant 0 : i32
    %dma_start3A_228 = arith.constant 0 : i32
    %dma_start3A_229 = arith.constant 0 : i32
    %dma_start3A_230 = arith.constant 0 : i32
    %dma_start3A_231 = tpu.memref_slice %arg10[%dma_start3A_227, %dma_start3A_228, %dma_start3A_229, %dma_start3A_230] : memref<8x4x8x144xf32, #tpu.memory_space<vmem>> -> memref<8x4x8x128xf32, #tpu.memory_space<vmem>>
    tpu.enqueue_dma source(%dma_start3A_231 : memref<8x4x8x128xf32, #tpu.memory_space<vmem>>) target(%dma_start3A_226 : memref<8x4x8x128xf32, #tpu.memory_space<hbm>>) target_semaphore(%arg14 : memref<!tpu.dma_semaphore, #tpu.memory_space<semaphore_mem>>)
    %add3A_232 = arith.constant 2 : i32
    %add3A_233 = arith.addi %mul3A_2, %add3A_232 : i32
    %mul3A_234 = arith.constant 4 : i32
    %mul3A_235 = arith.muli %add3A_233, %mul3A_234 : i32
    "tpu.region"() ({
      %run_scoped3A = tpu.sem_alloc : memref<!tpu.dma_semaphore, #tpu.memory_space<semaphore_mem>>
      %dma_start3A_735 = arith.constant 0 : i32
      %dma_start3A_736 = tpu.memref_slice %arg2[%mul3A_235, %dma_start3A_735] : memref<6400x128xi32, #tpu.memory_space<hbm>> -> memref<4x128xi32, #tpu.memory_space<hbm>>
      %dma_start3A_737 = arith.constant 0 : i32
      %dma_start3A_738 = tpu.memref_slice %arg2[%mul3A_235, %dma_start3A_737] : memref<6400x128xi32, #tpu.memory_space<hbm>> -> memref<4x128xi32, #tpu.memory_space<hbm>>
      tpu.enqueue_dma source(%dma_start3A_738 : memref<4x128xi32, #tpu.memory_space<hbm>>) target(%arg6 : memref<4x128xi32, #tpu.memory_space<vmem>>) target_semaphore(%run_scoped3A : memref<!tpu.dma_semaphore, #tpu.memory_space<semaphore_mem>>)
      %dma_wait3A_739 = arith.constant 0 : i32
      %dma_wait3A_740 = tpu.memref_slice %arg2[%mul3A_235, %dma_wait3A_739] : memref<6400x128xi32, #tpu.memory_space<hbm>> -> memref<4x128xi32, #tpu.memory_space<hbm>>
      %dma_wait3A_741 = arith.constant 0 : i32
      %dma_wait3A_742 = tpu.memref_slice %arg2[%mul3A_235, %dma_wait3A_741] : memref<6400x128xi32, #tpu.memory_space<hbm>> -> memref<4x128xi32, #tpu.memory_space<hbm>>
      tpu.wait_dma2 semaphore(%run_scoped3A : memref<!tpu.dma_semaphore, #tpu.memory_space<semaphore_mem>>) src(%dma_wait3A_742 : memref<4x128xi32, #tpu.memory_space<hbm>>) dst(%arg6 : memref<4x128xi32, #tpu.memory_space<vmem>>)
      tpu.yield
    }) : () -> ()
    %dma_start3A_236 = arith.constant 0 : i32
    %dma_start3A_237 = arith.constant 0 : i32
    %dma_start3A_238 = arith.constant 0 : i32
    %dma_start3A_239 = tpu.memref_slice %arg8[%dma_start3A_237, %dma_start3A_238] : memref<512x64xf32, #tpu.memory_space<vmem>> -> memref<128x64xf32, #tpu.memory_space<vmem>>
    %dma_start3A_240 = arith.constant 0 : i32
    %dma_start3A_241 = tpu.memref_slice %arg6[%dma_start3A_236, %dma_start3A_240] : memref<4x128xi32, #tpu.memory_space<vmem>> -> memref<1x128xi32, #tpu.memory_space<vmem>>
    %dma_start3A_242 = tpu.memref_squeeze %dma_start3A_241 : memref<1x128xi32, #tpu.memory_space<vmem>> -> memref<128xi32, #tpu.memory_space<vmem>>
    %dma_start3A_243 = arith.constant 0 : i32
    %dma_start3A_244 = arith.constant 0 : i32
    %dma_start3A_245 = tpu.memref_slice %arg3[%dma_start3A_243, %dma_start3A_244] : memref<1000000x64xf32, #tpu.memory_space<hbm>> -> memref<1000000x64xf32, #tpu.memory_space<hbm>>
    tpu.enqueue_indirect_dma source(%dma_start3A_245 : memref<1000000x64xf32, #tpu.memory_space<hbm>>) target(%dma_start3A_239 : memref<128x64xf32, #tpu.memory_space<vmem>>) offsets(%dma_start3A_242 : memref<128xi32, #tpu.memory_space<vmem>>) semaphore(%arg12 : memref<!tpu.dma_semaphore, #tpu.memory_space<semaphore_mem>>)
    %dma_start3A_246 = arith.constant 1 : i32
    %dma_start3A_247 = arith.constant 128 : i32
    %dma_start3A_248 = arith.constant 0 : i32
    %dma_start3A_249 = tpu.memref_slice %arg8[%dma_start3A_247, %dma_start3A_248] : memref<512x64xf32, #tpu.memory_space<vmem>> -> memref<128x64xf32, #tpu.memory_space<vmem>>
    %dma_start3A_250 = arith.constant 0 : i32
    %dma_start3A_251 = tpu.memref_slice %arg6[%dma_start3A_246, %dma_start3A_250] : memref<4x128xi32, #tpu.memory_space<vmem>> -> memref<1x128xi32, #tpu.memory_space<vmem>>
    %dma_start3A_252 = tpu.memref_squeeze %dma_start3A_251 : memref<1x128xi32, #tpu.memory_space<vmem>> -> memref<128xi32, #tpu.memory_space<vmem>>
    %dma_start3A_253 = arith.constant 0 : i32
    %dma_start3A_254 = arith.constant 0 : i32
    %dma_start3A_255 = tpu.memref_slice %arg3[%dma_start3A_253, %dma_start3A_254] : memref<1000000x64xf32, #tpu.memory_space<hbm>> -> memref<1000000x64xf32, #tpu.memory_space<hbm>>
    tpu.enqueue_indirect_dma source(%dma_start3A_255 : memref<1000000x64xf32, #tpu.memory_space<hbm>>) target(%dma_start3A_249 : memref<128x64xf32, #tpu.memory_space<vmem>>) offsets(%dma_start3A_252 : memref<128xi32, #tpu.memory_space<vmem>>) semaphore(%arg12 : memref<!tpu.dma_semaphore, #tpu.memory_space<semaphore_mem>>)
    %dma_start3A_256 = arith.constant 2 : i32
    %dma_start3A_257 = arith.constant 256 : i32
    %dma_start3A_258 = arith.constant 0 : i32
    %dma_start3A_259 = tpu.memref_slice %arg8[%dma_start3A_257, %dma_start3A_258] : memref<512x64xf32, #tpu.memory_space<vmem>> -> memref<128x64xf32, #tpu.memory_space<vmem>>
    %dma_start3A_260 = arith.constant 0 : i32
    %dma_start3A_261 = tpu.memref_slice %arg6[%dma_start3A_256, %dma_start3A_260] : memref<4x128xi32, #tpu.memory_space<vmem>> -> memref<1x128xi32, #tpu.memory_space<vmem>>
    %dma_start3A_262 = tpu.memref_squeeze %dma_start3A_261 : memref<1x128xi32, #tpu.memory_space<vmem>> -> memref<128xi32, #tpu.memory_space<vmem>>
    %dma_start3A_263 = arith.constant 0 : i32
    %dma_start3A_264 = arith.constant 0 : i32
    %dma_start3A_265 = tpu.memref_slice %arg3[%dma_start3A_263, %dma_start3A_264] : memref<1000000x64xf32, #tpu.memory_space<hbm>> -> memref<1000000x64xf32, #tpu.memory_space<hbm>>
    tpu.enqueue_indirect_dma source(%dma_start3A_265 : memref<1000000x64xf32, #tpu.memory_space<hbm>>) target(%dma_start3A_259 : memref<128x64xf32, #tpu.memory_space<vmem>>) offsets(%dma_start3A_262 : memref<128xi32, #tpu.memory_space<vmem>>) semaphore(%arg12 : memref<!tpu.dma_semaphore, #tpu.memory_space<semaphore_mem>>)
    %dma_start3A_266 = arith.constant 3 : i32
    %dma_start3A_267 = arith.constant 384 : i32
    %dma_start3A_268 = arith.constant 0 : i32
    %dma_start3A_269 = tpu.memref_slice %arg8[%dma_start3A_267, %dma_start3A_268] : memref<512x64xf32, #tpu.memory_space<vmem>> -> memref<128x64xf32, #tpu.memory_space<vmem>>
    %dma_start3A_270 = arith.constant 0 : i32
    %dma_start3A_271 = tpu.memref_slice %arg6[%dma_start3A_266, %dma_start3A_270] : memref<4x128xi32, #tpu.memory_space<vmem>> -> memref<1x128xi32, #tpu.memory_space<vmem>>
    %dma_start3A_272 = tpu.memref_squeeze %dma_start3A_271 : memref<1x128xi32, #tpu.memory_space<vmem>> -> memref<128xi32, #tpu.memory_space<vmem>>
    %dma_start3A_273 = arith.constant 0 : i32
    %dma_start3A_274 = arith.constant 0 : i32
    %dma_start3A_275 = tpu.memref_slice %arg3[%dma_start3A_273, %dma_start3A_274] : memref<1000000x64xf32, #tpu.memory_space<hbm>> -> memref<1000000x64xf32, #tpu.memory_space<hbm>>
    tpu.enqueue_indirect_dma source(%dma_start3A_275 : memref<1000000x64xf32, #tpu.memory_space<hbm>>) target(%dma_start3A_269 : memref<128x64xf32, #tpu.memory_space<vmem>>) offsets(%dma_start3A_272 : memref<128xi32, #tpu.memory_space<vmem>>) semaphore(%arg12 : memref<!tpu.dma_semaphore, #tpu.memory_space<semaphore_mem>>)
    %add3A_276 = arith.constant 1 : i32
    %add3A_277 = arith.addi %mul3A_2, %add3A_276 : i32
    %jit3A_278 = arith.constant 8 : i32
    %div3A_279 = arith.divsi %add3A_277, %jit3A_278 : i32
    %sign3A_280 = arith.constant 0 : i32
    %sign3A_281 = arith.cmpi sgt, %add3A_277, %sign3A_280 : i32
    %sign3A_282 = arith.extui %sign3A_281 : i1 to i32
    %sign3A_283 = arith.constant 0 : i32
    %sign3A_284 = arith.cmpi slt, %add3A_277, %sign3A_283 : i32
    %sign3A_285 = arith.extui %sign3A_284 : i1 to i32
    %sign3A_286 = arith.subi %sign3A_282, %sign3A_285 : i32
    %sign3A_287 = arith.constant 0 : i32
    %sign3A_288 = arith.cmpi sgt, %jit3A_278, %sign3A_287 : i32
    %sign3A_289 = arith.extui %sign3A_288 : i1 to i32
    %sign3A_290 = arith.constant 0 : i32
    %sign3A_291 = arith.cmpi slt, %jit3A_278, %sign3A_290 : i32
    %sign3A_292 = arith.extui %sign3A_291 : i1 to i32
    %sign3A_293 = arith.subi %sign3A_289, %sign3A_292 : i32
    %ne3A_294 = arith.cmpi ne, %sign3A_286, %sign3A_293 : i32
    %rem3A_295 = arith.remsi %add3A_277, %jit3A_278 : i32
    %ne3A_296 = arith.constant 0 : i32
    %ne3A_297 = arith.cmpi ne, %rem3A_295, %ne3A_296 : i32
    %and3A_298 = arith.andi %ne3A_294, %ne3A_297 : i1
    %sub3A_299 = arith.constant 1 : i32
    %sub3A_300 = arith.subi %div3A_279, %sub3A_299 : i32
    %select_n3A_301 = arith.select %and3A_298, %sub3A_300, %div3A_279 : i32
    %mul3A_302 = arith.constant 8 : i32
    %mul3A_303 = arith.muli %select_n3A_301, %mul3A_302 : i32
    %sub3A_304 = arith.subi %add3A_277, %mul3A_303 : i32
    %mul3A_305 = arith.constant 4 : i32
    %mul3A_306 = arith.muli %sub3A_304, %mul3A_305 : i32
    %dma_wait3A_307 = arith.constant 0 : i32
    %dma_wait3A_308 = arith.constant 0 : i32
    %dma_wait3A_309 = arith.constant 0 : i32
    %dma_wait3A_310 = tpu.memref_slice %arg9[%dma_wait3A_308, %dma_wait3A_309] : memref<512x64xf32, #tpu.memory_space<vmem>> -> memref<128x64xf32, #tpu.memory_space<vmem>>
    %dma_wait3A_311 = arith.constant 0 : i32
    %dma_wait3A_312 = tpu.memref_slice %arg7[%dma_wait3A_307, %dma_wait3A_311] : memref<4x128xi32, #tpu.memory_space<vmem>> -> memref<1x128xi32, #tpu.memory_space<vmem>>
    %dma_wait3A_313 = tpu.memref_squeeze %dma_wait3A_312 : memref<1x128xi32, #tpu.memory_space<vmem>> -> memref<128xi32, #tpu.memory_space<vmem>>
    %dma_wait3A_314 = arith.constant 0 : i32
    %dma_wait3A_315 = arith.constant 0 : i32
    %dma_wait3A_316 = tpu.memref_slice %arg3[%dma_wait3A_314, %dma_wait3A_315] : memref<1000000x64xf32, #tpu.memory_space<hbm>> -> memref<1000000x64xf32, #tpu.memory_space<hbm>>
    tpu.wait_indirect_dma semaphore(%arg13 : memref<!tpu.dma_semaphore, #tpu.memory_space<semaphore_mem>>) src(%dma_wait3A_316 : memref<1000000x64xf32, #tpu.memory_space<hbm>>) dst(%dma_wait3A_310 : memref<128x64xf32, #tpu.memory_space<vmem>>)
    %dma_wait3A_317 = arith.constant 1 : i32
    %dma_wait3A_318 = arith.constant 128 : i32
    %dma_wait3A_319 = arith.constant 0 : i32
    %dma_wait3A_320 = tpu.memref_slice %arg9[%dma_wait3A_318, %dma_wait3A_319] : memref<512x64xf32, #tpu.memory_space<vmem>> -> memref<128x64xf32, #tpu.memory_space<vmem>>
    %dma_wait3A_321 = arith.constant 0 : i32
    %dma_wait3A_322 = tpu.memref_slice %arg7[%dma_wait3A_317, %dma_wait3A_321] : memref<4x128xi32, #tpu.memory_space<vmem>> -> memref<1x128xi32, #tpu.memory_space<vmem>>
    %dma_wait3A_323 = tpu.memref_squeeze %dma_wait3A_322 : memref<1x128xi32, #tpu.memory_space<vmem>> -> memref<128xi32, #tpu.memory_space<vmem>>
    %dma_wait3A_324 = arith.constant 0 : i32
    %dma_wait3A_325 = arith.constant 0 : i32
    %dma_wait3A_326 = tpu.memref_slice %arg3[%dma_wait3A_324, %dma_wait3A_325] : memref<1000000x64xf32, #tpu.memory_space<hbm>> -> memref<1000000x64xf32, #tpu.memory_space<hbm>>
    tpu.wait_indirect_dma semaphore(%arg13 : memref<!tpu.dma_semaphore, #tpu.memory_space<semaphore_mem>>) src(%dma_wait3A_326 : memref<1000000x64xf32, #tpu.memory_space<hbm>>) dst(%dma_wait3A_320 : memref<128x64xf32, #tpu.memory_space<vmem>>)
    %dma_wait3A_327 = arith.constant 2 : i32
    %dma_wait3A_328 = arith.constant 256 : i32
    %dma_wait3A_329 = arith.constant 0 : i32
    %dma_wait3A_330 = tpu.memref_slice %arg9[%dma_wait3A_328, %dma_wait3A_329] : memref<512x64xf32, #tpu.memory_space<vmem>> -> memref<128x64xf32, #tpu.memory_space<vmem>>
    %dma_wait3A_331 = arith.constant 0 : i32
    %dma_wait3A_332 = tpu.memref_slice %arg7[%dma_wait3A_327, %dma_wait3A_331] : memref<4x128xi32, #tpu.memory_space<vmem>> -> memref<1x128xi32, #tpu.memory_space<vmem>>
    %dma_wait3A_333 = tpu.memref_squeeze %dma_wait3A_332 : memref<1x128xi32, #tpu.memory_space<vmem>> -> memref<128xi32, #tpu.memory_space<vmem>>
    %dma_wait3A_334 = arith.constant 0 : i32
    %dma_wait3A_335 = arith.constant 0 : i32
    %dma_wait3A_336 = tpu.memref_slice %arg3[%dma_wait3A_334, %dma_wait3A_335] : memref<1000000x64xf32, #tpu.memory_space<hbm>> -> memref<1000000x64xf32, #tpu.memory_space<hbm>>
    tpu.wait_indirect_dma semaphore(%arg13 : memref<!tpu.dma_semaphore, #tpu.memory_space<semaphore_mem>>) src(%dma_wait3A_336 : memref<1000000x64xf32, #tpu.memory_space<hbm>>) dst(%dma_wait3A_330 : memref<128x64xf32, #tpu.memory_space<vmem>>)
    %dma_wait3A_337 = arith.constant 3 : i32
    %dma_wait3A_338 = arith.constant 384 : i32
    %dma_wait3A_339 = arith.constant 0 : i32
    %dma_wait3A_340 = tpu.memref_slice %arg9[%dma_wait3A_338, %dma_wait3A_339] : memref<512x64xf32, #tpu.memory_space<vmem>> -> memref<128x64xf32, #tpu.memory_space<vmem>>
    %dma_wait3A_341 = arith.constant 0 : i32
    %dma_wait3A_342 = tpu.memref_slice %arg7[%dma_wait3A_337, %dma_wait3A_341] : memref<4x128xi32, #tpu.memory_space<vmem>> -> memref<1x128xi32, #tpu.memory_space<vmem>>
    %dma_wait3A_343 = tpu.memref_squeeze %dma_wait3A_342 : memref<1x128xi32, #tpu.memory_space<vmem>> -> memref<128xi32, #tpu.memory_space<vmem>>
    %dma_wait3A_344 = arith.constant 0 : i32
    %dma_wait3A_345 = arith.constant 0 : i32
    %dma_wait3A_346 = tpu.memref_slice %arg3[%dma_wait3A_344, %dma_wait3A_345] : memref<1000000x64xf32, #tpu.memory_space<hbm>> -> memref<1000000x64xf32, #tpu.memory_space<hbm>>
    tpu.wait_indirect_dma semaphore(%arg13 : memref<!tpu.dma_semaphore, #tpu.memory_space<semaphore_mem>>) src(%dma_wait3A_346 : memref<1000000x64xf32, #tpu.memory_space<hbm>>) dst(%dma_wait3A_340 : memref<128x64xf32, #tpu.memory_space<vmem>>)
    %dma_wait3A_347 = arith.constant 0 : i32
    %dma_wait3A_348 = arith.constant 0 : i32
    %dma_wait3A_349 = arith.constant 0 : i32
    %dma_wait3A_350 = arith.constant 0 : i32
    %dma_wait3A_351 = arith.constant 0 : i32
    %dma_wait3A_352 = tpu.memref_slice %arg10[%dma_wait3A_348, %dma_wait3A_349, %dma_wait3A_350, %dma_wait3A_351] : memref<8x4x8x144xf32, #tpu.memory_space<vmem>> -> memref<8x4x8x128xf32, #tpu.memory_space<vmem>>
    %dma_wait3A_353 = arith.constant 0 : i32
    %dma_wait3A_354 = arith.constant 0 : i32
    %dma_wait3A_355 = arith.constant 0 : i32
    %dma_wait3A_356 = arith.constant 0 : i32
    %dma_wait3A_357 = tpu.memref_slice %arg5[%dma_wait3A_347, %dma_wait3A_353, %dma_wait3A_354, %dma_wait3A_355, %dma_wait3A_356] : memref<200x8x32x8x128xf32, #tpu.memory_space<hbm>> -> memref<1x8x4x8x128xf32, #tpu.memory_space<hbm>>
    %dma_wait3A_358 = tpu.memref_squeeze %dma_wait3A_357 : memref<1x8x4x8x128xf32, #tpu.memory_space<hbm>> -> memref<8x4x8x128xf32, #tpu.memory_space<hbm>>
    %dma_wait3A_359 = arith.constant 0 : i32
    %dma_wait3A_360 = arith.constant 0 : i32
    %dma_wait3A_361 = arith.constant 0 : i32
    %dma_wait3A_362 = arith.constant 0 : i32
    %dma_wait3A_363 = tpu.memref_slice %arg5[%dma_wait3A_347, %dma_wait3A_359, %dma_wait3A_360, %dma_wait3A_361, %dma_wait3A_362] : memref<200x8x32x8x128xf32, #tpu.memory_space<hbm>> -> memref<1x8x4x8x128xf32, #tpu.memory_space<hbm>>
    %dma_wait3A_364 = tpu.memref_squeeze %dma_wait3A_363 : memref<1x8x4x8x128xf32, #tpu.memory_space<hbm>> -> memref<8x4x8x128xf32, #tpu.memory_space<hbm>>
    %dma_wait3A_365 = arith.constant 0 : i32
    %dma_wait3A_366 = arith.constant 0 : i32
    %dma_wait3A_367 = arith.constant 0 : i32
    %dma_wait3A_368 = arith.constant 0 : i32
    %dma_wait3A_369 = tpu.memref_slice %arg10[%dma_wait3A_365, %dma_wait3A_366, %dma_wait3A_367, %dma_wait3A_368] : memref<8x4x8x144xf32, #tpu.memory_space<vmem>> -> memref<8x4x8x128xf32, #tpu.memory_space<vmem>>
    tpu.wait_dma2 semaphore(%arg14 : memref<!tpu.dma_semaphore, #tpu.memory_space<semaphore_mem>>) src(%dma_wait3A_369 : memref<8x4x8x128xf32, #tpu.memory_space<vmem>>) dst(%dma_wait3A_364 : memref<8x4x8x128xf32, #tpu.memory_space<hbm>>)
    %get3A_370 = arith.index_cast %select_n3A_301 : i32 to index
    %get3A_371 = arith.constant 0 : index
    %get3A_372 = tpu.vector_load %arg11[%get3A_370, %get3A_371] {strides = array<i32>} : memref<200x64xf32, #tpu.memory_space<vmem>>, vector<16xf32>,
    %get3A_373 = arith.index_cast %select_n3A_301 : i32 to index
    %get3A_374 = arith.constant 16 : index
    %get3A_375 = tpu.vector_load %arg11[%get3A_373, %get3A_374] {strides = array<i32>} : memref<200x64xf32, #tpu.memory_space<vmem>>, vector<16xf32>,
    %get3A_376 = arith.index_cast %select_n3A_301 : i32 to index
    %get3A_377 = arith.constant 32 : index
    %get3A_378 = tpu.vector_load %arg11[%get3A_376, %get3A_377] {strides = array<i32>} : memref<200x64xf32, #tpu.memory_space<vmem>>, vector<16xf32>,
    %get3A_379 = arith.index_cast %select_n3A_301 : i32 to index
    %get3A_380 = arith.constant 48 : index
    %get3A_381 = tpu.vector_load %arg11[%get3A_379, %get3A_380] {strides = array<i32>} : memref<200x64xf32, #tpu.memory_space<vmem>>, vector<16xf32>,
    %parallel_loop3A_382 = arith.constant 0 : i32
    %parallel_loop3A_383 = arith.constant 512 : i32
    %parallel_loop3A_384 = arith.constant 1 : i32
    scf.for %parallel_loop3A_735 = %parallel_loop3A_382 to %parallel_loop3A_383 step %parallel_loop3A_384  : i32 {
      %parallel_loop3A_736 = arith.constant 7 : i32
      %parallel_loop3A_737 = arith.shrsi %parallel_loop3A_735, %parallel_loop3A_736 : i32
      %parallel_loop3A_738 = vector.broadcast %parallel_loop3A_737 : i32 to vector<16xi32>
      %parallel_loop3A_739 = arith.constant 127 : i32
      %parallel_loop3A_740 = arith.andi %parallel_loop3A_735, %parallel_loop3A_739 : i32
      %parallel_loop3A_741 = vector.broadcast %parallel_loop3A_740 : i32 to vector<16xi32>
      %parallel_loop3A_742 = arith.index_cast %parallel_loop3A_735 : i32 to index
      %parallel_loop3A_743 = arith.constant 0 : index
      %parallel_loop3A_744 = tpu.vector_load %arg9[%parallel_loop3A_742, %parallel_loop3A_743] {strides = array<i32>} : memref<512x64xf32, #tpu.memory_space<vmem>>, vector<16xf32>,
      %parallel_loop3A_745 = arith.addf %parallel_loop3A_744, %get3A_372 : vector<16xf32>
      tpu.vector_store_idx %arg10[%shift_right_arithmetic3A_7, %parallel_loop3A_738, %and3A_30, %parallel_loop3A_741], %parallel_loop3A_745 : memref<8x4x8x144xf32, #tpu.memory_space<vmem>>[vector<16xi32>, vector<16xi32>, vector<16xi32>, vector<16xi32>], vector<16xf32>,
      %parallel_loop3A_746 = arith.index_cast %parallel_loop3A_735 : i32 to index
      %parallel_loop3A_747 = arith.constant 16 : index
      %parallel_loop3A_748 = tpu.vector_load %arg9[%parallel_loop3A_746, %parallel_loop3A_747] {strides = array<i32>} : memref<512x64xf32, #tpu.memory_space<vmem>>, vector<16xf32>,
      %parallel_loop3A_749 = arith.addf %parallel_loop3A_748, %get3A_375 : vector<16xf32>
      tpu.vector_store_idx %arg10[%shift_right_arithmetic3A_13, %parallel_loop3A_738, %and3A_36, %parallel_loop3A_741], %parallel_loop3A_749 : memref<8x4x8x144xf32, #tpu.memory_space<vmem>>[vector<16xi32>, vector<16xi32>, vector<16xi32>, vector<16xi32>], vector<16xf32>,
      %parallel_loop3A_750 = arith.index_cast %parallel_loop3A_735 : i32 to index
      %parallel_loop3A_751 = arith.constant 32 : index
      %parallel_loop3A_752 = tpu.vector_load %arg9[%parallel_loop3A_750, %parallel_loop3A_751] {strides = array<i32>} : memref<512x64xf32, #tpu.memory_space<vmem>>, vector<16xf32>,
      %parallel_loop3A_753 = arith.addf %parallel_loop3A_752, %get3A_378 : vector<16xf32>
      tpu.vector_store_idx %arg10[%shift_right_arithmetic3A_19, %parallel_loop3A_738, %and3A_42, %parallel_loop3A_741], %parallel_loop3A_753 : memref<8x4x8x144xf32, #tpu.memory_space<vmem>>[vector<16xi32>, vector<16xi32>, vector<16xi32>, vector<16xi32>], vector<16xf32>,
      %parallel_loop3A_754 = arith.index_cast %parallel_loop3A_735 : i32 to index
      %parallel_loop3A_755 = arith.constant 48 : index
      %parallel_loop3A_756 = tpu.vector_load %arg9[%parallel_loop3A_754, %parallel_loop3A_755] {strides = array<i32>} : memref<512x64xf32, #tpu.memory_space<vmem>>, vector<16xf32>,
      %parallel_loop3A_757 = arith.addf %parallel_loop3A_756, %get3A_381 : vector<16xf32>
      tpu.vector_store_idx %arg10[%shift_right_arithmetic3A_25, %parallel_loop3A_738, %and3A_48, %parallel_loop3A_741], %parallel_loop3A_757 : memref<8x4x8x144xf32, #tpu.memory_space<vmem>>[vector<16xi32>, vector<16xi32>, vector<16xi32>, vector<16xi32>], vector<16xf32>,
    } {sc.loop_unroll_factor = 8 : i64, sc.parallel_access}
    %dma_start3A_385 = arith.constant 0 : i32
    %dma_start3A_386 = arith.constant 0 : i32
    %dma_start3A_387 = arith.constant 0 : i32
    %dma_start3A_388 = arith.constant 0 : i32
    %dma_start3A_389 = tpu.memref_slice %arg10[%dma_start3A_385, %dma_start3A_386, %dma_start3A_387, %dma_start3A_388] : memref<8x4x8x144xf32, #tpu.memory_space<vmem>> -> memref<8x4x8x128xf32, #tpu.memory_space<vmem>>
    %dma_start3A_390 = arith.constant 0 : i32
    %dma_start3A_391 = arith.constant 0 : i32
    %dma_start3A_392 = arith.constant 0 : i32
    %dma_start3A_393 = tpu.memref_slice %arg5[%select_n3A_301, %dma_start3A_390, %mul3A_306, %dma_start3A_391, %dma_start3A_392] : memref<200x8x32x8x128xf32, #tpu.memory_space<hbm>> -> memref<1x8x4x8x128xf32, #tpu.memory_space<hbm>>
    %dma_start3A_394 = tpu.memref_squeeze %dma_start3A_393 : memref<1x8x4x8x128xf32, #tpu.memory_space<hbm>> -> memref<8x4x8x128xf32, #tpu.memory_space<hbm>>
    %dma_start3A_395 = arith.constant 0 : i32
    %dma_start3A_396 = arith.constant 0 : i32
    %dma_start3A_397 = arith.constant 0 : i32
    %dma_start3A_398 = tpu.memref_slice %arg5[%select_n3A_301, %dma_start3A_395, %mul3A_306, %dma_start3A_396, %dma_start3A_397] : memref<200x8x32x8x128xf32, #tpu.memory_space<hbm>> -> memref<1x8x4x8x128xf32, #tpu.memory_space<hbm>>
    %dma_start3A_399 = tpu.memref_squeeze %dma_start3A_398 : memref<1x8x4x8x128xf32, #tpu.memory_space<hbm>> -> memref<8x4x8x128xf32, #tpu.memory_space<hbm>>
    %dma_start3A_400 = arith.constant 0 : i32
    %dma_start3A_401 = arith.constant 0 : i32
    %dma_start3A_402 = arith.constant 0 : i32
    %dma_start3A_403 = arith.constant 0 : i32
    %dma_start3A_404 = tpu.memref_slice %arg10[%dma_start3A_400, %dma_start3A_401, %dma_start3A_402, %dma_start3A_403] : memref<8x4x8x144xf32, #tpu.memory_space<vmem>> -> memref<8x4x8x128xf32, #tpu.memory_space<vmem>>
    tpu.enqueue_dma source(%dma_start3A_404 : memref<8x4x8x128xf32, #tpu.memory_space<vmem>>) target(%dma_start3A_399 : memref<8x4x8x128xf32, #tpu.memory_space<hbm>>) target_semaphore(%arg14 : memref<!tpu.dma_semaphore, #tpu.memory_space<semaphore_mem>>)
    %add3A_405 = arith.constant 3 : i32
    %add3A_406 = arith.addi %mul3A_2, %add3A_405 : i32
    %mul3A_407 = arith.constant 4 : i32
    %mul3A_408 = arith.muli %add3A_406, %mul3A_407 : i32
    "tpu.region"() ({
      %run_scoped3A = tpu.sem_alloc : memref<!tpu.dma_semaphore, #tpu.memory_space<semaphore_mem>>
      %dma_start3A_735 = arith.constant 0 : i32
      %dma_start3A_736 = tpu.memref_slice %arg2[%mul3A_408, %dma_start3A_735] : memref<6400x128xi32, #tpu.memory_space<hbm>> -> memref<4x128xi32, #tpu.memory_space<hbm>>
      %dma_start3A_737 = arith.constant 0 : i32
      %dma_start3A_738 = tpu.memref_slice %arg2[%mul3A_408, %dma_start3A_737] : memref<6400x128xi32, #tpu.memory_space<hbm>> -> memref<4x128xi32, #tpu.memory_space<hbm>>
      tpu.enqueue_dma source(%dma_start3A_738 : memref<4x128xi32, #tpu.memory_space<hbm>>) target(%arg7 : memref<4x128xi32, #tpu.memory_space<vmem>>) target_semaphore(%run_scoped3A : memref<!tpu.dma_semaphore, #tpu.memory_space<semaphore_mem>>)
      %dma_wait3A_739 = arith.constant 0 : i32
      %dma_wait3A_740 = tpu.memref_slice %arg2[%mul3A_408, %dma_wait3A_739] : memref<6400x128xi32, #tpu.memory_space<hbm>> -> memref<4x128xi32, #tpu.memory_space<hbm>>
      %dma_wait3A_741 = arith.constant 0 : i32
      %dma_wait3A_742 = tpu.memref_slice %arg2[%mul3A_408, %dma_wait3A_741] : memref<6400x128xi32, #tpu.memory_space<hbm>> -> memref<4x128xi32, #tpu.memory_space<hbm>>
      tpu.wait_dma2 semaphore(%run_scoped3A : memref<!tpu.dma_semaphore, #tpu.memory_space<semaphore_mem>>) src(%dma_wait3A_742 : memref<4x128xi32, #tpu.memory_space<hbm>>) dst(%arg7 : memref<4x128xi32, #tpu.memory_space<vmem>>)
      tpu.yield
    }) : () -> ()
    %dma_start3A_409 = arith.constant 0 : i32
    %dma_start3A_410 = arith.constant 0 : i32
    %dma_start3A_411 = arith.constant 0 : i32
    %dma_start3A_412 = tpu.memref_slice %arg9[%dma_start3A_410, %dma_start3A_411] : memref<512x64xf32, #tpu.memory_space<vmem>> -> memref<128x64xf32, #tpu.memory_space<vmem>>
    %dma_start3A_413 = arith.constant 0 : i32
    %dma_start3A_414 = tpu.memref_slice %arg7[%dma_start3A_409, %dma_start3A_413] : memref<4x128xi32, #tpu.memory_space<vmem>> -> memref<1x128xi32, #tpu.memory_space<vmem>>
    %dma_start3A_415 = tpu.memref_squeeze %dma_start3A_414 : memref<1x128xi32, #tpu.memory_space<vmem>> -> memref<128xi32, #tpu.memory_space<vmem>>
    %dma_start3A_416 = arith.constant 0 : i32
    %dma_start3A_417 = arith.constant 0 : i32
    %dma_start3A_418 = tpu.memref_slice %arg3[%dma_start3A_416, %dma_start3A_417] : memref<1000000x64xf32, #tpu.memory_space<hbm>> -> memref<1000000x64xf32, #tpu.memory_space<hbm>>
    tpu.enqueue_indirect_dma source(%dma_start3A_418 : memref<1000000x64xf32, #tpu.memory_space<hbm>>) target(%dma_start3A_412 : memref<128x64xf32, #tpu.memory_space<vmem>>) offsets(%dma_start3A_415 : memref<128xi32, #tpu.memory_space<vmem>>) semaphore(%arg13 : memref<!tpu.dma_semaphore, #tpu.memory_space<semaphore_mem>>)
    %dma_start3A_419 = arith.constant 1 : i32
    %dma_start3A_420 = arith.constant 128 : i32
    %dma_start3A_421 = arith.constant 0 : i32
    %dma_start3A_422 = tpu.memref_slice %arg9[%dma_start3A_420, %dma_start3A_421] : memref<512x64xf32, #tpu.memory_space<vmem>> -> memref<128x64xf32, #tpu.memory_space<vmem>>
    %dma_start3A_423 = arith.constant 0 : i32
    %dma_start3A_424 = tpu.memref_slice %arg7[%dma_start3A_419, %dma_start3A_423] : memref<4x128xi32, #tpu.memory_space<vmem>> -> memref<1x128xi32, #tpu.memory_space<vmem>>
    %dma_start3A_425 = tpu.memref_squeeze %dma_start3A_424 : memref<1x128xi32, #tpu.memory_space<vmem>> -> memref<128xi32, #tpu.memory_space<vmem>>
    %dma_start3A_426 = arith.constant 0 : i32
    %dma_start3A_427 = arith.constant 0 : i32
    %dma_start3A_428 = tpu.memref_slice %arg3[%dma_start3A_426, %dma_start3A_427] : memref<1000000x64xf32, #tpu.memory_space<hbm>> -> memref<1000000x64xf32, #tpu.memory_space<hbm>>
    tpu.enqueue_indirect_dma source(%dma_start3A_428 : memref<1000000x64xf32, #tpu.memory_space<hbm>>) target(%dma_start3A_422 : memref<128x64xf32, #tpu.memory_space<vmem>>) offsets(%dma_start3A_425 : memref<128xi32, #tpu.memory_space<vmem>>) semaphore(%arg13 : memref<!tpu.dma_semaphore, #tpu.memory_space<semaphore_mem>>)
    %dma_start3A_429 = arith.constant 2 : i32
    %dma_start3A_430 = arith.constant 256 : i32
    %dma_start3A_431 = arith.constant 0 : i32
    %dma_start3A_432 = tpu.memref_slice %arg9[%dma_start3A_430, %dma_start3A_431] : memref<512x64xf32, #tpu.memory_space<vmem>> -> memref<128x64xf32, #tpu.memory_space<vmem>>
    %dma_start3A_433 = arith.constant 0 : i32
    %dma_start3A_434 = tpu.memref_slice %arg7[%dma_start3A_429, %dma_start3A_433] : memref<4x128xi32, #tpu.memory_space<vmem>> -> memref<1x128xi32, #tpu.memory_space<vmem>>
    %dma_start3A_435 = tpu.memref_squeeze %dma_start3A_434 : memref<1x128xi32, #tpu.memory_space<vmem>> -> memref<128xi32, #tpu.memory_space<vmem>>
    %dma_start3A_436 = arith.constant 0 : i32
    %dma_start3A_437 = arith.constant 0 : i32
    %dma_start3A_438 = tpu.memref_slice %arg3[%dma_start3A_436, %dma_start3A_437] : memref<1000000x64xf32, #tpu.memory_space<hbm>> -> memref<1000000x64xf32, #tpu.memory_space<hbm>>
    tpu.enqueue_indirect_dma source(%dma_start3A_438 : memref<1000000x64xf32, #tpu.memory_space<hbm>>) target(%dma_start3A_432 : memref<128x64xf32, #tpu.memory_space<vmem>>) offsets(%dma_start3A_435 : memref<128xi32, #tpu.memory_space<vmem>>) semaphore(%arg13 : memref<!tpu.dma_semaphore, #tpu.memory_space<semaphore_mem>>)
    %dma_start3A_439 = arith.constant 3 : i32
    %dma_start3A_440 = arith.constant 384 : i32
    %dma_start3A_441 = arith.constant 0 : i32
    %dma_start3A_442 = tpu.memref_slice %arg9[%dma_start3A_440, %dma_start3A_441] : memref<512x64xf32, #tpu.memory_space<vmem>> -> memref<128x64xf32, #tpu.memory_space<vmem>>
    %dma_start3A_443 = arith.constant 0 : i32
    %dma_start3A_444 = tpu.memref_slice %arg7[%dma_start3A_439, %dma_start3A_443] : memref<4x128xi32, #tpu.memory_space<vmem>> -> memref<1x128xi32, #tpu.memory_space<vmem>>
    %dma_start3A_445 = tpu.memref_squeeze %dma_start3A_444 : memref<1x128xi32, #tpu.memory_space<vmem>> -> memref<128xi32, #tpu.memory_space<vmem>>
    %dma_start3A_446 = arith.constant 0 : i32
    %dma_start3A_447 = arith.constant 0 : i32
    %dma_start3A_448 = tpu.memref_slice %arg3[%dma_start3A_446, %dma_start3A_447] : memref<1000000x64xf32, #tpu.memory_space<hbm>> -> memref<1000000x64xf32, #tpu.memory_space<hbm>>
    tpu.enqueue_indirect_dma source(%dma_start3A_448 : memref<1000000x64xf32, #tpu.memory_space<hbm>>) target(%dma_start3A_442 : memref<128x64xf32, #tpu.memory_space<vmem>>) offsets(%dma_start3A_445 : memref<128xi32, #tpu.memory_space<vmem>>) semaphore(%arg13 : memref<!tpu.dma_semaphore, #tpu.memory_space<semaphore_mem>>)
    %scan3A = arith.constant 0 : i32
    %scan3A_449 = arith.constant 1 : i32
    %scan3A_450 = arith.constant 23 : i32
    %scan3A_451 = arith.addi %scan3A_449, %scan3A_450 : i32
    %scan3A_452 = arith.constant 1 : i32
    scf.for %scan3A_735 = %scan3A_449 to %scan3A_451 step %scan3A_452  : i32 {
      %mul3A_736 = arith.constant 2 : i32
      %mul3A_737 = arith.muli %mul3A_736, %scan3A_735 : i32
      %add3A_738 = arith.addi %mul3A_2, %mul3A_737 : i32
      %jit3A_739 = arith.constant 8 : i32
      %div3A_740 = arith.divsi %add3A_738, %jit3A_739 : i32
      %sign3A_741 = arith.constant 0 : i32
      %sign3A_742 = arith.cmpi sgt, %add3A_738, %sign3A_741 : i32
      %sign3A_743 = arith.extui %sign3A_742 : i1 to i32
      %sign3A_744 = arith.constant 0 : i32
      %sign3A_745 = arith.cmpi slt, %add3A_738, %sign3A_744 : i32
      %sign3A_746 = arith.extui %sign3A_745 : i1 to i32
      %sign3A_747 = arith.subi %sign3A_743, %sign3A_746 : i32
      %sign3A_748 = arith.constant 0 : i32
      %sign3A_749 = arith.cmpi sgt, %jit3A_739, %sign3A_748 : i32
      %sign3A_750 = arith.extui %sign3A_749 : i1 to i32
      %sign3A_751 = arith.constant 0 : i32
      %sign3A_752 = arith.cmpi slt, %jit3A_739, %sign3A_751 : i32
      %sign3A_753 = arith.extui %sign3A_752 : i1 to i32
      %sign3A_754 = arith.subi %sign3A_750, %sign3A_753 : i32
      %ne3A_755 = arith.cmpi ne, %sign3A_747, %sign3A_754 : i32
      %rem3A_756 = arith.remsi %add3A_738, %jit3A_739 : i32
      %ne3A_757 = arith.constant 0 : i32
      %ne3A_758 = arith.cmpi ne, %rem3A_756, %ne3A_757 : i32
      %and3A_759 = arith.andi %ne3A_755, %ne3A_758 : i1
      %sub3A_760 = arith.constant 1 : i32
      %sub3A_761 = arith.subi %div3A_740, %sub3A_760 : i32
      %select_n3A_762 = arith.select %and3A_759, %sub3A_761, %div3A_740 : i32
      %mul3A_763 = arith.constant 8 : i32
      %mul3A_764 = arith.muli %select_n3A_762, %mul3A_763 : i32
      %sub3A_765 = arith.subi %add3A_738, %mul3A_764 : i32
      %mul3A_766 = arith.constant 4 : i32
      %mul3A_767 = arith.muli %sub3A_765, %mul3A_766 : i32
      %dma_wait3A_768 = arith.constant 0 : i32
      %dma_wait3A_769 = arith.constant 0 : i32
      %dma_wait3A_770 = arith.constant 0 : i32
      %dma_wait3A_771 = tpu.memref_slice %arg8[%dma_wait3A_769, %dma_wait3A_770] : memref<512x64xf32, #tpu.memory_space<vmem>> -> memref<128x64xf32, #tpu.memory_space<vmem>>
      %dma_wait3A_772 = arith.constant 0 : i32
      %dma_wait3A_773 = tpu.memref_slice %arg6[%dma_wait3A_768, %dma_wait3A_772] : memref<4x128xi32, #tpu.memory_space<vmem>> -> memref<1x128xi32, #tpu.memory_space<vmem>>
      %dma_wait3A_774 = tpu.memref_squeeze %dma_wait3A_773 : memref<1x128xi32, #tpu.memory_space<vmem>> -> memref<128xi32, #tpu.memory_space<vmem>>
      %dma_wait3A_775 = arith.constant 0 : i32
      %dma_wait3A_776 = arith.constant 0 : i32
      %dma_wait3A_777 = tpu.memref_slice %arg3[%dma_wait3A_775, %dma_wait3A_776] : memref<1000000x64xf32, #tpu.memory_space<hbm>> -> memref<1000000x64xf32, #tpu.memory_space<hbm>>
      tpu.wait_indirect_dma semaphore(%arg12 : memref<!tpu.dma_semaphore, #tpu.memory_space<semaphore_mem>>) src(%dma_wait3A_777 : memref<1000000x64xf32, #tpu.memory_space<hbm>>) dst(%dma_wait3A_771 : memref<128x64xf32, #tpu.memory_space<vmem>>)
      %dma_wait3A_778 = arith.constant 1 : i32
      %dma_wait3A_779 = arith.constant 128 : i32
      %dma_wait3A_780 = arith.constant 0 : i32
      %dma_wait3A_781 = tpu.memref_slice %arg8[%dma_wait3A_779, %dma_wait3A_780] : memref<512x64xf32, #tpu.memory_space<vmem>> -> memref<128x64xf32, #tpu.memory_space<vmem>>
      %dma_wait3A_782 = arith.constant 0 : i32
      %dma_wait3A_783 = tpu.memref_slice %arg6[%dma_wait3A_778, %dma_wait3A_782] : memref<4x128xi32, #tpu.memory_space<vmem>> -> memref<1x128xi32, #tpu.memory_space<vmem>>
      %dma_wait3A_784 = tpu.memref_squeeze %dma_wait3A_783 : memref<1x128xi32, #tpu.memory_space<vmem>> -> memref<128xi32, #tpu.memory_space<vmem>>
      %dma_wait3A_785 = arith.constant 0 : i32
      %dma_wait3A_786 = arith.constant 0 : i32
      %dma_wait3A_787 = tpu.memref_slice %arg3[%dma_wait3A_785, %dma_wait3A_786] : memref<1000000x64xf32, #tpu.memory_space<hbm>> -> memref<1000000x64xf32, #tpu.memory_space<hbm>>
      tpu.wait_indirect_dma semaphore(%arg12 : memref<!tpu.dma_semaphore, #tpu.memory_space<semaphore_mem>>) src(%dma_wait3A_787 : memref<1000000x64xf32, #tpu.memory_space<hbm>>) dst(%dma_wait3A_781 : memref<128x64xf32, #tpu.memory_space<vmem>>)
      %dma_wait3A_788 = arith.constant 2 : i32
      %dma_wait3A_789 = arith.constant 256 : i32
      %dma_wait3A_790 = arith.constant 0 : i32
      %dma_wait3A_791 = tpu.memref_slice %arg8[%dma_wait3A_789, %dma_wait3A_790] : memref<512x64xf32, #tpu.memory_space<vmem>> -> memref<128x64xf32, #tpu.memory_space<vmem>>
      %dma_wait3A_792 = arith.constant 0 : i32
      %dma_wait3A_793 = tpu.memref_slice %arg6[%dma_wait3A_788, %dma_wait3A_792] : memref<4x128xi32, #tpu.memory_space<vmem>> -> memref<1x128xi32, #tpu.memory_space<vmem>>
      %dma_wait3A_794 = tpu.memref_squeeze %dma_wait3A_793 : memref<1x128xi32, #tpu.memory_space<vmem>> -> memref<128xi32, #tpu.memory_space<vmem>>
      %dma_wait3A_795 = arith.constant 0 : i32
      %dma_wait3A_796 = arith.constant 0 : i32
      %dma_wait3A_797 = tpu.memref_slice %arg3[%dma_wait3A_795, %dma_wait3A_796] : memref<1000000x64xf32, #tpu.memory_space<hbm>> -> memref<1000000x64xf32, #tpu.memory_space<hbm>>
      tpu.wait_indirect_dma semaphore(%arg12 : memref<!tpu.dma_semaphore, #tpu.memory_space<semaphore_mem>>) src(%dma_wait3A_797 : memref<1000000x64xf32, #tpu.memory_space<hbm>>) dst(%dma_wait3A_791 : memref<128x64xf32, #tpu.memory_space<vmem>>)
      %dma_wait3A_798 = arith.constant 3 : i32
      %dma_wait3A_799 = arith.constant 384 : i32
      %dma_wait3A_800 = arith.constant 0 : i32
      %dma_wait3A_801 = tpu.memref_slice %arg8[%dma_wait3A_799, %dma_wait3A_800] : memref<512x64xf32, #tpu.memory_space<vmem>> -> memref<128x64xf32, #tpu.memory_space<vmem>>
      %dma_wait3A_802 = arith.constant 0 : i32
      %dma_wait3A_803 = tpu.memref_slice %arg6[%dma_wait3A_798, %dma_wait3A_802] : memref<4x128xi32, #tpu.memory_space<vmem>> -> memref<1x128xi32, #tpu.memory_space<vmem>>
      %dma_wait3A_804 = tpu.memref_squeeze %dma_wait3A_803 : memref<1x128xi32, #tpu.memory_space<vmem>> -> memref<128xi32, #tpu.memory_space<vmem>>
      %dma_wait3A_805 = arith.constant 0 : i32
      %dma_wait3A_806 = arith.constant 0 : i32
      %dma_wait3A_807 = tpu.memref_slice %arg3[%dma_wait3A_805, %dma_wait3A_806] : memref<1000000x64xf32, #tpu.memory_space<hbm>> -> memref<1000000x64xf32, #tpu.memory_space<hbm>>
      tpu.wait_indirect_dma semaphore(%arg12 : memref<!tpu.dma_semaphore, #tpu.memory_space<semaphore_mem>>) src(%dma_wait3A_807 : memref<1000000x64xf32, #tpu.memory_space<hbm>>) dst(%dma_wait3A_801 : memref<128x64xf32, #tpu.memory_space<vmem>>)
      %dma_wait3A_808 = arith.constant 0 : i32
      %dma_wait3A_809 = arith.constant 0 : i32
      %dma_wait3A_810 = arith.constant 0 : i32
      %dma_wait3A_811 = arith.constant 0 : i32
      %dma_wait3A_812 = arith.constant 0 : i32
      %dma_wait3A_813 = tpu.memref_slice %arg10[%dma_wait3A_809, %dma_wait3A_810, %dma_wait3A_811, %dma_wait3A_812] : memref<8x4x8x144xf32, #tpu.memory_space<vmem>> -> memref<8x4x8x128xf32, #tpu.memory_space<vmem>>
      %dma_wait3A_814 = arith.constant 0 : i32
      %dma_wait3A_815 = arith.constant 0 : i32
      %dma_wait3A_816 = arith.constant 0 : i32
      %dma_wait3A_817 = arith.constant 0 : i32
      %dma_wait3A_818 = tpu.memref_slice %arg5[%dma_wait3A_808, %dma_wait3A_814, %dma_wait3A_815, %dma_wait3A_816, %dma_wait3A_817] : memref<200x8x32x8x128xf32, #tpu.memory_space<hbm>> -> memref<1x8x4x8x128xf32, #tpu.memory_space<hbm>>
      %dma_wait3A_819 = tpu.memref_squeeze %dma_wait3A_818 : memref<1x8x4x8x128xf32, #tpu.memory_space<hbm>> -> memref<8x4x8x128xf32, #tpu.memory_space<hbm>>
      %dma_wait3A_820 = arith.constant 0 : i32
      %dma_wait3A_821 = arith.constant 0 : i32
      %dma_wait3A_822 = arith.constant 0 : i32
      %dma_wait3A_823 = arith.constant 0 : i32
      %dma_wait3A_824 = tpu.memref_slice %arg5[%dma_wait3A_808, %dma_wait3A_820, %dma_wait3A_821, %dma_wait3A_822, %dma_wait3A_823] : memref<200x8x32x8x128xf32, #tpu.memory_space<hbm>> -> memref<1x8x4x8x128xf32, #tpu.memory_space<hbm>>
      %dma_wait3A_825 = tpu.memref_squeeze %dma_wait3A_824 : memref<1x8x4x8x128xf32, #tpu.memory_space<hbm>> -> memref<8x4x8x128xf32, #tpu.memory_space<hbm>>
      %dma_wait3A_826 = arith.constant 0 : i32
      %dma_wait3A_827 = arith.constant 0 : i32
      %dma_wait3A_828 = arith.constant 0 : i32
      %dma_wait3A_829 = arith.constant 0 : i32
      %dma_wait3A_830 = tpu.memref_slice %arg10[%dma_wait3A_826, %dma_wait3A_827, %dma_wait3A_828, %dma_wait3A_829] : memref<8x4x8x144xf32, #tpu.memory_space<vmem>> -> memref<8x4x8x128xf32, #tpu.memory_space<vmem>>
      tpu.wait_dma2 semaphore(%arg14 : memref<!tpu.dma_semaphore, #tpu.memory_space<semaphore_mem>>) src(%dma_wait3A_830 : memref<8x4x8x128xf32, #tpu.memory_space<vmem>>) dst(%dma_wait3A_825 : memref<8x4x8x128xf32, #tpu.memory_space<hbm>>)
      %get3A_831 = arith.index_cast %select_n3A_762 : i32 to index
      %get3A_832 = arith.constant 0 : index
      %get3A_833 = tpu.vector_load %arg11[%get3A_831, %get3A_832] {strides = array<i32>} : memref<200x64xf32, #tpu.memory_space<vmem>>, vector<16xf32>,
      %get3A_834 = arith.index_cast %select_n3A_762 : i32 to index
      %get3A_835 = arith.constant 16 : index
      %get3A_836 = tpu.vector_load %arg11[%get3A_834, %get3A_835] {strides = array<i32>} : memref<200x64xf32, #tpu.memory_space<vmem>>, vector<16xf32>,
      %get3A_837 = arith.index_cast %select_n3A_762 : i32 to index
      %get3A_838 = arith.constant 32 : index
      %get3A_839 = tpu.vector_load %arg11[%get3A_837, %get3A_838] {strides = array<i32>} : memref<200x64xf32, #tpu.memory_space<vmem>>, vector<16xf32>,
      %get3A_840 = arith.index_cast %select_n3A_762 : i32 to index
      %get3A_841 = arith.constant 48 : index
      %get3A_842 = tpu.vector_load %arg11[%get3A_840, %get3A_841] {strides = array<i32>} : memref<200x64xf32, #tpu.memory_space<vmem>>, vector<16xf32>,
      %parallel_loop3A_843 = arith.constant 0 : i32
      %parallel_loop3A_844 = arith.constant 512 : i32
      %parallel_loop3A_845 = arith.constant 1 : i32
      scf.for %parallel_loop3A_1086 = %parallel_loop3A_843 to %parallel_loop3A_844 step %parallel_loop3A_845  : i32 {
        %parallel_loop3A_1087 = arith.constant 7 : i32
        %parallel_loop3A_1088 = arith.shrsi %parallel_loop3A_1086, %parallel_loop3A_1087 : i32
        %parallel_loop3A_1089 = vector.broadcast %parallel_loop3A_1088 : i32 to vector<16xi32>
        %parallel_loop3A_1090 = arith.constant 127 : i32
        %parallel_loop3A_1091 = arith.andi %parallel_loop3A_1086, %parallel_loop3A_1090 : i32
        %parallel_loop3A_1092 = vector.broadcast %parallel_loop3A_1091 : i32 to vector<16xi32>
        %parallel_loop3A_1093 = arith.index_cast %parallel_loop3A_1086 : i32 to index
        %parallel_loop3A_1094 = arith.constant 0 : index
        %parallel_loop3A_1095 = tpu.vector_load %arg8[%parallel_loop3A_1093, %parallel_loop3A_1094] {strides = array<i32>} : memref<512x64xf32, #tpu.memory_space<vmem>>, vector<16xf32>,
        %parallel_loop3A_1096 = arith.addf %parallel_loop3A_1095, %get3A_833 : vector<16xf32>
        tpu.vector_store_idx %arg10[%shift_right_arithmetic3A_7, %parallel_loop3A_1089, %and3A_30, %parallel_loop3A_1092], %parallel_loop3A_1096 : memref<8x4x8x144xf32, #tpu.memory_space<vmem>>[vector<16xi32>, vector<16xi32>, vector<16xi32>, vector<16xi32>], vector<16xf32>,
        %parallel_loop3A_1097 = arith.index_cast %parallel_loop3A_1086 : i32 to index
        %parallel_loop3A_1098 = arith.constant 16 : index
        %parallel_loop3A_1099 = tpu.vector_load %arg8[%parallel_loop3A_1097, %parallel_loop3A_1098] {strides = array<i32>} : memref<512x64xf32, #tpu.memory_space<vmem>>, vector<16xf32>,
        %parallel_loop3A_1100 = arith.addf %parallel_loop3A_1099, %get3A_836 : vector<16xf32>
        tpu.vector_store_idx %arg10[%shift_right_arithmetic3A_13, %parallel_loop3A_1089, %and3A_36, %parallel_loop3A_1092], %parallel_loop3A_1100 : memref<8x4x8x144xf32, #tpu.memory_space<vmem>>[vector<16xi32>, vector<16xi32>, vector<16xi32>, vector<16xi32>], vector<16xf32>,
        %parallel_loop3A_1101 = arith.index_cast %parallel_loop3A_1086 : i32 to index
        %parallel_loop3A_1102 = arith.constant 32 : index
        %parallel_loop3A_1103 = tpu.vector_load %arg8[%parallel_loop3A_1101, %parallel_loop3A_1102] {strides = array<i32>} : memref<512x64xf32, #tpu.memory_space<vmem>>, vector<16xf32>,
        %parallel_loop3A_1104 = arith.addf %parallel_loop3A_1103, %get3A_839 : vector<16xf32>
        tpu.vector_store_idx %arg10[%shift_right_arithmetic3A_19, %parallel_loop3A_1089, %and3A_42, %parallel_loop3A_1092], %parallel_loop3A_1104 : memref<8x4x8x144xf32, #tpu.memory_space<vmem>>[vector<16xi32>, vector<16xi32>, vector<16xi32>, vector<16xi32>], vector<16xf32>,
        %parallel_loop3A_1105 = arith.index_cast %parallel_loop3A_1086 : i32 to index
        %parallel_loop3A_1106 = arith.constant 48 : index
        %parallel_loop3A_1107 = tpu.vector_load %arg8[%parallel_loop3A_1105, %parallel_loop3A_1106] {strides = array<i32>} : memref<512x64xf32, #tpu.memory_space<vmem>>, vector<16xf32>,
        %parallel_loop3A_1108 = arith.addf %parallel_loop3A_1107, %get3A_842 : vector<16xf32>
        tpu.vector_store_idx %arg10[%shift_right_arithmetic3A_25, %parallel_loop3A_1089, %and3A_48, %parallel_loop3A_1092], %parallel_loop3A_1108 : memref<8x4x8x144xf32, #tpu.memory_space<vmem>>[vector<16xi32>, vector<16xi32>, vector<16xi32>, vector<16xi32>], vector<16xf32>,
      } {sc.loop_unroll_factor = 8 : i64, sc.parallel_access}
      %dma_start3A_846 = arith.constant 0 : i32
      %dma_start3A_847 = arith.constant 0 : i32
      %dma_start3A_848 = arith.constant 0 : i32
      %dma_start3A_849 = arith.constant 0 : i32
      %dma_start3A_850 = tpu.memref_slice %arg10[%dma_start3A_846, %dma_start3A_847, %dma_start3A_848, %dma_start3A_849] : memref<8x4x8x144xf32, #tpu.memory_space<vmem>> -> memref<8x4x8x128xf32, #tpu.memory_space<vmem>>
      %dma_start3A_851 = arith.constant 0 : i32
      %dma_start3A_852 = arith.constant 0 : i32
      %dma_start3A_853 = arith.constant 0 : i32
      %dma_start3A_854 = tpu.memref_slice %arg5[%select_n3A_762, %dma_start3A_851, %mul3A_767, %dma_start3A_852, %dma_start3A_853] : memref<200x8x32x8x128xf32, #tpu.memory_space<hbm>> -> memref<1x8x4x8x128xf32, #tpu.memory_space<hbm>>
      %dma_start3A_855 = tpu.memref_squeeze %dma_start3A_854 : memref<1x8x4x8x128xf32, #tpu.memory_space<hbm>> -> memref<8x4x8x128xf32, #tpu.memory_space<hbm>>
      %dma_start3A_856 = arith.constant 0 : i32
      %dma_start3A_857 = arith.constant 0 : i32
      %dma_start3A_858 = arith.constant 0 : i32
      %dma_start3A_859 = tpu.memref_slice %arg5[%select_n3A_762, %dma_start3A_856, %mul3A_767, %dma_start3A_857, %dma_start3A_858] : memref<200x8x32x8x128xf32, #tpu.memory_space<hbm>> -> memref<1x8x4x8x128xf32, #tpu.memory_space<hbm>>
      %dma_start3A_860 = tpu.memref_squeeze %dma_start3A_859 : memref<1x8x4x8x128xf32, #tpu.memory_space<hbm>> -> memref<8x4x8x128xf32, #tpu.memory_space<hbm>>
      %dma_start3A_861 = arith.constant 0 : i32
      %dma_start3A_862 = arith.constant 0 : i32
      %dma_start3A_863 = arith.constant 0 : i32
      %dma_start3A_864 = arith.constant 0 : i32
      %dma_start3A_865 = tpu.memref_slice %arg10[%dma_start3A_861, %dma_start3A_862, %dma_start3A_863, %dma_start3A_864] : memref<8x4x8x144xf32, #tpu.memory_space<vmem>> -> memref<8x4x8x128xf32, #tpu.memory_space<vmem>>
      tpu.enqueue_dma source(%dma_start3A_865 : memref<8x4x8x128xf32, #tpu.memory_space<vmem>>) target(%dma_start3A_860 : memref<8x4x8x128xf32, #tpu.memory_space<hbm>>) target_semaphore(%arg14 : memref<!tpu.dma_semaphore, #tpu.memory_space<semaphore_mem>>)
      %add3A_866 = arith.constant 2 : i32
      %add3A_867 = arith.addi %mul3A_737, %add3A_866 : i32
      %add3A_868 = arith.addi %mul3A_2, %add3A_867 : i32
      %mul3A_869 = arith.constant 4 : i32
      %mul3A_870 = arith.muli %add3A_868, %mul3A_869 : i32
      "tpu.region"() ({
        %run_scoped3A = tpu.sem_alloc : memref<!tpu.dma_semaphore, #tpu.memory_space<semaphore_mem>>
        %dma_start3A_1086 = arith.constant 0 : i32
        %dma_start3A_1087 = tpu.memref_slice %arg2[%mul3A_870, %dma_start3A_1086] : memref<6400x128xi32, #tpu.memory_space<hbm>> -> memref<4x128xi32, #tpu.memory_space<hbm>>
        %dma_start3A_1088 = arith.constant 0 : i32
        %dma_start3A_1089 = tpu.memref_slice %arg2[%mul3A_870, %dma_start3A_1088] : memref<6400x128xi32, #tpu.memory_space<hbm>> -> memref<4x128xi32, #tpu.memory_space<hbm>>
        tpu.enqueue_dma source(%dma_start3A_1089 : memref<4x128xi32, #tpu.memory_space<hbm>>) target(%arg6 : memref<4x128xi32, #tpu.memory_space<vmem>>) target_semaphore(%run_scoped3A : memref<!tpu.dma_semaphore, #tpu.memory_space<semaphore_mem>>)
        %dma_wait3A_1090 = arith.constant 0 : i32
        %dma_wait3A_1091 = tpu.memref_slice %arg2[%mul3A_870, %dma_wait3A_1090] : memref<6400x128xi32, #tpu.memory_space<hbm>> -> memref<4x128xi32, #tpu.memory_space<hbm>>
        %dma_wait3A_1092 = arith.constant 0 : i32
        %dma_wait3A_1093 = tpu.memref_slice %arg2[%mul3A_870, %dma_wait3A_1092] : memref<6400x128xi32, #tpu.memory_space<hbm>> -> memref<4x128xi32, #tpu.memory_space<hbm>>
        tpu.wait_dma2 semaphore(%run_scoped3A : memref<!tpu.dma_semaphore, #tpu.memory_space<semaphore_mem>>) src(%dma_wait3A_1093 : memref<4x128xi32, #tpu.memory_space<hbm>>) dst(%arg6 : memref<4x128xi32, #tpu.memory_space<vmem>>)
        tpu.yield
      }) : () -> ()
      %dma_start3A_871 = arith.constant 0 : i32
      %dma_start3A_872 = arith.constant 0 : i32
      %dma_start3A_873 = arith.constant 0 : i32
      %dma_start3A_874 = tpu.memref_slice %arg8[%dma_start3A_872, %dma_start3A_873] : memref<512x64xf32, #tpu.memory_space<vmem>> -> memref<128x64xf32, #tpu.memory_space<vmem>>
      %dma_start3A_875 = arith.constant 0 : i32
      %dma_start3A_876 = tpu.memref_slice %arg6[%dma_start3A_871, %dma_start3A_875] : memref<4x128xi32, #tpu.memory_space<vmem>> -> memref<1x128xi32, #tpu.memory_space<vmem>>
      %dma_start3A_877 = tpu.memref_squeeze %dma_start3A_876 : memref<1x128xi32, #tpu.memory_space<vmem>> -> memref<128xi32, #tpu.memory_space<vmem>>
      %dma_start3A_878 = arith.constant 0 : i32
      %dma_start3A_879 = arith.constant 0 : i32
      %dma_start3A_880 = tpu.memref_slice %arg3[%dma_start3A_878, %dma_start3A_879] : memref<1000000x64xf32, #tpu.memory_space<hbm>> -> memref<1000000x64xf32, #tpu.memory_space<hbm>>
      tpu.enqueue_indirect_dma source(%dma_start3A_880 : memref<1000000x64xf32, #tpu.memory_space<hbm>>) target(%dma_start3A_874 : memref<128x64xf32, #tpu.memory_space<vmem>>) offsets(%dma_start3A_877 : memref<128xi32, #tpu.memory_space<vmem>>) semaphore(%arg12 : memref<!tpu.dma_semaphore, #tpu.memory_space<semaphore_mem>>)
      %dma_start3A_881 = arith.constant 1 : i32
      %dma_start3A_882 = arith.constant 128 : i32
      %dma_start3A_883 = arith.constant 0 : i32
      %dma_start3A_884 = tpu.memref_slice %arg8[%dma_start3A_882, %dma_start3A_883] : memref<512x64xf32, #tpu.memory_space<vmem>> -> memref<128x64xf32, #tpu.memory_space<vmem>>
      %dma_start3A_885 = arith.constant 0 : i32
      %dma_start3A_886 = tpu.memref_slice %arg6[%dma_start3A_881, %dma_start3A_885] : memref<4x128xi32, #tpu.memory_space<vmem>> -> memref<1x128xi32, #tpu.memory_space<vmem>>
      %dma_start3A_887 = tpu.memref_squeeze %dma_start3A_886 : memref<1x128xi32, #tpu.memory_space<vmem>> -> memref<128xi32, #tpu.memory_space<vmem>>
      %dma_start3A_888 = arith.constant 0 : i32
      %dma_start3A_889 = arith.constant 0 : i32
      %dma_start3A_890 = tpu.memref_slice %arg3[%dma_start3A_888, %dma_start3A_889] : memref<1000000x64xf32, #tpu.memory_space<hbm>> -> memref<1000000x64xf32, #tpu.memory_space<hbm>>
      tpu.enqueue_indirect_dma source(%dma_start3A_890 : memref<1000000x64xf32, #tpu.memory_space<hbm>>) target(%dma_start3A_884 : memref<128x64xf32, #tpu.memory_space<vmem>>) offsets(%dma_start3A_887 : memref<128xi32, #tpu.memory_space<vmem>>) semaphore(%arg12 : memref<!tpu.dma_semaphore, #tpu.memory_space<semaphore_mem>>)
      %dma_start3A_891 = arith.constant 2 : i32
      %dma_start3A_892 = arith.constant 256 : i32
      %dma_start3A_893 = arith.constant 0 : i32
      %dma_start3A_894 = tpu.memref_slice %arg8[%dma_start3A_892, %dma_start3A_893] : memref<512x64xf32, #tpu.memory_space<vmem>> -> memref<128x64xf32, #tpu.memory_space<vmem>>
      %dma_start3A_895 = arith.constant 0 : i32
      %dma_start3A_896 = tpu.memref_slice %arg6[%dma_start3A_891, %dma_start3A_895] : memref<4x128xi32, #tpu.memory_space<vmem>> -> memref<1x128xi32, #tpu.memory_space<vmem>>
      %dma_start3A_897 = tpu.memref_squeeze %dma_start3A_896 : memref<1x128xi32, #tpu.memory_space<vmem>> -> memref<128xi32, #tpu.memory_space<vmem>>
      %dma_start3A_898 = arith.constant 0 : i32
      %dma_start3A_899 = arith.constant 0 : i32
      %dma_start3A_900 = tpu.memref_slice %arg3[%dma_start3A_898, %dma_start3A_899] : memref<1000000x64xf32, #tpu.memory_space<hbm>> -> memref<1000000x64xf32, #tpu.memory_space<hbm>>
      tpu.enqueue_indirect_dma source(%dma_start3A_900 : memref<1000000x64xf32, #tpu.memory_space<hbm>>) target(%dma_start3A_894 : memref<128x64xf32, #tpu.memory_space<vmem>>) offsets(%dma_start3A_897 : memref<128xi32, #tpu.memory_space<vmem>>) semaphore(%arg12 : memref<!tpu.dma_semaphore, #tpu.memory_space<semaphore_mem>>)
      %dma_start3A_901 = arith.constant 3 : i32
      %dma_start3A_902 = arith.constant 384 : i32
      %dma_start3A_903 = arith.constant 0 : i32
      %dma_start3A_904 = tpu.memref_slice %arg8[%dma_start3A_902, %dma_start3A_903] : memref<512x64xf32, #tpu.memory_space<vmem>> -> memref<128x64xf32, #tpu.memory_space<vmem>>
      %dma_start3A_905 = arith.constant 0 : i32
      %dma_start3A_906 = tpu.memref_slice %arg6[%dma_start3A_901, %dma_start3A_905] : memref<4x128xi32, #tpu.memory_space<vmem>> -> memref<1x128xi32, #tpu.memory_space<vmem>>
      %dma_start3A_907 = tpu.memref_squeeze %dma_start3A_906 : memref<1x128xi32, #tpu.memory_space<vmem>> -> memref<128xi32, #tpu.memory_space<vmem>>
      %dma_start3A_908 = arith.constant 0 : i32
      %dma_start3A_909 = arith.constant 0 : i32
      %dma_start3A_910 = tpu.memref_slice %arg3[%dma_start3A_908, %dma_start3A_909] : memref<1000000x64xf32, #tpu.memory_space<hbm>> -> memref<1000000x64xf32, #tpu.memory_space<hbm>>
      tpu.enqueue_indirect_dma source(%dma_start3A_910 : memref<1000000x64xf32, #tpu.memory_space<hbm>>) target(%dma_start3A_904 : memref<128x64xf32, #tpu.memory_space<vmem>>) offsets(%dma_start3A_907 : memref<128xi32, #tpu.memory_space<vmem>>) semaphore(%arg12 : memref<!tpu.dma_semaphore, #tpu.memory_space<semaphore_mem>>)
      %add3A_911 = arith.constant 1 : i32
      %add3A_912 = arith.addi %mul3A_737, %add3A_911 : i32
      %add3A_913 = arith.addi %mul3A_2, %add3A_912 : i32
      %jit3A_914 = arith.constant 8 : i32
      %div3A_915 = arith.divsi %add3A_913, %jit3A_914 : i32
      %sign3A_916 = arith.constant 0 : i32
      %sign3A_917 = arith.cmpi sgt, %add3A_913, %sign3A_916 : i32
      %sign3A_918 = arith.extui %sign3A_917 : i1 to i32
      %sign3A_919 = arith.constant 0 : i32
      %sign3A_920 = arith.cmpi slt, %add3A_913, %sign3A_919 : i32
      %sign3A_921 = arith.extui %sign3A_920 : i1 to i32
      %sign3A_922 = arith.subi %sign3A_918, %sign3A_921 : i32
      %sign3A_923 = arith.constant 0 : i32
      %sign3A_924 = arith.cmpi sgt, %jit3A_914, %sign3A_923 : i32
      %sign3A_925 = arith.extui %sign3A_924 : i1 to i32
      %sign3A_926 = arith.constant 0 : i32
      %sign3A_927 = arith.cmpi slt, %jit3A_914, %sign3A_926 : i32
      %sign3A_928 = arith.extui %sign3A_927 : i1 to i32
      %sign3A_929 = arith.subi %sign3A_925, %sign3A_928 : i32
      %ne3A_930 = arith.cmpi ne, %sign3A_922, %sign3A_929 : i32
      %rem3A_931 = arith.remsi %add3A_913, %jit3A_914 : i32
      %ne3A_932 = arith.constant 0 : i32
      %ne3A_933 = arith.cmpi ne, %rem3A_931, %ne3A_932 : i32
      %and3A_934 = arith.andi %ne3A_930, %ne3A_933 : i1
      %sub3A_935 = arith.constant 1 : i32
      %sub3A_936 = arith.subi %div3A_915, %sub3A_935 : i32
      %select_n3A_937 = arith.select %and3A_934, %sub3A_936, %div3A_915 : i32
      %mul3A_938 = arith.constant 8 : i32
      %mul3A_939 = arith.muli %select_n3A_937, %mul3A_938 : i32
      %sub3A_940 = arith.subi %add3A_913, %mul3A_939 : i32
      %mul3A_941 = arith.constant 4 : i32
      %mul3A_942 = arith.muli %sub3A_940, %mul3A_941 : i32
      %dma_wait3A_943 = arith.constant 0 : i32
      %dma_wait3A_944 = arith.constant 0 : i32
      %dma_wait3A_945 = arith.constant 0 : i32
      %dma_wait3A_946 = tpu.memref_slice %arg9[%dma_wait3A_944, %dma_wait3A_945] : memref<512x64xf32, #tpu.memory_space<vmem>> -> memref<128x64xf32, #tpu.memory_space<vmem>>
      %dma_wait3A_947 = arith.constant 0 : i32
      %dma_wait3A_948 = tpu.memref_slice %arg7[%dma_wait3A_943, %dma_wait3A_947] : memref<4x128xi32, #tpu.memory_space<vmem>> -> memref<1x128xi32, #tpu.memory_space<vmem>>
      %dma_wait3A_949 = tpu.memref_squeeze %dma_wait3A_948 : memref<1x128xi32, #tpu.memory_space<vmem>> -> memref<128xi32, #tpu.memory_space<vmem>>
      %dma_wait3A_950 = arith.constant 0 : i32
      %dma_wait3A_951 = arith.constant 0 : i32
      %dma_wait3A_952 = tpu.memref_slice %arg3[%dma_wait3A_950, %dma_wait3A_951] : memref<1000000x64xf32, #tpu.memory_space<hbm>> -> memref<1000000x64xf32, #tpu.memory_space<hbm>>
      tpu.wait_indirect_dma semaphore(%arg13 : memref<!tpu.dma_semaphore, #tpu.memory_space<semaphore_mem>>) src(%dma_wait3A_952 : memref<1000000x64xf32, #tpu.memory_space<hbm>>) dst(%dma_wait3A_946 : memref<128x64xf32, #tpu.memory_space<vmem>>)
      %dma_wait3A_953 = arith.constant 1 : i32
      %dma_wait3A_954 = arith.constant 128 : i32
      %dma_wait3A_955 = arith.constant 0 : i32
      %dma_wait3A_956 = tpu.memref_slice %arg9[%dma_wait3A_954, %dma_wait3A_955] : memref<512x64xf32, #tpu.memory_space<vmem>> -> memref<128x64xf32, #tpu.memory_space<vmem>>
      %dma_wait3A_957 = arith.constant 0 : i32
      %dma_wait3A_958 = tpu.memref_slice %arg7[%dma_wait3A_953, %dma_wait3A_957] : memref<4x128xi32, #tpu.memory_space<vmem>> -> memref<1x128xi32, #tpu.memory_space<vmem>>
      %dma_wait3A_959 = tpu.memref_squeeze %dma_wait3A_958 : memref<1x128xi32, #tpu.memory_space<vmem>> -> memref<128xi32, #tpu.memory_space<vmem>>
      %dma_wait3A_960 = arith.constant 0 : i32
      %dma_wait3A_961 = arith.constant 0 : i32
      %dma_wait3A_962 = tpu.memref_slice %arg3[%dma_wait3A_960, %dma_wait3A_961] : memref<1000000x64xf32, #tpu.memory_space<hbm>> -> memref<1000000x64xf32, #tpu.memory_space<hbm>>
      tpu.wait_indirect_dma semaphore(%arg13 : memref<!tpu.dma_semaphore, #tpu.memory_space<semaphore_mem>>) src(%dma_wait3A_962 : memref<1000000x64xf32, #tpu.memory_space<hbm>>) dst(%dma_wait3A_956 : memref<128x64xf32, #tpu.memory_space<vmem>>)
      %dma_wait3A_963 = arith.constant 2 : i32
      %dma_wait3A_964 = arith.constant 256 : i32
      %dma_wait3A_965 = arith.constant 0 : i32
      %dma_wait3A_966 = tpu.memref_slice %arg9[%dma_wait3A_964, %dma_wait3A_965] : memref<512x64xf32, #tpu.memory_space<vmem>> -> memref<128x64xf32, #tpu.memory_space<vmem>>
      %dma_wait3A_967 = arith.constant 0 : i32
      %dma_wait3A_968 = tpu.memref_slice %arg7[%dma_wait3A_963, %dma_wait3A_967] : memref<4x128xi32, #tpu.memory_space<vmem>> -> memref<1x128xi32, #tpu.memory_space<vmem>>
      %dma_wait3A_969 = tpu.memref_squeeze %dma_wait3A_968 : memref<1x128xi32, #tpu.memory_space<vmem>> -> memref<128xi32, #tpu.memory_space<vmem>>
      %dma_wait3A_970 = arith.constant 0 : i32
      %dma_wait3A_971 = arith.constant 0 : i32
      %dma_wait3A_972 = tpu.memref_slice %arg3[%dma_wait3A_970, %dma_wait3A_971] : memref<1000000x64xf32, #tpu.memory_space<hbm>> -> memref<1000000x64xf32, #tpu.memory_space<hbm>>
      tpu.wait_indirect_dma semaphore(%arg13 : memref<!tpu.dma_semaphore, #tpu.memory_space<semaphore_mem>>) src(%dma_wait3A_972 : memref<1000000x64xf32, #tpu.memory_space<hbm>>) dst(%dma_wait3A_966 : memref<128x64xf32, #tpu.memory_space<vmem>>)
      %dma_wait3A_973 = arith.constant 3 : i32
      %dma_wait3A_974 = arith.constant 384 : i32
      %dma_wait3A_975 = arith.constant 0 : i32
      %dma_wait3A_976 = tpu.memref_slice %arg9[%dma_wait3A_974, %dma_wait3A_975] : memref<512x64xf32, #tpu.memory_space<vmem>> -> memref<128x64xf32, #tpu.memory_space<vmem>>
      %dma_wait3A_977 = arith.constant 0 : i32
      %dma_wait3A_978 = tpu.memref_slice %arg7[%dma_wait3A_973, %dma_wait3A_977] : memref<4x128xi32, #tpu.memory_space<vmem>> -> memref<1x128xi32, #tpu.memory_space<vmem>>
      %dma_wait3A_979 = tpu.memref_squeeze %dma_wait3A_978 : memref<1x128xi32, #tpu.memory_space<vmem>> -> memref<128xi32, #tpu.memory_space<vmem>>
      %dma_wait3A_980 = arith.constant 0 : i32
      %dma_wait3A_981 = arith.constant 0 : i32
      %dma_wait3A_982 = tpu.memref_slice %arg3[%dma_wait3A_980, %dma_wait3A_981] : memref<1000000x64xf32, #tpu.memory_space<hbm>> -> memref<1000000x64xf32, #tpu.memory_space<hbm>>
      tpu.wait_indirect_dma semaphore(%arg13 : memref<!tpu.dma_semaphore, #tpu.memory_space<semaphore_mem>>) src(%dma_wait3A_982 : memref<1000000x64xf32, #tpu.memory_space<hbm>>) dst(%dma_wait3A_976 : memref<128x64xf32, #tpu.memory_space<vmem>>)
      %dma_wait3A_983 = arith.constant 0 : i32
      %dma_wait3A_984 = arith.constant 0 : i32
      %dma_wait3A_985 = arith.constant 0 : i32
      %dma_wait3A_986 = arith.constant 0 : i32
      %dma_wait3A_987 = arith.constant 0 : i32
      %dma_wait3A_988 = tpu.memref_slice %arg10[%dma_wait3A_984, %dma_wait3A_985, %dma_wait3A_986, %dma_wait3A_987] : memref<8x4x8x144xf32, #tpu.memory_space<vmem>> -> memref<8x4x8x128xf32, #tpu.memory_space<vmem>>
      %dma_wait3A_989 = arith.constant 0 : i32
      %dma_wait3A_990 = arith.constant 0 : i32
      %dma_wait3A_991 = arith.constant 0 : i32
      %dma_wait3A_992 = arith.constant 0 : i32
      %dma_wait3A_993 = tpu.memref_slice %arg5[%dma_wait3A_983, %dma_wait3A_989, %dma_wait3A_990, %dma_wait3A_991, %dma_wait3A_992] : memref<200x8x32x8x128xf32, #tpu.memory_space<hbm>> -> memref<1x8x4x8x128xf32, #tpu.memory_space<hbm>>
      %dma_wait3A_994 = tpu.memref_squeeze %dma_wait3A_993 : memref<1x8x4x8x128xf32, #tpu.memory_space<hbm>> -> memref<8x4x8x128xf32, #tpu.memory_space<hbm>>
      %dma_wait3A_995 = arith.constant 0 : i32
      %dma_wait3A_996 = arith.constant 0 : i32
      %dma_wait3A_997 = arith.constant 0 : i32
      %dma_wait3A_998 = arith.constant 0 : i32
      %dma_wait3A_999 = tpu.memref_slice %arg5[%dma_wait3A_983, %dma_wait3A_995, %dma_wait3A_996, %dma_wait3A_997, %dma_wait3A_998] : memref<200x8x32x8x128xf32, #tpu.memory_space<hbm>> -> memref<1x8x4x8x128xf32, #tpu.memory_space<hbm>>
      %dma_wait3A_1000 = tpu.memref_squeeze %dma_wait3A_999 : memref<1x8x4x8x128xf32, #tpu.memory_space<hbm>> -> memref<8x4x8x128xf32, #tpu.memory_space<hbm>>
      %dma_wait3A_1001 = arith.constant 0 : i32
      %dma_wait3A_1002 = arith.constant 0 : i32
      %dma_wait3A_1003 = arith.constant 0 : i32
      %dma_wait3A_1004 = arith.constant 0 : i32
      %dma_wait3A_1005 = tpu.memref_slice %arg10[%dma_wait3A_1001, %dma_wait3A_1002, %dma_wait3A_1003, %dma_wait3A_1004] : memref<8x4x8x144xf32, #tpu.memory_space<vmem>> -> memref<8x4x8x128xf32, #tpu.memory_space<vmem>>
      tpu.wait_dma2 semaphore(%arg14 : memref<!tpu.dma_semaphore, #tpu.memory_space<semaphore_mem>>) src(%dma_wait3A_1005 : memref<8x4x8x128xf32, #tpu.memory_space<vmem>>) dst(%dma_wait3A_1000 : memref<8x4x8x128xf32, #tpu.memory_space<hbm>>)
      %get3A_1006 = arith.index_cast %select_n3A_937 : i32 to index
      %get3A_1007 = arith.constant 0 : index
      %get3A_1008 = tpu.vector_load %arg11[%get3A_1006, %get3A_1007] {strides = array<i32>} : memref<200x64xf32, #tpu.memory_space<vmem>>, vector<16xf32>,
      %get3A_1009 = arith.index_cast %select_n3A_937 : i32 to index
      %get3A_1010 = arith.constant 16 : index
      %get3A_1011 = tpu.vector_load %arg11[%get3A_1009, %get3A_1010] {strides = array<i32>} : memref<200x64xf32, #tpu.memory_space<vmem>>, vector<16xf32>,
      %get3A_1012 = arith.index_cast %select_n3A_937 : i32 to index
      %get3A_1013 = arith.constant 32 : index
      %get3A_1014 = tpu.vector_load %arg11[%get3A_1012, %get3A_1013] {strides = array<i32>} : memref<200x64xf32, #tpu.memory_space<vmem>>, vector<16xf32>,
      %get3A_1015 = arith.index_cast %select_n3A_937 : i32 to index
      %get3A_1016 = arith.constant 48 : index
      %get3A_1017 = tpu.vector_load %arg11[%get3A_1015, %get3A_1016] {strides = array<i32>} : memref<200x64xf32, #tpu.memory_space<vmem>>, vector<16xf32>,
      %parallel_loop3A_1018 = arith.constant 0 : i32
      %parallel_loop3A_1019 = arith.constant 512 : i32
      %parallel_loop3A_1020 = arith.constant 1 : i32
      scf.for %parallel_loop3A_1086 = %parallel_loop3A_1018 to %parallel_loop3A_1019 step %parallel_loop3A_1020  : i32 {
        %parallel_loop3A_1087 = arith.constant 7 : i32
        %parallel_loop3A_1088 = arith.shrsi %parallel_loop3A_1086, %parallel_loop3A_1087 : i32
        %parallel_loop3A_1089 = vector.broadcast %parallel_loop3A_1088 : i32 to vector<16xi32>
        %parallel_loop3A_1090 = arith.constant 127 : i32
        %parallel_loop3A_1091 = arith.andi %parallel_loop3A_1086, %parallel_loop3A_1090 : i32
        %parallel_loop3A_1092 = vector.broadcast %parallel_loop3A_1091 : i32 to vector<16xi32>
        %parallel_loop3A_1093 = arith.index_cast %parallel_loop3A_1086 : i32 to index
        %parallel_loop3A_1094 = arith.constant 0 : index
        %parallel_loop3A_1095 = tpu.vector_load %arg9[%parallel_loop3A_1093, %parallel_loop3A_1094] {strides = array<i32>} : memref<512x64xf32, #tpu.memory_space<vmem>>, vector<16xf32>,
        %parallel_loop3A_1096 = arith.addf %parallel_loop3A_1095, %get3A_1008 : vector<16xf32>
        tpu.vector_store_idx %arg10[%shift_right_arithmetic3A_7, %parallel_loop3A_1089, %and3A_30, %parallel_loop3A_1092], %parallel_loop3A_1096 : memref<8x4x8x144xf32, #tpu.memory_space<vmem>>[vector<16xi32>, vector<16xi32>, vector<16xi32>, vector<16xi32>], vector<16xf32>,
        %parallel_loop3A_1097 = arith.index_cast %parallel_loop3A_1086 : i32 to index
        %parallel_loop3A_1098 = arith.constant 16 : index
        %parallel_loop3A_1099 = tpu.vector_load %arg9[%parallel_loop3A_1097, %parallel_loop3A_1098] {strides = array<i32>} : memref<512x64xf32, #tpu.memory_space<vmem>>, vector<16xf32>,
        %parallel_loop3A_1100 = arith.addf %parallel_loop3A_1099, %get3A_1011 : vector<16xf32>
        tpu.vector_store_idx %arg10[%shift_right_arithmetic3A_13, %parallel_loop3A_1089, %and3A_36, %parallel_loop3A_1092], %parallel_loop3A_1100 : memref<8x4x8x144xf32, #tpu.memory_space<vmem>>[vector<16xi32>, vector<16xi32>, vector<16xi32>, vector<16xi32>], vector<16xf32>,
        %parallel_loop3A_1101 = arith.index_cast %parallel_loop3A_1086 : i32 to index
        %parallel_loop3A_1102 = arith.constant 32 : index
        %parallel_loop3A_1103 = tpu.vector_load %arg9[%parallel_loop3A_1101, %parallel_loop3A_1102] {strides = array<i32>} : memref<512x64xf32, #tpu.memory_space<vmem>>, vector<16xf32>,
        %parallel_loop3A_1104 = arith.addf %parallel_loop3A_1103, %get3A_1014 : vector<16xf32>
        tpu.vector_store_idx %arg10[%shift_right_arithmetic3A_19, %parallel_loop3A_1089, %and3A_42, %parallel_loop3A_1092], %parallel_loop3A_1104 : memref<8x4x8x144xf32, #tpu.memory_space<vmem>>[vector<16xi32>, vector<16xi32>, vector<16xi32>, vector<16xi32>], vector<16xf32>,
        %parallel_loop3A_1105 = arith.index_cast %parallel_loop3A_1086 : i32 to index
        %parallel_loop3A_1106 = arith.constant 48 : index
        %parallel_loop3A_1107 = tpu.vector_load %arg9[%parallel_loop3A_1105, %parallel_loop3A_1106] {strides = array<i32>} : memref<512x64xf32, #tpu.memory_space<vmem>>, vector<16xf32>,
        %parallel_loop3A_1108 = arith.addf %parallel_loop3A_1107, %get3A_1017 : vector<16xf32>
        tpu.vector_store_idx %arg10[%shift_right_arithmetic3A_25, %parallel_loop3A_1089, %and3A_48, %parallel_loop3A_1092], %parallel_loop3A_1108 : memref<8x4x8x144xf32, #tpu.memory_space<vmem>>[vector<16xi32>, vector<16xi32>, vector<16xi32>, vector<16xi32>], vector<16xf32>,
      } {sc.loop_unroll_factor = 8 : i64, sc.parallel_access}
      %dma_start3A_1021 = arith.constant 0 : i32
      %dma_start3A_1022 = arith.constant 0 : i32
      %dma_start3A_1023 = arith.constant 0 : i32
      %dma_start3A_1024 = arith.constant 0 : i32
      %dma_start3A_1025 = tpu.memref_slice %arg10[%dma_start3A_1021, %dma_start3A_1022, %dma_start3A_1023, %dma_start3A_1024] : memref<8x4x8x144xf32, #tpu.memory_space<vmem>> -> memref<8x4x8x128xf32, #tpu.memory_space<vmem>>
      %dma_start3A_1026 = arith.constant 0 : i32
      %dma_start3A_1027 = arith.constant 0 : i32
      %dma_start3A_1028 = arith.constant 0 : i32
      %dma_start3A_1029 = tpu.memref_slice %arg5[%select_n3A_937, %dma_start3A_1026, %mul3A_942, %dma_start3A_1027, %dma_start3A_1028] : memref<200x8x32x8x128xf32, #tpu.memory_space<hbm>> -> memref<1x8x4x8x128xf32, #tpu.memory_space<hbm>>
      %dma_start3A_1030 = tpu.memref_squeeze %dma_start3A_1029 : memref<1x8x4x8x128xf32, #tpu.memory_space<hbm>> -> memref<8x4x8x128xf32, #tpu.memory_space<hbm>>
      %dma_start3A_1031 = arith.constant 0 : i32
      %dma_start3A_1032 = arith.constant 0 : i32
      %dma_start3A_1033 = arith.constant 0 : i32
      %dma_start3A_1034 = tpu.memref_slice %arg5[%select_n3A_937, %dma_start3A_1031, %mul3A_942, %dma_start3A_1032, %dma_start3A_1033] : memref<200x8x32x8x128xf32, #tpu.memory_space<hbm>> -> memref<1x8x4x8x128xf32, #tpu.memory_space<hbm>>
      %dma_start3A_1035 = tpu.memref_squeeze %dma_start3A_1034 : memref<1x8x4x8x128xf32, #tpu.memory_space<hbm>> -> memref<8x4x8x128xf32, #tpu.memory_space<hbm>>
      %dma_start3A_1036 = arith.constant 0 : i32
      %dma_start3A_1037 = arith.constant 0 : i32
      %dma_start3A_1038 = arith.constant 0 : i32
      %dma_start3A_1039 = arith.constant 0 : i32
      %dma_start3A_1040 = tpu.memref_slice %arg10[%dma_start3A_1036, %dma_start3A_1037, %dma_start3A_1038, %dma_start3A_1039] : memref<8x4x8x144xf32, #tpu.memory_space<vmem>> -> memref<8x4x8x128xf32, #tpu.memory_space<vmem>>
      tpu.enqueue_dma source(%dma_start3A_1040 : memref<8x4x8x128xf32, #tpu.memory_space<vmem>>) target(%dma_start3A_1035 : memref<8x4x8x128xf32, #tpu.memory_space<hbm>>) target_semaphore(%arg14 : memref<!tpu.dma_semaphore, #tpu.memory_space<semaphore_mem>>)
      %add3A_1041 = arith.constant 3 : i32
      %add3A_1042 = arith.addi %mul3A_737, %add3A_1041 : i32
      %add3A_1043 = arith.addi %mul3A_2, %add3A_1042 : i32
      %mul3A_1044 = arith.constant 4 : i32
      %mul3A_1045 = arith.muli %add3A_1043, %mul3A_1044 : i32
      "tpu.region"() ({
        %run_scoped3A = tpu.sem_alloc : memref<!tpu.dma_semaphore, #tpu.memory_space<semaphore_mem>>
        %dma_start3A_1086 = arith.constant 0 : i32
        %dma_start3A_1087 = tpu.memref_slice %arg2[%mul3A_1045, %dma_start3A_1086] : memref<6400x128xi32, #tpu.memory_space<hbm>> -> memref<4x128xi32, #tpu.memory_space<hbm>>
        %dma_start3A_1088 = arith.constant 0 : i32
        %dma_start3A_1089 = tpu.memref_slice %arg2[%mul3A_1045, %dma_start3A_1088] : memref<6400x128xi32, #tpu.memory_space<hbm>> -> memref<4x128xi32, #tpu.memory_space<hbm>>
        tpu.enqueue_dma source(%dma_start3A_1089 : memref<4x128xi32, #tpu.memory_space<hbm>>) target(%arg7 : memref<4x128xi32, #tpu.memory_space<vmem>>) target_semaphore(%run_scoped3A : memref<!tpu.dma_semaphore, #tpu.memory_space<semaphore_mem>>)
        %dma_wait3A_1090 = arith.constant 0 : i32
        %dma_wait3A_1091 = tpu.memref_slice %arg2[%mul3A_1045, %dma_wait3A_1090] : memref<6400x128xi32, #tpu.memory_space<hbm>> -> memref<4x128xi32, #tpu.memory_space<hbm>>
        %dma_wait3A_1092 = arith.constant 0 : i32
        %dma_wait3A_1093 = tpu.memref_slice %arg2[%mul3A_1045, %dma_wait3A_1092] : memref<6400x128xi32, #tpu.memory_space<hbm>> -> memref<4x128xi32, #tpu.memory_space<hbm>>
        tpu.wait_dma2 semaphore(%run_scoped3A : memref<!tpu.dma_semaphore, #tpu.memory_space<semaphore_mem>>) src(%dma_wait3A_1093 : memref<4x128xi32, #tpu.memory_space<hbm>>) dst(%arg7 : memref<4x128xi32, #tpu.memory_space<vmem>>)
        tpu.yield
      }) : () -> ()
      %dma_start3A_1046 = arith.constant 0 : i32
      %dma_start3A_1047 = arith.constant 0 : i32
      %dma_start3A_1048 = arith.constant 0 : i32
      %dma_start3A_1049 = tpu.memref_slice %arg9[%dma_start3A_1047, %dma_start3A_1048] : memref<512x64xf32, #tpu.memory_space<vmem>> -> memref<128x64xf32, #tpu.memory_space<vmem>>
      %dma_start3A_1050 = arith.constant 0 : i32
      %dma_start3A_1051 = tpu.memref_slice %arg7[%dma_start3A_1046, %dma_start3A_1050] : memref<4x128xi32, #tpu.memory_space<vmem>> -> memref<1x128xi32, #tpu.memory_space<vmem>>
      %dma_start3A_1052 = tpu.memref_squeeze %dma_start3A_1051 : memref<1x128xi32, #tpu.memory_space<vmem>> -> memref<128xi32, #tpu.memory_space<vmem>>
      %dma_start3A_1053 = arith.constant 0 : i32
      %dma_start3A_1054 = arith.constant 0 : i32
      %dma_start3A_1055 = tpu.memref_slice %arg3[%dma_start3A_1053, %dma_start3A_1054] : memref<1000000x64xf32, #tpu.memory_space<hbm>> -> memref<1000000x64xf32, #tpu.memory_space<hbm>>
      tpu.enqueue_indirect_dma source(%dma_start3A_1055 : memref<1000000x64xf32, #tpu.memory_space<hbm>>) target(%dma_start3A_1049 : memref<128x64xf32, #tpu.memory_space<vmem>>) offsets(%dma_start3A_1052 : memref<128xi32, #tpu.memory_space<vmem>>) semaphore(%arg13 : memref<!tpu.dma_semaphore, #tpu.memory_space<semaphore_mem>>)
      %dma_start3A_1056 = arith.constant 1 : i32
      %dma_start3A_1057 = arith.constant 128 : i32
      %dma_start3A_1058 = arith.constant 0 : i32
      %dma_start3A_1059 = tpu.memref_slice %arg9[%dma_start3A_1057, %dma_start3A_1058] : memref<512x64xf32, #tpu.memory_space<vmem>> -> memref<128x64xf32, #tpu.memory_space<vmem>>
      %dma_start3A_1060 = arith.constant 0 : i32
      %dma_start3A_1061 = tpu.memref_slice %arg7[%dma_start3A_1056, %dma_start3A_1060] : memref<4x128xi32, #tpu.memory_space<vmem>> -> memref<1x128xi32, #tpu.memory_space<vmem>>
      %dma_start3A_1062 = tpu.memref_squeeze %dma_start3A_1061 : memref<1x128xi32, #tpu.memory_space<vmem>> -> memref<128xi32, #tpu.memory_space<vmem>>
      %dma_start3A_1063 = arith.constant 0 : i32
      %dma_start3A_1064 = arith.constant 0 : i32
      %dma_start3A_1065 = tpu.memref_slice %arg3[%dma_start3A_1063, %dma_start3A_1064] : memref<1000000x64xf32, #tpu.memory_space<hbm>> -> memref<1000000x64xf32, #tpu.memory_space<hbm>>
      tpu.enqueue_indirect_dma source(%dma_start3A_1065 : memref<1000000x64xf32, #tpu.memory_space<hbm>>) target(%dma_start3A_1059 : memref<128x64xf32, #tpu.memory_space<vmem>>) offsets(%dma_start3A_1062 : memref<128xi32, #tpu.memory_space<vmem>>) semaphore(%arg13 : memref<!tpu.dma_semaphore, #tpu.memory_space<semaphore_mem>>)
      %dma_start3A_1066 = arith.constant 2 : i32
      %dma_start3A_1067 = arith.constant 256 : i32
      %dma_start3A_1068 = arith.constant 0 : i32
      %dma_start3A_1069 = tpu.memref_slice %arg9[%dma_start3A_1067, %dma_start3A_1068] : memref<512x64xf32, #tpu.memory_space<vmem>> -> memref<128x64xf32, #tpu.memory_space<vmem>>
      %dma_start3A_1070 = arith.constant 0 : i32
      %dma_start3A_1071 = tpu.memref_slice %arg7[%dma_start3A_1066, %dma_start3A_1070] : memref<4x128xi32, #tpu.memory_space<vmem>> -> memref<1x128xi32, #tpu.memory_space<vmem>>
      %dma_start3A_1072 = tpu.memref_squeeze %dma_start3A_1071 : memref<1x128xi32, #tpu.memory_space<vmem>> -> memref<128xi32, #tpu.memory_space<vmem>>
      %dma_start3A_1073 = arith.constant 0 : i32
      %dma_start3A_1074 = arith.constant 0 : i32
      %dma_start3A_1075 = tpu.memref_slice %arg3[%dma_start3A_1073, %dma_start3A_1074] : memref<1000000x64xf32, #tpu.memory_space<hbm>> -> memref<1000000x64xf32, #tpu.memory_space<hbm>>
      tpu.enqueue_indirect_dma source(%dma_start3A_1075 : memref<1000000x64xf32, #tpu.memory_space<hbm>>) target(%dma_start3A_1069 : memref<128x64xf32, #tpu.memory_space<vmem>>) offsets(%dma_start3A_1072 : memref<128xi32, #tpu.memory_space<vmem>>) semaphore(%arg13 : memref<!tpu.dma_semaphore, #tpu.memory_space<semaphore_mem>>)
      %dma_start3A_1076 = arith.constant 3 : i32
      %dma_start3A_1077 = arith.constant 384 : i32
      %dma_start3A_1078 = arith.constant 0 : i32
      %dma_start3A_1079 = tpu.memref_slice %arg9[%dma_start3A_1077, %dma_start3A_1078] : memref<512x64xf32, #tpu.memory_space<vmem>> -> memref<128x64xf32, #tpu.memory_space<vmem>>
      %dma_start3A_1080 = arith.constant 0 : i32
      %dma_start3A_1081 = tpu.memref_slice %arg7[%dma_start3A_1076, %dma_start3A_1080] : memref<4x128xi32, #tpu.memory_space<vmem>> -> memref<1x128xi32, #tpu.memory_space<vmem>>
      %dma_start3A_1082 = tpu.memref_squeeze %dma_start3A_1081 : memref<1x128xi32, #tpu.memory_space<vmem>> -> memref<128xi32, #tpu.memory_space<vmem>>
      %dma_start3A_1083 = arith.constant 0 : i32
      %dma_start3A_1084 = arith.constant 0 : i32
      %dma_start3A_1085 = tpu.memref_slice %arg3[%dma_start3A_1083, %dma_start3A_1084] : memref<1000000x64xf32, #tpu.memory_space<hbm>> -> memref<1000000x64xf32, #tpu.memory_space<hbm>>
      tpu.enqueue_indirect_dma source(%dma_start3A_1085 : memref<1000000x64xf32, #tpu.memory_space<hbm>>) target(%dma_start3A_1079 : memref<128x64xf32, #tpu.memory_space<vmem>>) offsets(%dma_start3A_1082 : memref<128xi32, #tpu.memory_space<vmem>>) semaphore(%arg13 : memref<!tpu.dma_semaphore, #tpu.memory_space<semaphore_mem>>)
    }
    %scan3A_453 = arith.constant 23 : i32
    %add3A_454 = arith.constant 48 : i32
    %add3A_455 = arith.addi %mul3A_2, %add3A_454 : i32
    %jit3A_456 = arith.constant 8 : i32
    %div3A_457 = arith.divsi %add3A_455, %jit3A_456 : i32
    %sign3A_458 = arith.constant 0 : i32
    %sign3A_459 = arith.cmpi sgt, %add3A_455, %sign3A_458 : i32
    %sign3A_460 = arith.extui %sign3A_459 : i1 to i32
    %sign3A_461 = arith.constant 0 : i32
    %sign3A_462 = arith.cmpi slt, %add3A_455, %sign3A_461 : i32
    %sign3A_463 = arith.extui %sign3A_462 : i1 to i32
    %sign3A_464 = arith.subi %sign3A_460, %sign3A_463 : i32
    %sign3A_465 = arith.constant 0 : i32
    %sign3A_466 = arith.cmpi sgt, %jit3A_456, %sign3A_465 : i32
    %sign3A_467 = arith.extui %sign3A_466 : i1 to i32
    %sign3A_468 = arith.constant 0 : i32
    %sign3A_469 = arith.cmpi slt, %jit3A_456, %sign3A_468 : i32
    %sign3A_470 = arith.extui %sign3A_469 : i1 to i32
    %sign3A_471 = arith.subi %sign3A_467, %sign3A_470 : i32
    %ne3A_472 = arith.cmpi ne, %sign3A_464, %sign3A_471 : i32
    %rem3A_473 = arith.remsi %add3A_455, %jit3A_456 : i32
    %ne3A_474 = arith.constant 0 : i32
    %ne3A_475 = arith.cmpi ne, %rem3A_473, %ne3A_474 : i32
    %and3A_476 = arith.andi %ne3A_472, %ne3A_475 : i1
    %sub3A_477 = arith.constant 1 : i32
    %sub3A_478 = arith.subi %div3A_457, %sub3A_477 : i32
    %select_n3A_479 = arith.select %and3A_476, %sub3A_478, %div3A_457 : i32
    %mul3A_480 = arith.constant 8 : i32
    %mul3A_481 = arith.muli %select_n3A_479, %mul3A_480 : i32
    %sub3A_482 = arith.subi %add3A_455, %mul3A_481 : i32
    %mul3A_483 = arith.constant 4 : i32
    %mul3A_484 = arith.muli %sub3A_482, %mul3A_483 : i32
    %dma_wait3A_485 = arith.constant 0 : i32
    %dma_wait3A_486 = arith.constant 0 : i32
    %dma_wait3A_487 = arith.constant 0 : i32
    %dma_wait3A_488 = tpu.memref_slice %arg8[%dma_wait3A_486, %dma_wait3A_487] : memref<512x64xf32, #tpu.memory_space<vmem>> -> memref<128x64xf32, #tpu.memory_space<vmem>>
    %dma_wait3A_489 = arith.constant 0 : i32
    %dma_wait3A_490 = tpu.memref_slice %arg6[%dma_wait3A_485, %dma_wait3A_489] : memref<4x128xi32, #tpu.memory_space<vmem>> -> memref<1x128xi32, #tpu.memory_space<vmem>>
    %dma_wait3A_491 = tpu.memref_squeeze %dma_wait3A_490 : memref<1x128xi32, #tpu.memory_space<vmem>> -> memref<128xi32, #tpu.memory_space<vmem>>
    %dma_wait3A_492 = arith.constant 0 : i32
    %dma_wait3A_493 = arith.constant 0 : i32
    %dma_wait3A_494 = tpu.memref_slice %arg3[%dma_wait3A_492, %dma_wait3A_493] : memref<1000000x64xf32, #tpu.memory_space<hbm>> -> memref<1000000x64xf32, #tpu.memory_space<hbm>>
    tpu.wait_indirect_dma semaphore(%arg12 : memref<!tpu.dma_semaphore, #tpu.memory_space<semaphore_mem>>) src(%dma_wait3A_494 : memref<1000000x64xf32, #tpu.memory_space<hbm>>) dst(%dma_wait3A_488 : memref<128x64xf32, #tpu.memory_space<vmem>>)
    %dma_wait3A_495 = arith.constant 1 : i32
    %dma_wait3A_496 = arith.constant 128 : i32
    %dma_wait3A_497 = arith.constant 0 : i32
    %dma_wait3A_498 = tpu.memref_slice %arg8[%dma_wait3A_496, %dma_wait3A_497] : memref<512x64xf32, #tpu.memory_space<vmem>> -> memref<128x64xf32, #tpu.memory_space<vmem>>
    %dma_wait3A_499 = arith.constant 0 : i32
    %dma_wait3A_500 = tpu.memref_slice %arg6[%dma_wait3A_495, %dma_wait3A_499] : memref<4x128xi32, #tpu.memory_space<vmem>> -> memref<1x128xi32, #tpu.memory_space<vmem>>
    %dma_wait3A_501 = tpu.memref_squeeze %dma_wait3A_500 : memref<1x128xi32, #tpu.memory_space<vmem>> -> memref<128xi32, #tpu.memory_space<vmem>>
    %dma_wait3A_502 = arith.constant 0 : i32
    %dma_wait3A_503 = arith.constant 0 : i32
    %dma_wait3A_504 = tpu.memref_slice %arg3[%dma_wait3A_502, %dma_wait3A_503] : memref<1000000x64xf32, #tpu.memory_space<hbm>> -> memref<1000000x64xf32, #tpu.memory_space<hbm>>
    tpu.wait_indirect_dma semaphore(%arg12 : memref<!tpu.dma_semaphore, #tpu.memory_space<semaphore_mem>>) src(%dma_wait3A_504 : memref<1000000x64xf32, #tpu.memory_space<hbm>>) dst(%dma_wait3A_498 : memref<128x64xf32, #tpu.memory_space<vmem>>)
    %dma_wait3A_505 = arith.constant 2 : i32
    %dma_wait3A_506 = arith.constant 256 : i32
    %dma_wait3A_507 = arith.constant 0 : i32
    %dma_wait3A_508 = tpu.memref_slice %arg8[%dma_wait3A_506, %dma_wait3A_507] : memref<512x64xf32, #tpu.memory_space<vmem>> -> memref<128x64xf32, #tpu.memory_space<vmem>>
    %dma_wait3A_509 = arith.constant 0 : i32
    %dma_wait3A_510 = tpu.memref_slice %arg6[%dma_wait3A_505, %dma_wait3A_509] : memref<4x128xi32, #tpu.memory_space<vmem>> -> memref<1x128xi32, #tpu.memory_space<vmem>>
    %dma_wait3A_511 = tpu.memref_squeeze %dma_wait3A_510 : memref<1x128xi32, #tpu.memory_space<vmem>> -> memref<128xi32, #tpu.memory_space<vmem>>
    %dma_wait3A_512 = arith.constant 0 : i32
    %dma_wait3A_513 = arith.constant 0 : i32
    %dma_wait3A_514 = tpu.memref_slice %arg3[%dma_wait3A_512, %dma_wait3A_513] : memref<1000000x64xf32, #tpu.memory_space<hbm>> -> memref<1000000x64xf32, #tpu.memory_space<hbm>>
    tpu.wait_indirect_dma semaphore(%arg12 : memref<!tpu.dma_semaphore, #tpu.memory_space<semaphore_mem>>) src(%dma_wait3A_514 : memref<1000000x64xf32, #tpu.memory_space<hbm>>) dst(%dma_wait3A_508 : memref<128x64xf32, #tpu.memory_space<vmem>>)
    %dma_wait3A_515 = arith.constant 3 : i32
    %dma_wait3A_516 = arith.constant 384 : i32
    %dma_wait3A_517 = arith.constant 0 : i32
    %dma_wait3A_518 = tpu.memref_slice %arg8[%dma_wait3A_516, %dma_wait3A_517] : memref<512x64xf32, #tpu.memory_space<vmem>> -> memref<128x64xf32, #tpu.memory_space<vmem>>
    %dma_wait3A_519 = arith.constant 0 : i32
    %dma_wait3A_520 = tpu.memref_slice %arg6[%dma_wait3A_515, %dma_wait3A_519] : memref<4x128xi32, #tpu.memory_space<vmem>> -> memref<1x128xi32, #tpu.memory_space<vmem>>
    %dma_wait3A_521 = tpu.memref_squeeze %dma_wait3A_520 : memref<1x128xi32, #tpu.memory_space<vmem>> -> memref<128xi32, #tpu.memory_space<vmem>>
    %dma_wait3A_522 = arith.constant 0 : i32
    %dma_wait3A_523 = arith.constant 0 : i32
    %dma_wait3A_524 = tpu.memref_slice %arg3[%dma_wait3A_522, %dma_wait3A_523] : memref<1000000x64xf32, #tpu.memory_space<hbm>> -> memref<1000000x64xf32, #tpu.memory_space<hbm>>
    tpu.wait_indirect_dma semaphore(%arg12 : memref<!tpu.dma_semaphore, #tpu.memory_space<semaphore_mem>>) src(%dma_wait3A_524 : memref<1000000x64xf32, #tpu.memory_space<hbm>>) dst(%dma_wait3A_518 : memref<128x64xf32, #tpu.memory_space<vmem>>)
    %dma_wait3A_525 = arith.constant 0 : i32
    %dma_wait3A_526 = arith.constant 0 : i32
    %dma_wait3A_527 = arith.constant 0 : i32
    %dma_wait3A_528 = arith.constant 0 : i32
    %dma_wait3A_529 = arith.constant 0 : i32
    %dma_wait3A_530 = tpu.memref_slice %arg10[%dma_wait3A_526, %dma_wait3A_527, %dma_wait3A_528, %dma_wait3A_529] : memref<8x4x8x144xf32, #tpu.memory_space<vmem>> -> memref<8x4x8x128xf32, #tpu.memory_space<vmem>>
    %dma_wait3A_531 = arith.constant 0 : i32
    %dma_wait3A_532 = arith.constant 0 : i32
    %dma_wait3A_533 = arith.constant 0 : i32
    %dma_wait3A_534 = arith.constant 0 : i32
    %dma_wait3A_535 = tpu.memref_slice %arg5[%dma_wait3A_525, %dma_wait3A_531, %dma_wait3A_532, %dma_wait3A_533, %dma_wait3A_534] : memref<200x8x32x8x128xf32, #tpu.memory_space<hbm>> -> memref<1x8x4x8x128xf32, #tpu.memory_space<hbm>>
    %dma_wait3A_536 = tpu.memref_squeeze %dma_wait3A_535 : memref<1x8x4x8x128xf32, #tpu.memory_space<hbm>> -> memref<8x4x8x128xf32, #tpu.memory_space<hbm>>
    %dma_wait3A_537 = arith.constant 0 : i32
    %dma_wait3A_538 = arith.constant 0 : i32
    %dma_wait3A_539 = arith.constant 0 : i32
    %dma_wait3A_540 = arith.constant 0 : i32
    %dma_wait3A_541 = tpu.memref_slice %arg5[%dma_wait3A_525, %dma_wait3A_537, %dma_wait3A_538, %dma_wait3A_539, %dma_wait3A_540] : memref<200x8x32x8x128xf32, #tpu.memory_space<hbm>> -> memref<1x8x4x8x128xf32, #tpu.memory_space<hbm>>
    %dma_wait3A_542 = tpu.memref_squeeze %dma_wait3A_541 : memref<1x8x4x8x128xf32, #tpu.memory_space<hbm>> -> memref<8x4x8x128xf32, #tpu.memory_space<hbm>>
    %dma_wait3A_543 = arith.constant 0 : i32
    %dma_wait3A_544 = arith.constant 0 : i32
    %dma_wait3A_545 = arith.constant 0 : i32
    %dma_wait3A_546 = arith.constant 0 : i32
    %dma_wait3A_547 = tpu.memref_slice %arg10[%dma_wait3A_543, %dma_wait3A_544, %dma_wait3A_545, %dma_wait3A_546] : memref<8x4x8x144xf32, #tpu.memory_space<vmem>> -> memref<8x4x8x128xf32, #tpu.memory_space<vmem>>
    tpu.wait_dma2 semaphore(%arg14 : memref<!tpu.dma_semaphore, #tpu.memory_space<semaphore_mem>>) src(%dma_wait3A_547 : memref<8x4x8x128xf32, #tpu.memory_space<vmem>>) dst(%dma_wait3A_542 : memref<8x4x8x128xf32, #tpu.memory_space<hbm>>)
    %get3A_548 = arith.index_cast %select_n3A_479 : i32 to index
    %get3A_549 = arith.constant 0 : index
    %get3A_550 = tpu.vector_load %arg11[%get3A_548, %get3A_549] {strides = array<i32>} : memref<200x64xf32, #tpu.memory_space<vmem>>, vector<16xf32>,
    %get3A_551 = arith.index_cast %select_n3A_479 : i32 to index
    %get3A_552 = arith.constant 16 : index
    %get3A_553 = tpu.vector_load %arg11[%get3A_551, %get3A_552] {strides = array<i32>} : memref<200x64xf32, #tpu.memory_space<vmem>>, vector<16xf32>,
    %get3A_554 = arith.index_cast %select_n3A_479 : i32 to index
    %get3A_555 = arith.constant 32 : index
    %get3A_556 = tpu.vector_load %arg11[%get3A_554, %get3A_555] {strides = array<i32>} : memref<200x64xf32, #tpu.memory_space<vmem>>, vector<16xf32>,
    %get3A_557 = arith.index_cast %select_n3A_479 : i32 to index
    %get3A_558 = arith.constant 48 : index
    %get3A_559 = tpu.vector_load %arg11[%get3A_557, %get3A_558] {strides = array<i32>} : memref<200x64xf32, #tpu.memory_space<vmem>>, vector<16xf32>,
    %parallel_loop3A_560 = arith.constant 0 : i32
    %parallel_loop3A_561 = arith.constant 512 : i32
    %parallel_loop3A_562 = arith.constant 1 : i32
    scf.for %parallel_loop3A_735 = %parallel_loop3A_560 to %parallel_loop3A_561 step %parallel_loop3A_562  : i32 {
      %parallel_loop3A_736 = arith.constant 7 : i32
      %parallel_loop3A_737 = arith.shrsi %parallel_loop3A_735, %parallel_loop3A_736 : i32
      %parallel_loop3A_738 = vector.broadcast %parallel_loop3A_737 : i32 to vector<16xi32>
      %parallel_loop3A_739 = arith.constant 127 : i32
      %parallel_loop3A_740 = arith.andi %parallel_loop3A_735, %parallel_loop3A_739 : i32
      %parallel_loop3A_741 = vector.broadcast %parallel_loop3A_740 : i32 to vector<16xi32>
      %parallel_loop3A_742 = arith.index_cast %parallel_loop3A_735 : i32 to index
      %parallel_loop3A_743 = arith.constant 0 : index
      %parallel_loop3A_744 = tpu.vector_load %arg8[%parallel_loop3A_742, %parallel_loop3A_743] {strides = array<i32>} : memref<512x64xf32, #tpu.memory_space<vmem>>, vector<16xf32>,
      %parallel_loop3A_745 = arith.addf %parallel_loop3A_744, %get3A_550 : vector<16xf32>
      tpu.vector_store_idx %arg10[%shift_right_arithmetic3A_7, %parallel_loop3A_738, %and3A_30, %parallel_loop3A_741], %parallel_loop3A_745 : memref<8x4x8x144xf32, #tpu.memory_space<vmem>>[vector<16xi32>, vector<16xi32>, vector<16xi32>, vector<16xi32>], vector<16xf32>,
      %parallel_loop3A_746 = arith.index_cast %parallel_loop3A_735 : i32 to index
      %parallel_loop3A_747 = arith.constant 16 : index
      %parallel_loop3A_748 = tpu.vector_load %arg8[%parallel_loop3A_746, %parallel_loop3A_747] {strides = array<i32>} : memref<512x64xf32, #tpu.memory_space<vmem>>, vector<16xf32>,
      %parallel_loop3A_749 = arith.addf %parallel_loop3A_748, %get3A_553 : vector<16xf32>
      tpu.vector_store_idx %arg10[%shift_right_arithmetic3A_13, %parallel_loop3A_738, %and3A_36, %parallel_loop3A_741], %parallel_loop3A_749 : memref<8x4x8x144xf32, #tpu.memory_space<vmem>>[vector<16xi32>, vector<16xi32>, vector<16xi32>, vector<16xi32>], vector<16xf32>,
      %parallel_loop3A_750 = arith.index_cast %parallel_loop3A_735 : i32 to index
      %parallel_loop3A_751 = arith.constant 32 : index
      %parallel_loop3A_752 = tpu.vector_load %arg8[%parallel_loop3A_750, %parallel_loop3A_751] {strides = array<i32>} : memref<512x64xf32, #tpu.memory_space<vmem>>, vector<16xf32>,
      %parallel_loop3A_753 = arith.addf %parallel_loop3A_752, %get3A_556 : vector<16xf32>
      tpu.vector_store_idx %arg10[%shift_right_arithmetic3A_19, %parallel_loop3A_738, %and3A_42, %parallel_loop3A_741], %parallel_loop3A_753 : memref<8x4x8x144xf32, #tpu.memory_space<vmem>>[vector<16xi32>, vector<16xi32>, vector<16xi32>, vector<16xi32>], vector<16xf32>,
      %parallel_loop3A_754 = arith.index_cast %parallel_loop3A_735 : i32 to index
      %parallel_loop3A_755 = arith.constant 48 : index
      %parallel_loop3A_756 = tpu.vector_load %arg8[%parallel_loop3A_754, %parallel_loop3A_755] {strides = array<i32>} : memref<512x64xf32, #tpu.memory_space<vmem>>, vector<16xf32>,
      %parallel_loop3A_757 = arith.addf %parallel_loop3A_756, %get3A_559 : vector<16xf32>
      tpu.vector_store_idx %arg10[%shift_right_arithmetic3A_25, %parallel_loop3A_738, %and3A_48, %parallel_loop3A_741], %parallel_loop3A_757 : memref<8x4x8x144xf32, #tpu.memory_space<vmem>>[vector<16xi32>, vector<16xi32>, vector<16xi32>, vector<16xi32>], vector<16xf32>,
    } {sc.loop_unroll_factor = 8 : i64, sc.parallel_access}
    %dma_start3A_563 = arith.constant 0 : i32
    %dma_start3A_564 = arith.constant 0 : i32
    %dma_start3A_565 = arith.constant 0 : i32
    %dma_start3A_566 = arith.constant 0 : i32
    %dma_start3A_567 = tpu.memref_slice %arg10[%dma_start3A_563, %dma_start3A_564, %dma_start3A_565, %dma_start3A_566] : memref<8x4x8x144xf32, #tpu.memory_space<vmem>> -> memref<8x4x8x128xf32, #tpu.memory_space<vmem>>
    %dma_start3A_568 = arith.constant 0 : i32
    %dma_start3A_569 = arith.constant 0 : i32
    %dma_start3A_570 = arith.constant 0 : i32
    %dma_start3A_571 = tpu.memref_slice %arg5[%select_n3A_479, %dma_start3A_568, %mul3A_484, %dma_start3A_569, %dma_start3A_570] : memref<200x8x32x8x128xf32, #tpu.memory_space<hbm>> -> memref<1x8x4x8x128xf32, #tpu.memory_space<hbm>>
    %dma_start3A_572 = tpu.memref_squeeze %dma_start3A_571 : memref<1x8x4x8x128xf32, #tpu.memory_space<hbm>> -> memref<8x4x8x128xf32, #tpu.memory_space<hbm>>
    %dma_start3A_573 = arith.constant 0 : i32
    %dma_start3A_574 = arith.constant 0 : i32
    %dma_start3A_575 = arith.constant 0 : i32
    %dma_start3A_576 = tpu.memref_slice %arg5[%select_n3A_479, %dma_start3A_573, %mul3A_484, %dma_start3A_574, %dma_start3A_575] : memref<200x8x32x8x128xf32, #tpu.memory_space<hbm>> -> memref<1x8x4x8x128xf32, #tpu.memory_space<hbm>>
    %dma_start3A_577 = tpu.memref_squeeze %dma_start3A_576 : memref<1x8x4x8x128xf32, #tpu.memory_space<hbm>> -> memref<8x4x8x128xf32, #tpu.memory_space<hbm>>
    %dma_start3A_578 = arith.constant 0 : i32
    %dma_start3A_579 = arith.constant 0 : i32
    %dma_start3A_580 = arith.constant 0 : i32
    %dma_start3A_581 = arith.constant 0 : i32
    %dma_start3A_582 = tpu.memref_slice %arg10[%dma_start3A_578, %dma_start3A_579, %dma_start3A_580, %dma_start3A_581] : memref<8x4x8x144xf32, #tpu.memory_space<vmem>> -> memref<8x4x8x128xf32, #tpu.memory_space<vmem>>
    tpu.enqueue_dma source(%dma_start3A_582 : memref<8x4x8x128xf32, #tpu.memory_space<vmem>>) target(%dma_start3A_577 : memref<8x4x8x128xf32, #tpu.memory_space<hbm>>) target_semaphore(%arg14 : memref<!tpu.dma_semaphore, #tpu.memory_space<semaphore_mem>>)
    %add3A_583 = arith.constant 49 : i32
    %add3A_584 = arith.addi %mul3A_2, %add3A_583 : i32
    %jit3A_585 = arith.constant 8 : i32
    %div3A_586 = arith.divsi %add3A_584, %jit3A_585 : i32
    %sign3A_587 = arith.constant 0 : i32
    %sign3A_588 = arith.cmpi sgt, %add3A_584, %sign3A_587 : i32
    %sign3A_589 = arith.extui %sign3A_588 : i1 to i32
    %sign3A_590 = arith.constant 0 : i32
    %sign3A_591 = arith.cmpi slt, %add3A_584, %sign3A_590 : i32
    %sign3A_592 = arith.extui %sign3A_591 : i1 to i32
    %sign3A_593 = arith.subi %sign3A_589, %sign3A_592 : i32
    %sign3A_594 = arith.constant 0 : i32
    %sign3A_595 = arith.cmpi sgt, %jit3A_585, %sign3A_594 : i32
    %sign3A_596 = arith.extui %sign3A_595 : i1 to i32
    %sign3A_597 = arith.constant 0 : i32
    %sign3A_598 = arith.cmpi slt, %jit3A_585, %sign3A_597 : i32
    %sign3A_599 = arith.extui %sign3A_598 : i1 to i32
    %sign3A_600 = arith.subi %sign3A_596, %sign3A_599 : i32
    %ne3A_601 = arith.cmpi ne, %sign3A_593, %sign3A_600 : i32
    %rem3A_602 = arith.remsi %add3A_584, %jit3A_585 : i32
    %ne3A_603 = arith.constant 0 : i32
    %ne3A_604 = arith.cmpi ne, %rem3A_602, %ne3A_603 : i32
    %and3A_605 = arith.andi %ne3A_601, %ne3A_604 : i1
    %sub3A_606 = arith.constant 1 : i32
    %sub3A_607 = arith.subi %div3A_586, %sub3A_606 : i32
    %select_n3A_608 = arith.select %and3A_605, %sub3A_607, %div3A_586 : i32
    %mul3A_609 = arith.constant 8 : i32
    %mul3A_610 = arith.muli %select_n3A_608, %mul3A_609 : i32
    %sub3A_611 = arith.subi %add3A_584, %mul3A_610 : i32
    %mul3A_612 = arith.constant 4 : i32
    %mul3A_613 = arith.muli %sub3A_611, %mul3A_612 : i32
    %dma_wait3A_614 = arith.constant 0 : i32
    %dma_wait3A_615 = arith.constant 0 : i32
    %dma_wait3A_616 = arith.constant 0 : i32
    %dma_wait3A_617 = tpu.memref_slice %arg9[%dma_wait3A_615, %dma_wait3A_616] : memref<512x64xf32, #tpu.memory_space<vmem>> -> memref<128x64xf32, #tpu.memory_space<vmem>>
    %dma_wait3A_618 = arith.constant 0 : i32
    %dma_wait3A_619 = tpu.memref_slice %arg7[%dma_wait3A_614, %dma_wait3A_618] : memref<4x128xi32, #tpu.memory_space<vmem>> -> memref<1x128xi32, #tpu.memory_space<vmem>>
    %dma_wait3A_620 = tpu.memref_squeeze %dma_wait3A_619 : memref<1x128xi32, #tpu.memory_space<vmem>> -> memref<128xi32, #tpu.memory_space<vmem>>
    %dma_wait3A_621 = arith.constant 0 : i32
    %dma_wait3A_622 = arith.constant 0 : i32
    %dma_wait3A_623 = tpu.memref_slice %arg3[%dma_wait3A_621, %dma_wait3A_622] : memref<1000000x64xf32, #tpu.memory_space<hbm>> -> memref<1000000x64xf32, #tpu.memory_space<hbm>>
    tpu.wait_indirect_dma semaphore(%arg13 : memref<!tpu.dma_semaphore, #tpu.memory_space<semaphore_mem>>) src(%dma_wait3A_623 : memref<1000000x64xf32, #tpu.memory_space<hbm>>) dst(%dma_wait3A_617 : memref<128x64xf32, #tpu.memory_space<vmem>>)
    %dma_wait3A_624 = arith.constant 1 : i32
    %dma_wait3A_625 = arith.constant 128 : i32
    %dma_wait3A_626 = arith.constant 0 : i32
    %dma_wait3A_627 = tpu.memref_slice %arg9[%dma_wait3A_625, %dma_wait3A_626] : memref<512x64xf32, #tpu.memory_space<vmem>> -> memref<128x64xf32, #tpu.memory_space<vmem>>
    %dma_wait3A_628 = arith.constant 0 : i32
    %dma_wait3A_629 = tpu.memref_slice %arg7[%dma_wait3A_624, %dma_wait3A_628] : memref<4x128xi32, #tpu.memory_space<vmem>> -> memref<1x128xi32, #tpu.memory_space<vmem>>
    %dma_wait3A_630 = tpu.memref_squeeze %dma_wait3A_629 : memref<1x128xi32, #tpu.memory_space<vmem>> -> memref<128xi32, #tpu.memory_space<vmem>>
    %dma_wait3A_631 = arith.constant 0 : i32
    %dma_wait3A_632 = arith.constant 0 : i32
    %dma_wait3A_633 = tpu.memref_slice %arg3[%dma_wait3A_631, %dma_wait3A_632] : memref<1000000x64xf32, #tpu.memory_space<hbm>> -> memref<1000000x64xf32, #tpu.memory_space<hbm>>
    tpu.wait_indirect_dma semaphore(%arg13 : memref<!tpu.dma_semaphore, #tpu.memory_space<semaphore_mem>>) src(%dma_wait3A_633 : memref<1000000x64xf32, #tpu.memory_space<hbm>>) dst(%dma_wait3A_627 : memref<128x64xf32, #tpu.memory_space<vmem>>)
    %dma_wait3A_634 = arith.constant 2 : i32
    %dma_wait3A_635 = arith.constant 256 : i32
    %dma_wait3A_636 = arith.constant 0 : i32
    %dma_wait3A_637 = tpu.memref_slice %arg9[%dma_wait3A_635, %dma_wait3A_636] : memref<512x64xf32, #tpu.memory_space<vmem>> -> memref<128x64xf32, #tpu.memory_space<vmem>>
    %dma_wait3A_638 = arith.constant 0 : i32
    %dma_wait3A_639 = tpu.memref_slice %arg7[%dma_wait3A_634, %dma_wait3A_638] : memref<4x128xi32, #tpu.memory_space<vmem>> -> memref<1x128xi32, #tpu.memory_space<vmem>>
    %dma_wait3A_640 = tpu.memref_squeeze %dma_wait3A_639 : memref<1x128xi32, #tpu.memory_space<vmem>> -> memref<128xi32, #tpu.memory_space<vmem>>
    %dma_wait3A_641 = arith.constant 0 : i32
    %dma_wait3A_642 = arith.constant 0 : i32
    %dma_wait3A_643 = tpu.memref_slice %arg3[%dma_wait3A_641, %dma_wait3A_642] : memref<1000000x64xf32, #tpu.memory_space<hbm>> -> memref<1000000x64xf32, #tpu.memory_space<hbm>>
    tpu.wait_indirect_dma semaphore(%arg13 : memref<!tpu.dma_semaphore, #tpu.memory_space<semaphore_mem>>) src(%dma_wait3A_643 : memref<1000000x64xf32, #tpu.memory_space<hbm>>) dst(%dma_wait3A_637 : memref<128x64xf32, #tpu.memory_space<vmem>>)
    %dma_wait3A_644 = arith.constant 3 : i32
    %dma_wait3A_645 = arith.constant 384 : i32
    %dma_wait3A_646 = arith.constant 0 : i32
    %dma_wait3A_647 = tpu.memref_slice %arg9[%dma_wait3A_645, %dma_wait3A_646] : memref<512x64xf32, #tpu.memory_space<vmem>> -> memref<128x64xf32, #tpu.memory_space<vmem>>
    %dma_wait3A_648 = arith.constant 0 : i32
    %dma_wait3A_649 = tpu.memref_slice %arg7[%dma_wait3A_644, %dma_wait3A_648] : memref<4x128xi32, #tpu.memory_space<vmem>> -> memref<1x128xi32, #tpu.memory_space<vmem>>
    %dma_wait3A_650 = tpu.memref_squeeze %dma_wait3A_649 : memref<1x128xi32, #tpu.memory_space<vmem>> -> memref<128xi32, #tpu.memory_space<vmem>>
    %dma_wait3A_651 = arith.constant 0 : i32
    %dma_wait3A_652 = arith.constant 0 : i32
    %dma_wait3A_653 = tpu.memref_slice %arg3[%dma_wait3A_651, %dma_wait3A_652] : memref<1000000x64xf32, #tpu.memory_space<hbm>> -> memref<1000000x64xf32, #tpu.memory_space<hbm>>
    tpu.wait_indirect_dma semaphore(%arg13 : memref<!tpu.dma_semaphore, #tpu.memory_space<semaphore_mem>>) src(%dma_wait3A_653 : memref<1000000x64xf32, #tpu.memory_space<hbm>>) dst(%dma_wait3A_647 : memref<128x64xf32, #tpu.memory_space<vmem>>)
    %dma_wait3A_654 = arith.constant 0 : i32
    %dma_wait3A_655 = arith.constant 0 : i32
    %dma_wait3A_656 = arith.constant 0 : i32
    %dma_wait3A_657 = arith.constant 0 : i32
    %dma_wait3A_658 = arith.constant 0 : i32
    %dma_wait3A_659 = tpu.memref_slice %arg10[%dma_wait3A_655, %dma_wait3A_656, %dma_wait3A_657, %dma_wait3A_658] : memref<8x4x8x144xf32, #tpu.memory_space<vmem>> -> memref<8x4x8x128xf32, #tpu.memory_space<vmem>>
    %dma_wait3A_660 = arith.constant 0 : i32
    %dma_wait3A_661 = arith.constant 0 : i32
    %dma_wait3A_662 = arith.constant 0 : i32
    %dma_wait3A_663 = arith.constant 0 : i32
    %dma_wait3A_664 = tpu.memref_slice %arg5[%dma_wait3A_654, %dma_wait3A_660, %dma_wait3A_661, %dma_wait3A_662, %dma_wait3A_663] : memref<200x8x32x8x128xf32, #tpu.memory_space<hbm>> -> memref<1x8x4x8x128xf32, #tpu.memory_space<hbm>>
    %dma_wait3A_665 = tpu.memref_squeeze %dma_wait3A_664 : memref<1x8x4x8x128xf32, #tpu.memory_space<hbm>> -> memref<8x4x8x128xf32, #tpu.memory_space<hbm>>
    %dma_wait3A_666 = arith.constant 0 : i32
    %dma_wait3A_667 = arith.constant 0 : i32
    %dma_wait3A_668 = arith.constant 0 : i32
    %dma_wait3A_669 = arith.constant 0 : i32
    %dma_wait3A_670 = tpu.memref_slice %arg5[%dma_wait3A_654, %dma_wait3A_666, %dma_wait3A_667, %dma_wait3A_668, %dma_wait3A_669] : memref<200x8x32x8x128xf32, #tpu.memory_space<hbm>> -> memref<1x8x4x8x128xf32, #tpu.memory_space<hbm>>
    %dma_wait3A_671 = tpu.memref_squeeze %dma_wait3A_670 : memref<1x8x4x8x128xf32, #tpu.memory_space<hbm>> -> memref<8x4x8x128xf32, #tpu.memory_space<hbm>>
    %dma_wait3A_672 = arith.constant 0 : i32
    %dma_wait3A_673 = arith.constant 0 : i32
    %dma_wait3A_674 = arith.constant 0 : i32
    %dma_wait3A_675 = arith.constant 0 : i32
    %dma_wait3A_676 = tpu.memref_slice %arg10[%dma_wait3A_672, %dma_wait3A_673, %dma_wait3A_674, %dma_wait3A_675] : memref<8x4x8x144xf32, #tpu.memory_space<vmem>> -> memref<8x4x8x128xf32, #tpu.memory_space<vmem>>
    tpu.wait_dma2 semaphore(%arg14 : memref<!tpu.dma_semaphore, #tpu.memory_space<semaphore_mem>>) src(%dma_wait3A_676 : memref<8x4x8x128xf32, #tpu.memory_space<vmem>>) dst(%dma_wait3A_671 : memref<8x4x8x128xf32, #tpu.memory_space<hbm>>)
    %get3A_677 = arith.index_cast %select_n3A_608 : i32 to index
    %get3A_678 = arith.constant 0 : index
    %get3A_679 = tpu.vector_load %arg11[%get3A_677, %get3A_678] {strides = array<i32>} : memref<200x64xf32, #tpu.memory_space<vmem>>, vector<16xf32>,
    %get3A_680 = arith.index_cast %select_n3A_608 : i32 to index
    %get3A_681 = arith.constant 16 : index
    %get3A_682 = tpu.vector_load %arg11[%get3A_680, %get3A_681] {strides = array<i32>} : memref<200x64xf32, #tpu.memory_space<vmem>>, vector<16xf32>,
    %get3A_683 = arith.index_cast %select_n3A_608 : i32 to index
    %get3A_684 = arith.constant 32 : index
    %get3A_685 = tpu.vector_load %arg11[%get3A_683, %get3A_684] {strides = array<i32>} : memref<200x64xf32, #tpu.memory_space<vmem>>, vector<16xf32>,
    %get3A_686 = arith.index_cast %select_n3A_608 : i32 to index
    %get3A_687 = arith.constant 48 : index
    %get3A_688 = tpu.vector_load %arg11[%get3A_686, %get3A_687] {strides = array<i32>} : memref<200x64xf32, #tpu.memory_space<vmem>>, vector<16xf32>,
    %parallel_loop3A_689 = arith.constant 0 : i32
    %parallel_loop3A_690 = arith.constant 512 : i32
    %parallel_loop3A_691 = arith.constant 1 : i32
    scf.for %parallel_loop3A_735 = %parallel_loop3A_689 to %parallel_loop3A_690 step %parallel_loop3A_691  : i32 {
      %parallel_loop3A_736 = arith.constant 7 : i32
      %parallel_loop3A_737 = arith.shrsi %parallel_loop3A_735, %parallel_loop3A_736 : i32
      %parallel_loop3A_738 = vector.broadcast %parallel_loop3A_737 : i32 to vector<16xi32>
      %parallel_loop3A_739 = arith.constant 127 : i32
      %parallel_loop3A_740 = arith.andi %parallel_loop3A_735, %parallel_loop3A_739 : i32
      %parallel_loop3A_741 = vector.broadcast %parallel_loop3A_740 : i32 to vector<16xi32>
      %parallel_loop3A_742 = arith.index_cast %parallel_loop3A_735 : i32 to index
      %parallel_loop3A_743 = arith.constant 0 : index
      %parallel_loop3A_744 = tpu.vector_load %arg9[%parallel_loop3A_742, %parallel_loop3A_743] {strides = array<i32>} : memref<512x64xf32, #tpu.memory_space<vmem>>, vector<16xf32>,
      %parallel_loop3A_745 = arith.addf %parallel_loop3A_744, %get3A_679 : vector<16xf32>
      tpu.vector_store_idx %arg10[%shift_right_arithmetic3A_7, %parallel_loop3A_738, %and3A_30, %parallel_loop3A_741], %parallel_loop3A_745 : memref<8x4x8x144xf32, #tpu.memory_space<vmem>>[vector<16xi32>, vector<16xi32>, vector<16xi32>, vector<16xi32>], vector<16xf32>,
      %parallel_loop3A_746 = arith.index_cast %parallel_loop3A_735 : i32 to index
      %parallel_loop3A_747 = arith.constant 16 : index
      %parallel_loop3A_748 = tpu.vector_load %arg9[%parallel_loop3A_746, %parallel_loop3A_747] {strides = array<i32>} : memref<512x64xf32, #tpu.memory_space<vmem>>, vector<16xf32>,
      %parallel_loop3A_749 = arith.addf %parallel_loop3A_748, %get3A_682 : vector<16xf32>
      tpu.vector_store_idx %arg10[%shift_right_arithmetic3A_13, %parallel_loop3A_738, %and3A_36, %parallel_loop3A_741], %parallel_loop3A_749 : memref<8x4x8x144xf32, #tpu.memory_space<vmem>>[vector<16xi32>, vector<16xi32>, vector<16xi32>, vector<16xi32>], vector<16xf32>,
      %parallel_loop3A_750 = arith.index_cast %parallel_loop3A_735 : i32 to index
      %parallel_loop3A_751 = arith.constant 32 : index
      %parallel_loop3A_752 = tpu.vector_load %arg9[%parallel_loop3A_750, %parallel_loop3A_751] {strides = array<i32>} : memref<512x64xf32, #tpu.memory_space<vmem>>, vector<16xf32>,
      %parallel_loop3A_753 = arith.addf %parallel_loop3A_752, %get3A_685 : vector<16xf32>
      tpu.vector_store_idx %arg10[%shift_right_arithmetic3A_19, %parallel_loop3A_738, %and3A_42, %parallel_loop3A_741], %parallel_loop3A_753 : memref<8x4x8x144xf32, #tpu.memory_space<vmem>>[vector<16xi32>, vector<16xi32>, vector<16xi32>, vector<16xi32>], vector<16xf32>,
      %parallel_loop3A_754 = arith.index_cast %parallel_loop3A_735 : i32 to index
      %parallel_loop3A_755 = arith.constant 48 : index
      %parallel_loop3A_756 = tpu.vector_load %arg9[%parallel_loop3A_754, %parallel_loop3A_755] {strides = array<i32>} : memref<512x64xf32, #tpu.memory_space<vmem>>, vector<16xf32>,
      %parallel_loop3A_757 = arith.addf %parallel_loop3A_756, %get3A_688 : vector<16xf32>
      tpu.vector_store_idx %arg10[%shift_right_arithmetic3A_25, %parallel_loop3A_738, %and3A_48, %parallel_loop3A_741], %parallel_loop3A_757 : memref<8x4x8x144xf32, #tpu.memory_space<vmem>>[vector<16xi32>, vector<16xi32>, vector<16xi32>, vector<16xi32>], vector<16xf32>,
    } {sc.loop_unroll_factor = 8 : i64, sc.parallel_access}
    %dma_start3A_692 = arith.constant 0 : i32
    %dma_start3A_693 = arith.constant 0 : i32
    %dma_start3A_694 = arith.constant 0 : i32
    %dma_start3A_695 = arith.constant 0 : i32
    %dma_start3A_696 = tpu.memref_slice %arg10[%dma_start3A_692, %dma_start3A_693, %dma_start3A_694, %dma_start3A_695] : memref<8x4x8x144xf32, #tpu.memory_space<vmem>> -> memref<8x4x8x128xf32, #tpu.memory_space<vmem>>
    %dma_start3A_697 = arith.constant 0 : i32
    %dma_start3A_698 = arith.constant 0 : i32
    %dma_start3A_699 = arith.constant 0 : i32
    %dma_start3A_700 = tpu.memref_slice %arg5[%select_n3A_608, %dma_start3A_697, %mul3A_613, %dma_start3A_698, %dma_start3A_699] : memref<200x8x32x8x128xf32, #tpu.memory_space<hbm>> -> memref<1x8x4x8x128xf32, #tpu.memory_space<hbm>>
    %dma_start3A_701 = tpu.memref_squeeze %dma_start3A_700 : memref<1x8x4x8x128xf32, #tpu.memory_space<hbm>> -> memref<8x4x8x128xf32, #tpu.memory_space<hbm>>
    %dma_start3A_702 = arith.constant 0 : i32
    %dma_start3A_703 = arith.constant 0 : i32
    %dma_start3A_704 = arith.constant 0 : i32
    %dma_start3A_705 = tpu.memref_slice %arg5[%select_n3A_608, %dma_start3A_702, %mul3A_613, %dma_start3A_703, %dma_start3A_704] : memref<200x8x32x8x128xf32, #tpu.memory_space<hbm>> -> memref<1x8x4x8x128xf32, #tpu.memory_space<hbm>>
    %dma_start3A_706 = tpu.memref_squeeze %dma_start3A_705 : memref<1x8x4x8x128xf32, #tpu.memory_space<hbm>> -> memref<8x4x8x128xf32, #tpu.memory_space<hbm>>
    %dma_start3A_707 = arith.constant 0 : i32
    %dma_start3A_708 = arith.constant 0 : i32
    %dma_start3A_709 = arith.constant 0 : i32
    %dma_start3A_710 = arith.constant 0 : i32
    %dma_start3A_711 = tpu.memref_slice %arg10[%dma_start3A_707, %dma_start3A_708, %dma_start3A_709, %dma_start3A_710] : memref<8x4x8x144xf32, #tpu.memory_space<vmem>> -> memref<8x4x8x128xf32, #tpu.memory_space<vmem>>
    tpu.enqueue_dma source(%dma_start3A_711 : memref<8x4x8x128xf32, #tpu.memory_space<vmem>>) target(%dma_start3A_706 : memref<8x4x8x128xf32, #tpu.memory_space<hbm>>) target_semaphore(%arg14 : memref<!tpu.dma_semaphore, #tpu.memory_space<semaphore_mem>>)
    %dma_wait3A_712 = arith.constant 0 : i32
    %dma_wait3A_713 = arith.constant 0 : i32
    %dma_wait3A_714 = arith.constant 0 : i32
    %dma_wait3A_715 = arith.constant 0 : i32
    %dma_wait3A_716 = arith.constant 0 : i32
    %dma_wait3A_717 = tpu.memref_slice %arg10[%dma_wait3A_713, %dma_wait3A_714, %dma_wait3A_715, %dma_wait3A_716] : memref<8x4x8x144xf32, #tpu.memory_space<vmem>> -> memref<8x4x8x128xf32, #tpu.memory_space<vmem>>
    %dma_wait3A_718 = arith.constant 0 : i32
    %dma_wait3A_719 = arith.constant 0 : i32
    %dma_wait3A_720 = arith.constant 0 : i32
    %dma_wait3A_721 = arith.constant 0 : i32
    %dma_wait3A_722 = tpu.memref_slice %arg5[%dma_wait3A_712, %dma_wait3A_718, %dma_wait3A_719, %dma_wait3A_720, %dma_wait3A_721] : memref<200x8x32x8x128xf32, #tpu.memory_space<hbm>> -> memref<1x8x4x8x128xf32, #tpu.memory_space<hbm>>
    %dma_wait3A_723 = tpu.memref_squeeze %dma_wait3A_722 : memref<1x8x4x8x128xf32, #tpu.memory_space<hbm>> -> memref<8x4x8x128xf32, #tpu.memory_space<hbm>>
    %dma_wait3A_724 = arith.constant 0 : i32
    %dma_wait3A_725 = arith.constant 0 : i32
    %dma_wait3A_726 = arith.constant 0 : i32
    %dma_wait3A_727 = arith.constant 0 : i32
    %dma_wait3A_728 = tpu.memref_slice %arg5[%dma_wait3A_712, %dma_wait3A_724, %dma_wait3A_725, %dma_wait3A_726, %dma_wait3A_727] : memref<200x8x32x8x128xf32, #tpu.memory_space<hbm>> -> memref<1x8x4x8x128xf32, #tpu.memory_space<hbm>>
    %dma_wait3A_729 = tpu.memref_squeeze %dma_wait3A_728 : memref<1x8x4x8x128xf32, #tpu.memory_space<hbm>> -> memref<8x4x8x128xf32, #tpu.memory_space<hbm>>
    %dma_wait3A_730 = arith.constant 0 : i32
    %dma_wait3A_731 = arith.constant 0 : i32
    %dma_wait3A_732 = arith.constant 0 : i32
    %dma_wait3A_733 = arith.constant 0 : i32
    %dma_wait3A_734 = tpu.memref_slice %arg10[%dma_wait3A_730, %dma_wait3A_731, %dma_wait3A_732, %dma_wait3A_733] : memref<8x4x8x144xf32, #tpu.memory_space<vmem>> -> memref<8x4x8x128xf32, #tpu.memory_space<vmem>>
    tpu.wait_dma2 semaphore(%arg14 : memref<!tpu.dma_semaphore, #tpu.memory_space<semaphore_mem>>) src(%dma_wait3A_734 : memref<8x4x8x128xf32, #tpu.memory_space<vmem>>) dst(%dma_wait3A_729 : memref<8x4x8x128xf32, #tpu.memory_space<hbm>>)
    return
  }
}

</mosaic_0001>

<sc_bundles>
// kernel: kernel.3.cloned.1.call-start
scs
__scs_entry_jumppad:
0x0: {  	(pc) =	sbr.rel $0x88, $3  }
0x1: {  	(tag) =	ssettag $0x0;
	lr =	simm.s32 $0x1  }
0x2: {  	[smem:$0x3F9E] =	sst lr;
	_ =	strace $0xD0000000  }
0x3: {  	_ = 	snop  }
0x4: {  	_ = 	snop  }
0x5: {  	_ = 	snop  }
0x6: {  	_ = 	snop  }
0x7: {  	_ = 	snop  }
__scs_overlays_trampoline_lowered:
0x8: {  	[smem:$0x3FAD] =	sst s0  }
0x9: {  	[smem:$0x3FAE] =	sst s1  }
0xa: {  	[smem:$0x3FAF] =	sst s2  }
0xb: {  	[smem:$0x3FB0] =	sst s3  }
0xc: {  	[smem:$0x3FB1] =	sst s4  }
0xd: {  	[smem:$0x3FB2] =	sst s5  }
0xe: {  	[smem:$0x3FB3] =	sst s6  }
0xf: {  	[smem:$0x3FB4] =	sst s7  }
0x10: {  	[smem:$0x3FB5] =	sst s8  }
0x11: {  	[smem:$0x3FB6] =	sst s9;
	s0 =	simm.s32 @!p0 $0x0  }
0x12: {  	s1 =	sld [smem:$0x3F9C];
	s0 =	simm.s32 @p0 $0x1  }
0x13: {  	[smem:$0x3FB7] =	sst s0;
	s0 =	simm.s32 @!p1 $0x0  }
0x14: {  	s2 =	sld [smem:$0x3F9B];
	s0 =	simm.s32 @p1 $0x1  }
0x15: {  	[smem:$0x3FB8] =	sst s0;
	s0 =	simm.s32 @!p2 $0x0  }
0x16: {  	s3 =	sld [smem:$0x3FDB];
	s0 =	simm.s32 @p2 $0x1  }
0x17: {  	s4 =	simm.s32 $0x1BF5;
	[smem:$0x3FBA] =	sst s0  }
0x18: {  	s0 =	sld [smem:$0x3F9D];
	_ =	swait.ge [sflag:s4], $0x0  }
0x19: {  	s7 =	sld [smem:$0x3F9E]  }
0x1a: {  	s8 =	sadd.s32 $0xFFFFE003, lr  }
0x1b: {  	s9 =	sadd.s32 $0xFFFFFEF7, lr;
	s5 =	simm.s32 $0xFFFFFFFF;
	p2 =	slt.u32 s8, $0xFFFFF086  }
0x1c: {  	p1 =	slt.u32 s9, $0xF7A;
	s5 =	simm.s32 @!p2 $0x0  }
0x1d: {  	s5 =	simm.s32 @p1 $0x1;
	p0 =	seq.s32 s7, s2  }
0x1e: {  	s7 =	smul.u32 @!p0 $0xF7A, s2;
	p2 =	seq.s32 @!p0 s5, $0x0  }
0x1f: {  	s9 =	smul.u32 $0xF7A, s1;
	s8 =	simm.s32 @!p0 $0x1BF5;
	p2 =	por !p2, p0  }
0x20: {  	[sflag:s8] =	ssyncset.s32 @!p0 $0xFFFFF086;
	s6 =	sadd.s32 @!p0 s3, s7;
	s7 =	simm.s32 @!p0 $0x108  }
0x21: {  	s3 =	sadd.s32 s3, s9;
	s6 =	sadd.s32 @!p0 $0x88, s6;
	s7 =	simm.s32 @p2 $0x1082  }
0x22: {  	[simem:s7], [sflag:s8] =	dma.local @!p0 [hbm:s6], $0xF7A  }
0x23: {  	s9 =	sor.u32 $0xD0000000, s2;
	s6 =	simm.s32 $0x108;
	_ =	swait.ge @!p0 [sflag:s8], $0x0  }
0x24: {  	s3 =	sadd.s32 $0x88, s3;
	s6 =	simm.s32 @!p1 $0x1082;
	[sflag:s4] =	ssyncset.s32 $0xFFFFF086  }
0x25: {  	[simem:s6], [sflag:s4] =	dma.local [hbm:s3], $0xF7A  }
0x26: {  	[smem:$0x3F9E] =	sst s1;
	(tag) =	ssettag s2;
	_ =	strace s9  }
0x27: {  	s1 =	sld [smem:$0x3FAE]  }
0x28: {  	s2 =	sld [smem:$0x3FAF]  }
0x29: {  	s4 =	sld [smem:$0x3FB1]  }
0x2a: {  	p0 =	seq.s32 s5, $0x0;
	s5 =	sld [smem:$0x3FB2]  }
0x2b: {  	s6 =	sld [smem:$0x3FB3]  }
0x2c: {  	s7 =	sld [smem:$0x3FB4]  }
0x2d: {  	s3 =	simm.s32 $0x108;
	s8 =	sld [smem:$0x3FB5]  }
0x2e: {  	s3 =	simm.s32 @!p0 $0x1082;
	s9 =	sld [smem:$0x3FB6]  }
0x2f: {  	lr =	sadd.s32 s0, s3;
	s0 =	sld [smem:$0x3FAD]  }
0x30: {  	s3 =	sld [smem:$0x3FB0]  }
0x31: {  	[smem:$0x3FB9] =	sst s10  }
0x32: {  	s10 =	sld [smem:$0x3FB7];
	_ =	sdelay $0x3  }
0x33: {  	p0 =	seq.s32 s10, $0x1;
	s10 =	sld [smem:$0x3FB9];
	_ =	sdelay $0x3  }
0x34: {  	[smem:$0x3FB9] =	sst s10  }
0x35: {  	s10 =	sld [smem:$0x3FB8];
	_ =	sdelay $0x3  }
0x36: {  	p1 =	seq.s32 s10, $0x1;
	s10 =	sld [smem:$0x3FB9];
	_ =	sdelay $0x3  }
0x37: {  	[smem:$0x3FB9] =	sst s10  }
0x38: {  	s10 =	sld [smem:$0x3FBA]  }
0x39: {  	_ = 	snop;
	(pc) =	sbr.ind lr, $3  }
0x3a: {  	_ = 	snop  }
0x3b: {  	_ = 	snop  }
0x3c: {  	p2 =	seq.s32 s10, $0x1;
	s10 =	sld [smem:$0x3FB9]  }
0x3d: {  	_ =	shalt  }
0x3e: {  	_ =	shalt  }
0x3f: {  	_ =	shalt  }
0x40: {  	_ =	shalt  }
0x41: {  	_ =	shalt  }
0x42: {  	_ =	shalt  }
0x43: {  	_ =	shalt  }
0x44: {  	_ =	shalt  }
0x45: {  	_ =	shalt  }
0x46: {  	_ =	shalt  }
0x47: {  	_ =	shalt  }
0x48: {  	_ =	shalt  }
0x49: {  	_ =	shalt  }
0x4a: {  	_ =	shalt  }
0x4b: {  	_ =	shalt  }
0x4c: {  	_ =	shalt  }
0x4d: {  	_ =	shalt  }
0x4e: {  	_ =	shalt  }
0x4f: {  	_ =	shalt  }
0x50: {  	_ =	shalt  }
0x51: {  	_ =	shalt  }
0x52: {  	_ =	shalt  }
0x53: {  	_ =	shalt  }
0x54: {  	_ =	shalt  }
0x55: {  	_ =	shalt  }
0x56: {  	_ =	shalt  }
0x57: {  	_ =	shalt  }
0x58: {  	_ =	shalt  }
0x59: {  	_ =	shalt  }
0x5a: {  	_ =	shalt  }
0x5b: {  	_ =	shalt  }
0x5c: {  	_ =	shalt  }
0x5d: {  	_ =	shalt  }
0x5e: {  	_ =	shalt  }
0x5f: {  	_ =	shalt  }
0x60: {  	_ =	shalt  }
0x61: {  	_ =	shalt  }
0x62: {  	_ =	shalt  }
0x63: {  	_ =	shalt  }
0x64: {  	_ =	shalt  }
0x65: {  	_ =	shalt  }
0x66: {  	_ =	shalt  }
0x67: {  	_ =	shalt  }
0x68: {  	_ =	shalt  }
0x69: {  	_ =	shalt  }
0x6a: {  	_ =	shalt  }
0x6b: {  	_ =	shalt  }
0x6c: {  	_ =	shalt  }
0x6d: {  	_ =	shalt  }
0x6e: {  	_ =	shalt  }
0x6f: {  	_ =	shalt  }
0x70: {  	_ =	shalt  }
0x71: {  	_ =	shalt  }
0x72: {  	_ =	shalt  }
0x73: {  	_ =	shalt  }
0x74: {  	_ =	shalt  }
0x75: {  	_ =	shalt  }
0x76: {  	_ =	shalt  }
0x77: {  	_ =	shalt  }
0x78: {  	_ =	shalt  }
0x79: {  	_ =	shalt  }
0x7a: {  	_ =	shalt  }
0x7b: {  	_ =	shalt  }
0x7c: {  	_ =	shalt  }
0x7d: {  	_ =	shalt  }
0x7e: {  	_ =	shalt  }
0x7f: {  	_ =	shalt  }
0x80: {  	_ =	shalt  }
0x81: {  	_ =	shalt  }
0x82: {  	_ =	shalt  }
0x83: {  	_ =	shalt  }
0x84: {  	_ =	shalt  }
0x85: {  	_ =	shalt  }
0x86: {  	_ =	shalt  }
0x87: {  	_ =	shalt  }
.Lfunc_end0:
.L_simem_size_0:
called_computation_lowered:
.L_overlay_start_0:
0x88: {  	s2 =	sld [smem:$0x3FD9]  }
0x89: {  	s3 =	sld [smem:$0x3FFE];
	_ =	sdelay $0x1  }
0x8a: {  	s1 =	srdreg.scid  }
0x8b: {  	s0 =	sand.u32 $0x1, s1  }
0x8c: {  	s17 =	sshll.u32 s0, $0xA;
	s2 =	sadd.s32 s3, s2  }
0x8d: {  	s2 =	sadd.s32 s2, s17  }
0x8e: {  	[smem:$0x3FC5] =	sst s2  }
0x8f: {  	_ = 	snop  }
0x90: {  	s2 =	sld [smem:$0x3FD0];
	(tm) =	ssettm $0x1  }
0x91: {  	s18 =	sld [smem:$0x3FFB];
	_ =	sdelay $0x3  }
0x92: {  	_ =	strace s18  }
0x93: {  	s3 =	sld [smem:$0x3FFC];
	_ =	sdelay $0x3  }
0x94: {  	_ =	strace s3  }
0x95: {  	s3 =	sld [smem:$0x3FFD];
	_ =	sdelay $0x3  }
0x96: {  	_ =	strace s3  }
0x97: {  	_ =	strace $0x8FFFFFFF  }
0x98: {  	s19 =	sld [smem:$0x3FDB];
	_ =	sdelay $0x1  }
0x99: {  	s4 =	simm.s32 $_scs_section_size  }
0x9a: {  	s5 =	simm.s32 $_size__tile_overlayer_lowered;
	s6 =	simm.s32 $_tile_overlayer_lowered  }
0x9b: {  	s22 =	simm.s32 $0x1BFF;
	s21 =	sshll.u32 s6, $0x1;
	s3 =	sadd.s32 s4, s19  }
0x9c: {  	s7 =	simm.s32 $0x0;
	s20 =	sshll.u32 s5, $0x1;
	s5 =	sadd.s32 s21, s3  }
0x9d: {  	[timem:s7], [sflag:s22] =	dma.local [hbm:s5], s20  }
0x9e: {  	_ =	swait.ge [sflag:s22], s20  }
0x9f: {  	s4 =	ssub.s32 $0x0, s20;
	[sflag:s22] =	ssyncset.done $0x0  }
0xa0: {  	[sflag:s22] =	ssyncadd.s32 s4;
	_ =	sdelay $0x1  }
0xa1: {  	s23 =	simm.s32 $0x1B8B  }
0xa2: {  	_ =	swait.ge [sflag:s23], $0x1  }
0xa3: {  	[sflag:s23] =	ssyncset.done $0x0  }
0xa4: {  	s25 =	simm.s32 $0x1B8E;
	s24 =	sld [smem:$0x3FFE];
	[sflag:s23] =	ssyncadd.s32 $0xFFFFFFFF  }
0xa5: {  	s26 =	simm.s32 $execute0_lowered;
	[smem:$0x3FD2] =	sst s25  }
0xa6: {  	s5 =	sshll.u32 s26, $0x1;
	_ =	strace $0x80000046;
	[dreg:$0x1] =	wrdreg $0xFFFFFFFF  }
0xa7: {  	s28 =	simm.s32 $_size_execute0_lowered;
	s3 =	sadd.s32 s3, s5;
	[dreg:$0x0] =	wrdreg $0x0  }
0xa8: {  	s5 =	sshll.u32 s28, $0x1;
	[dreg:$0x2] =	wrdreg s3  }
0xa9: {  	[dreg:$0x3] =	wrdreg s5  }
0xaa: {  	[dreg:$0x4] =	wrdreg $0xC0  }
0xab: {  	_ =	task [dreg:s7], $0x5FFFF  }
0xac: {  	[dreg:$0x1] =	wrdreg $0xFFFFFFFF  }
0xad: {  	[dreg:$0x0] =	wrdreg $0x60  }
0xae: {  	[dreg:$0x2] =	wrdreg s24  }
0xaf: {  	[dreg:$0x3] =	wrdreg s2  }
0xb0: {  	[dreg:$0x4] =	wrdreg $0x9  }
0xb1: {  	_ =	task.clear_ibuf [dreg:s7], $0x5FFFF;
	_ =	strace $0x90000046  }
0xb2: {  	s29 =	simm.s32 $0x9;
	_ =	strace $0x80000048  }
0xb3: {  	_ =	swait.ge [sflag:s29], $0x1  }
0xb4: {  	[sflag:s29] =	ssyncadd.s32 $0xFFFFFFFF  }
0xb5: {  	_ =	strace $0x90000048  }
0xb6: {  	_ =	sfence  }
0xb7: {  	s30 =	sld [smem:$0x0];
	_ =	sdelay $0x2  }
0xb8: {  	s31 =	sshll.u32 s1, $0xD;
	s1 =	sshrl.u32 s1, $0x2  }
0xb9: {  	s3 =	sand.u32 $0x4000, s31;
	s1 =	sadd.s32 s1, s30  }
0xba: {  	s0 =	sor.u32 s3, s0;
	s1 =	sshll.u32 s1, $0x11  }
0xbb: {  	s0 =	sor.u32 s1, s0  }
0xbc: {  	s0 =	sadd.s32 $0x8F2B, s0  }
0xbd: {  	[sflag:s0] =	ssyncadd.remote.s32 $0x1  }
0xbe: {  	_ =	sfence.sel $0xFFFF  }
0xbf: {  	[dreg:$0x0] =	wrdreg $0xFFFFFFFF;
	(pc) =	sbr.abs _section_cstart, $3  }
0xc0: {  	[dreg:$0x1] =	wrdreg $0xFFFFFFFF  }
0xc1: {  	_ =	task.clear_ibuf [dreg:s7], $0x2FFFF;
	_ =	strace $0x9FFFFFFF  }
0xc2: {  	(tm) =	ssettm $0x7FFFFFFF  }
0xc3: {  	_ =	shalt  }
tec
execute0_lowered:
.L_overlay_start_1:
0x0: {  	(tag) =	ssettag $0x1  }
0x1: {  	v0 =	vimm.s32 $0x15F0;
	vm14 =	vcmask $0x300;
	s2 =	srdreg.scid;
	s4 =	stileid.u32  }
0x2: {  	s0 =	rddreg [dreg:$0x0];
	vm13 =	vcmask $0x704;
	vm12 =	vcmask $0xB08;
	vm11 =	vcmask $0xF0C;
	s2 =	sand.u32 $0x1, s2;
	s4 =	sshll.u32 s4, $0x1  }
0x3: {  	s1 =	rddreg [dreg:$0x1];
	s3 =	simm.s32 $0x0;
	vm10 =	vcmask $0x1310;
	vm9 =	vcmask $0x1714;
	vm7 =	vcmask $0x1B18;
	s7 =	sor.u32 s2, s4  }
0x4: {  	vm5 =	vcmask $0x1F1C;
	vm3 =	vcmask $0x2320;
	[smem:$0x7FF] =	sst s3;
	s6 =	sadd.s32 $0xF42C00, s0;
	s5 =	smul.u32 $0x32, s7  }
0x5: {  	vm8 =	vcmask $0x2724;
	vm6 =	vcmask $0x2B28;
	_ =	strace $0x80000047;
	s4 =	sadd.s32 $0x800, s0;
	s9 =	smul.u32 $0xC80, s7  }
0x6: {  	vm4 =	vcmask $0x2F2C;
	vm2 =	vcmask $0x3330;
	vm1 =	vcmask $0x3734;
	s2 =	ssub.s32 $0x2, s2;
	s0 =	sadd.s32 $0x19800, s0;
	s18 =	smul.u32 $0x32000, s7  }
0x7: {  	vm0 =	vcmask $0x3B38;
	v1 =	vimm.s32 $0x0;
	v2 =	vimm.s32 $0x39F0;
	s8 =	sshrl.u32 s2, $0x1;
	[dreg:$0x3] =	wrdreg s0;
	s7 =	smul.u32 $0x6400, s7  }
0x8: {  	v3 =	vimm.s32 $0x5DF0;
	v4 =	vimm.s32 $0x81F0;
	v0 =	vsel vm14, $0x0, v0;
	s0 =	ssub.s32 s2, s8;
	s13 =	sor.u32 $0x1, s5;
	s14 =	sadd.s32 s4, s9  }
0x9: {  	v1 =	vsel vm14, $0x3, v1;
	v2 =	vsel vm14, $0x2400, v2;
	v3 =	vsel vm14, $0x4800, v3;
	s16 =	sshrl.u32 s5, $0x3;
	s7 =	sshrl.u32 s7, $0x3;
	s21 =	sadd.s32 $0x30, s5  }
0xa: {  	v4 =	vsel vm14, $0x6C00, v4;
	v0 =	vsel vm13, $0x90, v0;
	v2 =	vsel vm13, $0x2490, v2;
	s25 =	sadd.s32 $0x31, s5;
	s0 =	smax.u32 s0, $0x1;
	[dreg:$0x4] =	wrdreg s14  }
0xb: {  	v3 =	vsel vm13, $0x4890, v3;
	v4 =	vsel vm13, $0x6C90, v4;
	v0 =	vsel vm12, $0x120, v0;
	s15 =	sshll.u32 s13, $0x6;
	s17 =	sshll.u32 s16, $0x6;
	s10 =	sshll.u32 s16, $0xF  }
0xc: {  	v2 =	vsel vm12, $0x2520, v2;
	v3 =	vsel vm12, $0x4920, v3;
	v4 =	vsel vm12, $0x6D20, v4;
	s2 =	sshll.u32 s13, $0xC;
	s9 =	sshll.u32 s16, $0x12;
	s7 =	sadd.s32 s4, s7  }
0xd: {  	v0 =	vsel vm11, $0x1B0, v0;
	v2 =	vsel vm11, $0x25B0, v2;
	v3 =	vsel vm11, $0x49B0, v3;
	s16 =	sadd.s32 $0x3, s5;
	s22 =	sshrl.u32 s21, $0x3;
	s23 =	sshll.u32 s21, $0x3  }
0xe: {  	v4 =	vsel vm11, $0x6DB0, v4;
	v0 =	vsel vm10, $0x240, v0;
	v2 =	vsel vm10, $0x2640, v2;
	s26 =	sshrl.u32 s25, $0x3;
	s28 =	sshll.u32 s25, $0xC;
	[dreg:$0xb] =	wrdreg s0  }
0xf: {  	v3 =	vsel vm10, $0x4A40, v3;
	v4 =	vsel vm10, $0x6E40, v4;
	v0 =	vsel vm9, $0x2D0, v0;
	s0 =	simm.s32 $0x200;
	s8 =	sadd.s32 s4, s15;
	[dreg:$0x6] =	wrdreg s17  }
0x10: {  	v2 =	vsel vm9, $0x26D0, v2;
	v3 =	vsel vm9, $0x4AD0, v3;
	v4 =	vsel vm9, $0x6ED0, v4;
	s2 =	ssub.s32 s2, s10;
	s19 =	sadd.s32 $0x80, s7;
	s20 =	sadd.s32 $0xC0, s7  }
0x11: {  	v0 =	vsel vm7, $0x360, v0;
	s15 =	sadd.s32 $0x2, s5;
	s24 =	sshll.u32 s22, $0x12;
	s7 =	sshll.u32 s22, $0xF;
	v2 =	vsel vm7, $0x2760, v2;
	v3 =	vsel vm7, $0x4B60, v3  }
0x12: {  	s12 =	sshll.u32 s26, $0xF;
	s29 =	sshll.u32 s26, $0x12;
	v4 =	vsel vm7, $0x6F60, v4;
	v0 =	vsel vm5, $0x3F0, v0;
	[dreg:$0x5] =	wrdreg s8;
	v2 =	vsel vm5, $0x27F0, v2  }
0x13: {  	s17 =	simm.s32 $0x10400;
	s8 =	ssub.s32 s18, s10;
	[dreg:$0x7] =	wrdreg s19;
	v3 =	vsel vm5, $0x4BF0, v3;
	v4 =	vsel vm5, $0x6FF0, v4;
	v0 =	vsel vm3, $0x1200, v0  }
0x14: {  	s2 =	sadd.s32 s9, s2;
	[dreg:$0x8] =	wrdreg s20;
	s19 =	simm.s32 $0x2;
	v2 =	vsel vm3, $0x3600, v2;
	v3 =	vsel vm3, $0x5A00, v3;
	v4 =	vsel vm3, $0x7E00, v4  }
0x15: {  	s10 =	simm.s32 $0x3;
	s8 =	sadd.s32 s9, s8;
	s2 =	sshrl.u32 s2, $0x3;
	v0 =	vsel vm8, $0x1290, v0;
	v2 =	vsel vm8, $0x3690, v2;
	v3 =	vsel vm8, $0x5A90, v3  }
0x16: {  	s9 =	sshll.u32 s25, $0x3;
	s8 =	sshrl.u32 s8, $0x3;
	s13 =	sadd.s32 s1, s2;
	v4 =	vsel vm8, $0x7E90, v4;
	v0 =	vsel vm6, $0x1320, v0;
	v2 =	vsel vm6, $0x3720, v2  }
0x17: {  	s2 =	sshll.u32 s21, $0xC;
	s30 =	sand.u32 $0x7FC0, s9;
	s21 =	simm.s32 $0x1;
	v3 =	vsel vm6, $0x5B20, v3;
	v4 =	vsel vm6, $0x7F20, v4;
	v0 =	vsel vm4, $0x13B0, v0  }
0x18: {  	s11 =	sadd.s32 s1, s8;
	s8 =	sand.u32 $0x7FC0, s23;
	s2 =	ssub.s32 s2, s7;
	v2 =	vsel vm4, $0x37B0, v2;
	v3 =	vsel vm4, $0x5BB0, v3;
	v4 =	vsel vm4, $0x7FB0, v4  }
0x19: {  	s7 =	ssub.s32 s28, s12;
	[dreg:$0xa] =	wrdreg s30;
	s23 =	simm.s32 $0x4;
	v0 =	vsel vm2, $0x1440, v0;
	v2 =	vsel vm2, $0x3840, v2;
	v3 =	vsel vm2, $0x5C40, v3  }
0x1a: {  	[dreg:$0x9] =	wrdreg s8;
	s2 =	sadd.s32 s24, s2;
	s7 =	sadd.s32 s29, s7;
	v4 =	vsel vm2, $0x8040, v4;
	v0 =	vsel vm1, $0x14D0, v0;
	v2 =	vsel vm1, $0x38D0, v2  }
0x1b: {  	s24 =	simm.s32 $0x80;
	s2 =	sshrl.u32 s2, $0x3;
	s31 =	sshrl.u32 s7, $0x3;
	v3 =	vsel vm1, $0x5CD0, v3;
	v4 =	vsel vm1, $0x80D0, v4;
	v0 =	vsel vm0, $0x1560, v0  }
0x1c: {  	s7 =	simm.s32 $0x0;
	s18 =	sadd.s32 s1, s2;
	s20 =	sadd.s32 s1, s31;
	v2 =	vsel vm0, $0x3960, v2;
	v3 =	vsel vm0, $0x5D60, v3;
	v4 =	vsel vm0, $0x8160, v4  }
.LBB2_1:
0x1d: {  	[dreg:$0xc] =	wrdreg s7  }
0x1e: {  	s2 =	rddreg [dreg:$0x3];
	s29 =	simm.s32 $0x19400  }
0x1f: {  	[tilespmem:s29], [sflag:$0x4] =	stream.linear.gather [hbm4b:s2+s3], $0x3200, $0x38;
	[tilespmem:$0x1C600] =	vst v63  }
0x20: {  	_ =	swait.ge [sflag:s23], $0x3200  }
0x21: {  	[sflag:s23] =	ssyncset.done $0x0  }
0x22: {  	s30 =	rddreg [dreg:$0x4];
	[sflag:s23] =	ssyncadd.s32 $0xFFFFCE00  }
0x23: {  	[tilespmem:s3], [sflag:$0x4] =	stream.linear.gather [hbm4b:s30+s3], $0x200, $0x38;
	[tilespmem:$0x1C600] =	vst v63  }
0x24: {  	_ =	swait.ge [sflag:s23], $0x200  }
0x25: {  	[sflag:s23] =	ssyncset.done $0x0  }
0x26: {  	s31 =	simm.s32 $0x400;
	[sflag:s23] =	ssyncadd.s32 $0xFFFFFE00  }
0x27: {  	[tilespmem:s31], [sflag:$0x1] =	stream.indirect.gather [hbm4b:s6+s24], $0x40, s3, s24, $0xb8;
	[tilespmem:$0x1C600] =	vst v63  }
0x28: {  	s7 =	simm.s32 $0x2400  }
0x29: {  	[tilespmem:s7], [sflag:$0x1] =	stream.indirect.gather [hbm4b:s6+s24], $0x40, s24, s24, $0xb8;
	[tilespmem:$0x1C600] =	vst v63  }
0x2a: {  	s8 =	simm.s32 $0x100;
	s9 =	simm.s32 $0x4400  }
0x2b: {  	[tilespmem:s9], [sflag:$0x1] =	stream.indirect.gather [hbm4b:s6+s24], $0x40, s8, s24, $0xb8;
	[tilespmem:$0x1C600] =	vst v63  }
0x2c: {  	s12 =	simm.s32 $0x180;
	s14 =	simm.s32 $0x6400  }
0x2d: {  	[tilespmem:s14], [sflag:$0x1] =	stream.indirect.gather [hbm4b:s6+s24], $0x40, s12, s24, $0xb8;
	[tilespmem:$0x1C600] =	vst v63  }
0x2e: {  	s22 =	rddreg [dreg:$0x5]  }
0x2f: {  	[tilespmem:s0], [sflag:$0x4] =	stream.linear.gather [hbm4b:s22+s3], $0x200, $0x38;
	[tilespmem:$0x1C600] =	vst v63  }
0x30: {  	_ =	swait.ge [sflag:s23], $0x200  }
0x31: {  	[sflag:s23] =	ssyncset.done $0x0  }
0x32: {  	s25 =	simm.s32 $0x8400;
	[sflag:s23] =	ssyncadd.s32 $0xFFFFFE00  }
0x33: {  	[tilespmem:s25], [sflag:$0x2] =	stream.indirect.gather [hbm4b:s6+s24], $0x40, s0, s24, $0xb8;
	[tilespmem:$0x1C600] =	vst v63  }
0x34: {  	s26 =	simm.s32 $0x280;
	s29 =	simm.s32 $0xA400  }
0x35: {  	[tilespmem:s29], [sflag:$0x2] =	stream.indirect.gather [hbm4b:s6+s24], $0x40, s26, s24, $0xb8;
	[tilespmem:$0x1C600] =	vst v63  }
0x36: {  	s30 =	simm.s32 $0x300;
	s31 =	simm.s32 $0xC400  }
0x37: {  	[tilespmem:s31], [sflag:$0x2] =	stream.indirect.gather [hbm4b:s6+s24], $0x40, s30, s24, $0xb8;
	[tilespmem:$0x1C600] =	vst v63  }
0x38: {  	s7 =	simm.s32 $0x380;
	s8 =	simm.s32 $0xE400  }
0x39: {  	[tilespmem:s8], [sflag:$0x2] =	stream.indirect.gather [hbm4b:s6+s24], $0x40, s7, s24, $0xb8;
	[tilespmem:$0x1C600] =	vst v63  }
0x3a: {  	_ =	swait.ge [sflag:s21], $0x2000  }
0x3b: {  	[sflag:s21] =	ssyncset.done $0x0  }
0x3c: {  	[sflag:s21] =	ssyncadd.s32 $0xFFFFE000  }
0x3d: {  	_ =	swait.ge [sflag:s21], $0x2000  }
0x3e: {  	[sflag:s21] =	ssyncset.done $0x0  }
0x3f: {  	[sflag:s21] =	ssyncadd.s32 $0xFFFFE000  }
0x40: {  	_ =	swait.ge [sflag:s21], $0x2000  }
0x41: {  	s28 =	simm.s32 $0x0;
	[sflag:s21] =	ssyncset.done $0x0  }
0x42: {  	v8 =	vmov s28;
	[sflag:s21] =	ssyncadd.s32 $0xFFFFE000  }
0x43: {  	v8 =	vmul.u32 $0x480, v8;
	s22 =	simm.s32 $0x2;
	_ =	swait.ge [sflag:s21], $0x2000  }
0x44: {  	s22 =	sand.u32 $0x78, s22;
	[sflag:s21] =	ssyncset.done $0x0  }
0x45: {  	v16 =	vbroadcast v8, $0x0;
	v14 =	vmov s22;
	s9 =	rddreg [dreg:$0x6];
	[sflag:s21] =	ssyncadd.s32 $0xFFFFE000  }
0x46: {  	s12 =	simm.s32 $0x1;
	v14 =	vshrl.u32 v14, $0x3;
	s25 =	simm.s32 $0x500;
	s26 =	simm.s32 $0x0;
	v5 =	vld [tilespmem:s9+$0x19400]  }
0x47: {  	v31 =	vadd.s32 v4, v16;
	v28 =	vadd.s32 v2, v16;
	s2 =	sand.u32 $0x78, s12;
	v14 =	vshll.u32 v14, v1;
	s14 =	sand.u32 $0x78, s26;
	v6 =	vld [tilespmem:s25+$0xFFFFFF40]  }
0x48: {  	v9 =	vmov s2;
	v30 =	vbroadcast v14, $0x0;
	v11 =	vmov s14;
	v7 =	vld [tilespmem:s25+$0x40]  }
0x49: {  	v36 =	vadd.s32 v3, v16;
	v9 =	vshrl.u32 v9, $0x3;
	s29 =	simm.s32 $0x6;
	v8 =	vshrl.u32 v11, $0x3;
	v19 =	vld [tilespmem:s25+$0x80]  }
0x4a: {  	s29 =	sand.u32 $0x78, s29;
	v29 =	vadd.s32 v28, v30;
	s30 =	simm.s32 $0x7;
	v11 =	vadd.s32 v0, v16;
	v8 =	vshll.u32 v8, v1;
	v21 =	vld [tilespmem:s25+$0xFFFFFF00]  }
0x4b: {  	v13 =	vmov s29;
	s28 =	sand.u32 $0x78, s30;
	v32 =	vadd.s32 v11, v30;
	v22 =	vbroadcast v8, $0x0;
	v27 =	vld [tilespmem:s25+$0xC0]  }
0x4c: {  	s29 =	simm.s32 $0x4;
	v29 =	vor.u32 $0x2, v29;
	v12 =	vmov s28;
	v32 =	vor.u32 $0x2, v32  }
0x4d: {  	s2 =	sand.u32 $0x78, s29;
	v24 =	vadd.s32 v22, v11;
	v40 =	vadd.s32 v22, v28;
	v10 =	vld [tilespmem:s25+$0xFFFFFFC0];
	v15 =	vadd.f32 v6, v5  }
0x4e: {  	v6 =	vshll.u32 v9, v1;
	v9 =	vmov s2;
	v18 =	vadd.f32 v7, v5  }
0x4f: {  	v7 =	vshrl.u32 v13, $0x3;
	v19 =	vadd.f32 v19, v5;
	v17 =	vbroadcast v6, $0x0  }
0x50: {  	s30 =	simm.s32 $0x3;
	v21 =	vadd.f32 v21, v5;
	v34 =	vadd.f32 v27, v5;
	v7 =	vshll.u32 v7, v1  }
0x51: {  	s31 =	simm.s32 $0x5;
	s2 =	sand.u32 $0x78, s30;
	v6 =	vshrl.u32 v12, $0x3;
	v33 =	vbroadcast v7, $0x0;
	v20 =	vadd.s32 v11, v17  }
0x52: {  	v12 =	vadd.f32 v10, v5;
	v13 =	vmov s2;
	s2 =	sand.u32 $0x78, s31;
	v20 =	vor.u32 $0x1, v20  }
0x53: {  	v8 =	vld [tilespmem:s9+$0x19410];
	v9 =	vshrl.u32 v9, $0x3;
	v23 =	vmov s2;
	v26 =	vadd.s32 v11, v33  }
0x54: {  	v10 =	vld [tilespmem:s25+$0x0];
	v13 =	vshrl.u32 v13, $0x3;
	v25 =	vshll.u32 v6, v1;
	v26 =	vor.u32 $0x6, v26  }
0x55: {  	v7 =	vld [tilespmem:s9+$0x19420];
	v9 =	vshll.u32 v9, v1;
	v25 =	vbroadcast v25, $0x0;
	v13 =	vshll.u32 v13, v1  }
0x56: {  	v6 =	vld [tilespmem:s9+$0x19430];
	[tilespmem:v24+s17+$0x0] =	vst.idx.msk $0xffff, v21;
	v27 =	vadd.s32 v28, v17;
	v24 =	vadd.s32 v36, v33;
	v62 =	vbroadcast v13, $0x0  }
0x57: {  	v35 =	vadd.s32 v11, v25;
	v38 =	vadd.s32 v28, v25;
	[tilespmem:v20+s17+$0x0] =	vst.idx.msk $0xffff, v15;
	v15 =	vshrl.u32 v23, $0x3;
	v23 =	vld [tilespmem:s25+$0xFFFFFF80]  }
0x58: {  	v42 =	vadd.s32 v36, v25;
	v20 =	vld [tilespmem:s25+$0xFFFFFF50];
	v14 =	vshll.u32 v15, v1;
	v15 =	vbroadcast v9, $0x0  }
0x59: {  	v27 =	vor.u32 $0x1, v27;
	v10 =	vadd.f32 v10, v5;
	v47 =	vadd.s32 v28, v62;
	[tilespmem:v26+s17+$0x0] =	vst.idx.msk $0xffff, v19  }
0x5a: {  	v9 =	vadd.s32 v28, v33;
	v14 =	vbroadcast v14, $0x0;
	v61 =	vld [tilespmem:s25+$0x90];
	v16 =	vadd.s32 v11, v15  }
0x5b: {  	v39 =	vor.u32 $0x6, v9;
	v9 =	vadd.s32 v31, v25;
	v19 =	vor.u32 $0x4, v16  }
0x5c: {  	v25 =	vadd.s32 v31, v62;
	v37 =	vadd.s32 v11, v14;
	v21 =	vadd.f32 v23, v5;
	v23 =	vld [tilespmem:s25+$0xFFFFFF10]  }
0x5d: {  	v16 =	vadd.s32 v22, v36;
	v26 =	vor.u32 $0x5, v37;
	v20 =	vadd.f32 v20, v8  }
0x5e: {  	v35 =	vor.u32 $0x7, v35;
	v41 =	vadd.s32 v28, v14;
	v11 =	vadd.s32 v11, v62;
	[tilespmem:v32+s17+$0x0] =	vst.idx.msk $0xffff, v21  }
0x5f: {  	v11 =	vor.u32 $0x3, v11;
	v21 =	vadd.s32 v36, v30;
	v37 =	vadd.f32 v61, v8;
	v13 =	vld [tilespmem:s25+$0xFFFFFF90];
	[tilespmem:v27+s17+$0x0] =	vst.idx.msk $0xffff, v20  }
0x60: {  	v9 =	vor.u32 $0x7, v9;
	v27 =	vadd.s32 v36, v14;
	v43 =	vld [tilespmem:s25+$0xFFFFFF60];
	[tilespmem:v19+s17+$0x0] =	vst.idx.msk $0xffff, v10;
	v10 =	vadd.s32 v28, v15  }
0x61: {  	v32 =	vor.u32 $0x5, v41;
	[tilespmem:v39+s17+$0x0] =	vst.idx.msk $0xffff, v37;
	v20 =	vadd.f32 v23, v8;
	v23 =	vadd.s32 v36, v17;
	v45 =	vld [tilespmem:s25+$0x10]  }
0x62: {  	v19 =	vor.u32 $0x6, v24;
	v46 =	vor.u32 $0x4, v10;
	[tilespmem:v26+s17+$0x0] =	vst.idx.msk $0xffff, v18;
	v44 =	vor.u32 $0x1, v23  }
0x63: {  	v10 =	vor.u32 $0x3, v25;
	v26 =	vadd.s32 v31, v14;
	v25 =	vadd.s32 v36, v62;
	v63 =	vld [tilespmem:s25+$0x50];
	[tilespmem:v40+s17+$0x0] =	vst.idx.msk $0xffff, v20  }
0x64: {  	v24 =	vor.u32 $0x7, v38;
	[tilespmem:v11+s17+$0x0] =	vst.idx.msk $0xffff, v12;
	v23 =	vadd.s32 v36, v15;
	v20 =	vadd.f32 v13, v8;
	v40 =	vld [tilespmem:s25+$0xFFFFFF20]  }
0x65: {  	v28 =	vld [tilespmem:s25+$0xA0];
	v15 =	vadd.s32 v31, v15;
	v13 =	vadd.s32 v22, v31;
	v22 =	vadd.f32 v43, v7  }
0x66: {  	v14 =	vor.u32 $0x7, v42;
	[tilespmem:v29+s17+$0x0] =	vst.idx.msk $0xffff, v20;
	v20 =	vadd.s32 v31, v30;
	v11 =	vadd.f32 v45, v8;
	v30 =	vld [tilespmem:s25+$0xFFFFFFD0]  }
0x67: {  	v18 =	vor.u32 $0x3, v47;
	v29 =	vld [tilespmem:s25+$0xFFFFFFA0];
	[tilespmem:v44+s17+$0x0] =	vst.idx.msk $0xffff, v22;
	v22 =	vadd.s32 v31, v17;
	v31 =	vadd.s32 v31, v33  }
0x68: {  	v12 =	vor.u32 $0x2, v20;
	v33 =	vadd.f32 v63, v8;
	v17 =	vld [tilespmem:s25+$0xFFFFFF70];
	[tilespmem:v46+s17+$0x0] =	vst.idx.msk $0xffff, v11;
	v11 =	vor.u32 $0x4, v15  }
0x69: {  	s28 =	simm.s32 $0x700;
	[tilespmem:v35+s17+$0x0] =	vst.idx.msk $0xffff, v34;
	v15 =	vor.u32 $0x6, v31;
	v20 =	vor.u32 $0x1, v22;
	v31 =	vadd.f32 v40, v7;
	v22 =	vld [tilespmem:s25+$0x20]  }
.LBB2_2:
0x6a: {  	s2 =	sadd.s32 $0x9, s26  }
0x6b: {  	v34 =	vld [tilespmem:s28+$0xFFFFFF40];
	s22 =	sadd.s32 $0xA, s26;
	v35 =	vor.u32 $0x4, v23;
	v23 =	vor.u32 $0x5, v26;
	v26 =	vadd.f32 v28, v7;
	s29 =	smov.u32 s26;
	s26 =	sadd.s32 $0x8, s26  }
0x6c: {  	v21 =	vor.u32 $0x2, v21;
	v27 =	vor.u32 $0x5, v27;
	s30 =	sshrl.u32 s26, $0x7;
	s2 =	sand.u32 $0x78, s2;
	s31 =	sadd.s32 $0xE, s29;
	v28 =	vadd.f32 v29, v7;
	v29 =	vld [tilespmem:s25+$0xD0]  }
0x6d: {  	s7 =	sadd.s32 $0xF, s29;
	v36 =	vmov s30;
	s30 =	sand.u32 $0x78, s26;
	v37 =	vmov s2;
	s2 =	sadd.s32 $0xC, s29;
	v38 =	vld [tilespmem:s28+$0x40];
	v30 =	vadd.f32 v30, v8;
	[tilespmem:v32+s17+$0x0] =	vst.idx.msk $0xffff, v33  }
0x6e: {  	p0 =	slt.u32 s26, $0x1F8;
	s7 =	sand.u32 $0x78, s7;
	v32 =	vmov s30;
	v33 =	vmul.u32 $0x480, v36;
	s30 =	sadd.s32 $0xD, s29;
	[tilespmem:v16+s17+$0x0] =	vst.idx.msk $0xffff, v31;
	v16 =	vadd.f32 v17, v6;
	v31 =	vld [tilespmem:s25+$0x60]  }
0x6f: {  	v25 =	vor.u32 $0x3, v25;
	s31 =	sand.u32 $0x78, s31;
	s29 =	sadd.s32 $0xB, s29;
	s2 =	sand.u32 $0x78, s2;
	v39 =	vmov s7;
	v36 =	vld [tilespmem:s28+$0xFFFFFFC0];
	[tilespmem:v18+s17+$0x0] =	vst.idx.msk $0xffff, v30;
	v17 =	vadd.f32 v22, v7  }
0x70: {  	s7 =	sand.u32 $0x78, s22;
	v18 =	vshrl.u32 v37, $0x3;
	s22 =	sand.u32 $0x78, s29;
	v22 =	vmov s31;
	v30 =	vadd.f32 v34, v5;
	v34 =	vld [tilespmem:s25+$0xFFFFFFE0];
	[tilespmem:v19+s17+$0x0] =	vst.idx.msk $0xffff, v26  }
0x71: {  	v18 =	vshll.u32 v18, v1;
	v26 =	vmov s7;
	v37 =	vld [tilespmem:s25+$0xFFFFFF30];
	[tilespmem:v35+s17+$0x0] =	vst.idx.msk $0xffff, v17;
	v29 =	vadd.f32 v29, v8  }
0x72: {  	v17 =	vbroadcast v18, $0x0;
	v35 =	vshrl.u32 v39, $0x3;
	v19 =	vadd.f32 v38, v5;
	[tilespmem:v21+s17+$0x0] =	vst.idx.msk $0xffff, v28;
	v21 =	vld [tilespmem:s25+$0xB0]  }
0x73: {  	v22 =	vshrl.u32 v22, $0x3;
	v28 =	vmov s2;
	v38 =	vld [tilespmem:s28+$0x0];
	v31 =	vadd.f32 v31, v7;
	[tilespmem:v24+s17+$0x0] =	vst.idx.msk $0xffff, v29  }
0x74: {  	v22 =	vshll.u32 v22, v1;
	v29 =	vbroadcast v33, $0x0;
	v18 =	vadd.f32 v36, v5;
	[tilespmem:v20+s17+$0x0] =	vst.idx.msk $0xffff, v16;
	v16 =	vld [tilespmem:s25+$0xE0]  }
0x75: {  	v26 =	vshrl.u32 v26, $0x3;
	v33 =	vmov s22;
	v36 =	vld [tilespmem:s28+$0x80];
	v20 =	vadd.f32 v34, v7;
	[tilespmem:v27+s17+$0x0] =	vst.idx.msk $0xffff, v31  }
0x76: {  	s2 =	sand.u32 $0x78, s30;
	v24 =	vshrl.u32 v32, $0x3;
	v27 =	vadd.s32 v0, v29;
	v31 =	vadd.f32 v37, v6;
	v32 =	vld [tilespmem:s25+$0x70]  }
0x77: {  	v24 =	vshll.u32 v24, v1;
	v34 =	vadd.s32 v27, v17;
	v37 =	vmov s2;
	v39 =	vld [tilespmem:s25+$0xFFFFFFB0];
	[tilespmem:v25+s17+$0x0] =	vst.idx.msk $0xffff, v20  }
0x78: {  	v24 =	vbroadcast v24, $0x0;
	v20 =	vadd.s32 v4, v29;
	v25 =	vshrl.u32 v28, $0x3;
	[tilespmem:v13+s17+$0x0] =	vst.idx.msk $0xffff, v31;
	v13 =	vld [tilespmem:s25+$0xFFFFFFF0]  }
0x79: {  	v22 =	vbroadcast v22, $0x0;
	v31 =	vor.u32 $0x1, v34;
	v28 =	vld [tilespmem:s28+$0xFFFFFF00];
	v16 =	vadd.f32 v16, v7  }
0x7a: {  	v35 =	vshll.u32 v35, v1;
	v33 =	vshrl.u32 v33, $0x3;
	v34 =	vadd.s32 v24, v27;
	v40 =	vld [tilespmem:s25+$0x30]  }
0x7b: {  	v35 =	vbroadcast v35, $0x0;
	v41 =	vadd.s32 v27, v22;
	v38 =	vadd.f32 v38, v5;
	v42 =	vld [tilespmem:s28+$0xC0];
	[tilespmem:v14+s17+$0x0] =	vst.idx.msk $0xffff, v16  }
0x7c: {  	v14 =	vadd.s32 v2, v29;
	v16 =	vor.u32 $0x6, v41;
	v32 =	vadd.f32 v32, v6;
	v41 =	vld [tilespmem:s25+$0xF0];
	s25 =	smov.u32 s28  }
0x7d: {  	v26 =	vshll.u32 v26, v1;
	v21 =	vadd.f32 v21, v6;
	v36 =	vadd.f32 v36, v5  }
0x7e: {  	v25 =	vshll.u32 v25, v1;
	v28 =	vadd.f32 v28, v5;
	[tilespmem:v31+s17+$0x0] =	vst.idx.msk $0xffff, v30;
	v30 =	vshrl.u32 v37, $0x3  }
0x7f: {  	v37 =	vbroadcast v26, $0x0;
	v31 =	vld [tilespmem:s28+$0xFFFFFF50];
	v26 =	vshll.u32 v30, v1;
	v30 =	vadd.f32 v40, v6;
	[tilespmem:v15+s17+$0x0] =	vst.idx.msk $0xffff, v21  }
0x80: {  	v15 =	vbroadcast v25, $0x0;
	v21 =	vadd.s32 v14, v22;
	v25 =	vadd.f32 v39, v6;
	[tilespmem:v23+s17+$0x0] =	vst.idx.msk $0xffff, v32  }
0x81: {  	v32 =	vadd.s32 v14, v37;
	v39 =	vadd.f32 v42, v5;
	v23 =	vld [tilespmem:s28+$0xFFFFFF80];
	v40 =	vadd.f32 v41, v6  }
0x82: {  	v33 =	vshll.u32 v33, v1;
	v41 =	vadd.s32 v14, v17;
	[tilespmem:v12+s17+$0x0] =	vst.idx.msk $0xffff, v25  }
0x83: {  	v12 =	vadd.s32 v27, v37;
	v25 =	vbroadcast v26, $0x0;
	v26 =	vadd.s32 v27, v35;
	[tilespmem:v9+s17+$0x0] =	vst.idx.msk $0xffff, v40  }
0x84: {  	v29 =	vadd.s32 v3, v29;
	v9 =	vor.u32 $0x2, v12;
	v12 =	vadd.f32 v13, v6;
	[tilespmem:v11+s17+$0x0] =	vst.idx.msk $0xffff, v30  }
0x85: {  	v13 =	vor.u32 $0x1, v41;
	v11 =	vadd.f32 v31, v8;
	[tilespmem:v34+s17+$0x0] =	vst.idx.msk $0xffff, v28;
	v28 =	vadd.s32 v27, v15  }
0x86: {  	v31 =	vadd.s32 v29, v22;
	v34 =	vor.u32 $0x7, v26;
	v30 =	vld [tilespmem:s28+$0xFFFFFF10];
	v23 =	vadd.f32 v23, v5;
	[tilespmem:v10+s17+$0x0] =	vst.idx.msk $0xffff, v12  }
0x87: {  	v12 =	vor.u32 $0x2, v32;
	v10 =	vadd.s32 v27, v25;
	v32 =	vadd.s32 v14, v35;
	[tilespmem:v16+s17+$0x0] =	vst.idx.msk $0xffff, v36  }
0x88: {  	v26 =	vor.u32 $0x4, v28;
	v28 =	vor.u32 $0x5, v10;
	v36 =	vor.u32 $0x6, v21;
	v10 =	vld [tilespmem:s28+$0x90]  }
0x89: {  	v33 =	vbroadcast v33, $0x0;
	v40 =	vadd.s32 v24, v14;
	v16 =	vadd.s32 v24, v29;
	[tilespmem:v9+s17+$0x0] =	vst.idx.msk $0xffff, v23  }
0x8a: {  	v43 =	vadd.s32 v29, v35;
	v42 =	vadd.s32 v14, v25;
	v9 =	vadd.s32 v20, v35;
	v41 =	vld [tilespmem:s28+$0xFFFFFF90]  }
0x8b: {  	v21 =	vadd.s32 v29, v37;
	v9 =	vor.u32 $0x7, v9;
	[tilespmem:v13+s17+$0x0] =	vst.idx.msk $0xffff, v11;
	v11 =	vadd.s32 v27, v33  }
0x8c: {  	v23 =	vadd.s32 v29, v17;
	v13 =	vadd.f32 v30, v8;
	v27 =	vadd.s32 v20, v33  }
0x8d: {  	v35 =	vor.u32 $0x1, v23;
	v23 =	vadd.s32 v14, v15;
	v30 =	vld [tilespmem:s28+$0xFFFFFF60];
	[tilespmem:v26+s17+$0x0] =	vst.idx.msk $0xffff, v38;
	v26 =	vadd.f32 v10, v8  }
0x8e: {  	v11 =	vor.u32 $0x3, v11;
	[tilespmem:v40+s17+$0x0] =	vst.idx.msk $0xffff, v13;
	v38 =	vld [tilespmem:s28+$0x10];
	v40 =	vor.u32 $0x4, v23;
	v23 =	vadd.s32 v29, v15  }
0x8f: {  	v10 =	vor.u32 $0x3, v27;
	v27 =	vadd.s32 v29, v25;
	v44 =	vld [tilespmem:s28+$0xFFFFFF20];
	v41 =	vadd.f32 v41, v8;
	[tilespmem:v36+s17+$0x0] =	vst.idx.msk $0xffff, v26  }
0x90: {  	v36 =	vadd.s32 v14, v33;
	v26 =	vadd.s32 v20, v25;
	[tilespmem:v28+s17+$0x0] =	vst.idx.msk $0xffff, v19;
	v28 =	vld [tilespmem:s28+$0xA0];
	v19 =	vor.u32 $0x6, v31  }
0x91: {  	v13 =	vadd.s32 v24, v20;
	v25 =	vadd.s32 v29, v33;
	v14 =	vor.u32 $0x7, v43;
	v33 =	vld [tilespmem:s28+$0x50];
	[tilespmem:v34+s17+$0x0] =	vst.idx.msk $0xffff, v39  }
.Ltmp0:
0x92: {  	v15 =	vadd.s32 v20, v15;
	v24 =	vor.u32 $0x7, v32;
	v30 =	vadd.f32 v30, v7;
	[tilespmem:v12+s17+$0x0] =	vst.idx.msk $0xffff, v41;
	(pc) =	sbr.rel @p0 .LBB2_2-.Ltmp0, $4  }
0x93: {  	v12 =	vadd.s32 v20, v37;
	v29 =	vld [tilespmem:s28+$0xFFFFFFA0];
	[tilespmem:v11+s17+$0x0] =	vst.idx.msk $0xffff, v18;
	v18 =	vor.u32 $0x3, v36;
	v11 =	vadd.f32 v38, v8  }
0x94: {  	v32 =	vor.u32 $0x5, v42;
	v34 =	vadd.s32 v20, v17;
	v20 =	vadd.s32 v20, v22;
	[tilespmem:v35+s17+$0x0] =	vst.idx.msk $0xffff, v30;
	v30 =	vld [tilespmem:s28+$0xFFFFFFD0]  }
0x95: {  	v12 =	vor.u32 $0x2, v12;
	v17 =	vld [tilespmem:s28+$0xFFFFFF70];
	[tilespmem:v40+s17+$0x0] =	vst.idx.msk $0xffff, v11;
	v11 =	vor.u32 $0x4, v15;
	v15 =	vor.u32 $0x6, v20  }
0x96: {  	v31 =	vadd.f32 v44, v7;
	v20 =	vor.u32 $0x1, v34;
	s28 =	sadd.s32 $0x200, s28;
	v22 =	vld [tilespmem:s25+$0x20];
	v33 =	vadd.f32 v33, v8  }
0x97: {  	v5 =	vld [tilespmem:s25+$0xD0];
	_ =	sdelay $0x4  }
0x98: {  	[tilespmem:v32+s17+$0x0] =	vst.idx.msk $0xffff, v33;
	v5 =	vadd.f32 v5, v8  }
0x99: {  	v32 =	vld [tilespmem:s25+$0x60]  }
0x9a: {  	v50 =	vadd.f32 v30, v8;
	[tilespmem:v24+s17+$0x0] =	vst.idx.msk $0xffff, v5  }
0x9b: {  	v5 =	vor.u32 $0x5, v27;
	v24 =	vld [tilespmem:s25+$0xE0]  }
0x9c: {  	v21 =	vor.u32 $0x2, v21;
	[tilespmem:v18+s17+$0x0] =	vst.idx.msk $0xffff, v50  }
0x9d: {  	v51 =	vadd.f32 v28, v7;
	v18 =	vld [tilespmem:s25+$0xFFFFFFE0]  }
0x9e: {  	v23 =	vor.u32 $0x4, v23;
	[tilespmem:v16+s17+$0x0] =	vst.idx.msk $0xffff, v31;
	v52 =	vadd.f32 v32, v7  }
0x9f: {  	v25 =	vor.u32 $0x3, v25;
	v53 =	vadd.f32 v29, v7;
	[tilespmem:v19+s17+$0x0] =	vst.idx.msk $0xffff, v51;
	v54 =	vld [tilespmem:s25+$0xFFFFFF30]  }
0xa0: {  	v19 =	vld [tilespmem:s25+$0xB0];
	[tilespmem:v5+s17+$0x0] =	vst.idx.msk $0xffff, v52;
	v5 =	vadd.f32 v24, v7  }
0xa1: {  	v55 =	vadd.f32 v22, v7;
	[tilespmem:v21+s17+$0x0] =	vst.idx.msk $0xffff, v53;
	v56 =	vld [tilespmem:s25+$0x70]  }
0xa2: {  	v57 =	vld [tilespmem:s25+$0xFFFFFFB0];
	v7 =	vadd.f32 v18, v7;
	[tilespmem:v14+s17+$0x0] =	vst.idx.msk $0xffff, v5  }
0xa3: {  	v58 =	vadd.f32 v17, v6;
	[tilespmem:v23+s17+$0x0] =	vst.idx.msk $0xffff, v55;
	v5 =	vor.u32 $0x5, v26;
	v59 =	vld [tilespmem:s25+$0xF0]  }
0xa4: {  	v8 =	vadd.f32 v54, v6;
	[tilespmem:v25+s17+$0x0] =	vst.idx.msk $0xffff, v7;
	v7 =	vld [tilespmem:s25+$0x30]  }
0xa5: {  	[tilespmem:v20+s17+$0x0] =	vst.idx.msk $0xffff, v58;
	v61 =	vadd.f32 v19, v6;
	v60 =	vld [tilespmem:s25+$0xFFFFFFF0]  }
0xa6: {  	[tilespmem:v13+s17+$0x0] =	vst.idx.msk $0xffff, v8;
	v62 =	vadd.f32 v56, v6  }
0xa7: {  	[tilespmem:v15+s17+$0x0] =	vst.idx.msk $0xffff, v61;
	v63 =	vadd.f32 v57, v6  }
0xa8: {  	[tilespmem:v5+s17+$0x0] =	vst.idx.msk $0xffff, v62;
	v5 =	vadd.f32 v59, v6  }
0xa9: {  	[tilespmem:v12+s17+$0x0] =	vst.idx.msk $0xffff, v63;
	v7 =	vadd.f32 v7, v6  }
0xaa: {  	[tilespmem:v9+s17+$0x0] =	vst.idx.msk $0xffff, v5;
	v5 =	vadd.f32 v60, v6  }
0xab: {  	s2 =	simm.s32 $0x10400;
	[tilespmem:v11+s17+$0x0] =	vst.idx.msk $0xffff, v7  }
0xac: {  	s28 =	sadd.s32 $0x0, s11;
	s26 =	simm.s32 $0x10490;
	s25 =	simm.s32 $0x10;
	[tilespmem:v10+s17+$0x0] =	vst.idx.msk $0xffff, v5  }
.LBB2_4:
0xad: {  	[hbm4b:s28+s3] =	stream.linear.scatter [tilespmem:s2], [sflag:$0x3], $0x80, $0x38;
	[tilespmem:$0x1C600] =	vst v63  }
0xae: {  	s7 =	smov.u32 s25;
	s2 =	smov.u32 s26;
	p0 =	sne.s32 s25, $0x1F0  }
.Ltmp1:
0xaf: {  	s25 =	sadd.s32 $0x10, s25;
	(pc) =	sbr.rel @p0 .LBB2_4-.Ltmp1, $2  }
0xb0: {  	_ =	sdelay $0x2  }
0xb1: {  	s26 =	sadd.s32 $0x90, s26;
	s28 =	sadd.s32 s7, s11  }
0xb2: {  	[hbm4b:s28+s3] =	stream.linear.scatter [tilespmem:s2], [sflag:$0x3], $0x80, $0x38;
	[tilespmem:$0x1C600] =	vst v63  }
0xb3: {  	s2 =	sadd.s32 $0x1000, s11;
	s25 =	simm.s32 $0x11600  }
0xb4: {  	s26 =	simm.s32 $0x10;
	s28 =	simm.s32 $0x11690;
	s29 =	sadd.s32 $0x0, s2  }
.LBB2_6:
0xb5: {  	[hbm4b:s29+s3] =	stream.linear.scatter [tilespmem:s25], [sflag:$0x3], $0x80, $0x38;
	[tilespmem:$0x1C600] =	vst v63  }
0xb6: {  	s7 =	smov.u32 s26;
	s25 =	smov.u32 s28;
	p0 =	sne.s32 s26, $0x1F0  }
.Ltmp2:
0xb7: {  	s26 =	sadd.s32 $0x10, s26;
	(pc) =	sbr.rel @p0 .LBB2_6-.Ltmp2, $2  }
0xb8: {  	_ =	sdelay $0x2  }
0xb9: {  	s28 =	sadd.s32 $0x90, s28;
	s29 =	sadd.s32 s7, s2  }
0xba: {  	[hbm4b:s29+s3] =	stream.linear.scatter [tilespmem:s25], [sflag:$0x3], $0x80, $0x38;
	[tilespmem:$0x1C600] =	vst v63  }
0xbb: {  	s2 =	sadd.s32 $0x2000, s11;
	s25 =	simm.s32 $0x12800  }
0xbc: {  	s26 =	simm.s32 $0x10;
	s28 =	simm.s32 $0x12890;
	s29 =	sadd.s32 $0x0, s2  }
.LBB2_8:
0xbd: {  	[hbm4b:s29+s3] =	stream.linear.scatter [tilespmem:s25], [sflag:$0x3], $0x80, $0x38;
	[tilespmem:$0x1C600] =	vst v63  }
0xbe: {  	s7 =	smov.u32 s26;
	s25 =	smov.u32 s28;
	p0 =	sne.s32 s26, $0x1F0  }
.Ltmp3:
0xbf: {  	s26 =	sadd.s32 $0x10, s26;
	(pc) =	sbr.rel @p0 .LBB2_8-.Ltmp3, $2  }
0xc0: {  	_ =	sdelay $0x2  }
0xc1: {  	s28 =	sadd.s32 $0x90, s28;
	s29 =	sadd.s32 s7, s2  }
0xc2: {  	[hbm4b:s29+s3] =	stream.linear.scatter [tilespmem:s25], [sflag:$0x3], $0x80, $0x38;
	[tilespmem:$0x1C600] =	vst v63  }
0xc3: {  	s2 =	sadd.s32 $0x3000, s11;
	s25 =	simm.s32 $0x13A00  }
0xc4: {  	s26 =	simm.s32 $0x10;
	s28 =	simm.s32 $0x13A90;
	s29 =	sadd.s32 $0x0, s2  }
.LBB2_10:
0xc5: {  	[hbm4b:s29+s3] =	stream.linear.scatter [tilespmem:s25], [sflag:$0x3], $0x80, $0x38;
	[tilespmem:$0x1C600] =	vst v63  }
0xc6: {  	s7 =	smov.u32 s26;
	s25 =	smov.u32 s28;
	p0 =	sne.s32 s26, $0x1F0  }
.Ltmp4:
0xc7: {  	s26 =	sadd.s32 $0x10, s26;
	(pc) =	sbr.rel @p0 .LBB2_10-.Ltmp4, $2  }
0xc8: {  	_ =	sdelay $0x2  }
0xc9: {  	s28 =	sadd.s32 $0x90, s28;
	s29 =	sadd.s32 s7, s2  }
0xca: {  	[hbm4b:s29+s3] =	stream.linear.scatter [tilespmem:s25], [sflag:$0x3], $0x80, $0x38;
	[tilespmem:$0x1C600] =	vst v63  }
0xcb: {  	s2 =	sadd.s32 $0x4000, s11;
	s25 =	simm.s32 $0x14C00  }
0xcc: {  	s26 =	simm.s32 $0x10;
	s28 =	simm.s32 $0x14C90;
	s29 =	sadd.s32 $0x0, s2  }
.LBB2_12:
0xcd: {  	[hbm4b:s29+s3] =	stream.linear.scatter [tilespmem:s25], [sflag:$0x3], $0x80, $0x38;
	[tilespmem:$0x1C600] =	vst v63  }
0xce: {  	s7 =	smov.u32 s26;
	s25 =	smov.u32 s28;
	p0 =	sne.s32 s26, $0x1F0  }
.Ltmp5:
0xcf: {  	s26 =	sadd.s32 $0x10, s26;
	(pc) =	sbr.rel @p0 .LBB2_12-.Ltmp5, $2  }
0xd0: {  	_ =	sdelay $0x2  }
0xd1: {  	s28 =	sadd.s32 $0x90, s28;
	s29 =	sadd.s32 s7, s2  }
0xd2: {  	[hbm4b:s29+s3] =	stream.linear.scatter [tilespmem:s25], [sflag:$0x3], $0x80, $0x38;
	[tilespmem:$0x1C600] =	vst v63  }
0xd3: {  	s2 =	sadd.s32 $0x5000, s11;
	s25 =	simm.s32 $0x15E00  }
0xd4: {  	s26 =	simm.s32 $0x10;
	s28 =	simm.s32 $0x15E90;
	s29 =	sadd.s32 $0x0, s2  }
.LBB2_14:
0xd5: {  	[hbm4b:s29+s3] =	stream.linear.scatter [tilespmem:s25], [sflag:$0x3], $0x80, $0x38;
	[tilespmem:$0x1C600] =	vst v63  }
0xd6: {  	s7 =	smov.u32 s26;
	s25 =	smov.u32 s28;
	p0 =	sne.s32 s26, $0x1F0  }
.Ltmp6:
0xd7: {  	s26 =	sadd.s32 $0x10, s26;
	(pc) =	sbr.rel @p0 .LBB2_14-.Ltmp6, $2  }
0xd8: {  	_ =	sdelay $0x2  }
0xd9: {  	s28 =	sadd.s32 $0x90, s28;
	s29 =	sadd.s32 s7, s2  }
0xda: {  	[hbm4b:s29+s3] =	stream.linear.scatter [tilespmem:s25], [sflag:$0x3], $0x80, $0x38;
	[tilespmem:$0x1C600] =	vst v63  }
0xdb: {  	s2 =	sadd.s32 $0x6000, s11;
	s25 =	simm.s32 $0x17000  }
0xdc: {  	s26 =	simm.s32 $0x10;
	s28 =	simm.s32 $0x17090;
	s29 =	sadd.s32 $0x0, s2  }
.LBB2_16:
0xdd: {  	[hbm4b:s29+s3] =	stream.linear.scatter [tilespmem:s25], [sflag:$0x3], $0x80, $0x38;
	[tilespmem:$0x1C600] =	vst v63  }
0xde: {  	s7 =	smov.u32 s26;
	s25 =	smov.u32 s28;
	p0 =	sne.s32 s26, $0x1F0  }
.Ltmp7:
0xdf: {  	s26 =	sadd.s32 $0x10, s26;
	(pc) =	sbr.rel @p0 .LBB2_16-.Ltmp7, $2  }
0xe0: {  	_ =	sdelay $0x2  }
0xe1: {  	s28 =	sadd.s32 $0x90, s28;
	s29 =	sadd.s32 s7, s2  }
0xe2: {  	[hbm4b:s29+s3] =	stream.linear.scatter [tilespmem:s25], [sflag:$0x3], $0x80, $0x38;
	[tilespmem:$0x1C600] =	vst v63  }
0xe3: {  	s2 =	sadd.s32 $0x7000, s11;
	s25 =	simm.s32 $0x18200  }
0xe4: {  	s26 =	simm.s32 $0x10;
	s28 =	simm.s32 $0x18290;
	s29 =	sadd.s32 $0x0, s2  }
.LBB2_18:
0xe5: {  	[hbm4b:s29+s3] =	stream.linear.scatter [tilespmem:s25], [sflag:$0x3], $0x80, $0x38;
	[tilespmem:$0x1C600] =	vst v63  }
0xe6: {  	s7 =	smov.u32 s26;
	s25 =	smov.u32 s28;
	p0 =	sne.s32 s26, $0x1F0  }
.Ltmp8:
0xe7: {  	s26 =	sadd.s32 $0x10, s26;
	(pc) =	sbr.rel @p0 .LBB2_18-.Ltmp8, $2  }
0xe8: {  	_ =	sdelay $0x2  }
0xe9: {  	s28 =	sadd.s32 $0x90, s28;
	s29 =	sadd.s32 s7, s2  }
0xea: {  	[hbm4b:s29+s3] =	stream.linear.scatter [tilespmem:s25], [sflag:$0x3], $0x80, $0x38;
	[tilespmem:$0x1C600] =	vst v63  }
0xeb: {  	s2 =	rddreg [dreg:$0x7]  }
0xec: {  	[tilespmem:s3], [sflag:$0x4] =	stream.linear.gather [hbm4b:s2+s3], $0x200, $0x38;
	[tilespmem:$0x1C600] =	vst v63  }
0xed: {  	_ =	swait.ge [sflag:s23], $0x200  }
0xee: {  	[sflag:s23] =	ssyncset.done $0x0  }
0xef: {  	s7 =	simm.s32 $0x400;
	[sflag:s23] =	ssyncadd.s32 $0xFFFFFE00  }
0xf0: {  	[tilespmem:s7], [sflag:$0x1] =	stream.indirect.gather [hbm4b:s6+s24], $0x40, s3, s24, $0xb8;
	[tilespmem:$0x1C600] =	vst v63  }
0xf1: {  	s8 =	simm.s32 $0x2400  }
0xf2: {  	[tilespmem:s8], [sflag:$0x1] =	stream.indirect.gather [hbm4b:s6+s24], $0x40, s24, s24, $0xb8;
	[tilespmem:$0x1C600] =	vst v63  }
0xf3: {  	s9 =	simm.s32 $0x100;
	s7 =	simm.s32 $0x4400  }
0xf4: {  	[tilespmem:s7], [sflag:$0x1] =	stream.indirect.gather [hbm4b:s6+s24], $0x40, s9, s24, $0xb8;
	[tilespmem:$0x1C600] =	vst v63  }
0xf5: {  	s12 =	simm.s32 $0x180;
	s14 =	simm.s32 $0x6400  }
0xf6: {  	[tilespmem:s14], [sflag:$0x1] =	stream.indirect.gather [hbm4b:s6+s24], $0x40, s12, s24, $0xb8;
	[tilespmem:$0x1C600] =	vst v63  }
0xf7: {  	_ =	swait.ge [sflag:s19], $0x2000  }
0xf8: {  	[sflag:s19] =	ssyncset.done $0x0  }
0xf9: {  	[sflag:s19] =	ssyncadd.s32 $0xFFFFE000  }
0xfa: {  	_ =	swait.ge [sflag:s19], $0x2000  }
0xfb: {  	[sflag:s19] =	ssyncset.done $0x0  }
0xfc: {  	[sflag:s19] =	ssyncadd.s32 $0xFFFFE000  }
0xfd: {  	_ =	swait.ge [sflag:s19], $0x2000  }
0xfe: {  	[sflag:s19] =	ssyncset.done $0x0  }
0xff: {  	[sflag:s19] =	ssyncadd.s32 $0xFFFFE000  }
0x100: {  	_ =	swait.ge [sflag:s19], $0x2000  }
0x101: {  	[sflag:s19] =	ssyncset.done $0x0  }
0x102: {  	[sflag:s19] =	ssyncadd.s32 $0xFFFFE000  }
0x103: {  	_ =	swait.ge [sflag:s10], $0x8000  }
0x104: {  	[sflag:s10] =	ssyncset.done $0x0  }
0x105: {  	s8 =	rddreg [dreg:$0x6];
	[sflag:s10] =	ssyncadd.s32 $0xFFFF8000  }
0x106: {  	s25 =	simm.s32 $0x8500;
	s22 =	simm.s32 $0x1;
	v5 =	vld [tilespmem:s8+$0x19400]  }
0x107: {  	s29 =	simm.s32 $0x0;
	s31 =	simm.s32 $0x7;
	s2 =	sand.u32 $0x78, s22;
	v6 =	vld [tilespmem:s25+$0xFFFFFF40]  }
0x108: {  	s26 =	simm.s32 $0x0;
	v8 =	vmov s29;
	s29 =	simm.s32 $0x3;
	v9 =	vmov s2;
	s2 =	sand.u32 $0x78, s31;
	v7 =	vld [tilespmem:s25+$0x40]  }
0x109: {  	s30 =	sand.u32 $0x78, s26;
	v12 =	vmov s2;
	s2 =	sand.u32 $0x78, s29;
	v10 =	vld [tilespmem:s25+$0xFFFFFFC0]  }
0x10a: {  	s22 =	simm.s32 $0x2;
	v11 =	vmov s30;
	s30 =	simm.s32 $0x5;
	v20 =	vmov s2;
	s14 =	simm.s32 $0x4;
	v21 =	vld [tilespmem:s25+$0xFFFFFF00]  }
0x10b: {  	v8 =	vmul.u32 $0x480, v8;
	s31 =	sand.u32 $0x78, s30;
	v9 =	vshrl.u32 v9, $0x3;
	v20 =	vshrl.u32 v20, $0x3;
	s12 =	sand.u32 $0x78, s22;
	s22 =	sand.u32 $0x78, s14;
	v27 =	vld [tilespmem:s25+$0xC0]  }
0x10c: {  	v23 =	vmov s31;
	v20 =	vshll.u32 v20, v1;
	v16 =	vmov s22  }
0x10d: {  	s28 =	simm.s32 $0x6;
	v20 =	vbroadcast v20, $0x0;
	v14 =	vmov s12;
	v16 =	vshrl.u32 v16, $0x3  }
0x10e: {  	s9 =	sand.u32 $0x78, s28;
	v13 =	vadd.f32 v6, v5;
	v6 =	vshll.u32 v9, v1;
	v17 =	vadd.f32 v7, v5  }
0x10f: {  	v9 =	vmov s9;
	v18 =	vadd.f32 v10, v5;
	v21 =	vadd.f32 v21, v5  }
0x110: {  	v34 =	vadd.f32 v27, v5;
	v15 =	vbroadcast v6, $0x0;
	v6 =	vshrl.u32 v12, $0x3  }
0x111: {  	v12 =	vbroadcast v8, $0x0;
	v7 =	vshrl.u32 v9, $0x3;
	v8 =	vshrl.u32 v11, $0x3  }
0x112: {  	v11 =	vshrl.u32 v14, $0x3;
	v7 =	vshll.u32 v7, v1;
	v8 =	vshll.u32 v8, v1  }
0x113: {  	v25 =	vshll.u32 v6, v1;
	v11 =	vshll.u32 v11, v1;
	v10 =	vadd.s32 v0, v12  }
0x114: {  	v9 =	vld [tilespmem:s25+$0x0];
	v22 =	vbroadcast v8, $0x0;
	v31 =	vadd.s32 v4, v12;
	v33 =	vbroadcast v7, $0x0  }
0x115: {  	v25 =	vbroadcast v25, $0x0;
	v28 =	vadd.s32 v2, v12;
	v19 =	vadd.s32 v10, v15  }
0x116: {  	v11 =	vbroadcast v11, $0x0;
	v12 =	vadd.s32 v3, v12;
	v19 =	vor.u32 $0x1, v19  }
0x117: {  	v14 =	vld [tilespmem:s25+$0x80];
	v27 =	vadd.s32 v28, v15;
	v48 =	vadd.s32 v28, v20;
	v24 =	vadd.s32 v22, v10  }
0x118: {  	v6 =	vld [tilespmem:s8+$0x19430];
	v63 =	vadd.s32 v31, v15;
	v30 =	vadd.s32 v28, v11;
	v32 =	vadd.s32 v10, v11  }
0x119: {  	v8 =	vld [tilespmem:s8+$0x19410];
	v27 =	vor.u32 $0x1, v27;
	v26 =	vadd.f32 v9, v5;
	v9 =	vadd.s32 v10, v33  }
0x11a: {  	v7 =	vld [tilespmem:s8+$0x19420];
	v38 =	vadd.s32 v28, v25;
	v40 =	vadd.s32 v22, v28;
	v9 =	vor.u32 $0x6, v9  }
0x11b: {  	v42 =	vadd.s32 v12, v25;
	[tilespmem:v19+s17+$0x0] =	vst.idx.msk $0xffff, v13;
	v13 =	vshll.u32 v16, v1;
	v16 =	vshrl.u32 v23, $0x3;
	v23 =	vld [tilespmem:s25+$0xFFFFFF80]  }
0x11c: {  	v14 =	vadd.f32 v14, v5;
	v32 =	vor.u32 $0x2, v32;
	[tilespmem:v24+s17+$0x0] =	vst.idx.msk $0xffff, v21;
	v19 =	vld [tilespmem:s25+$0xFFFFFF50];
	v29 =	vbroadcast v13, $0x0  }
0x11d: {  	v24 =	vadd.s32 v12, v33;
	v16 =	vshll.u32 v16, v1;
	v13 =	vadd.s32 v28, v33  }
0x11e: {  	v35 =	vbroadcast v16, $0x0;
	v16 =	vadd.s32 v10, v25;
	v36 =	vadd.s32 v10, v29  }
0x11f: {  	[tilespmem:v9+s17+$0x0] =	vst.idx.msk $0xffff, v14;
	v9 =	vadd.s32 v31, v25;
	v25 =	vadd.s32 v31, v20;
	v14 =	vor.u32 $0x4, v36  }
0x120: {  	v37 =	vor.u32 $0x7, v16;
	v16 =	vadd.s32 v10, v35;
	v21 =	vadd.f32 v23, v5;
	v23 =	vld [tilespmem:s25+$0xFFFFFF10]  }
0x121: {  	v39 =	vld [tilespmem:s25+$0x90];
	v41 =	vadd.s32 v28, v35;
	v61 =	vor.u32 $0x5, v16;
	v19 =	vadd.f32 v19, v8  }
0x122: {  	v13 =	vor.u32 $0x6, v13;
	v10 =	vadd.s32 v10, v20;
	v16 =	vadd.s32 v22, v12;
	[tilespmem:v32+s17+$0x0] =	vst.idx.msk $0xffff, v21  }
0x123: {  	v45 =	vor.u32 $0x3, v10;
	v10 =	vor.u32 $0x3, v25;
	v25 =	vadd.s32 v12, v20;
	v32 =	vld [tilespmem:s25+$0xFFFFFF90];
	[tilespmem:v27+s17+$0x0] =	vst.idx.msk $0xffff, v19  }
0x124: {  	v30 =	vor.u32 $0x2, v30;
	v20 =	vadd.s32 v31, v29;
	v21 =	vadd.s32 v12, v11;
	v43 =	vld [tilespmem:s25+$0xFFFFFF60];
	[tilespmem:v14+s17+$0x0] =	vst.idx.msk $0xffff, v26  }
0x125: {  	v11 =	vadd.s32 v31, v11;
	v19 =	vadd.f32 v23, v8;
	v23 =	vadd.s32 v12, v15;
	v46 =	vld [tilespmem:s25+$0x10]  }
0x126: {  	v39 =	vadd.f32 v39, v8;
	v14 =	vadd.s32 v28, v29;
	[tilespmem:v61+s17+$0x0] =	vst.idx.msk $0xffff, v17;
	v44 =	vor.u32 $0x1, v23  }
0x127: {  	v27 =	vadd.s32 v12, v35;
	v26 =	vadd.s32 v31, v35;
	v47 =	vor.u32 $0x4, v14;
	v62 =	vld [tilespmem:s25+$0x50];
	[tilespmem:v40+s17+$0x0] =	vst.idx.msk $0xffff, v19  }
0x128: {  	v9 =	vor.u32 $0x7, v9;
	[tilespmem:v13+s17+$0x0] =	vst.idx.msk $0xffff, v39;
	v13 =	vadd.s32 v22, v31;
	v32 =	vadd.f32 v32, v8;
	v40 =	vld [tilespmem:s25+$0xFFFFFF20]  }
0x129: {  	v14 =	vor.u32 $0x7, v42;
	[tilespmem:v45+s17+$0x0] =	vst.idx.msk $0xffff, v18;
	v23 =	vadd.s32 v12, v29;
	v28 =	vld [tilespmem:s25+$0xA0];
	v12 =	vadd.f32 v43, v7  }
0x12a: {  	v18 =	vor.u32 $0x3, v48;
	v15 =	vadd.s32 v31, v33;
	[tilespmem:v30+s17+$0x0] =	vst.idx.msk $0xffff, v32;
	v22 =	vadd.f32 v46, v8;
	v30 =	vld [tilespmem:s25+$0xFFFFFFD0]  }
0x12b: {  	v15 =	vor.u32 $0x6, v15;
	v19 =	vor.u32 $0x6, v24;
	v24 =	vor.u32 $0x7, v38;
	v29 =	vld [tilespmem:s25+$0xFFFFFFA0];
	[tilespmem:v44+s17+$0x0] =	vst.idx.msk $0xffff, v12  }
0x12c: {  	v32 =	vor.u32 $0x5, v41;
	v12 =	vor.u32 $0x2, v11;
	v11 =	vor.u32 $0x4, v20;
	v17 =	vld [tilespmem:s25+$0xFFFFFF70];
	[tilespmem:v47+s17+$0x0] =	vst.idx.msk $0xffff, v22  }
0x12d: {  	s28 =	simm.s32 $0x8700;
	[tilespmem:v37+s17+$0x0] =	vst.idx.msk $0xffff, v34;
	v20 =	vor.u32 $0x1, v63;
	v33 =	vadd.f32 v62, v8;
	v31 =	vadd.f32 v40, v7;
	v22 =	vld [tilespmem:s25+$0x20]  }
.LBB2_20:
0x12e: {  	s2 =	sadd.s32 $0x9, s26  }
0x12f: {  	v34 =	vld [tilespmem:s28+$0xFFFFFF40];
	s7 =	sadd.s32 $0xA, s26;
	v35 =	vor.u32 $0x4, v23;
	v23 =	vor.u32 $0x5, v26;
	v26 =	vadd.f32 v28, v7;
	s22 =	smov.u32 s26;
	s26 =	sadd.s32 $0x8, s26  }
0x130: {  	v21 =	vor.u32 $0x2, v21;
	v27 =	vor.u32 $0x5, v27;
	s29 =	sshrl.u32 s26, $0x7;
	s2 =	sand.u32 $0x78, s2;
	s30 =	sadd.s32 $0xE, s22;
	v28 =	vadd.f32 v29, v7;
	v29 =	vld [tilespmem:s25+$0xD0]  }
0x131: {  	s31 =	sadd.s32 $0xF, s22;
	v36 =	vmov s29;
	s29 =	sand.u32 $0x78, s26;
	v37 =	vmov s2;
	s2 =	sadd.s32 $0xC, s22;
	v38 =	vld [tilespmem:s28+$0x40];
	v30 =	vadd.f32 v30, v8;
	[tilespmem:v32+s17+$0x0] =	vst.idx.msk $0xffff, v33  }
0x132: {  	p0 =	slt.u32 s26, $0x1F8;
	s31 =	sand.u32 $0x78, s31;
	v32 =	vmov s29;
	v33 =	vmul.u32 $0x480, v36;
	s29 =	sadd.s32 $0xD, s22;
	[tilespmem:v16+s17+$0x0] =	vst.idx.msk $0xffff, v31;
	v16 =	vadd.f32 v17, v6;
	v31 =	vld [tilespmem:s25+$0x60]  }
0x133: {  	v25 =	vor.u32 $0x3, v25;
	s30 =	sand.u32 $0x78, s30;
	s22 =	sadd.s32 $0xB, s22;
	s2 =	sand.u32 $0x78, s2;
	v39 =	vmov s31;
	v36 =	vld [tilespmem:s28+$0xFFFFFFC0];
	[tilespmem:v18+s17+$0x0] =	vst.idx.msk $0xffff, v30;
	v17 =	vadd.f32 v22, v7  }
0x134: {  	s7 =	sand.u32 $0x78, s7;
	v18 =	vshrl.u32 v37, $0x3;
	s22 =	sand.u32 $0x78, s22;
	v22 =	vmov s30;
	v30 =	vadd.f32 v34, v5;
	v34 =	vld [tilespmem:s25+$0xFFFFFFE0];
	[tilespmem:v19+s17+$0x0] =	vst.idx.msk $0xffff, v26  }
0x135: {  	v18 =	vshll.u32 v18, v1;
	v26 =	vmov s7;
	v37 =	vld [tilespmem:s25+$0xFFFFFF30];
	[tilespmem:v35+s17+$0x0] =	vst.idx.msk $0xffff, v17;
	v29 =	vadd.f32 v29, v8  }
0x136: {  	v17 =	vbroadcast v18, $0x0;
	v35 =	vshrl.u32 v39, $0x3;
	v19 =	vadd.f32 v38, v5;
	[tilespmem:v21+s17+$0x0] =	vst.idx.msk $0xffff, v28;
	v21 =	vld [tilespmem:s25+$0xB0]  }
0x137: {  	v22 =	vshrl.u32 v22, $0x3;
	v28 =	vmov s2;
	v38 =	vld [tilespmem:s28+$0x0];
	v31 =	vadd.f32 v31, v7;
	[tilespmem:v24+s17+$0x0] =	vst.idx.msk $0xffff, v29  }
0x138: {  	v22 =	vshll.u32 v22, v1;
	v29 =	vbroadcast v33, $0x0;
	v18 =	vadd.f32 v36, v5;
	[tilespmem:v20+s17+$0x0] =	vst.idx.msk $0xffff, v16;
	v16 =	vld [tilespmem:s25+$0xE0]  }
0x139: {  	v26 =	vshrl.u32 v26, $0x3;
	v33 =	vmov s22;
	v36 =	vld [tilespmem:s28+$0x80];
	v20 =	vadd.f32 v34, v7;
	[tilespmem:v27+s17+$0x0] =	vst.idx.msk $0xffff, v31  }
0x13a: {  	s2 =	sand.u32 $0x78, s29;
	v24 =	vshrl.u32 v32, $0x3;
	v27 =	vadd.s32 v0, v29;
	v31 =	vadd.f32 v37, v6;
	v32 =	vld [tilespmem:s25+$0x70]  }
0x13b: {  	v24 =	vshll.u32 v24, v1;
	v34 =	vadd.s32 v27, v17;
	v37 =	vmov s2;
	v39 =	vld [tilespmem:s25+$0xFFFFFFB0];
	[tilespmem:v25+s17+$0x0] =	vst.idx.msk $0xffff, v20  }
0x13c: {  	v24 =	vbroadcast v24, $0x0;
	v20 =	vadd.s32 v4, v29;
	v25 =	vshrl.u32 v28, $0x3;
	[tilespmem:v13+s17+$0x0] =	vst.idx.msk $0xffff, v31;
	v13 =	vld [tilespmem:s25+$0xFFFFFFF0]  }
0x13d: {  	v22 =	vbroadcast v22, $0x0;
	v31 =	vor.u32 $0x1, v34;
	v28 =	vld [tilespmem:s28+$0xFFFFFF00];
	v16 =	vadd.f32 v16, v7  }
0x13e: {  	v35 =	vshll.u32 v35, v1;
	v33 =	vshrl.u32 v33, $0x3;
	v34 =	vadd.s32 v24, v27;
	v40 =	vld [tilespmem:s25+$0x30]  }
0x13f: {  	v35 =	vbroadcast v35, $0x0;
	v41 =	vadd.s32 v27, v22;
	v38 =	vadd.f32 v38, v5;
	v42 =	vld [tilespmem:s28+$0xC0];
	[tilespmem:v14+s17+$0x0] =	vst.idx.msk $0xffff, v16  }
0x140: {  	v14 =	vadd.s32 v2, v29;
	v16 =	vor.u32 $0x6, v41;
	v32 =	vadd.f32 v32, v6;
	v41 =	vld [tilespmem:s25+$0xF0];
	s25 =	smov.u32 s28  }
0x141: {  	v26 =	vshll.u32 v26, v1;
	v21 =	vadd.f32 v21, v6;
	v36 =	vadd.f32 v36, v5  }
0x142: {  	v25 =	vshll.u32 v25, v1;
	v28 =	vadd.f32 v28, v5;
	[tilespmem:v31+s17+$0x0] =	vst.idx.msk $0xffff, v30;
	v30 =	vshrl.u32 v37, $0x3  }
0x143: {  	v37 =	vbroadcast v26, $0x0;
	v31 =	vld [tilespmem:s28+$0xFFFFFF50];
	v26 =	vshll.u32 v30, v1;
	v30 =	vadd.f32 v40, v6;
	[tilespmem:v15+s17+$0x0] =	vst.idx.msk $0xffff, v21  }
0x144: {  	v15 =	vbroadcast v25, $0x0;
	v21 =	vadd.s32 v14, v22;
	v25 =	vadd.f32 v39, v6;
	[tilespmem:v23+s17+$0x0] =	vst.idx.msk $0xffff, v32  }
0x145: {  	v32 =	vadd.s32 v14, v37;
	v39 =	vadd.f32 v42, v5;
	v23 =	vld [tilespmem:s28+$0xFFFFFF80];
	v40 =	vadd.f32 v41, v6  }
0x146: {  	v33 =	vshll.u32 v33, v1;
	v41 =	vadd.s32 v14, v17;
	[tilespmem:v12+s17+$0x0] =	vst.idx.msk $0xffff, v25  }
0x147: {  	v12 =	vadd.s32 v27, v37;
	v25 =	vbroadcast v26, $0x0;
	v26 =	vadd.s32 v27, v35;
	[tilespmem:v9+s17+$0x0] =	vst.idx.msk $0xffff, v40  }
0x148: {  	v29 =	vadd.s32 v3, v29;
	v9 =	vor.u32 $0x2, v12;
	v12 =	vadd.f32 v13, v6;
	[tilespmem:v11+s17+$0x0] =	vst.idx.msk $0xffff, v30  }
0x149: {  	v13 =	vor.u32 $0x1, v41;
	v11 =	vadd.f32 v31, v8;
	[tilespmem:v34+s17+$0x0] =	vst.idx.msk $0xffff, v28;
	v28 =	vadd.s32 v27, v15  }
0x14a: {  	v31 =	vadd.s32 v29, v22;
	v34 =	vor.u32 $0x7, v26;
	v30 =	vld [tilespmem:s28+$0xFFFFFF10];
	v23 =	vadd.f32 v23, v5;
	[tilespmem:v10+s17+$0x0] =	vst.idx.msk $0xffff, v12  }
0x14b: {  	v12 =	vor.u32 $0x2, v32;
	v10 =	vadd.s32 v27, v25;
	v32 =	vadd.s32 v14, v35;
	[tilespmem:v16+s17+$0x0] =	vst.idx.msk $0xffff, v36  }
0x14c: {  	v26 =	vor.u32 $0x4, v28;
	v28 =	vor.u32 $0x5, v10;
	v36 =	vor.u32 $0x6, v21;
	v10 =	vld [tilespmem:s28+$0x90]  }
0x14d: {  	v33 =	vbroadcast v33, $0x0;
	v40 =	vadd.s32 v24, v14;
	v16 =	vadd.s32 v24, v29;
	[tilespmem:v9+s17+$0x0] =	vst.idx.msk $0xffff, v23  }
0x14e: {  	v43 =	vadd.s32 v29, v35;
	v42 =	vadd.s32 v14, v25;
	v9 =	vadd.s32 v20, v35;
	v41 =	vld [tilespmem:s28+$0xFFFFFF90]  }
0x14f: {  	v21 =	vadd.s32 v29, v37;
	v9 =	vor.u32 $0x7, v9;
	[tilespmem:v13+s17+$0x0] =	vst.idx.msk $0xffff, v11;
	v11 =	vadd.s32 v27, v33  }
0x150: {  	v23 =	vadd.s32 v29, v17;
	v13 =	vadd.f32 v30, v8;
	v27 =	vadd.s32 v20, v33  }
0x151: {  	v35 =	vor.u32 $0x1, v23;
	v23 =	vadd.s32 v14, v15;
	v30 =	vld [tilespmem:s28+$0xFFFFFF60];
	[tilespmem:v26+s17+$0x0] =	vst.idx.msk $0xffff, v38;
	v26 =	vadd.f32 v10, v8  }
0x152: {  	v11 =	vor.u32 $0x3, v11;
	[tilespmem:v40+s17+$0x0] =	vst.idx.msk $0xffff, v13;
	v38 =	vld [tilespmem:s28+$0x10];
	v40 =	vor.u32 $0x4, v23;
	v23 =	vadd.s32 v29, v15  }
0x153: {  	v10 =	vor.u32 $0x3, v27;
	v27 =	vadd.s32 v29, v25;
	v44 =	vld [tilespmem:s28+$0xFFFFFF20];
	v41 =	vadd.f32 v41, v8;
	[tilespmem:v36+s17+$0x0] =	vst.idx.msk $0xffff, v26  }
0x154: {  	v36 =	vadd.s32 v14, v33;
	v26 =	vadd.s32 v20, v25;
	[tilespmem:v28+s17+$0x0] =	vst.idx.msk $0xffff, v19;
	v28 =	vld [tilespmem:s28+$0xA0];
	v19 =	vor.u32 $0x6, v31  }
0x155: {  	v13 =	vadd.s32 v24, v20;
	v25 =	vadd.s32 v29, v33;
	v14 =	vor.u32 $0x7, v43;
	v33 =	vld [tilespmem:s28+$0x50];
	[tilespmem:v34+s17+$0x0] =	vst.idx.msk $0xffff, v39  }
.Ltmp9:
0x156: {  	v15 =	vadd.s32 v20, v15;
	v24 =	vor.u32 $0x7, v32;
	v30 =	vadd.f32 v30, v7;
	[tilespmem:v12+s17+$0x0] =	vst.idx.msk $0xffff, v41;
	(pc) =	sbr.rel @p0 .LBB2_20-.Ltmp9, $4  }
0x157: {  	v12 =	vadd.s32 v20, v37;
	v29 =	vld [tilespmem:s28+$0xFFFFFFA0];
	[tilespmem:v11+s17+$0x0] =	vst.idx.msk $0xffff, v18;
	v18 =	vor.u32 $0x3, v36;
	v11 =	vadd.f32 v38, v8  }
0x158: {  	v32 =	vor.u32 $0x5, v42;
	v34 =	vadd.s32 v20, v17;
	v20 =	vadd.s32 v20, v22;
	[tilespmem:v35+s17+$0x0] =	vst.idx.msk $0xffff, v30;
	v30 =	vld [tilespmem:s28+$0xFFFFFFD0]  }
0x159: {  	v12 =	vor.u32 $0x2, v12;
	v17 =	vld [tilespmem:s28+$0xFFFFFF70];
	[tilespmem:v40+s17+$0x0] =	vst.idx.msk $0xffff, v11;
	v11 =	vor.u32 $0x4, v15;
	v15 =	vor.u32 $0x6, v20  }
0x15a: {  	v31 =	vadd.f32 v44, v7;
	v20 =	vor.u32 $0x1, v34;
	s28 =	sadd.s32 $0x200, s28;
	v22 =	vld [tilespmem:s25+$0x20];
	v33 =	vadd.f32 v33, v8  }
0x15b: {  	v5 =	vld [tilespmem:s25+$0xD0];
	_ =	sdelay $0x4  }
0x15c: {  	[tilespmem:v32+s17+$0x0] =	vst.idx.msk $0xffff, v33;
	v5 =	vadd.f32 v5, v8  }
0x15d: {  	v32 =	vld [tilespmem:s25+$0x60]  }
0x15e: {  	v50 =	vadd.f32 v30, v8;
	[tilespmem:v24+s17+$0x0] =	vst.idx.msk $0xffff, v5  }
0x15f: {  	v5 =	vor.u32 $0x5, v27;
	v24 =	vld [tilespmem:s25+$0xE0]  }
0x160: {  	v21 =	vor.u32 $0x2, v21;
	[tilespmem:v18+s17+$0x0] =	vst.idx.msk $0xffff, v50  }
0x161: {  	v51 =	vadd.f32 v28, v7;
	v18 =	vld [tilespmem:s25+$0xFFFFFFE0]  }
0x162: {  	v23 =	vor.u32 $0x4, v23;
	[tilespmem:v16+s17+$0x0] =	vst.idx.msk $0xffff, v31;
	v52 =	vadd.f32 v32, v7  }
0x163: {  	v25 =	vor.u32 $0x3, v25;
	v53 =	vadd.f32 v29, v7;
	[tilespmem:v19+s17+$0x0] =	vst.idx.msk $0xffff, v51;
	v54 =	vld [tilespmem:s25+$0xFFFFFF30]  }
0x164: {  	v19 =	vld [tilespmem:s25+$0xB0];
	[tilespmem:v5+s17+$0x0] =	vst.idx.msk $0xffff, v52;
	v5 =	vadd.f32 v24, v7  }
0x165: {  	v55 =	vadd.f32 v22, v7;
	[tilespmem:v21+s17+$0x0] =	vst.idx.msk $0xffff, v53;
	v56 =	vld [tilespmem:s25+$0x70]  }
0x166: {  	v57 =	vld [tilespmem:s25+$0xFFFFFFB0];
	v7 =	vadd.f32 v18, v7;
	[tilespmem:v14+s17+$0x0] =	vst.idx.msk $0xffff, v5  }
0x167: {  	v58 =	vadd.f32 v17, v6;
	[tilespmem:v23+s17+$0x0] =	vst.idx.msk $0xffff, v55;
	v5 =	vor.u32 $0x5, v26;
	v59 =	vld [tilespmem:s25+$0xF0]  }
0x168: {  	v8 =	vadd.f32 v54, v6;
	[tilespmem:v25+s17+$0x0] =	vst.idx.msk $0xffff, v7;
	v7 =	vld [tilespmem:s25+$0x30]  }
0x169: {  	[tilespmem:v20+s17+$0x0] =	vst.idx.msk $0xffff, v58;
	v61 =	vadd.f32 v19, v6;
	v60 =	vld [tilespmem:s25+$0xFFFFFFF0]  }
0x16a: {  	[tilespmem:v13+s17+$0x0] =	vst.idx.msk $0xffff, v8;
	v62 =	vadd.f32 v56, v6  }
0x16b: {  	[tilespmem:v15+s17+$0x0] =	vst.idx.msk $0xffff, v61;
	v63 =	vadd.f32 v57, v6  }
0x16c: {  	[tilespmem:v5+s17+$0x0] =	vst.idx.msk $0xffff, v62;
	v5 =	vadd.f32 v59, v6  }
0x16d: {  	[tilespmem:v12+s17+$0x0] =	vst.idx.msk $0xffff, v63;
	v7 =	vadd.f32 v7, v6  }
0x16e: {  	[tilespmem:v9+s17+$0x0] =	vst.idx.msk $0xffff, v5;
	v5 =	vadd.f32 v60, v6  }
0x16f: {  	s2 =	simm.s32 $0x10400;
	[tilespmem:v11+s17+$0x0] =	vst.idx.msk $0xffff, v7  }
0x170: {  	s28 =	sadd.s32 $0x0, s13;
	s26 =	simm.s32 $0x10490;
	s25 =	simm.s32 $0x10;
	[tilespmem:v10+s17+$0x0] =	vst.idx.msk $0xffff, v5  }
.LBB2_22:
0x171: {  	[hbm4b:s28+s3] =	stream.linear.scatter [tilespmem:s2], [sflag:$0x3], $0x80, $0x38;
	[tilespmem:$0x1C600] =	vst v63  }
0x172: {  	s7 =	smov.u32 s25;
	s2 =	smov.u32 s26;
	p0 =	sne.s32 s25, $0x1F0  }
.Ltmp10:
0x173: {  	s25 =	sadd.s32 $0x10, s25;
	(pc) =	sbr.rel @p0 .LBB2_22-.Ltmp10, $2  }
0x174: {  	_ =	sdelay $0x2  }
0x175: {  	s26 =	sadd.s32 $0x90, s26;
	s28 =	sadd.s32 s7, s13  }
0x176: {  	[hbm4b:s28+s3] =	stream.linear.scatter [tilespmem:s2], [sflag:$0x3], $0x80, $0x38;
	[tilespmem:$0x1C600] =	vst v63  }
0x177: {  	s2 =	sadd.s32 $0x1000, s13;
	s25 =	simm.s32 $0x11600  }
0x178: {  	s26 =	simm.s32 $0x10;
	s28 =	simm.s32 $0x11690;
	s29 =	sadd.s32 $0x0, s2  }
.LBB2_24:
0x179: {  	[hbm4b:s29+s3] =	stream.linear.scatter [tilespmem:s25], [sflag:$0x3], $0x80, $0x38;
	[tilespmem:$0x1C600] =	vst v63  }
0x17a: {  	s7 =	smov.u32 s26;
	s25 =	smov.u32 s28;
	p0 =	sne.s32 s26, $0x1F0  }
.Ltmp11:
0x17b: {  	s26 =	sadd.s32 $0x10, s26;
	(pc) =	sbr.rel @p0 .LBB2_24-.Ltmp11, $2  }
0x17c: {  	_ =	sdelay $0x2  }
0x17d: {  	s28 =	sadd.s32 $0x90, s28;
	s29 =	sadd.s32 s7, s2  }
0x17e: {  	[hbm4b:s29+s3] =	stream.linear.scatter [tilespmem:s25], [sflag:$0x3], $0x80, $0x38;
	[tilespmem:$0x1C600] =	vst v63  }
0x17f: {  	s2 =	sadd.s32 $0x2000, s13;
	s25 =	simm.s32 $0x12800  }
0x180: {  	s26 =	simm.s32 $0x10;
	s28 =	simm.s32 $0x12890;
	s29 =	sadd.s32 $0x0, s2  }
.LBB2_26:
0x181: {  	[hbm4b:s29+s3] =	stream.linear.scatter [tilespmem:s25], [sflag:$0x3], $0x80, $0x38;
	[tilespmem:$0x1C600] =	vst v63  }
0x182: {  	s7 =	smov.u32 s26;
	s25 =	smov.u32 s28;
	p0 =	sne.s32 s26, $0x1F0  }
.Ltmp12:
0x183: {  	s26 =	sadd.s32 $0x10, s26;
	(pc) =	sbr.rel @p0 .LBB2_26-.Ltmp12, $2  }
0x184: {  	_ =	sdelay $0x2  }
0x185: {  	s28 =	sadd.s32 $0x90, s28;
	s29 =	sadd.s32 s7, s2  }
0x186: {  	[hbm4b:s29+s3] =	stream.linear.scatter [tilespmem:s25], [sflag:$0x3], $0x80, $0x38;
	[tilespmem:$0x1C600] =	vst v63  }
0x187: {  	s2 =	sadd.s32 $0x3000, s13;
	s25 =	simm.s32 $0x13A00  }
0x188: {  	s26 =	simm.s32 $0x10;
	s28 =	simm.s32 $0x13A90;
	s29 =	sadd.s32 $0x0, s2  }
.LBB2_28:
0x189: {  	[hbm4b:s29+s3] =	stream.linear.scatter [tilespmem:s25], [sflag:$0x3], $0x80, $0x38;
	[tilespmem:$0x1C600] =	vst v63  }
0x18a: {  	s7 =	smov.u32 s26;
	s25 =	smov.u32 s28;
	p0 =	sne.s32 s26, $0x1F0  }
.Ltmp13:
0x18b: {  	s26 =	sadd.s32 $0x10, s26;
	(pc) =	sbr.rel @p0 .LBB2_28-.Ltmp13, $2  }
0x18c: {  	_ =	sdelay $0x2  }
0x18d: {  	s28 =	sadd.s32 $0x90, s28;
	s29 =	sadd.s32 s7, s2  }
0x18e: {  	[hbm4b:s29+s3] =	stream.linear.scatter [tilespmem:s25], [sflag:$0x3], $0x80, $0x38;
	[tilespmem:$0x1C600] =	vst v63  }
0x18f: {  	s2 =	sadd.s32 $0x4000, s13;
	s25 =	simm.s32 $0x14C00  }
0x190: {  	s26 =	simm.s32 $0x10;
	s28 =	simm.s32 $0x14C90;
	s29 =	sadd.s32 $0x0, s2  }
.LBB2_30:
0x191: {  	[hbm4b:s29+s3] =	stream.linear.scatter [tilespmem:s25], [sflag:$0x3], $0x80, $0x38;
	[tilespmem:$0x1C600] =	vst v63  }
0x192: {  	s7 =	smov.u32 s26;
	s25 =	smov.u32 s28;
	p0 =	sne.s32 s26, $0x1F0  }
.Ltmp14:
0x193: {  	s26 =	sadd.s32 $0x10, s26;
	(pc) =	sbr.rel @p0 .LBB2_30-.Ltmp14, $2  }
0x194: {  	_ =	sdelay $0x2  }
0x195: {  	s28 =	sadd.s32 $0x90, s28;
	s29 =	sadd.s32 s7, s2  }
0x196: {  	[hbm4b:s29+s3] =	stream.linear.scatter [tilespmem:s25], [sflag:$0x3], $0x80, $0x38;
	[tilespmem:$0x1C600] =	vst v63  }
0x197: {  	s2 =	sadd.s32 $0x5000, s13;
	s25 =	simm.s32 $0x15E00  }
0x198: {  	s26 =	simm.s32 $0x10;
	s28 =	simm.s32 $0x15E90;
	s29 =	sadd.s32 $0x0, s2  }
.LBB2_32:
0x199: {  	[hbm4b:s29+s3] =	stream.linear.scatter [tilespmem:s25], [sflag:$0x3], $0x80, $0x38;
	[tilespmem:$0x1C600] =	vst v63  }
0x19a: {  	s7 =	smov.u32 s26;
	s25 =	smov.u32 s28;
	p0 =	sne.s32 s26, $0x1F0  }
.Ltmp15:
0x19b: {  	s26 =	sadd.s32 $0x10, s26;
	(pc) =	sbr.rel @p0 .LBB2_32-.Ltmp15, $2  }
0x19c: {  	_ =	sdelay $0x2  }
0x19d: {  	s28 =	sadd.s32 $0x90, s28;
	s29 =	sadd.s32 s7, s2  }
0x19e: {  	[hbm4b:s29+s3] =	stream.linear.scatter [tilespmem:s25], [sflag:$0x3], $0x80, $0x38;
	[tilespmem:$0x1C600] =	vst v63  }
0x19f: {  	s2 =	sadd.s32 $0x6000, s13;
	s25 =	simm.s32 $0x17000  }
0x1a0: {  	s26 =	simm.s32 $0x10;
	s28 =	simm.s32 $0x17090;
	s29 =	sadd.s32 $0x0, s2  }
.LBB2_34:
0x1a1: {  	[hbm4b:s29+s3] =	stream.linear.scatter [tilespmem:s25], [sflag:$0x3], $0x80, $0x38;
	[tilespmem:$0x1C600] =	vst v63  }
0x1a2: {  	s7 =	smov.u32 s26;
	s25 =	smov.u32 s28;
	p0 =	sne.s32 s26, $0x1F0  }
.Ltmp16:
0x1a3: {  	s26 =	sadd.s32 $0x10, s26;
	(pc) =	sbr.rel @p0 .LBB2_34-.Ltmp16, $2  }
0x1a4: {  	_ =	sdelay $0x2  }
0x1a5: {  	s28 =	sadd.s32 $0x90, s28;
	s29 =	sadd.s32 s7, s2  }
0x1a6: {  	[hbm4b:s29+s3] =	stream.linear.scatter [tilespmem:s25], [sflag:$0x3], $0x80, $0x38;
	[tilespmem:$0x1C600] =	vst v63  }
0x1a7: {  	s2 =	sadd.s32 $0x7000, s13;
	s25 =	simm.s32 $0x18200  }
0x1a8: {  	s26 =	simm.s32 $0x10;
	s28 =	simm.s32 $0x18290;
	s29 =	sadd.s32 $0x0, s2  }
.LBB2_36:
0x1a9: {  	[hbm4b:s29+s3] =	stream.linear.scatter [tilespmem:s25], [sflag:$0x3], $0x80, $0x38;
	[tilespmem:$0x1C600] =	vst v63  }
0x1aa: {  	s7 =	smov.u32 s26;
	s25 =	smov.u32 s28;
	p0 =	sne.s32 s26, $0x1F0  }
.Ltmp17:
0x1ab: {  	s26 =	sadd.s32 $0x10, s26;
	(pc) =	sbr.rel @p0 .LBB2_36-.Ltmp17, $2  }
0x1ac: {  	_ =	sdelay $0x2  }
0x1ad: {  	s28 =	sadd.s32 $0x90, s28;
	s29 =	sadd.s32 s7, s2  }
0x1ae: {  	[hbm4b:s29+s3] =	stream.linear.scatter [tilespmem:s25], [sflag:$0x3], $0x80, $0x38;
	[tilespmem:$0x1C600] =	vst v63  }
0x1af: {  	s2 =	rddreg [dreg:$0x8]  }
0x1b0: {  	[tilespmem:s0], [sflag:$0x4] =	stream.linear.gather [hbm4b:s2+s3], $0x200, $0x38;
	[tilespmem:$0x1C600] =	vst v63  }
0x1b1: {  	_ =	swait.ge [sflag:s23], $0x200  }
0x1b2: {  	[sflag:s23] =	ssyncset.done $0x0  }
0x1b3: {  	s25 =	simm.s32 $0x8400;
	[sflag:s23] =	ssyncadd.s32 $0xFFFFFE00  }
0x1b4: {  	[tilespmem:s25], [sflag:$0x2] =	stream.indirect.gather [hbm4b:s6+s24], $0x40, s0, s24, $0xb8;
	[tilespmem:$0x1C600] =	vst v63  }
0x1b5: {  	s26 =	simm.s32 $0x280;
	s7 =	simm.s32 $0xA400  }
0x1b6: {  	[tilespmem:s7], [sflag:$0x2] =	stream.indirect.gather [hbm4b:s6+s24], $0x40, s26, s24, $0xb8;
	[tilespmem:$0x1C600] =	vst v63  }
0x1b7: {  	s28 =	simm.s32 $0x300;
	s29 =	simm.s32 $0xC400  }
0x1b8: {  	[tilespmem:s29], [sflag:$0x2] =	stream.indirect.gather [hbm4b:s6+s24], $0x40, s28, s24, $0xb8;
	[tilespmem:$0x1C600] =	vst v63  }
0x1b9: {  	s30 =	simm.s32 $0x380;
	s31 =	simm.s32 $0xE400;
	s25 =	simm.s32 $0x1  }
0x1ba: {  	[tilespmem:s31], [sflag:$0x2] =	stream.indirect.gather [hbm4b:s6+s24], $0x40, s30, s24, $0xb8;
	[tilespmem:$0x1C600] =	vst v63  }
.LBB2_38:
0x1bb: {  	_ =	swait.ge [sflag:s21], $0x2000  }
0x1bc: {  	[sflag:s21] =	ssyncset.done $0x0  }
0x1bd: {  	[sflag:s21] =	ssyncadd.s32 $0xFFFFE000  }
0x1be: {  	_ =	swait.ge [sflag:s21], $0x2000  }
0x1bf: {  	[sflag:s21] =	ssyncset.done $0x0  }
0x1c0: {  	[sflag:s21] =	ssyncadd.s32 $0xFFFFE000  }
0x1c1: {  	_ =	swait.ge [sflag:s21], $0x2000  }
0x1c2: {  	[sflag:s21] =	ssyncset.done $0x0  }
0x1c3: {  	[sflag:s21] =	ssyncadd.s32 $0xFFFFE000  }
0x1c4: {  	_ =	swait.ge [sflag:s21], $0x2000  }
0x1c5: {  	[sflag:s21] =	ssyncset.done $0x0  }
0x1c6: {  	s26 =	sshll.u32 s25, $0x1;
	[sflag:s21] =	ssyncadd.s32 $0xFFFFE000  }
0x1c7: {  	s28 =	sadd.s32 s5, s26;
	_ =	swait.ge [sflag:s10], $0x8000  }
0x1c8: {  	s2 =	sshll.u32 s28, $0x3;
	[sflag:s10] =	ssyncset.done $0x0  }
0x1c9: {  	s2 =	sand.u32 $0x3FFFFFC0, s2;
	[sflag:s10] =	ssyncadd.s32 $0xFFFF8000  }
0x1ca: {  	s29 =	simm.s32 $0x500;
	s7 =	simm.s32 $0x1;
	s31 =	simm.s32 $0x2;
	v5 =	vld [tilespmem:s2+$0x19400]  }
0x1cb: {  	s9 =	simm.s32 $0x7;
	s7 =	sand.u32 $0x78, s7;
	s12 =	sand.u32 $0x78, s31;
	v6 =	vld [tilespmem:s29+$0xFFFFFF40]  }
0x1cc: {  	s30 =	simm.s32 $0x0;
	v9 =	vmov s7;
	s7 =	sand.u32 $0x78, s9;
	v14 =	vmov s12;
	s12 =	simm.s32 $0x3;
	v7 =	vld [tilespmem:s29+$0x40]  }
0x1cd: {  	s22 =	simm.s32 $0x0;
	s14 =	sand.u32 $0x78, s30;
	v12 =	vmov s7;
	s7 =	sand.u32 $0x78, s12;
	v10 =	vld [tilespmem:s29+$0xFFFFFFC0]  }
0x1ce: {  	v8 =	vmov s22;
	v11 =	vmov s14;
	s14 =	simm.s32 $0x4;
	v20 =	vmov s7;
	v21 =	vld [tilespmem:s29+$0xFFFFFF00]  }
0x1cf: {  	v8 =	vmul.u32 $0x480, v8;
	s9 =	sand.u32 $0x78, s14;
	s14 =	simm.s32 $0x5;
	v20 =	vshrl.u32 v20, $0x3;
	v27 =	vld [tilespmem:s29+$0xC0]  }
0x1d0: {  	v9 =	vshrl.u32 v9, $0x3;
	v16 =	vmov s9;
	s22 =	sand.u32 $0x78, s14;
	v20 =	vshll.u32 v20, v1  }
0x1d1: {  	s8 =	simm.s32 $0x6;
	v23 =	vmov s22;
	v16 =	vshrl.u32 v16, $0x3;
	v20 =	vbroadcast v20, $0x0  }
0x1d2: {  	s8 =	sand.u32 $0x78, s8;
	v13 =	vadd.f32 v6, v5;
	v6 =	vshll.u32 v9, v1;
	v17 =	vadd.f32 v7, v5  }
0x1d3: {  	v9 =	vmov s8;
	v18 =	vadd.f32 v10, v5;
	v21 =	vadd.f32 v21, v5  }
0x1d4: {  	v34 =	vadd.f32 v27, v5;
	v15 =	vbroadcast v6, $0x0;
	v6 =	vshrl.u32 v12, $0x3  }
0x1d5: {  	v12 =	vbroadcast v8, $0x0;
	v7 =	vshrl.u32 v9, $0x3;
	v8 =	vshrl.u32 v11, $0x3  }
0x1d6: {  	v11 =	vshrl.u32 v14, $0x3;
	v7 =	vshll.u32 v7, v1;
	v8 =	vshll.u32 v8, v1  }
0x1d7: {  	v25 =	vshll.u32 v6, v1;
	v11 =	vshll.u32 v11, v1;
	v10 =	vadd.s32 v0, v12  }
0x1d8: {  	v9 =	vld [tilespmem:s29+$0x0];
	v22 =	vbroadcast v8, $0x0;
	v31 =	vadd.s32 v4, v12;
	v33 =	vbroadcast v7, $0x0  }
0x1d9: {  	v25 =	vbroadcast v25, $0x0;
	v28 =	vadd.s32 v2, v12;
	v19 =	vadd.s32 v10, v15  }
0x1da: {  	v11 =	vbroadcast v11, $0x0;
	v12 =	vadd.s32 v3, v12;
	v19 =	vor.u32 $0x1, v19  }
0x1db: {  	v14 =	vld [tilespmem:s29+$0x80];
	v27 =	vadd.s32 v28, v15;
	v48 =	vadd.s32 v28, v20;
	v24 =	vadd.s32 v22, v10  }
0x1dc: {  	v6 =	vld [tilespmem:s2+$0x19430];
	v63 =	vadd.s32 v31, v15;
	v30 =	vadd.s32 v28, v11;
	v32 =	vadd.s32 v10, v11  }
0x1dd: {  	v8 =	vld [tilespmem:s2+$0x19410];
	v27 =	vor.u32 $0x1, v27;
	v26 =	vadd.f32 v9, v5;
	v9 =	vadd.s32 v10, v33  }
0x1de: {  	v7 =	vld [tilespmem:s2+$0x19420];
	v38 =	vadd.s32 v28, v25;
	v40 =	vadd.s32 v22, v28;
	v9 =	vor.u32 $0x6, v9  }
0x1df: {  	v42 =	vadd.s32 v12, v25;
	[tilespmem:v19+s17+$0x0] =	vst.idx.msk $0xffff, v13;
	v13 =	vshll.u32 v16, v1;
	v16 =	vshrl.u32 v23, $0x3;
	v23 =	vld [tilespmem:s29+$0xFFFFFF80]  }
0x1e0: {  	v14 =	vadd.f32 v14, v5;
	v32 =	vor.u32 $0x2, v32;
	[tilespmem:v24+s17+$0x0] =	vst.idx.msk $0xffff, v21;
	v19 =	vld [tilespmem:s29+$0xFFFFFF50];
	v29 =	vbroadcast v13, $0x0  }
0x1e1: {  	v24 =	vadd.s32 v12, v33;
	v16 =	vshll.u32 v16, v1;
	v13 =	vadd.s32 v28, v33  }
0x1e2: {  	v35 =	vbroadcast v16, $0x0;
	v16 =	vadd.s32 v10, v25;
	v36 =	vadd.s32 v10, v29  }
0x1e3: {  	[tilespmem:v9+s17+$0x0] =	vst.idx.msk $0xffff, v14;
	v9 =	vadd.s32 v31, v25;
	v25 =	vadd.s32 v31, v20;
	v14 =	vor.u32 $0x4, v36  }
0x1e4: {  	v37 =	vor.u32 $0x7, v16;
	v16 =	vadd.s32 v10, v35;
	v21 =	vadd.f32 v23, v5;
	v23 =	vld [tilespmem:s29+$0xFFFFFF10]  }
0x1e5: {  	v39 =	vld [tilespmem:s29+$0x90];
	v41 =	vadd.s32 v28, v35;
	v61 =	vor.u32 $0x5, v16;
	v19 =	vadd.f32 v19, v8  }
0x1e6: {  	v13 =	vor.u32 $0x6, v13;
	v10 =	vadd.s32 v10, v20;
	v16 =	vadd.s32 v22, v12;
	[tilespmem:v32+s17+$0x0] =	vst.idx.msk $0xffff, v21  }
0x1e7: {  	v45 =	vor.u32 $0x3, v10;
	v10 =	vor.u32 $0x3, v25;
	v25 =	vadd.s32 v12, v20;
	v32 =	vld [tilespmem:s29+$0xFFFFFF90];
	[tilespmem:v27+s17+$0x0] =	vst.idx.msk $0xffff, v19  }
0x1e8: {  	v30 =	vor.u32 $0x2, v30;
	v20 =	vadd.s32 v31, v29;
	v21 =	vadd.s32 v12, v11;
	v43 =	vld [tilespmem:s29+$0xFFFFFF60];
	[tilespmem:v14+s17+$0x0] =	vst.idx.msk $0xffff, v26  }
0x1e9: {  	v11 =	vadd.s32 v31, v11;
	v19 =	vadd.f32 v23, v8;
	v23 =	vadd.s32 v12, v15;
	v46 =	vld [tilespmem:s29+$0x10]  }
0x1ea: {  	v39 =	vadd.f32 v39, v8;
	v14 =	vadd.s32 v28, v29;
	[tilespmem:v61+s17+$0x0] =	vst.idx.msk $0xffff, v17;
	v44 =	vor.u32 $0x1, v23  }
0x1eb: {  	v27 =	vadd.s32 v12, v35;
	v26 =	vadd.s32 v31, v35;
	v47 =	vor.u32 $0x4, v14;
	v62 =	vld [tilespmem:s29+$0x50];
	[tilespmem:v40+s17+$0x0] =	vst.idx.msk $0xffff, v19  }
0x1ec: {  	v9 =	vor.u32 $0x7, v9;
	[tilespmem:v13+s17+$0x0] =	vst.idx.msk $0xffff, v39;
	v13 =	vadd.s32 v22, v31;
	v32 =	vadd.f32 v32, v8;
	v40 =	vld [tilespmem:s29+$0xFFFFFF20]  }
0x1ed: {  	v14 =	vor.u32 $0x7, v42;
	[tilespmem:v45+s17+$0x0] =	vst.idx.msk $0xffff, v18;
	v23 =	vadd.s32 v12, v29;
	v28 =	vld [tilespmem:s29+$0xA0];
	v12 =	vadd.f32 v43, v7  }
0x1ee: {  	v18 =	vor.u32 $0x3, v48;
	v15 =	vadd.s32 v31, v33;
	[tilespmem:v30+s17+$0x0] =	vst.idx.msk $0xffff, v32;
	v22 =	vadd.f32 v46, v8;
	v30 =	vld [tilespmem:s29+$0xFFFFFFD0]  }
0x1ef: {  	v15 =	vor.u32 $0x6, v15;
	v19 =	vor.u32 $0x6, v24;
	v24 =	vor.u32 $0x7, v38;
	v29 =	vld [tilespmem:s29+$0xFFFFFFA0];
	[tilespmem:v44+s17+$0x0] =	vst.idx.msk $0xffff, v12  }
0x1f0: {  	v32 =	vor.u32 $0x5, v41;
	v12 =	vor.u32 $0x2, v11;
	v11 =	vor.u32 $0x4, v20;
	v17 =	vld [tilespmem:s29+$0xFFFFFF70];
	[tilespmem:v47+s17+$0x0] =	vst.idx.msk $0xffff, v22  }
0x1f1: {  	s31 =	sshrl.u32 s28, $0x3;
	s2 =	simm.s32 $0x700;
	[tilespmem:v37+s17+$0x0] =	vst.idx.msk $0xffff, v34;
	v20 =	vor.u32 $0x1, v63;
	v33 =	vadd.f32 v62, v8;
	v31 =	vadd.f32 v40, v7;
	v22 =	vld [tilespmem:s29+$0x20]  }
.LBB2_39:
0x1f2: {  	s7 =	sadd.s32 $0x9, s30  }
0x1f3: {  	v34 =	vld [tilespmem:s2+$0xFFFFFF40];
	s8 =	sadd.s32 $0xA, s30;
	v35 =	vor.u32 $0x4, v23;
	v23 =	vor.u32 $0x5, v26;
	v26 =	vadd.f32 v28, v7;
	s22 =	smov.u32 s30;
	s30 =	sadd.s32 $0x8, s30  }
0x1f4: {  	v21 =	vor.u32 $0x2, v21;
	v27 =	vor.u32 $0x5, v27;
	s9 =	sshrl.u32 s30, $0x7;
	s7 =	sand.u32 $0x78, s7;
	s12 =	sadd.s32 $0xE, s22;
	v28 =	vadd.f32 v29, v7;
	v29 =	vld [tilespmem:s29+$0xD0]  }
0x1f5: {  	s14 =	sadd.s32 $0xF, s22;
	v36 =	vmov s9;
	s9 =	sand.u32 $0x78, s30;
	v37 =	vmov s7;
	s7 =	sadd.s32 $0xC, s22;
	v38 =	vld [tilespmem:s2+$0x40];
	v30 =	vadd.f32 v30, v8;
	[tilespmem:v32+s17+$0x0] =	vst.idx.msk $0xffff, v33  }
0x1f6: {  	p0 =	slt.u32 s30, $0x1F8;
	s14 =	sand.u32 $0x78, s14;
	v32 =	vmov s9;
	v33 =	vmul.u32 $0x480, v36;
	s9 =	sadd.s32 $0xD, s22;
	[tilespmem:v16+s17+$0x0] =	vst.idx.msk $0xffff, v31;
	v16 =	vadd.f32 v17, v6;
	v31 =	vld [tilespmem:s29+$0x60]  }
0x1f7: {  	v25 =	vor.u32 $0x3, v25;
	s12 =	sand.u32 $0x78, s12;
	s22 =	sadd.s32 $0xB, s22;
	s7 =	sand.u32 $0x78, s7;
	v39 =	vmov s14;
	v36 =	vld [tilespmem:s2+$0xFFFFFFC0];
	[tilespmem:v18+s17+$0x0] =	vst.idx.msk $0xffff, v30;
	v17 =	vadd.f32 v22, v7  }
0x1f8: {  	s8 =	sand.u32 $0x78, s8;
	v18 =	vshrl.u32 v37, $0x3;
	s14 =	sand.u32 $0x78, s22;
	v22 =	vmov s12;
	v30 =	vadd.f32 v34, v5;
	v34 =	vld [tilespmem:s29+$0xFFFFFFE0];
	[tilespmem:v19+s17+$0x0] =	vst.idx.msk $0xffff, v26  }
0x1f9: {  	v18 =	vshll.u32 v18, v1;
	v26 =	vmov s8;
	v37 =	vld [tilespmem:s29+$0xFFFFFF30];
	[tilespmem:v35+s17+$0x0] =	vst.idx.msk $0xffff, v17;
	v29 =	vadd.f32 v29, v8  }
0x1fa: {  	v17 =	vbroadcast v18, $0x0;
	v35 =	vshrl.u32 v39, $0x3;
	v19 =	vadd.f32 v38, v5;
	[tilespmem:v21+s17+$0x0] =	vst.idx.msk $0xffff, v28;
	v21 =	vld [tilespmem:s29+$0xB0]  }
0x1fb: {  	v22 =	vshrl.u32 v22, $0x3;
	v28 =	vmov s7;
	v38 =	vld [tilespmem:s2+$0x0];
	v31 =	vadd.f32 v31, v7;
	[tilespmem:v24+s17+$0x0] =	vst.idx.msk $0xffff, v29  }
0x1fc: {  	v22 =	vshll.u32 v22, v1;
	v29 =	vbroadcast v33, $0x0;
	v18 =	vadd.f32 v36, v5;
	[tilespmem:v20+s17+$0x0] =	vst.idx.msk $0xffff, v16;
	v16 =	vld [tilespmem:s29+$0xE0]  }
0x1fd: {  	v26 =	vshrl.u32 v26, $0x3;
	v33 =	vmov s14;
	v36 =	vld [tilespmem:s2+$0x80];
	v20 =	vadd.f32 v34, v7;
	[tilespmem:v27+s17+$0x0] =	vst.idx.msk $0xffff, v31  }
0x1fe: {  	s7 =	sand.u32 $0x78, s9;
	v24 =	vshrl.u32 v32, $0x3;
	v27 =	vadd.s32 v0, v29;
	v31 =	vadd.f32 v37, v6;
	v32 =	vld [tilespmem:s29+$0x70]  }
0x1ff: {  	v24 =	vshll.u32 v24, v1;
	v34 =	vadd.s32 v27, v17;
	v37 =	vmov s7;
	v39 =	vld [tilespmem:s29+$0xFFFFFFB0];
	[tilespmem:v25+s17+$0x0] =	vst.idx.msk $0xffff, v20  }
0x200: {  	v24 =	vbroadcast v24, $0x0;
	v20 =	vadd.s32 v4, v29;
	v25 =	vshrl.u32 v28, $0x3;
	[tilespmem:v13+s17+$0x0] =	vst.idx.msk $0xffff, v31;
	v13 =	vld [tilespmem:s29+$0xFFFFFFF0]  }
0x201: {  	v22 =	vbroadcast v22, $0x0;
	v31 =	vor.u32 $0x1, v34;
	v28 =	vld [tilespmem:s2+$0xFFFFFF00];
	v16 =	vadd.f32 v16, v7  }
0x202: {  	v35 =	vshll.u32 v35, v1;
	v33 =	vshrl.u32 v33, $0x3;
	v34 =	vadd.s32 v24, v27;
	v40 =	vld [tilespmem:s29+$0x30]  }
0x203: {  	v35 =	vbroadcast v35, $0x0;
	v41 =	vadd.s32 v27, v22;
	v38 =	vadd.f32 v38, v5;
	v42 =	vld [tilespmem:s2+$0xC0];
	[tilespmem:v14+s17+$0x0] =	vst.idx.msk $0xffff, v16  }
0x204: {  	v14 =	vadd.s32 v2, v29;
	v16 =	vor.u32 $0x6, v41;
	v32 =	vadd.f32 v32, v6;
	v41 =	vld [tilespmem:s29+$0xF0];
	s29 =	smov.u32 s2  }
0x205: {  	v26 =	vshll.u32 v26, v1;
	v21 =	vadd.f32 v21, v6;
	v36 =	vadd.f32 v36, v5  }
0x206: {  	v25 =	vshll.u32 v25, v1;
	v28 =	vadd.f32 v28, v5;
	[tilespmem:v31+s17+$0x0] =	vst.idx.msk $0xffff, v30;
	v30 =	vshrl.u32 v37, $0x3  }
0x207: {  	v37 =	vbroadcast v26, $0x0;
	v31 =	vld [tilespmem:s2+$0xFFFFFF50];
	v26 =	vshll.u32 v30, v1;
	v30 =	vadd.f32 v40, v6;
	[tilespmem:v15+s17+$0x0] =	vst.idx.msk $0xffff, v21  }
0x208: {  	v15 =	vbroadcast v25, $0x0;
	v21 =	vadd.s32 v14, v22;
	v25 =	vadd.f32 v39, v6;
	[tilespmem:v23+s17+$0x0] =	vst.idx.msk $0xffff, v32  }
0x209: {  	v32 =	vadd.s32 v14, v37;
	v39 =	vadd.f32 v42, v5;
	v23 =	vld [tilespmem:s2+$0xFFFFFF80];
	v40 =	vadd.f32 v41, v6  }
0x20a: {  	v33 =	vshll.u32 v33, v1;
	v41 =	vadd.s32 v14, v17;
	[tilespmem:v12+s17+$0x0] =	vst.idx.msk $0xffff, v25  }
0x20b: {  	v12 =	vadd.s32 v27, v37;
	v25 =	vbroadcast v26, $0x0;
	v26 =	vadd.s32 v27, v35;
	[tilespmem:v9+s17+$0x0] =	vst.idx.msk $0xffff, v40  }
0x20c: {  	v29 =	vadd.s32 v3, v29;
	v9 =	vor.u32 $0x2, v12;
	v12 =	vadd.f32 v13, v6;
	[tilespmem:v11+s17+$0x0] =	vst.idx.msk $0xffff, v30  }
0x20d: {  	v13 =	vor.u32 $0x1, v41;
	v11 =	vadd.f32 v31, v8;
	[tilespmem:v34+s17+$0x0] =	vst.idx.msk $0xffff, v28;
	v28 =	vadd.s32 v27, v15  }
0x20e: {  	v31 =	vadd.s32 v29, v22;
	v34 =	vor.u32 $0x7, v26;
	v30 =	vld [tilespmem:s2+$0xFFFFFF10];
	v23 =	vadd.f32 v23, v5;
	[tilespmem:v10+s17+$0x0] =	vst.idx.msk $0xffff, v12  }
0x20f: {  	v12 =	vor.u32 $0x2, v32;
	v10 =	vadd.s32 v27, v25;
	v32 =	vadd.s32 v14, v35;
	[tilespmem:v16+s17+$0x0] =	vst.idx.msk $0xffff, v36  }
0x210: {  	v26 =	vor.u32 $0x4, v28;
	v28 =	vor.u32 $0x5, v10;
	v36 =	vor.u32 $0x6, v21;
	v10 =	vld [tilespmem:s2+$0x90]  }
0x211: {  	v33 =	vbroadcast v33, $0x0;
	v40 =	vadd.s32 v24, v14;
	v16 =	vadd.s32 v24, v29;
	[tilespmem:v9+s17+$0x0] =	vst.idx.msk $0xffff, v23  }
0x212: {  	v43 =	vadd.s32 v29, v35;
	v42 =	vadd.s32 v14, v25;
	v9 =	vadd.s32 v20, v35;
	v41 =	vld [tilespmem:s2+$0xFFFFFF90]  }
0x213: {  	v21 =	vadd.s32 v29, v37;
	v9 =	vor.u32 $0x7, v9;
	[tilespmem:v13+s17+$0x0] =	vst.idx.msk $0xffff, v11;
	v11 =	vadd.s32 v27, v33  }
0x214: {  	v23 =	vadd.s32 v29, v17;
	v13 =	vadd.f32 v30, v8;
	v27 =	vadd.s32 v20, v33  }
0x215: {  	v35 =	vor.u32 $0x1, v23;
	v23 =	vadd.s32 v14, v15;
	v30 =	vld [tilespmem:s2+$0xFFFFFF60];
	[tilespmem:v26+s17+$0x0] =	vst.idx.msk $0xffff, v38;
	v26 =	vadd.f32 v10, v8  }
0x216: {  	v11 =	vor.u32 $0x3, v11;
	[tilespmem:v40+s17+$0x0] =	vst.idx.msk $0xffff, v13;
	v38 =	vld [tilespmem:s2+$0x10];
	v40 =	vor.u32 $0x4, v23;
	v23 =	vadd.s32 v29, v15  }
0x217: {  	v10 =	vor.u32 $0x3, v27;
	v27 =	vadd.s32 v29, v25;
	v44 =	vld [tilespmem:s2+$0xFFFFFF20];
	v41 =	vadd.f32 v41, v8;
	[tilespmem:v36+s17+$0x0] =	vst.idx.msk $0xffff, v26  }
0x218: {  	v36 =	vadd.s32 v14, v33;
	v26 =	vadd.s32 v20, v25;
	[tilespmem:v28+s17+$0x0] =	vst.idx.msk $0xffff, v19;
	v28 =	vld [tilespmem:s2+$0xA0];
	v19 =	vor.u32 $0x6, v31  }
0x219: {  	v13 =	vadd.s32 v24, v20;
	v25 =	vadd.s32 v29, v33;
	v14 =	vor.u32 $0x7, v43;
	v33 =	vld [tilespmem:s2+$0x50];
	[tilespmem:v34+s17+$0x0] =	vst.idx.msk $0xffff, v39  }
.Ltmp18:
0x21a: {  	v15 =	vadd.s32 v20, v15;
	v24 =	vor.u32 $0x7, v32;
	v30 =	vadd.f32 v30, v7;
	[tilespmem:v12+s17+$0x0] =	vst.idx.msk $0xffff, v41;
	(pc) =	sbr.rel @p0 .LBB2_39-.Ltmp18, $4  }
0x21b: {  	v12 =	vadd.s32 v20, v37;
	v29 =	vld [tilespmem:s2+$0xFFFFFFA0];
	[tilespmem:v11+s17+$0x0] =	vst.idx.msk $0xffff, v18;
	v18 =	vor.u32 $0x3, v36;
	v11 =	vadd.f32 v38, v8  }
0x21c: {  	v32 =	vor.u32 $0x5, v42;
	v34 =	vadd.s32 v20, v17;
	v20 =	vadd.s32 v20, v22;
	[tilespmem:v35+s17+$0x0] =	vst.idx.msk $0xffff, v30;
	v30 =	vld [tilespmem:s2+$0xFFFFFFD0]  }
0x21d: {  	v12 =	vor.u32 $0x2, v12;
	v17 =	vld [tilespmem:s2+$0xFFFFFF70];
	[tilespmem:v40+s17+$0x0] =	vst.idx.msk $0xffff, v11;
	v11 =	vor.u32 $0x4, v15;
	v15 =	vor.u32 $0x6, v20  }
0x21e: {  	v31 =	vadd.f32 v44, v7;
	v20 =	vor.u32 $0x1, v34;
	s2 =	sadd.s32 $0x200, s2;
	v22 =	vld [tilespmem:s29+$0x20];
	v33 =	vadd.f32 v33, v8  }
0x21f: {  	v5 =	vld [tilespmem:s29+$0xD0];
	_ =	sdelay $0x4  }
0x220: {  	[tilespmem:v32+s17+$0x0] =	vst.idx.msk $0xffff, v33;
	v5 =	vadd.f32 v5, v8  }
0x221: {  	v32 =	vld [tilespmem:s29+$0x60]  }
0x222: {  	v50 =	vadd.f32 v30, v8;
	[tilespmem:v24+s17+$0x0] =	vst.idx.msk $0xffff, v5  }
0x223: {  	v5 =	vor.u32 $0x5, v27;
	v24 =	vld [tilespmem:s29+$0xE0]  }
0x224: {  	v21 =	vor.u32 $0x2, v21;
	[tilespmem:v18+s17+$0x0] =	vst.idx.msk $0xffff, v50  }
0x225: {  	v51 =	vadd.f32 v28, v7;
	v18 =	vld [tilespmem:s29+$0xFFFFFFE0]  }
0x226: {  	v23 =	vor.u32 $0x4, v23;
	[tilespmem:v16+s17+$0x0] =	vst.idx.msk $0xffff, v31;
	v52 =	vadd.f32 v32, v7  }
0x227: {  	v25 =	vor.u32 $0x3, v25;
	v53 =	vadd.f32 v29, v7;
	[tilespmem:v19+s17+$0x0] =	vst.idx.msk $0xffff, v51;
	v54 =	vld [tilespmem:s29+$0xFFFFFF30]  }
0x228: {  	v19 =	vld [tilespmem:s29+$0xB0];
	[tilespmem:v5+s17+$0x0] =	vst.idx.msk $0xffff, v52;
	v5 =	vadd.f32 v24, v7  }
0x229: {  	v55 =	vadd.f32 v22, v7;
	[tilespmem:v21+s17+$0x0] =	vst.idx.msk $0xffff, v53;
	v56 =	vld [tilespmem:s29+$0x70]  }
0x22a: {  	v57 =	vld [tilespmem:s29+$0xFFFFFFB0];
	v7 =	vadd.f32 v18, v7;
	[tilespmem:v14+s17+$0x0] =	vst.idx.msk $0xffff, v5  }
0x22b: {  	v58 =	vadd.f32 v17, v6;
	[tilespmem:v23+s17+$0x0] =	vst.idx.msk $0xffff, v55;
	v5 =	vor.u32 $0x5, v26;
	v59 =	vld [tilespmem:s29+$0xF0]  }
0x22c: {  	v8 =	vadd.f32 v54, v6;
	[tilespmem:v25+s17+$0x0] =	vst.idx.msk $0xffff, v7;
	v7 =	vld [tilespmem:s29+$0x30]  }
0x22d: {  	[tilespmem:v20+s17+$0x0] =	vst.idx.msk $0xffff, v58;
	v61 =	vadd.f32 v19, v6;
	v60 =	vld [tilespmem:s29+$0xFFFFFFF0]  }
0x22e: {  	[tilespmem:v13+s17+$0x0] =	vst.idx.msk $0xffff, v8;
	v62 =	vadd.f32 v56, v6  }
0x22f: {  	s2 =	sshll.u32 s28, $0xC;
	s7 =	sshll.u32 s31, $0xF;
	[tilespmem:v15+s17+$0x0] =	vst.idx.msk $0xffff, v61;
	v63 =	vadd.f32 v57, v6  }
0x230: {  	s8 =	sshll.u32 s31, $0x12;
	s2 =	ssub.s32 s2, s7;
	[tilespmem:v5+s17+$0x0] =	vst.idx.msk $0xffff, v62;
	v5 =	vadd.f32 v59, v6  }
0x231: {  	s2 =	sadd.s32 s8, s2;
	[tilespmem:v12+s17+$0x0] =	vst.idx.msk $0xffff, v63;
	v7 =	vadd.f32 v7, v6  }
0x232: {  	s2 =	sshrl.u32 s2, $0x3;
	[tilespmem:v9+s17+$0x0] =	vst.idx.msk $0xffff, v5;
	v5 =	vadd.f32 v60, v6  }
0x233: {  	s28 =	simm.s32 $0x10400;
	s2 =	sadd.s32 s1, s2;
	[tilespmem:v11+s17+$0x0] =	vst.idx.msk $0xffff, v7  }
0x234: {  	s30 =	simm.s32 $0x10490;
	s31 =	sadd.s32 $0x0, s2;
	s29 =	simm.s32 $0x10;
	[tilespmem:v10+s17+$0x0] =	vst.idx.msk $0xffff, v5  }
.LBB2_41:
0x235: {  	[hbm4b:s31+s3] =	stream.linear.scatter [tilespmem:s28], [sflag:$0x3], $0x80, $0x38;
	[tilespmem:$0x1C600] =	vst v63  }
0x236: {  	s7 =	smov.u32 s29;
	s28 =	smov.u32 s30;
	p0 =	sne.s32 s29, $0x1F0  }
.Ltmp19:
0x237: {  	s29 =	sadd.s32 $0x10, s29;
	(pc) =	sbr.rel @p0 .LBB2_41-.Ltmp19, $2  }
0x238: {  	_ =	sdelay $0x2  }
0x239: {  	s30 =	sadd.s32 $0x90, s30;
	s31 =	sadd.s32 s7, s2  }
0x23a: {  	[hbm4b:s31+s3] =	stream.linear.scatter [tilespmem:s28], [sflag:$0x3], $0x80, $0x38;
	[tilespmem:$0x1C600] =	vst v63  }
0x23b: {  	s28 =	sadd.s32 $0x1000, s2;
	s29 =	simm.s32 $0x11600  }
0x23c: {  	s30 =	simm.s32 $0x10;
	s31 =	simm.s32 $0x11690;
	s22 =	sadd.s32 $0x0, s28  }
.LBB2_43:
0x23d: {  	[hbm4b:s22+s3] =	stream.linear.scatter [tilespmem:s29], [sflag:$0x3], $0x80, $0x38;
	[tilespmem:$0x1C600] =	vst v63  }
0x23e: {  	s7 =	smov.u32 s30;
	s29 =	smov.u32 s31;
	p0 =	sne.s32 s30, $0x1F0  }
.Ltmp20:
0x23f: {  	s30 =	sadd.s32 $0x10, s30;
	(pc) =	sbr.rel @p0 .LBB2_43-.Ltmp20, $2  }
0x240: {  	_ =	sdelay $0x2  }
0x241: {  	s31 =	sadd.s32 $0x90, s31;
	s22 =	sadd.s32 s7, s28  }
0x242: {  	[hbm4b:s22+s3] =	stream.linear.scatter [tilespmem:s29], [sflag:$0x3], $0x80, $0x38;
	[tilespmem:$0x1C600] =	vst v63  }
0x243: {  	s28 =	sadd.s32 $0x2000, s2;
	s29 =	simm.s32 $0x12800  }
0x244: {  	s30 =	simm.s32 $0x10;
	s31 =	simm.s32 $0x12890;
	s22 =	sadd.s32 $0x0, s28  }
.LBB2_45:
0x245: {  	[hbm4b:s22+s3] =	stream.linear.scatter [tilespmem:s29], [sflag:$0x3], $0x80, $0x38;
	[tilespmem:$0x1C600] =	vst v63  }
0x246: {  	s7 =	smov.u32 s30;
	s29 =	smov.u32 s31;
	p0 =	sne.s32 s30, $0x1F0  }
.Ltmp21:
0x247: {  	s30 =	sadd.s32 $0x10, s30;
	(pc) =	sbr.rel @p0 .LBB2_45-.Ltmp21, $2  }
0x248: {  	_ =	sdelay $0x2  }
0x249: {  	s31 =	sadd.s32 $0x90, s31;
	s22 =	sadd.s32 s7, s28  }
0x24a: {  	[hbm4b:s22+s3] =	stream.linear.scatter [tilespmem:s29], [sflag:$0x3], $0x80, $0x38;
	[tilespmem:$0x1C600] =	vst v63  }
0x24b: {  	s28 =	sadd.s32 $0x3000, s2;
	s29 =	simm.s32 $0x13A00  }
0x24c: {  	s30 =	simm.s32 $0x10;
	s31 =	simm.s32 $0x13A90;
	s22 =	sadd.s32 $0x0, s28  }
.LBB2_47:
0x24d: {  	[hbm4b:s22+s3] =	stream.linear.scatter [tilespmem:s29], [sflag:$0x3], $0x80, $0x38;
	[tilespmem:$0x1C600] =	vst v63  }
0x24e: {  	s7 =	smov.u32 s30;
	s29 =	smov.u32 s31;
	p0 =	sne.s32 s30, $0x1F0  }
.Ltmp22:
0x24f: {  	s30 =	sadd.s32 $0x10, s30;
	(pc) =	sbr.rel @p0 .LBB2_47-.Ltmp22, $2  }
0x250: {  	_ =	sdelay $0x2  }
0x251: {  	s31 =	sadd.s32 $0x90, s31;
	s22 =	sadd.s32 s7, s28  }
0x252: {  	[hbm4b:s22+s3] =	stream.linear.scatter [tilespmem:s29], [sflag:$0x3], $0x80, $0x38;
	[tilespmem:$0x1C600] =	vst v63  }
0x253: {  	s28 =	sadd.s32 $0x4000, s2;
	s29 =	simm.s32 $0x14C00  }
0x254: {  	s30 =	simm.s32 $0x10;
	s31 =	simm.s32 $0x14C90;
	s22 =	sadd.s32 $0x0, s28  }
.LBB2_49:
0x255: {  	[hbm4b:s22+s3] =	stream.linear.scatter [tilespmem:s29], [sflag:$0x3], $0x80, $0x38;
	[tilespmem:$0x1C600] =	vst v63  }
0x256: {  	s7 =	smov.u32 s30;
	s29 =	smov.u32 s31;
	p0 =	sne.s32 s30, $0x1F0  }
.Ltmp23:
0x257: {  	s30 =	sadd.s32 $0x10, s30;
	(pc) =	sbr.rel @p0 .LBB2_49-.Ltmp23, $2  }
0x258: {  	_ =	sdelay $0x2  }
0x259: {  	s31 =	sadd.s32 $0x90, s31;
	s22 =	sadd.s32 s7, s28  }
0x25a: {  	[hbm4b:s22+s3] =	stream.linear.scatter [tilespmem:s29], [sflag:$0x3], $0x80, $0x38;
	[tilespmem:$0x1C600] =	vst v63  }
0x25b: {  	s28 =	sadd.s32 $0x5000, s2;
	s29 =	simm.s32 $0x15E00  }
0x25c: {  	s30 =	simm.s32 $0x10;
	s31 =	simm.s32 $0x15E90;
	s22 =	sadd.s32 $0x0, s28  }
.LBB2_51:
0x25d: {  	[hbm4b:s22+s3] =	stream.linear.scatter [tilespmem:s29], [sflag:$0x3], $0x80, $0x38;
	[tilespmem:$0x1C600] =	vst v63  }
0x25e: {  	s7 =	smov.u32 s30;
	s29 =	smov.u32 s31;
	p0 =	sne.s32 s30, $0x1F0  }
.Ltmp24:
0x25f: {  	s30 =	sadd.s32 $0x10, s30;
	(pc) =	sbr.rel @p0 .LBB2_51-.Ltmp24, $2  }
0x260: {  	_ =	sdelay $0x2  }
0x261: {  	s31 =	sadd.s32 $0x90, s31;
	s22 =	sadd.s32 s7, s28  }
0x262: {  	[hbm4b:s22+s3] =	stream.linear.scatter [tilespmem:s29], [sflag:$0x3], $0x80, $0x38;
	[tilespmem:$0x1C600] =	vst v63  }
0x263: {  	s28 =	sadd.s32 $0x6000, s2;
	s29 =	simm.s32 $0x17000  }
0x264: {  	s30 =	simm.s32 $0x10;
	s31 =	simm.s32 $0x17090;
	s22 =	sadd.s32 $0x0, s28  }
.LBB2_53:
0x265: {  	[hbm4b:s22+s3] =	stream.linear.scatter [tilespmem:s29], [sflag:$0x3], $0x80, $0x38;
	[tilespmem:$0x1C600] =	vst v63  }
0x266: {  	s7 =	smov.u32 s30;
	s29 =	smov.u32 s31;
	p0 =	sne.s32 s30, $0x1F0  }
.Ltmp25:
0x267: {  	s30 =	sadd.s32 $0x10, s30;
	(pc) =	sbr.rel @p0 .LBB2_53-.Ltmp25, $2  }
0x268: {  	_ =	sdelay $0x2  }
0x269: {  	s31 =	sadd.s32 $0x90, s31;
	s22 =	sadd.s32 s7, s28  }
0x26a: {  	[hbm4b:s22+s3] =	stream.linear.scatter [tilespmem:s29], [sflag:$0x3], $0x80, $0x38;
	[tilespmem:$0x1C600] =	vst v63  }
0x26b: {  	s2 =	sadd.s32 $0x7000, s2;
	s28 =	simm.s32 $0x18200  }
0x26c: {  	s29 =	simm.s32 $0x10;
	s30 =	simm.s32 $0x18290;
	s22 =	sadd.s32 $0x0, s2  }
.LBB2_55:
0x26d: {  	[hbm4b:s22+s3] =	stream.linear.scatter [tilespmem:s28], [sflag:$0x3], $0x80, $0x38;
	[tilespmem:$0x1C600] =	vst v63  }
0x26e: {  	s7 =	smov.u32 s29;
	s28 =	smov.u32 s30;
	p0 =	sne.s32 s29, $0x1F0  }
.Ltmp26:
0x26f: {  	s29 =	sadd.s32 $0x10, s29;
	(pc) =	sbr.rel @p0 .LBB2_55-.Ltmp26, $2  }
0x270: {  	_ =	sdelay $0x2  }
0x271: {  	s30 =	sadd.s32 $0x90, s30;
	s22 =	sadd.s32 s7, s2  }
0x272: {  	[hbm4b:s22+s3] =	stream.linear.scatter [tilespmem:s28], [sflag:$0x3], $0x80, $0x38;
	[tilespmem:$0x1C600] =	vst v63  }
0x273: {  	s2 =	sadd.s32 s26, s15  }
0x274: {  	s2 =	sshll.u32 s2, $0x6  }
0x275: {  	s2 =	sand.u32 $0x1FFFFF80, s2  }
0x276: {  	s2 =	sadd.s32 s4, s2  }
0x277: {  	[tilespmem:s3], [sflag:$0x4] =	stream.linear.gather [hbm4b:s2+s3], $0x200, $0x38;
	[tilespmem:$0x1C600] =	vst v63  }
0x278: {  	_ =	swait.ge [sflag:s23], $0x200  }
0x279: {  	[sflag:s23] =	ssyncset.done $0x0  }
0x27a: {  	s22 =	simm.s32 $0x400;
	[sflag:s23] =	ssyncadd.s32 $0xFFFFFE00  }
0x27b: {  	[tilespmem:s22], [sflag:$0x1] =	stream.indirect.gather [hbm4b:s6+s24], $0x40, s3, s24, $0xb8;
	[tilespmem:$0x1C600] =	vst v63  }
0x27c: {  	s7 =	simm.s32 $0x2400  }
0x27d: {  	[tilespmem:s7], [sflag:$0x1] =	stream.indirect.gather [hbm4b:s6+s24], $0x40, s24, s24, $0xb8;
	[tilespmem:$0x1C600] =	vst v63  }
0x27e: {  	s8 =	simm.s32 $0x100;
	s7 =	simm.s32 $0x4400  }
0x27f: {  	[tilespmem:s7], [sflag:$0x1] =	stream.indirect.gather [hbm4b:s6+s24], $0x40, s8, s24, $0xb8;
	[tilespmem:$0x1C600] =	vst v63  }
0x280: {  	s9 =	simm.s32 $0x180;
	s12 =	simm.s32 $0x6400  }
0x281: {  	[tilespmem:s12], [sflag:$0x1] =	stream.indirect.gather [hbm4b:s6+s24], $0x40, s9, s24, $0xb8;
	[tilespmem:$0x1C600] =	vst v63  }
0x282: {  	_ =	swait.ge [sflag:s19], $0x2000  }
0x283: {  	[sflag:s19] =	ssyncset.done $0x0  }
0x284: {  	[sflag:s19] =	ssyncadd.s32 $0xFFFFE000  }
0x285: {  	_ =	swait.ge [sflag:s19], $0x2000  }
0x286: {  	[sflag:s19] =	ssyncset.done $0x0  }
0x287: {  	[sflag:s19] =	ssyncadd.s32 $0xFFFFE000  }
0x288: {  	_ =	swait.ge [sflag:s19], $0x2000  }
0x289: {  	[sflag:s19] =	ssyncset.done $0x0  }
0x28a: {  	s14 =	sadd.s32 s26, s5;
	[sflag:s19] =	ssyncadd.s32 $0xFFFFE000  }
0x28b: {  	s28 =	sadd.s32 $0x1, s14;
	_ =	swait.ge [sflag:s19], $0x2000  }
0x28c: {  	s30 =	simm.s32 $0x0;
	s2 =	sshll.u32 s28, $0x3;
	[sflag:s19] =	ssyncset.done $0x0  }
0x28d: {  	s14 =	simm.s32 $0x7;
	s2 =	sand.u32 $0x3FFFFFC0, s2;
	[sflag:s19] =	ssyncadd.s32 $0xFFFFE000  }
0x28e: {  	s22 =	simm.s32 $0x1;
	s8 =	simm.s32 $0x2;
	_ =	swait.ge [sflag:s10], $0x8000  }
0x28f: {  	s7 =	sand.u32 $0x78, s22;
	s9 =	simm.s32 $0x0;
	[sflag:s10] =	ssyncset.done $0x0  }
0x290: {  	s22 =	sand.u32 $0x78, s14;
	v9 =	vmov s7;
	s8 =	sand.u32 $0x78, s8;
	v8 =	vmov s9;
	[sflag:s10] =	ssyncadd.s32 $0xFFFF8000  }
0x291: {  	s29 =	simm.s32 $0x8500;
	v12 =	vmov s22;
	v14 =	vmov s8;
	s9 =	sand.u32 $0x78, s30;
	v8 =	vmul.u32 $0x480, v8;
	v5 =	vld [tilespmem:s2+$0x19400]  }
0x292: {  	s12 =	simm.s32 $0x6;
	v9 =	vshrl.u32 v9, $0x3;
	v14 =	vshrl.u32 v14, $0x3;
	v11 =	vmov s9;
	v6 =	vld [tilespmem:s29+$0xFFFFFF40]  }
0x293: {  	s12 =	sand.u32 $0x78, s12;
	v14 =	vshll.u32 v14, v1;
	v16 =	vbroadcast v8, $0x0;
	v8 =	vshrl.u32 v11, $0x3;
	v7 =	vld [tilespmem:s29+$0x40]  }
0x294: {  	v13 =	vmov s12;
	v30 =	vbroadcast v14, $0x0;
	v8 =	vshll.u32 v8, v1;
	v19 =	vld [tilespmem:s29+$0x80]  }
0x295: {  	v11 =	vadd.s32 v0, v16;
	v22 =	vbroadcast v8, $0x0;
	v31 =	vadd.s32 v4, v16;
	v21 =	vld [tilespmem:s29+$0xFFFFFF00]  }
0x296: {  	v28 =	vadd.s32 v2, v16;
	v36 =	vadd.s32 v3, v16;
	v32 =	vadd.s32 v11, v30;
	v27 =	vld [tilespmem:s29+$0xC0]  }
0x297: {  	s12 =	simm.s32 $0x4;
	v29 =	vadd.s32 v28, v30;
	v24 =	vadd.s32 v22, v11;
	v32 =	vor.u32 $0x2, v32  }
0x298: {  	s7 =	sand.u32 $0x78, s12;
	v29 =	vor.u32 $0x2, v29;
	v40 =	vadd.s32 v22, v28;
	v10 =	vld [tilespmem:s29+$0xFFFFFFC0];
	v15 =	vadd.f32 v6, v5  }
0x299: {  	v6 =	vshll.u32 v9, v1;
	v9 =	vmov s7;
	v18 =	vadd.f32 v7, v5  }
0x29a: {  	v7 =	vshrl.u32 v13, $0x3;
	v19 =	vadd.f32 v19, v5;
	v17 =	vbroadcast v6, $0x0  }
0x29b: {  	s14 =	simm.s32 $0x3;
	v21 =	vadd.f32 v21, v5;
	v34 =	vadd.f32 v27, v5;
	v7 =	vshll.u32 v7, v1  }
0x29c: {  	s22 =	simm.s32 $0x5;
	s7 =	sand.u32 $0x78, s14;
	v6 =	vshrl.u32 v12, $0x3;
	v33 =	vbroadcast v7, $0x0;
	v20 =	vadd.s32 v11, v17  }
0x29d: {  	v12 =	vadd.f32 v10, v5;
	v13 =	vmov s7;
	s7 =	sand.u32 $0x78, s22;
	v20 =	vor.u32 $0x1, v20  }
0x29e: {  	v8 =	vld [tilespmem:s2+$0x19410];
	v9 =	vshrl.u32 v9, $0x3;
	v23 =	vmov s7;
	v26 =	vadd.s32 v11, v33  }
0x29f: {  	v10 =	vld [tilespmem:s29+$0x0];
	v13 =	vshrl.u32 v13, $0x3;
	v25 =	vshll.u32 v6, v1;
	v26 =	vor.u32 $0x6, v26  }
0x2a0: {  	v7 =	vld [tilespmem:s2+$0x19420];
	v9 =	vshll.u32 v9, v1;
	v25 =	vbroadcast v25, $0x0;
	v13 =	vshll.u32 v13, v1  }
0x2a1: {  	v6 =	vld [tilespmem:s2+$0x19430];
	[tilespmem:v24+s17+$0x0] =	vst.idx.msk $0xffff, v21;
	v27 =	vadd.s32 v28, v17;
	v24 =	vadd.s32 v36, v33;
	v62 =	vbroadcast v13, $0x0  }
0x2a2: {  	v35 =	vadd.s32 v11, v25;
	v38 =	vadd.s32 v28, v25;
	[tilespmem:v20+s17+$0x0] =	vst.idx.msk $0xffff, v15;
	v15 =	vshrl.u32 v23, $0x3;
	v23 =	vld [tilespmem:s29+$0xFFFFFF80]  }
0x2a3: {  	v42 =	vadd.s32 v36, v25;
	v20 =	vld [tilespmem:s29+$0xFFFFFF50];
	v14 =	vshll.u32 v15, v1;
	v15 =	vbroadcast v9, $0x0  }
0x2a4: {  	v27 =	vor.u32 $0x1, v27;
	v10 =	vadd.f32 v10, v5;
	v47 =	vadd.s32 v28, v62;
	[tilespmem:v26+s17+$0x0] =	vst.idx.msk $0xffff, v19  }
0x2a5: {  	v9 =	vadd.s32 v28, v33;
	v14 =	vbroadcast v14, $0x0;
	v61 =	vld [tilespmem:s29+$0x90];
	v16 =	vadd.s32 v11, v15  }
0x2a6: {  	v39 =	vor.u32 $0x6, v9;
	v9 =	vadd.s32 v31, v25;
	v19 =	vor.u32 $0x4, v16  }
0x2a7: {  	v25 =	vadd.s32 v31, v62;
	v37 =	vadd.s32 v11, v14;
	v21 =	vadd.f32 v23, v5;
	v23 =	vld [tilespmem:s29+$0xFFFFFF10]  }
0x2a8: {  	v16 =	vadd.s32 v22, v36;
	v26 =	vor.u32 $0x5, v37;
	v20 =	vadd.f32 v20, v8  }
0x2a9: {  	v35 =	vor.u32 $0x7, v35;
	v41 =	vadd.s32 v28, v14;
	v11 =	vadd.s32 v11, v62;
	[tilespmem:v32+s17+$0x0] =	vst.idx.msk $0xffff, v21  }
0x2aa: {  	v11 =	vor.u32 $0x3, v11;
	v21 =	vadd.s32 v36, v30;
	v37 =	vadd.f32 v61, v8;
	v13 =	vld [tilespmem:s29+$0xFFFFFF90];
	[tilespmem:v27+s17+$0x0] =	vst.idx.msk $0xffff, v20  }
0x2ab: {  	v9 =	vor.u32 $0x7, v9;
	v27 =	vadd.s32 v36, v14;
	v43 =	vld [tilespmem:s29+$0xFFFFFF60];
	[tilespmem:v19+s17+$0x0] =	vst.idx.msk $0xffff, v10;
	v10 =	vadd.s32 v28, v15  }
0x2ac: {  	v32 =	vor.u32 $0x5, v41;
	[tilespmem:v39+s17+$0x0] =	vst.idx.msk $0xffff, v37;
	v20 =	vadd.f32 v23, v8;
	v23 =	vadd.s32 v36, v17;
	v45 =	vld [tilespmem:s29+$0x10]  }
0x2ad: {  	v19 =	vor.u32 $0x6, v24;
	v46 =	vor.u32 $0x4, v10;
	[tilespmem:v26+s17+$0x0] =	vst.idx.msk $0xffff, v18;
	v44 =	vor.u32 $0x1, v23  }
0x2ae: {  	v10 =	vor.u32 $0x3, v25;
	v26 =	vadd.s32 v31, v14;
	v25 =	vadd.s32 v36, v62;
	v63 =	vld [tilespmem:s29+$0x50];
	[tilespmem:v40+s17+$0x0] =	vst.idx.msk $0xffff, v20  }
0x2af: {  	v24 =	vor.u32 $0x7, v38;
	[tilespmem:v11+s17+$0x0] =	vst.idx.msk $0xffff, v12;
	v23 =	vadd.s32 v36, v15;
	v20 =	vadd.f32 v13, v8;
	v40 =	vld [tilespmem:s29+$0xFFFFFF20]  }
0x2b0: {  	v28 =	vld [tilespmem:s29+$0xA0];
	v15 =	vadd.s32 v31, v15;
	v13 =	vadd.s32 v22, v31;
	v22 =	vadd.f32 v43, v7  }
0x2b1: {  	v14 =	vor.u32 $0x7, v42;
	[tilespmem:v29+s17+$0x0] =	vst.idx.msk $0xffff, v20;
	v20 =	vadd.s32 v31, v30;
	v11 =	vadd.f32 v45, v8;
	v30 =	vld [tilespmem:s29+$0xFFFFFFD0]  }
0x2b2: {  	v18 =	vor.u32 $0x3, v47;
	v29 =	vld [tilespmem:s29+$0xFFFFFFA0];
	[tilespmem:v44+s17+$0x0] =	vst.idx.msk $0xffff, v22;
	v22 =	vadd.s32 v31, v17;
	v31 =	vadd.s32 v31, v33  }
0x2b3: {  	v12 =	vor.u32 $0x2, v20;
	v33 =	vadd.f32 v63, v8;
	v17 =	vld [tilespmem:s29+$0xFFFFFF70];
	[tilespmem:v46+s17+$0x0] =	vst.idx.msk $0xffff, v11;
	v11 =	vor.u32 $0x4, v15  }
0x2b4: {  	s31 =	sshrl.u32 s28, $0x3;
	s2 =	simm.s32 $0x8700;
	[tilespmem:v35+s17+$0x0] =	vst.idx.msk $0xffff, v34;
	v15 =	vor.u32 $0x6, v31;
	v20 =	vor.u32 $0x1, v22;
	v31 =	vadd.f32 v40, v7;
	v22 =	vld [tilespmem:s29+$0x20]  }
.LBB2_57:
0x2b5: {  	s7 =	sadd.s32 $0x9, s30  }
0x2b6: {  	v34 =	vld [tilespmem:s2+$0xFFFFFF40];
	s8 =	sadd.s32 $0xA, s30;
	v35 =	vor.u32 $0x4, v23;
	v23 =	vor.u32 $0x5, v26;
	v26 =	vadd.f32 v28, v7;
	s9 =	smov.u32 s30;
	s30 =	sadd.s32 $0x8, s30  }
0x2b7: {  	v21 =	vor.u32 $0x2, v21;
	v27 =	vor.u32 $0x5, v27;
	s12 =	sshrl.u32 s30, $0x7;
	s7 =	sand.u32 $0x78, s7;
	s14 =	sadd.s32 $0xE, s9;
	v28 =	vadd.f32 v29, v7;
	v29 =	vld [tilespmem:s29+$0xD0]  }
0x2b8: {  	s22 =	sadd.s32 $0xF, s9;
	v36 =	vmov s12;
	s12 =	sand.u32 $0x78, s30;
	v37 =	vmov s7;
	s7 =	sadd.s32 $0xC, s9;
	v38 =	vld [tilespmem:s2+$0x40];
	v30 =	vadd.f32 v30, v8;
	[tilespmem:v32+s17+$0x0] =	vst.idx.msk $0xffff, v33  }
0x2b9: {  	p0 =	slt.u32 s30, $0x1F8;
	s22 =	sand.u32 $0x78, s22;
	v32 =	vmov s12;
	v33 =	vmul.u32 $0x480, v36;
	s12 =	sadd.s32 $0xD, s9;
	[tilespmem:v16+s17+$0x0] =	vst.idx.msk $0xffff, v31;
	v16 =	vadd.f32 v17, v6;
	v31 =	vld [tilespmem:s29+$0x60]  }
0x2ba: {  	v25 =	vor.u32 $0x3, v25;
	s14 =	sand.u32 $0x78, s14;
	s9 =	sadd.s32 $0xB, s9;
	s7 =	sand.u32 $0x78, s7;
	v39 =	vmov s22;
	v36 =	vld [tilespmem:s2+$0xFFFFFFC0];
	[tilespmem:v18+s17+$0x0] =	vst.idx.msk $0xffff, v30;
	v17 =	vadd.f32 v22, v7  }
0x2bb: {  	s8 =	sand.u32 $0x78, s8;
	v18 =	vshrl.u32 v37, $0x3;
	s9 =	sand.u32 $0x78, s9;
	v22 =	vmov s14;
	v30 =	vadd.f32 v34, v5;
	v34 =	vld [tilespmem:s29+$0xFFFFFFE0];
	[tilespmem:v19+s17+$0x0] =	vst.idx.msk $0xffff, v26  }
0x2bc: {  	v18 =	vshll.u32 v18, v1;
	v26 =	vmov s8;
	v37 =	vld [tilespmem:s29+$0xFFFFFF30];
	[tilespmem:v35+s17+$0x0] =	vst.idx.msk $0xffff, v17;
	v29 =	vadd.f32 v29, v8  }
0x2bd: {  	v17 =	vbroadcast v18, $0x0;
	v35 =	vshrl.u32 v39, $0x3;
	v19 =	vadd.f32 v38, v5;
	[tilespmem:v21+s17+$0x0] =	vst.idx.msk $0xffff, v28;
	v21 =	vld [tilespmem:s29+$0xB0]  }
0x2be: {  	v22 =	vshrl.u32 v22, $0x3;
	v28 =	vmov s7;
	v38 =	vld [tilespmem:s2+$0x0];
	v31 =	vadd.f32 v31, v7;
	[tilespmem:v24+s17+$0x0] =	vst.idx.msk $0xffff, v29  }
0x2bf: {  	v22 =	vshll.u32 v22, v1;
	v29 =	vbroadcast v33, $0x0;
	v18 =	vadd.f32 v36, v5;
	[tilespmem:v20+s17+$0x0] =	vst.idx.msk $0xffff, v16;
	v16 =	vld [tilespmem:s29+$0xE0]  }
0x2c0: {  	v26 =	vshrl.u32 v26, $0x3;
	v33 =	vmov s9;
	v36 =	vld [tilespmem:s2+$0x80];
	v20 =	vadd.f32 v34, v7;
	[tilespmem:v27+s17+$0x0] =	vst.idx.msk $0xffff, v31  }
0x2c1: {  	s7 =	sand.u32 $0x78, s12;
	v24 =	vshrl.u32 v32, $0x3;
	v27 =	vadd.s32 v0, v29;
	v31 =	vadd.f32 v37, v6;
	v32 =	vld [tilespmem:s29+$0x70]  }
0x2c2: {  	v24 =	vshll.u32 v24, v1;
	v34 =	vadd.s32 v27, v17;
	v37 =	vmov s7;
	v39 =	vld [tilespmem:s29+$0xFFFFFFB0];
	[tilespmem:v25+s17+$0x0] =	vst.idx.msk $0xffff, v20  }
0x2c3: {  	v24 =	vbroadcast v24, $0x0;
	v20 =	vadd.s32 v4, v29;
	v25 =	vshrl.u32 v28, $0x3;
	[tilespmem:v13+s17+$0x0] =	vst.idx.msk $0xffff, v31;
	v13 =	vld [tilespmem:s29+$0xFFFFFFF0]  }
0x2c4: {  	v22 =	vbroadcast v22, $0x0;
	v31 =	vor.u32 $0x1, v34;
	v28 =	vld [tilespmem:s2+$0xFFFFFF00];
	v16 =	vadd.f32 v16, v7  }
0x2c5: {  	v35 =	vshll.u32 v35, v1;
	v33 =	vshrl.u32 v33, $0x3;
	v34 =	vadd.s32 v24, v27;
	v40 =	vld [tilespmem:s29+$0x30]  }
0x2c6: {  	v35 =	vbroadcast v35, $0x0;
	v41 =	vadd.s32 v27, v22;
	v38 =	vadd.f32 v38, v5;
	v42 =	vld [tilespmem:s2+$0xC0];
	[tilespmem:v14+s17+$0x0] =	vst.idx.msk $0xffff, v16  }
0x2c7: {  	v14 =	vadd.s32 v2, v29;
	v16 =	vor.u32 $0x6, v41;
	v32 =	vadd.f32 v32, v6;
	v41 =	vld [tilespmem:s29+$0xF0];
	s29 =	smov.u32 s2  }
0x2c8: {  	v26 =	vshll.u32 v26, v1;
	v21 =	vadd.f32 v21, v6;
	v36 =	vadd.f32 v36, v5  }
0x2c9: {  	v25 =	vshll.u32 v25, v1;
	v28 =	vadd.f32 v28, v5;
	[tilespmem:v31+s17+$0x0] =	vst.idx.msk $0xffff, v30;
	v30 =	vshrl.u32 v37, $0x3  }
0x2ca: {  	v37 =	vbroadcast v26, $0x0;
	v31 =	vld [tilespmem:s2+$0xFFFFFF50];
	v26 =	vshll.u32 v30, v1;
	v30 =	vadd.f32 v40, v6;
	[tilespmem:v15+s17+$0x0] =	vst.idx.msk $0xffff, v21  }
0x2cb: {  	v15 =	vbroadcast v25, $0x0;
	v21 =	vadd.s32 v14, v22;
	v25 =	vadd.f32 v39, v6;
	[tilespmem:v23+s17+$0x0] =	vst.idx.msk $0xffff, v32  }
0x2cc: {  	v32 =	vadd.s32 v14, v37;
	v39 =	vadd.f32 v42, v5;
	v23 =	vld [tilespmem:s2+$0xFFFFFF80];
	v40 =	vadd.f32 v41, v6  }
0x2cd: {  	v33 =	vshll.u32 v33, v1;
	v41 =	vadd.s32 v14, v17;
	[tilespmem:v12+s17+$0x0] =	vst.idx.msk $0xffff, v25  }
0x2ce: {  	v12 =	vadd.s32 v27, v37;
	v25 =	vbroadcast v26, $0x0;
	v26 =	vadd.s32 v27, v35;
	[tilespmem:v9+s17+$0x0] =	vst.idx.msk $0xffff, v40  }
0x2cf: {  	v29 =	vadd.s32 v3, v29;
	v9 =	vor.u32 $0x2, v12;
	v12 =	vadd.f32 v13, v6;
	[tilespmem:v11+s17+$0x0] =	vst.idx.msk $0xffff, v30  }
0x2d0: {  	v13 =	vor.u32 $0x1, v41;
	v11 =	vadd.f32 v31, v8;
	[tilespmem:v34+s17+$0x0] =	vst.idx.msk $0xffff, v28;
	v28 =	vadd.s32 v27, v15  }
0x2d1: {  	v31 =	vadd.s32 v29, v22;
	v34 =	vor.u32 $0x7, v26;
	v30 =	vld [tilespmem:s2+$0xFFFFFF10];
	v23 =	vadd.f32 v23, v5;
	[tilespmem:v10+s17+$0x0] =	vst.idx.msk $0xffff, v12  }
0x2d2: {  	v12 =	vor.u32 $0x2, v32;
	v10 =	vadd.s32 v27, v25;
	v32 =	vadd.s32 v14, v35;
	[tilespmem:v16+s17+$0x0] =	vst.idx.msk $0xffff, v36  }
0x2d3: {  	v26 =	vor.u32 $0x4, v28;
	v28 =	vor.u32 $0x5, v10;
	v36 =	vor.u32 $0x6, v21;
	v10 =	vld [tilespmem:s2+$0x90]  }
0x2d4: {  	v33 =	vbroadcast v33, $0x0;
	v40 =	vadd.s32 v24, v14;
	v16 =	vadd.s32 v24, v29;
	[tilespmem:v9+s17+$0x0] =	vst.idx.msk $0xffff, v23  }
0x2d5: {  	v43 =	vadd.s32 v29, v35;
	v42 =	vadd.s32 v14, v25;
	v9 =	vadd.s32 v20, v35;
	v41 =	vld [tilespmem:s2+$0xFFFFFF90]  }
0x2d6: {  	v21 =	vadd.s32 v29, v37;
	v9 =	vor.u32 $0x7, v9;
	[tilespmem:v13+s17+$0x0] =	vst.idx.msk $0xffff, v11;
	v11 =	vadd.s32 v27, v33  }
0x2d7: {  	v23 =	vadd.s32 v29, v17;
	v13 =	vadd.f32 v30, v8;
	v27 =	vadd.s32 v20, v33  }
0x2d8: {  	v35 =	vor.u32 $0x1, v23;
	v23 =	vadd.s32 v14, v15;
	v30 =	vld [tilespmem:s2+$0xFFFFFF60];
	[tilespmem:v26+s17+$0x0] =	vst.idx.msk $0xffff, v38;
	v26 =	vadd.f32 v10, v8  }
0x2d9: {  	v11 =	vor.u32 $0x3, v11;
	[tilespmem:v40+s17+$0x0] =	vst.idx.msk $0xffff, v13;
	v38 =	vld [tilespmem:s2+$0x10];
	v40 =	vor.u32 $0x4, v23;
	v23 =	vadd.s32 v29, v15  }
0x2da: {  	v10 =	vor.u32 $0x3, v27;
	v27 =	vadd.s32 v29, v25;
	v44 =	vld [tilespmem:s2+$0xFFFFFF20];
	v41 =	vadd.f32 v41, v8;
	[tilespmem:v36+s17+$0x0] =	vst.idx.msk $0xffff, v26  }
0x2db: {  	v36 =	vadd.s32 v14, v33;
	v26 =	vadd.s32 v20, v25;
	[tilespmem:v28+s17+$0x0] =	vst.idx.msk $0xffff, v19;
	v28 =	vld [tilespmem:s2+$0xA0];
	v19 =	vor.u32 $0x6, v31  }
0x2dc: {  	v13 =	vadd.s32 v24, v20;
	v25 =	vadd.s32 v29, v33;
	v14 =	vor.u32 $0x7, v43;
	v33 =	vld [tilespmem:s2+$0x50];
	[tilespmem:v34+s17+$0x0] =	vst.idx.msk $0xffff, v39  }
.Ltmp27:
0x2dd: {  	v15 =	vadd.s32 v20, v15;
	v24 =	vor.u32 $0x7, v32;
	v30 =	vadd.f32 v30, v7;
	[tilespmem:v12+s17+$0x0] =	vst.idx.msk $0xffff, v41;
	(pc) =	sbr.rel @p0 .LBB2_57-.Ltmp27, $4  }
0x2de: {  	v12 =	vadd.s32 v20, v37;
	v29 =	vld [tilespmem:s2+$0xFFFFFFA0];
	[tilespmem:v11+s17+$0x0] =	vst.idx.msk $0xffff, v18;
	v18 =	vor.u32 $0x3, v36;
	v11 =	vadd.f32 v38, v8  }
0x2df: {  	v32 =	vor.u32 $0x5, v42;
	v34 =	vadd.s32 v20, v17;
	v20 =	vadd.s32 v20, v22;
	[tilespmem:v35+s17+$0x0] =	vst.idx.msk $0xffff, v30;
	v30 =	vld [tilespmem:s2+$0xFFFFFFD0]  }
0x2e0: {  	v12 =	vor.u32 $0x2, v12;
	v17 =	vld [tilespmem:s2+$0xFFFFFF70];
	[tilespmem:v40+s17+$0x0] =	vst.idx.msk $0xffff, v11;
	v11 =	vor.u32 $0x4, v15;
	v15 =	vor.u32 $0x6, v20  }
0x2e1: {  	v31 =	vadd.f32 v44, v7;
	v20 =	vor.u32 $0x1, v34;
	s2 =	sadd.s32 $0x200, s2;
	v22 =	vld [tilespmem:s29+$0x20];
	v33 =	vadd.f32 v33, v8  }
0x2e2: {  	v5 =	vld [tilespmem:s29+$0xD0];
	_ =	sdelay $0x4  }
0x2e3: {  	[tilespmem:v32+s17+$0x0] =	vst.idx.msk $0xffff, v33;
	v5 =	vadd.f32 v5, v8  }
0x2e4: {  	v32 =	vld [tilespmem:s29+$0x60]  }
0x2e5: {  	v50 =	vadd.f32 v30, v8;
	[tilespmem:v24+s17+$0x0] =	vst.idx.msk $0xffff, v5  }
0x2e6: {  	v5 =	vor.u32 $0x5, v27;
	v24 =	vld [tilespmem:s29+$0xE0]  }
0x2e7: {  	v21 =	vor.u32 $0x2, v21;
	[tilespmem:v18+s17+$0x0] =	vst.idx.msk $0xffff, v50  }
0x2e8: {  	v51 =	vadd.f32 v28, v7;
	v18 =	vld [tilespmem:s29+$0xFFFFFFE0]  }
0x2e9: {  	v23 =	vor.u32 $0x4, v23;
	[tilespmem:v16+s17+$0x0] =	vst.idx.msk $0xffff, v31;
	v52 =	vadd.f32 v32, v7  }
0x2ea: {  	v25 =	vor.u32 $0x3, v25;
	v53 =	vadd.f32 v29, v7;
	[tilespmem:v19+s17+$0x0] =	vst.idx.msk $0xffff, v51;
	v54 =	vld [tilespmem:s29+$0xFFFFFF30]  }
0x2eb: {  	v19 =	vld [tilespmem:s29+$0xB0];
	[tilespmem:v5+s17+$0x0] =	vst.idx.msk $0xffff, v52;
	v5 =	vadd.f32 v24, v7  }
0x2ec: {  	v55 =	vadd.f32 v22, v7;
	[tilespmem:v21+s17+$0x0] =	vst.idx.msk $0xffff, v53;
	v56 =	vld [tilespmem:s29+$0x70]  }
0x2ed: {  	v57 =	vld [tilespmem:s29+$0xFFFFFFB0];
	v7 =	vadd.f32 v18, v7;
	[tilespmem:v14+s17+$0x0] =	vst.idx.msk $0xffff, v5  }
0x2ee: {  	v58 =	vadd.f32 v17, v6;
	[tilespmem:v23+s17+$0x0] =	vst.idx.msk $0xffff, v55;
	v5 =	vor.u32 $0x5, v26;
	v59 =	vld [tilespmem:s29+$0xF0]  }
0x2ef: {  	v8 =	vadd.f32 v54, v6;
	[tilespmem:v25+s17+$0x0] =	vst.idx.msk $0xffff, v7;
	v7 =	vld [tilespmem:s29+$0x30]  }
0x2f0: {  	[tilespmem:v20+s17+$0x0] =	vst.idx.msk $0xffff, v58;
	v61 =	vadd.f32 v19, v6;
	v60 =	vld [tilespmem:s29+$0xFFFFFFF0]  }
0x2f1: {  	[tilespmem:v13+s17+$0x0] =	vst.idx.msk $0xffff, v8;
	v62 =	vadd.f32 v56, v6  }
0x2f2: {  	s2 =	sshll.u32 s28, $0xC;
	s7 =	sshll.u32 s31, $0xF;
	[tilespmem:v15+s17+$0x0] =	vst.idx.msk $0xffff, v61;
	v63 =	vadd.f32 v57, v6  }
0x2f3: {  	s8 =	sshll.u32 s31, $0x12;
	s2 =	ssub.s32 s2, s7;
	[tilespmem:v5+s17+$0x0] =	vst.idx.msk $0xffff, v62;
	v5 =	vadd.f32 v59, v6  }
0x2f4: {  	s2 =	sadd.s32 s8, s2;
	[tilespmem:v12+s17+$0x0] =	vst.idx.msk $0xffff, v63;
	v7 =	vadd.f32 v7, v6  }
0x2f5: {  	s2 =	sshrl.u32 s2, $0x3;
	[tilespmem:v9+s17+$0x0] =	vst.idx.msk $0xffff, v5;
	v5 =	vadd.f32 v60, v6  }
0x2f6: {  	s28 =	simm.s32 $0x10400;
	s2 =	sadd.s32 s1, s2;
	[tilespmem:v11+s17+$0x0] =	vst.idx.msk $0xffff, v7  }
0x2f7: {  	s30 =	simm.s32 $0x10490;
	s22 =	sadd.s32 $0x0, s2;
	s29 =	simm.s32 $0x10;
	[tilespmem:v10+s17+$0x0] =	vst.idx.msk $0xffff, v5  }
.LBB2_59:
0x2f8: {  	[hbm4b:s22+s3] =	stream.linear.scatter [tilespmem:s28], [sflag:$0x3], $0x80, $0x38;
	[tilespmem:$0x1C600] =	vst v63  }
0x2f9: {  	s7 =	smov.u32 s29;
	s28 =	smov.u32 s30;
	p0 =	sne.s32 s29, $0x1F0  }
.Ltmp28:
0x2fa: {  	s29 =	sadd.s32 $0x10, s29;
	(pc) =	sbr.rel @p0 .LBB2_59-.Ltmp28, $2  }
0x2fb: {  	_ =	sdelay $0x2  }
0x2fc: {  	s30 =	sadd.s32 $0x90, s30;
	s22 =	sadd.s32 s7, s2  }
0x2fd: {  	[hbm4b:s22+s3] =	stream.linear.scatter [tilespmem:s28], [sflag:$0x3], $0x80, $0x38;
	[tilespmem:$0x1C600] =	vst v63  }
0x2fe: {  	s28 =	sadd.s32 $0x1000, s2;
	s29 =	simm.s32 $0x11600  }
0x2ff: {  	s30 =	simm.s32 $0x10;
	s31 =	simm.s32 $0x11690;
	s22 =	sadd.s32 $0x0, s28  }
.LBB2_61:
0x300: {  	[hbm4b:s22+s3] =	stream.linear.scatter [tilespmem:s29], [sflag:$0x3], $0x80, $0x38;
	[tilespmem:$0x1C600] =	vst v63  }
0x301: {  	s7 =	smov.u32 s30;
	s29 =	smov.u32 s31;
	p0 =	sne.s32 s30, $0x1F0  }
.Ltmp29:
0x302: {  	s30 =	sadd.s32 $0x10, s30;
	(pc) =	sbr.rel @p0 .LBB2_61-.Ltmp29, $2  }
0x303: {  	_ =	sdelay $0x2  }
0x304: {  	s31 =	sadd.s32 $0x90, s31;
	s22 =	sadd.s32 s7, s28  }
0x305: {  	[hbm4b:s22+s3] =	stream.linear.scatter [tilespmem:s29], [sflag:$0x3], $0x80, $0x38;
	[tilespmem:$0x1C600] =	vst v63  }
0x306: {  	s28 =	sadd.s32 $0x2000, s2;
	s29 =	simm.s32 $0x12800  }
0x307: {  	s30 =	simm.s32 $0x10;
	s31 =	simm.s32 $0x12890;
	s22 =	sadd.s32 $0x0, s28  }
.LBB2_63:
0x308: {  	[hbm4b:s22+s3] =	stream.linear.scatter [tilespmem:s29], [sflag:$0x3], $0x80, $0x38;
	[tilespmem:$0x1C600] =	vst v63  }
0x309: {  	s7 =	smov.u32 s30;
	s29 =	smov.u32 s31;
	p0 =	sne.s32 s30, $0x1F0  }
.Ltmp30:
0x30a: {  	s30 =	sadd.s32 $0x10, s30;
	(pc) =	sbr.rel @p0 .LBB2_63-.Ltmp30, $2  }
0x30b: {  	_ =	sdelay $0x2  }
0x30c: {  	s31 =	sadd.s32 $0x90, s31;
	s22 =	sadd.s32 s7, s28  }
0x30d: {  	[hbm4b:s22+s3] =	stream.linear.scatter [tilespmem:s29], [sflag:$0x3], $0x80, $0x38;
	[tilespmem:$0x1C600] =	vst v63  }
0x30e: {  	s28 =	sadd.s32 $0x3000, s2;
	s29 =	simm.s32 $0x13A00  }
0x30f: {  	s30 =	simm.s32 $0x10;
	s31 =	simm.s32 $0x13A90;
	s22 =	sadd.s32 $0x0, s28  }
.LBB2_65:
0x310: {  	[hbm4b:s22+s3] =	stream.linear.scatter [tilespmem:s29], [sflag:$0x3], $0x80, $0x38;
	[tilespmem:$0x1C600] =	vst v63  }
0x311: {  	s7 =	smov.u32 s30;
	s29 =	smov.u32 s31;
	p0 =	sne.s32 s30, $0x1F0  }
.Ltmp31:
0x312: {  	s30 =	sadd.s32 $0x10, s30;
	(pc) =	sbr.rel @p0 .LBB2_65-.Ltmp31, $2  }
0x313: {  	_ =	sdelay $0x2  }
0x314: {  	s31 =	sadd.s32 $0x90, s31;
	s22 =	sadd.s32 s7, s28  }
0x315: {  	[hbm4b:s22+s3] =	stream.linear.scatter [tilespmem:s29], [sflag:$0x3], $0x80, $0x38;
	[tilespmem:$0x1C600] =	vst v63  }
0x316: {  	s28 =	sadd.s32 $0x4000, s2;
	s29 =	simm.s32 $0x14C00  }
0x317: {  	s30 =	simm.s32 $0x10;
	s31 =	simm.s32 $0x14C90;
	s22 =	sadd.s32 $0x0, s28  }
.LBB2_67:
0x318: {  	[hbm4b:s22+s3] =	stream.linear.scatter [tilespmem:s29], [sflag:$0x3], $0x80, $0x38;
	[tilespmem:$0x1C600] =	vst v63  }
0x319: {  	s7 =	smov.u32 s30;
	s29 =	smov.u32 s31;
	p0 =	sne.s32 s30, $0x1F0  }
.Ltmp32:
0x31a: {  	s30 =	sadd.s32 $0x10, s30;
	(pc) =	sbr.rel @p0 .LBB2_67-.Ltmp32, $2  }
0x31b: {  	_ =	sdelay $0x2  }
0x31c: {  	s31 =	sadd.s32 $0x90, s31;
	s22 =	sadd.s32 s7, s28  }
0x31d: {  	[hbm4b:s22+s3] =	stream.linear.scatter [tilespmem:s29], [sflag:$0x3], $0x80, $0x38;
	[tilespmem:$0x1C600] =	vst v63  }
0x31e: {  	s28 =	sadd.s32 $0x5000, s2;
	s29 =	simm.s32 $0x15E00  }
0x31f: {  	s30 =	simm.s32 $0x10;
	s31 =	simm.s32 $0x15E90;
	s22 =	sadd.s32 $0x0, s28  }
.LBB2_69:
0x320: {  	[hbm4b:s22+s3] =	stream.linear.scatter [tilespmem:s29], [sflag:$0x3], $0x80, $0x38;
	[tilespmem:$0x1C600] =	vst v63  }
0x321: {  	s7 =	smov.u32 s30;
	s29 =	smov.u32 s31;
	p0 =	sne.s32 s30, $0x1F0  }
.Ltmp33:
0x322: {  	s30 =	sadd.s32 $0x10, s30;
	(pc) =	sbr.rel @p0 .LBB2_69-.Ltmp33, $2  }
0x323: {  	_ =	sdelay $0x2  }
0x324: {  	s31 =	sadd.s32 $0x90, s31;
	s22 =	sadd.s32 s7, s28  }
0x325: {  	[hbm4b:s22+s3] =	stream.linear.scatter [tilespmem:s29], [sflag:$0x3], $0x80, $0x38;
	[tilespmem:$0x1C600] =	vst v63  }
0x326: {  	s28 =	sadd.s32 $0x6000, s2;
	s29 =	simm.s32 $0x17000  }
0x327: {  	s30 =	simm.s32 $0x10;
	s31 =	simm.s32 $0x17090;
	s22 =	sadd.s32 $0x0, s28  }
.LBB2_71:
0x328: {  	[hbm4b:s22+s3] =	stream.linear.scatter [tilespmem:s29], [sflag:$0x3], $0x80, $0x38;
	[tilespmem:$0x1C600] =	vst v63  }
0x329: {  	s7 =	smov.u32 s30;
	s29 =	smov.u32 s31;
	p0 =	sne.s32 s30, $0x1F0  }
.Ltmp34:
0x32a: {  	s30 =	sadd.s32 $0x10, s30;
	(pc) =	sbr.rel @p0 .LBB2_71-.Ltmp34, $2  }
0x32b: {  	_ =	sdelay $0x2  }
0x32c: {  	s31 =	sadd.s32 $0x90, s31;
	s22 =	sadd.s32 s7, s28  }
0x32d: {  	[hbm4b:s22+s3] =	stream.linear.scatter [tilespmem:s29], [sflag:$0x3], $0x80, $0x38;
	[tilespmem:$0x1C600] =	vst v63  }
0x32e: {  	s2 =	sadd.s32 $0x7000, s2;
	s28 =	simm.s32 $0x18200  }
0x32f: {  	s29 =	simm.s32 $0x10;
	s30 =	simm.s32 $0x18290;
	s22 =	sadd.s32 $0x0, s2  }
.LBB2_73:
0x330: {  	[hbm4b:s22+s3] =	stream.linear.scatter [tilespmem:s28], [sflag:$0x3], $0x80, $0x38;
	[tilespmem:$0x1C600] =	vst v63  }
0x331: {  	s7 =	smov.u32 s29;
	s28 =	smov.u32 s30;
	p0 =	sne.s32 s29, $0x1F0  }
.Ltmp35:
0x332: {  	s29 =	sadd.s32 $0x10, s29;
	(pc) =	sbr.rel @p0 .LBB2_73-.Ltmp35, $2  }
0x333: {  	_ =	sdelay $0x2  }
0x334: {  	s30 =	sadd.s32 $0x90, s30;
	s22 =	sadd.s32 s7, s2  }
0x335: {  	[hbm4b:s22+s3] =	stream.linear.scatter [tilespmem:s28], [sflag:$0x3], $0x80, $0x38;
	[tilespmem:$0x1C600] =	vst v63  }
0x336: {  	s2 =	sadd.s32 s26, s16  }
0x337: {  	s2 =	sshll.u32 s2, $0x6  }
0x338: {  	s2 =	sand.u32 $0x1FFFFFC0, s2  }
0x339: {  	s2 =	sadd.s32 s4, s2  }
0x33a: {  	[tilespmem:s0], [sflag:$0x4] =	stream.linear.gather [hbm4b:s2+s3], $0x200, $0x38;
	[tilespmem:$0x1C600] =	vst v63  }
0x33b: {  	_ =	swait.ge [sflag:s23], $0x200  }
0x33c: {  	[sflag:s23] =	ssyncset.done $0x0  }
0x33d: {  	s22 =	simm.s32 $0x8400;
	s25 =	sadd.s32 $0x1, s25;
	[sflag:s23] =	ssyncadd.s32 $0xFFFFFE00  }
0x33e: {  	[tilespmem:s22], [sflag:$0x2] =	stream.indirect.gather [hbm4b:s6+s24], $0x40, s0, s24, $0xb8;
	[tilespmem:$0x1C600] =	vst v63  }
0x33f: {  	s26 =	simm.s32 $0x280;
	s7 =	simm.s32 $0xA400;
	p0 =	sne.s32 s25, $0x18  }
0x340: {  	[tilespmem:s7], [sflag:$0x2] =	stream.indirect.gather [hbm4b:s6+s24], $0x40, s26, s24, $0xb8;
	[tilespmem:$0x1C600] =	vst v63  }
.Ltmp36:
0x341: {  	_ = 	snop;
	(pc) =	sbr.rel @p0 .LBB2_38-.Ltmp36, $4  }
0x342: {  	s28 =	simm.s32 $0x300;
	s29 =	simm.s32 $0xC400  }
0x343: {  	[tilespmem:s29], [sflag:$0x2] =	stream.indirect.gather [hbm4b:s6+s24], $0x40, s28, s24, $0xb8;
	[tilespmem:$0x1C600] =	vst v63  }
0x344: {  	s30 =	simm.s32 $0x380;
	s31 =	simm.s32 $0xE400  }
0x345: {  	[tilespmem:s31], [sflag:$0x2] =	stream.indirect.gather [hbm4b:s6+s24], $0x40, s30, s24, $0xb8;
	[tilespmem:$0x1C600] =	vst v63  }
0x346: {  	_ =	swait.ge [sflag:s21], $0x2000  }
0x347: {  	[sflag:s21] =	ssyncset.done $0x0  }
0x348: {  	[sflag:s21] =	ssyncadd.s32 $0xFFFFE000  }
0x349: {  	_ =	swait.ge [sflag:s21], $0x2000  }
0x34a: {  	[sflag:s21] =	ssyncset.done $0x0  }
0x34b: {  	[sflag:s21] =	ssyncadd.s32 $0xFFFFE000  }
0x34c: {  	_ =	swait.ge [sflag:s21], $0x2000  }
0x34d: {  	[sflag:s21] =	ssyncset.done $0x0  }
0x34e: {  	[sflag:s21] =	ssyncadd.s32 $0xFFFFE000  }
0x34f: {  	_ =	swait.ge [sflag:s21], $0x2000  }
0x350: {  	[sflag:s21] =	ssyncset.done $0x0  }
0x351: {  	[sflag:s21] =	ssyncadd.s32 $0xFFFFE000  }
0x352: {  	_ =	swait.ge [sflag:s10], $0x8000  }
0x353: {  	[sflag:s10] =	ssyncset.done $0x0  }
0x354: {  	s12 =	rddreg [dreg:$0x9];
	[sflag:s10] =	ssyncadd.s32 $0xFFFF8000  }
0x355: {  	s25 =	simm.s32 $0x500;
	s2 =	simm.s32 $0x1;
	v5 =	vld [tilespmem:s12+$0x19400]  }
0x356: {  	s26 =	simm.s32 $0x0;
	s31 =	simm.s32 $0x7;
	s2 =	sand.u32 $0x78, s2;
	v6 =	vld [tilespmem:s25+$0xFFFFFF40]  }
0x357: {  	s7 =	simm.s32 $0x0;
	s29 =	simm.s32 $0x3;
	v9 =	vmov s2;
	s2 =	sand.u32 $0x78, s31;
	v7 =	vld [tilespmem:s25+$0x40]  }
0x358: {  	s8 =	simm.s32 $0x2;
	s30 =	sand.u32 $0x78, s26;
	v12 =	vmov s2;
	s2 =	sand.u32 $0x78, s29;
	v10 =	vld [tilespmem:s25+$0xFFFFFFC0]  }
0x359: {  	s22 =	simm.s32 $0x4;
	v8 =	vmov s7;
	s14 =	sand.u32 $0x78, s8;
	v11 =	vmov s30;
	v20 =	vmov s2;
	v21 =	vld [tilespmem:s25+$0xFFFFFF00]  }
0x35a: {  	s28 =	sand.u32 $0x78, s22;
	v8 =	vmul.u32 $0x480, v8;
	v14 =	vmov s14;
	s30 =	simm.s32 $0x5;
	v20 =	vshrl.u32 v20, $0x3;
	v27 =	vld [tilespmem:s25+$0xC0]  }
0x35b: {  	v16 =	vmov s28;
	v9 =	vshrl.u32 v9, $0x3;
	s31 =	sand.u32 $0x78, s30;
	v20 =	vshll.u32 v20, v1  }
0x35c: {  	s9 =	simm.s32 $0x6;
	v16 =	vshrl.u32 v16, $0x3;
	v23 =	vmov s31;
	v20 =	vbroadcast v20, $0x0  }
0x35d: {  	s9 =	sand.u32 $0x78, s9;
	v13 =	vadd.f32 v6, v5;
	v6 =	vshll.u32 v9, v1;
	v17 =	vadd.f32 v7, v5  }
0x35e: {  	v9 =	vmov s9;
	v18 =	vadd.f32 v10, v5;
	v21 =	vadd.f32 v21, v5  }
0x35f: {  	v34 =	vadd.f32 v27, v5;
	v15 =	vbroadcast v6, $0x0;
	v6 =	vshrl.u32 v12, $0x3  }
0x360: {  	v12 =	vbroadcast v8, $0x0;
	v7 =	vshrl.u32 v9, $0x3;
	v8 =	vshrl.u32 v11, $0x3  }
0x361: {  	v11 =	vshrl.u32 v14, $0x3;
	v7 =	vshll.u32 v7, v1;
	v8 =	vshll.u32 v8, v1  }
0x362: {  	v25 =	vshll.u32 v6, v1;
	v11 =	vshll.u32 v11, v1;
	v10 =	vadd.s32 v0, v12  }
0x363: {  	v9 =	vld [tilespmem:s25+$0x0];
	v22 =	vbroadcast v8, $0x0;
	v31 =	vadd.s32 v4, v12;
	v33 =	vbroadcast v7, $0x0  }
0x364: {  	v25 =	vbroadcast v25, $0x0;
	v28 =	vadd.s32 v2, v12;
	v19 =	vadd.s32 v10, v15  }
0x365: {  	v11 =	vbroadcast v11, $0x0;
	v12 =	vadd.s32 v3, v12;
	v19 =	vor.u32 $0x1, v19  }
0x366: {  	v14 =	vld [tilespmem:s25+$0x80];
	v27 =	vadd.s32 v28, v15;
	v48 =	vadd.s32 v28, v20;
	v24 =	vadd.s32 v22, v10  }
0x367: {  	v6 =	vld [tilespmem:s12+$0x19430];
	v63 =	vadd.s32 v31, v15;
	v30 =	vadd.s32 v28, v11;
	v32 =	vadd.s32 v10, v11  }
0x368: {  	v8 =	vld [tilespmem:s12+$0x19410];
	v27 =	vor.u32 $0x1, v27;
	v26 =	vadd.f32 v9, v5;
	v9 =	vadd.s32 v10, v33  }
0x369: {  	v7 =	vld [tilespmem:s12+$0x19420];
	v38 =	vadd.s32 v28, v25;
	v40 =	vadd.s32 v22, v28;
	v9 =	vor.u32 $0x6, v9  }
0x36a: {  	v42 =	vadd.s32 v12, v25;
	[tilespmem:v19+s17+$0x0] =	vst.idx.msk $0xffff, v13;
	v13 =	vshll.u32 v16, v1;
	v16 =	vshrl.u32 v23, $0x3;
	v23 =	vld [tilespmem:s25+$0xFFFFFF80]  }
0x36b: {  	v14 =	vadd.f32 v14, v5;
	v32 =	vor.u32 $0x2, v32;
	[tilespmem:v24+s17+$0x0] =	vst.idx.msk $0xffff, v21;
	v19 =	vld [tilespmem:s25+$0xFFFFFF50];
	v29 =	vbroadcast v13, $0x0  }
0x36c: {  	v24 =	vadd.s32 v12, v33;
	v16 =	vshll.u32 v16, v1;
	v13 =	vadd.s32 v28, v33  }
0x36d: {  	v35 =	vbroadcast v16, $0x0;
	v16 =	vadd.s32 v10, v25;
	v36 =	vadd.s32 v10, v29  }
0x36e: {  	[tilespmem:v9+s17+$0x0] =	vst.idx.msk $0xffff, v14;
	v9 =	vadd.s32 v31, v25;
	v25 =	vadd.s32 v31, v20;
	v14 =	vor.u32 $0x4, v36  }
0x36f: {  	v37 =	vor.u32 $0x7, v16;
	v16 =	vadd.s32 v10, v35;
	v21 =	vadd.f32 v23, v5;
	v23 =	vld [tilespmem:s25+$0xFFFFFF10]  }
0x370: {  	v39 =	vld [tilespmem:s25+$0x90];
	v41 =	vadd.s32 v28, v35;
	v61 =	vor.u32 $0x5, v16;
	v19 =	vadd.f32 v19, v8  }
0x371: {  	v13 =	vor.u32 $0x6, v13;
	v10 =	vadd.s32 v10, v20;
	v16 =	vadd.s32 v22, v12;
	[tilespmem:v32+s17+$0x0] =	vst.idx.msk $0xffff, v21  }
0x372: {  	v45 =	vor.u32 $0x3, v10;
	v10 =	vor.u32 $0x3, v25;
	v25 =	vadd.s32 v12, v20;
	v32 =	vld [tilespmem:s25+$0xFFFFFF90];
	[tilespmem:v27+s17+$0x0] =	vst.idx.msk $0xffff, v19  }
0x373: {  	v30 =	vor.u32 $0x2, v30;
	v20 =	vadd.s32 v31, v29;
	v21 =	vadd.s32 v12, v11;
	v43 =	vld [tilespmem:s25+$0xFFFFFF60];
	[tilespmem:v14+s17+$0x0] =	vst.idx.msk $0xffff, v26  }
0x374: {  	v11 =	vadd.s32 v31, v11;
	v19 =	vadd.f32 v23, v8;
	v23 =	vadd.s32 v12, v15;
	v46 =	vld [tilespmem:s25+$0x10]  }
0x375: {  	v39 =	vadd.f32 v39, v8;
	v14 =	vadd.s32 v28, v29;
	[tilespmem:v61+s17+$0x0] =	vst.idx.msk $0xffff, v17;
	v44 =	vor.u32 $0x1, v23  }
0x376: {  	v27 =	vadd.s32 v12, v35;
	v26 =	vadd.s32 v31, v35;
	v47 =	vor.u32 $0x4, v14;
	v62 =	vld [tilespmem:s25+$0x50];
	[tilespmem:v40+s17+$0x0] =	vst.idx.msk $0xffff, v19  }
0x377: {  	v9 =	vor.u32 $0x7, v9;
	[tilespmem:v13+s17+$0x0] =	vst.idx.msk $0xffff, v39;
	v13 =	vadd.s32 v22, v31;
	v32 =	vadd.f32 v32, v8;
	v40 =	vld [tilespmem:s25+$0xFFFFFF20]  }
0x378: {  	v14 =	vor.u32 $0x7, v42;
	[tilespmem:v45+s17+$0x0] =	vst.idx.msk $0xffff, v18;
	v23 =	vadd.s32 v12, v29;
	v28 =	vld [tilespmem:s25+$0xA0];
	v12 =	vadd.f32 v43, v7  }
0x379: {  	v18 =	vor.u32 $0x3, v48;
	v15 =	vadd.s32 v31, v33;
	[tilespmem:v30+s17+$0x0] =	vst.idx.msk $0xffff, v32;
	v22 =	vadd.f32 v46, v8;
	v30 =	vld [tilespmem:s25+$0xFFFFFFD0]  }
0x37a: {  	v15 =	vor.u32 $0x6, v15;
	v19 =	vor.u32 $0x6, v24;
	v24 =	vor.u32 $0x7, v38;
	v29 =	vld [tilespmem:s25+$0xFFFFFFA0];
	[tilespmem:v44+s17+$0x0] =	vst.idx.msk $0xffff, v12  }
0x37b: {  	v32 =	vor.u32 $0x5, v41;
	v12 =	vor.u32 $0x2, v11;
	v11 =	vor.u32 $0x4, v20;
	v17 =	vld [tilespmem:s25+$0xFFFFFF70];
	[tilespmem:v47+s17+$0x0] =	vst.idx.msk $0xffff, v22  }
0x37c: {  	s2 =	simm.s32 $0x700;
	[tilespmem:v37+s17+$0x0] =	vst.idx.msk $0xffff, v34;
	v20 =	vor.u32 $0x1, v63;
	v33 =	vadd.f32 v62, v8;
	v31 =	vadd.f32 v40, v7;
	v22 =	vld [tilespmem:s25+$0x20]  }
.LBB2_76:
0x37d: {  	s7 =	sadd.s32 $0x9, s26  }
0x37e: {  	v34 =	vld [tilespmem:s2+$0xFFFFFF40];
	s8 =	sadd.s32 $0xA, s26;
	v35 =	vor.u32 $0x4, v23;
	v23 =	vor.u32 $0x5, v26;
	v26 =	vadd.f32 v28, v7;
	s9 =	smov.u32 s26;
	s26 =	sadd.s32 $0x8, s26  }
0x37f: {  	v21 =	vor.u32 $0x2, v21;
	v27 =	vor.u32 $0x5, v27;
	s12 =	sshrl.u32 s26, $0x7;
	s7 =	sand.u32 $0x78, s7;
	s14 =	sadd.s32 $0xE, s9;
	v28 =	vadd.f32 v29, v7;
	v29 =	vld [tilespmem:s25+$0xD0]  }
0x380: {  	s22 =	sadd.s32 $0xF, s9;
	v36 =	vmov s12;
	s12 =	sand.u32 $0x78, s26;
	v37 =	vmov s7;
	s7 =	sadd.s32 $0xC, s9;
	v38 =	vld [tilespmem:s2+$0x40];
	v30 =	vadd.f32 v30, v8;
	[tilespmem:v32+s17+$0x0] =	vst.idx.msk $0xffff, v33  }
0x381: {  	p0 =	slt.u32 s26, $0x1F8;
	s22 =	sand.u32 $0x78, s22;
	v32 =	vmov s12;
	v33 =	vmul.u32 $0x480, v36;
	s12 =	sadd.s32 $0xD, s9;
	[tilespmem:v16+s17+$0x0] =	vst.idx.msk $0xffff, v31;
	v16 =	vadd.f32 v17, v6;
	v31 =	vld [tilespmem:s25+$0x60]  }
0x382: {  	v25 =	vor.u32 $0x3, v25;
	s14 =	sand.u32 $0x78, s14;
	s9 =	sadd.s32 $0xB, s9;
	s7 =	sand.u32 $0x78, s7;
	v39 =	vmov s22;
	v36 =	vld [tilespmem:s2+$0xFFFFFFC0];
	[tilespmem:v18+s17+$0x0] =	vst.idx.msk $0xffff, v30;
	v17 =	vadd.f32 v22, v7  }
0x383: {  	s8 =	sand.u32 $0x78, s8;
	v18 =	vshrl.u32 v37, $0x3;
	s9 =	sand.u32 $0x78, s9;
	v22 =	vmov s14;
	v30 =	vadd.f32 v34, v5;
	v34 =	vld [tilespmem:s25+$0xFFFFFFE0];
	[tilespmem:v19+s17+$0x0] =	vst.idx.msk $0xffff, v26  }
0x384: {  	v18 =	vshll.u32 v18, v1;
	v26 =	vmov s8;
	v37 =	vld [tilespmem:s25+$0xFFFFFF30];
	[tilespmem:v35+s17+$0x0] =	vst.idx.msk $0xffff, v17;
	v29 =	vadd.f32 v29, v8  }
0x385: {  	v17 =	vbroadcast v18, $0x0;
	v35 =	vshrl.u32 v39, $0x3;
	v19 =	vadd.f32 v38, v5;
	[tilespmem:v21+s17+$0x0] =	vst.idx.msk $0xffff, v28;
	v21 =	vld [tilespmem:s25+$0xB0]  }
0x386: {  	v22 =	vshrl.u32 v22, $0x3;
	v28 =	vmov s7;
	v38 =	vld [tilespmem:s2+$0x0];
	v31 =	vadd.f32 v31, v7;
	[tilespmem:v24+s17+$0x0] =	vst.idx.msk $0xffff, v29  }
0x387: {  	v22 =	vshll.u32 v22, v1;
	v29 =	vbroadcast v33, $0x0;
	v18 =	vadd.f32 v36, v5;
	[tilespmem:v20+s17+$0x0] =	vst.idx.msk $0xffff, v16;
	v16 =	vld [tilespmem:s25+$0xE0]  }
0x388: {  	v26 =	vshrl.u32 v26, $0x3;
	v33 =	vmov s9;
	v36 =	vld [tilespmem:s2+$0x80];
	v20 =	vadd.f32 v34, v7;
	[tilespmem:v27+s17+$0x0] =	vst.idx.msk $0xffff, v31  }
0x389: {  	s7 =	sand.u32 $0x78, s12;
	v24 =	vshrl.u32 v32, $0x3;
	v27 =	vadd.s32 v0, v29;
	v31 =	vadd.f32 v37, v6;
	v32 =	vld [tilespmem:s25+$0x70]  }
0x38a: {  	v24 =	vshll.u32 v24, v1;
	v34 =	vadd.s32 v27, v17;
	v37 =	vmov s7;
	v39 =	vld [tilespmem:s25+$0xFFFFFFB0];
	[tilespmem:v25+s17+$0x0] =	vst.idx.msk $0xffff, v20  }
0x38b: {  	v24 =	vbroadcast v24, $0x0;
	v20 =	vadd.s32 v4, v29;
	v25 =	vshrl.u32 v28, $0x3;
	[tilespmem:v13+s17+$0x0] =	vst.idx.msk $0xffff, v31;
	v13 =	vld [tilespmem:s25+$0xFFFFFFF0]  }
0x38c: {  	v22 =	vbroadcast v22, $0x0;
	v31 =	vor.u32 $0x1, v34;
	v28 =	vld [tilespmem:s2+$0xFFFFFF00];
	v16 =	vadd.f32 v16, v7  }
0x38d: {  	v35 =	vshll.u32 v35, v1;
	v33 =	vshrl.u32 v33, $0x3;
	v34 =	vadd.s32 v24, v27;
	v40 =	vld [tilespmem:s25+$0x30]  }
0x38e: {  	v35 =	vbroadcast v35, $0x0;
	v41 =	vadd.s32 v27, v22;
	v38 =	vadd.f32 v38, v5;
	v42 =	vld [tilespmem:s2+$0xC0];
	[tilespmem:v14+s17+$0x0] =	vst.idx.msk $0xffff, v16  }
0x38f: {  	v14 =	vadd.s32 v2, v29;
	v16 =	vor.u32 $0x6, v41;
	v32 =	vadd.f32 v32, v6;
	v41 =	vld [tilespmem:s25+$0xF0];
	s25 =	smov.u32 s2  }
0x390: {  	v26 =	vshll.u32 v26, v1;
	v21 =	vadd.f32 v21, v6;
	v36 =	vadd.f32 v36, v5  }
0x391: {  	v25 =	vshll.u32 v25, v1;
	v28 =	vadd.f32 v28, v5;
	[tilespmem:v31+s17+$0x0] =	vst.idx.msk $0xffff, v30;
	v30 =	vshrl.u32 v37, $0x3  }
0x392: {  	v37 =	vbroadcast v26, $0x0;
	v31 =	vld [tilespmem:s2+$0xFFFFFF50];
	v26 =	vshll.u32 v30, v1;
	v30 =	vadd.f32 v40, v6;
	[tilespmem:v15+s17+$0x0] =	vst.idx.msk $0xffff, v21  }
0x393: {  	v15 =	vbroadcast v25, $0x0;
	v21 =	vadd.s32 v14, v22;
	v25 =	vadd.f32 v39, v6;
	[tilespmem:v23+s17+$0x0] =	vst.idx.msk $0xffff, v32  }
0x394: {  	v32 =	vadd.s32 v14, v37;
	v39 =	vadd.f32 v42, v5;
	v23 =	vld [tilespmem:s2+$0xFFFFFF80];
	v40 =	vadd.f32 v41, v6  }
0x395: {  	v33 =	vshll.u32 v33, v1;
	v41 =	vadd.s32 v14, v17;
	[tilespmem:v12+s17+$0x0] =	vst.idx.msk $0xffff, v25  }
0x396: {  	v12 =	vadd.s32 v27, v37;
	v25 =	vbroadcast v26, $0x0;
	v26 =	vadd.s32 v27, v35;
	[tilespmem:v9+s17+$0x0] =	vst.idx.msk $0xffff, v40  }
0x397: {  	v29 =	vadd.s32 v3, v29;
	v9 =	vor.u32 $0x2, v12;
	v12 =	vadd.f32 v13, v6;
	[tilespmem:v11+s17+$0x0] =	vst.idx.msk $0xffff, v30  }
0x398: {  	v13 =	vor.u32 $0x1, v41;
	v11 =	vadd.f32 v31, v8;
	[tilespmem:v34+s17+$0x0] =	vst.idx.msk $0xffff, v28;
	v28 =	vadd.s32 v27, v15  }
0x399: {  	v31 =	vadd.s32 v29, v22;
	v34 =	vor.u32 $0x7, v26;
	v30 =	vld [tilespmem:s2+$0xFFFFFF10];
	v23 =	vadd.f32 v23, v5;
	[tilespmem:v10+s17+$0x0] =	vst.idx.msk $0xffff, v12  }
0x39a: {  	v12 =	vor.u32 $0x2, v32;
	v10 =	vadd.s32 v27, v25;
	v32 =	vadd.s32 v14, v35;
	[tilespmem:v16+s17+$0x0] =	vst.idx.msk $0xffff, v36  }
0x39b: {  	v26 =	vor.u32 $0x4, v28;
	v28 =	vor.u32 $0x5, v10;
	v36 =	vor.u32 $0x6, v21;
	v10 =	vld [tilespmem:s2+$0x90]  }
0x39c: {  	v33 =	vbroadcast v33, $0x0;
	v40 =	vadd.s32 v24, v14;
	v16 =	vadd.s32 v24, v29;
	[tilespmem:v9+s17+$0x0] =	vst.idx.msk $0xffff, v23  }
0x39d: {  	v43 =	vadd.s32 v29, v35;
	v42 =	vadd.s32 v14, v25;
	v9 =	vadd.s32 v20, v35;
	v41 =	vld [tilespmem:s2+$0xFFFFFF90]  }
0x39e: {  	v21 =	vadd.s32 v29, v37;
	v9 =	vor.u32 $0x7, v9;
	[tilespmem:v13+s17+$0x0] =	vst.idx.msk $0xffff, v11;
	v11 =	vadd.s32 v27, v33  }
0x39f: {  	v23 =	vadd.s32 v29, v17;
	v13 =	vadd.f32 v30, v8;
	v27 =	vadd.s32 v20, v33  }
0x3a0: {  	v35 =	vor.u32 $0x1, v23;
	v23 =	vadd.s32 v14, v15;
	v30 =	vld [tilespmem:s2+$0xFFFFFF60];
	[tilespmem:v26+s17+$0x0] =	vst.idx.msk $0xffff, v38;
	v26 =	vadd.f32 v10, v8  }
0x3a1: {  	v11 =	vor.u32 $0x3, v11;
	[tilespmem:v40+s17+$0x0] =	vst.idx.msk $0xffff, v13;
	v38 =	vld [tilespmem:s2+$0x10];
	v40 =	vor.u32 $0x4, v23;
	v23 =	vadd.s32 v29, v15  }
0x3a2: {  	v10 =	vor.u32 $0x3, v27;
	v27 =	vadd.s32 v29, v25;
	v44 =	vld [tilespmem:s2+$0xFFFFFF20];
	v41 =	vadd.f32 v41, v8;
	[tilespmem:v36+s17+$0x0] =	vst.idx.msk $0xffff, v26  }
0x3a3: {  	v36 =	vadd.s32 v14, v33;
	v26 =	vadd.s32 v20, v25;
	[tilespmem:v28+s17+$0x0] =	vst.idx.msk $0xffff, v19;
	v28 =	vld [tilespmem:s2+$0xA0];
	v19 =	vor.u32 $0x6, v31  }
0x3a4: {  	v13 =	vadd.s32 v24, v20;
	v25 =	vadd.s32 v29, v33;
	v14 =	vor.u32 $0x7, v43;
	v33 =	vld [tilespmem:s2+$0x50];
	[tilespmem:v34+s17+$0x0] =	vst.idx.msk $0xffff, v39  }
.Ltmp37:
0x3a5: {  	v15 =	vadd.s32 v20, v15;
	v24 =	vor.u32 $0x7, v32;
	v30 =	vadd.f32 v30, v7;
	[tilespmem:v12+s17+$0x0] =	vst.idx.msk $0xffff, v41;
	(pc) =	sbr.rel @p0 .LBB2_76-.Ltmp37, $4  }
0x3a6: {  	v12 =	vadd.s32 v20, v37;
	v29 =	vld [tilespmem:s2+$0xFFFFFFA0];
	[tilespmem:v11+s17+$0x0] =	vst.idx.msk $0xffff, v18;
	v18 =	vor.u32 $0x3, v36;
	v11 =	vadd.f32 v38, v8  }
0x3a7: {  	v32 =	vor.u32 $0x5, v42;
	v34 =	vadd.s32 v20, v17;
	v20 =	vadd.s32 v20, v22;
	[tilespmem:v35+s17+$0x0] =	vst.idx.msk $0xffff, v30;
	v30 =	vld [tilespmem:s2+$0xFFFFFFD0]  }
0x3a8: {  	v12 =	vor.u32 $0x2, v12;
	v17 =	vld [tilespmem:s2+$0xFFFFFF70];
	[tilespmem:v40+s17+$0x0] =	vst.idx.msk $0xffff, v11;
	v11 =	vor.u32 $0x4, v15;
	v15 =	vor.u32 $0x6, v20  }
0x3a9: {  	v31 =	vadd.f32 v44, v7;
	v20 =	vor.u32 $0x1, v34;
	s2 =	sadd.s32 $0x200, s2;
	v22 =	vld [tilespmem:s25+$0x20];
	v33 =	vadd.f32 v33, v8  }
0x3aa: {  	v5 =	vld [tilespmem:s25+$0xD0];
	_ =	sdelay $0x4  }
0x3ab: {  	[tilespmem:v32+s17+$0x0] =	vst.idx.msk $0xffff, v33;
	v5 =	vadd.f32 v5, v8  }
0x3ac: {  	v32 =	vld [tilespmem:s25+$0x60]  }
0x3ad: {  	v50 =	vadd.f32 v30, v8;
	[tilespmem:v24+s17+$0x0] =	vst.idx.msk $0xffff, v5  }
0x3ae: {  	v5 =	vor.u32 $0x5, v27;
	v24 =	vld [tilespmem:s25+$0xE0]  }
0x3af: {  	v21 =	vor.u32 $0x2, v21;
	[tilespmem:v18+s17+$0x0] =	vst.idx.msk $0xffff, v50  }
0x3b0: {  	v51 =	vadd.f32 v28, v7;
	v18 =	vld [tilespmem:s25+$0xFFFFFFE0]  }
0x3b1: {  	v23 =	vor.u32 $0x4, v23;
	[tilespmem:v16+s17+$0x0] =	vst.idx.msk $0xffff, v31;
	v52 =	vadd.f32 v32, v7  }
0x3b2: {  	v25 =	vor.u32 $0x3, v25;
	v53 =	vadd.f32 v29, v7;
	[tilespmem:v19+s17+$0x0] =	vst.idx.msk $0xffff, v51;
	v54 =	vld [tilespmem:s25+$0xFFFFFF30]  }
0x3b3: {  	v19 =	vld [tilespmem:s25+$0xB0];
	[tilespmem:v5+s17+$0x0] =	vst.idx.msk $0xffff, v52;
	v5 =	vadd.f32 v24, v7  }
0x3b4: {  	v55 =	vadd.f32 v22, v7;
	[tilespmem:v21+s17+$0x0] =	vst.idx.msk $0xffff, v53;
	v56 =	vld [tilespmem:s25+$0x70]  }
0x3b5: {  	v57 =	vld [tilespmem:s25+$0xFFFFFFB0];
	v7 =	vadd.f32 v18, v7;
	[tilespmem:v14+s17+$0x0] =	vst.idx.msk $0xffff, v5  }
0x3b6: {  	v58 =	vadd.f32 v17, v6;
	[tilespmem:v23+s17+$0x0] =	vst.idx.msk $0xffff, v55;
	v5 =	vor.u32 $0x5, v26;
	v59 =	vld [tilespmem:s25+$0xF0]  }
0x3b7: {  	v8 =	vadd.f32 v54, v6;
	[tilespmem:v25+s17+$0x0] =	vst.idx.msk $0xffff, v7;
	v7 =	vld [tilespmem:s25+$0x30]  }
0x3b8: {  	[tilespmem:v20+s17+$0x0] =	vst.idx.msk $0xffff, v58;
	v61 =	vadd.f32 v19, v6;
	v60 =	vld [tilespmem:s25+$0xFFFFFFF0]  }
0x3b9: {  	[tilespmem:v13+s17+$0x0] =	vst.idx.msk $0xffff, v8;
	v62 =	vadd.f32 v56, v6  }
0x3ba: {  	[tilespmem:v15+s17+$0x0] =	vst.idx.msk $0xffff, v61;
	v63 =	vadd.f32 v57, v6  }
0x3bb: {  	[tilespmem:v5+s17+$0x0] =	vst.idx.msk $0xffff, v62;
	v5 =	vadd.f32 v59, v6  }
0x3bc: {  	[tilespmem:v12+s17+$0x0] =	vst.idx.msk $0xffff, v63;
	v7 =	vadd.f32 v7, v6  }
0x3bd: {  	[tilespmem:v9+s17+$0x0] =	vst.idx.msk $0xffff, v5;
	v5 =	vadd.f32 v60, v6  }
0x3be: {  	s2 =	simm.s32 $0x10400;
	[tilespmem:v11+s17+$0x0] =	vst.idx.msk $0xffff, v7  }
0x3bf: {  	s22 =	sadd.s32 $0x0, s18;
	s26 =	simm.s32 $0x10490;
	s25 =	simm.s32 $0x10;
	[tilespmem:v10+s17+$0x0] =	vst.idx.msk $0xffff, v5  }
.LBB2_78:
0x3c0: {  	[hbm4b:s22+s3] =	stream.linear.scatter [tilespmem:s2], [sflag:$0x3], $0x80, $0x38;
	[tilespmem:$0x1C600] =	vst v63  }
0x3c1: {  	s7 =	smov.u32 s25;
	s2 =	smov.u32 s26;
	p0 =	sne.s32 s25, $0x1F0  }
.Ltmp38:
0x3c2: {  	s25 =	sadd.s32 $0x10, s25;
	(pc) =	sbr.rel @p0 .LBB2_78-.Ltmp38, $2  }
0x3c3: {  	_ =	sdelay $0x2  }
0x3c4: {  	s26 =	sadd.s32 $0x90, s26;
	s22 =	sadd.s32 s7, s18  }
0x3c5: {  	[hbm4b:s22+s3] =	stream.linear.scatter [tilespmem:s2], [sflag:$0x3], $0x80, $0x38;
	[tilespmem:$0x1C600] =	vst v63  }
0x3c6: {  	s2 =	sadd.s32 $0x1000, s18;
	s25 =	simm.s32 $0x11600  }
0x3c7: {  	s26 =	simm.s32 $0x10;
	s28 =	simm.s32 $0x11690;
	s22 =	sadd.s32 $0x0, s2  }
.LBB2_80:
0x3c8: {  	[hbm4b:s22+s3] =	stream.linear.scatter [tilespmem:s25], [sflag:$0x3], $0x80, $0x38;
	[tilespmem:$0x1C600] =	vst v63  }
0x3c9: {  	s7 =	smov.u32 s26;
	s25 =	smov.u32 s28;
	p0 =	sne.s32 s26, $0x1F0  }
.Ltmp39:
0x3ca: {  	s26 =	sadd.s32 $0x10, s26;
	(pc) =	sbr.rel @p0 .LBB2_80-.Ltmp39, $2  }
0x3cb: {  	_ =	sdelay $0x2  }
0x3cc: {  	s28 =	sadd.s32 $0x90, s28;
	s22 =	sadd.s32 s7, s2  }
0x3cd: {  	[hbm4b:s22+s3] =	stream.linear.scatter [tilespmem:s25], [sflag:$0x3], $0x80, $0x38;
	[tilespmem:$0x1C600] =	vst v63  }
0x3ce: {  	s2 =	sadd.s32 $0x2000, s18;
	s25 =	simm.s32 $0x12800  }
0x3cf: {  	s26 =	simm.s32 $0x10;
	s28 =	simm.s32 $0x12890;
	s22 =	sadd.s32 $0x0, s2  }
.LBB2_82:
0x3d0: {  	[hbm4b:s22+s3] =	stream.linear.scatter [tilespmem:s25], [sflag:$0x3], $0x80, $0x38;
	[tilespmem:$0x1C600] =	vst v63  }
0x3d1: {  	s7 =	smov.u32 s26;
	s25 =	smov.u32 s28;
	p0 =	sne.s32 s26, $0x1F0  }
.Ltmp40:
0x3d2: {  	s26 =	sadd.s32 $0x10, s26;
	(pc) =	sbr.rel @p0 .LBB2_82-.Ltmp40, $2  }
0x3d3: {  	_ =	sdelay $0x2  }
0x3d4: {  	s28 =	sadd.s32 $0x90, s28;
	s22 =	sadd.s32 s7, s2  }
0x3d5: {  	[hbm4b:s22+s3] =	stream.linear.scatter [tilespmem:s25], [sflag:$0x3], $0x80, $0x38;
	[tilespmem:$0x1C600] =	vst v63  }
0x3d6: {  	s2 =	sadd.s32 $0x3000, s18;
	s25 =	simm.s32 $0x13A00  }
0x3d7: {  	s26 =	simm.s32 $0x10;
	s28 =	simm.s32 $0x13A90;
	s22 =	sadd.s32 $0x0, s2  }
.LBB2_84:
0x3d8: {  	[hbm4b:s22+s3] =	stream.linear.scatter [tilespmem:s25], [sflag:$0x3], $0x80, $0x38;
	[tilespmem:$0x1C600] =	vst v63  }
0x3d9: {  	s7 =	smov.u32 s26;
	s25 =	smov.u32 s28;
	p0 =	sne.s32 s26, $0x1F0  }
.Ltmp41:
0x3da: {  	s26 =	sadd.s32 $0x10, s26;
	(pc) =	sbr.rel @p0 .LBB2_84-.Ltmp41, $2  }
0x3db: {  	_ =	sdelay $0x2  }
0x3dc: {  	s28 =	sadd.s32 $0x90, s28;
	s22 =	sadd.s32 s7, s2  }
0x3dd: {  	[hbm4b:s22+s3] =	stream.linear.scatter [tilespmem:s25], [sflag:$0x3], $0x80, $0x38;
	[tilespmem:$0x1C600] =	vst v63  }
0x3de: {  	s2 =	sadd.s32 $0x4000, s18;
	s25 =	simm.s32 $0x14C00  }
0x3df: {  	s26 =	simm.s32 $0x10;
	s28 =	simm.s32 $0x14C90;
	s22 =	sadd.s32 $0x0, s2  }
.LBB2_86:
0x3e0: {  	[hbm4b:s22+s3] =	stream.linear.scatter [tilespmem:s25], [sflag:$0x3], $0x80, $0x38;
	[tilespmem:$0x1C600] =	vst v63  }
0x3e1: {  	s7 =	smov.u32 s26;
	s25 =	smov.u32 s28;
	p0 =	sne.s32 s26, $0x1F0  }
.Ltmp42:
0x3e2: {  	s26 =	sadd.s32 $0x10, s26;
	(pc) =	sbr.rel @p0 .LBB2_86-.Ltmp42, $2  }
0x3e3: {  	_ =	sdelay $0x2  }
0x3e4: {  	s28 =	sadd.s32 $0x90, s28;
	s22 =	sadd.s32 s7, s2  }
0x3e5: {  	[hbm4b:s22+s3] =	stream.linear.scatter [tilespmem:s25], [sflag:$0x3], $0x80, $0x38;
	[tilespmem:$0x1C600] =	vst v63  }
0x3e6: {  	s2 =	sadd.s32 $0x5000, s18;
	s25 =	simm.s32 $0x15E00  }
0x3e7: {  	s26 =	simm.s32 $0x10;
	s28 =	simm.s32 $0x15E90;
	s22 =	sadd.s32 $0x0, s2  }
.LBB2_88:
0x3e8: {  	[hbm4b:s22+s3] =	stream.linear.scatter [tilespmem:s25], [sflag:$0x3], $0x80, $0x38;
	[tilespmem:$0x1C600] =	vst v63  }
0x3e9: {  	s7 =	smov.u32 s26;
	s25 =	smov.u32 s28;
	p0 =	sne.s32 s26, $0x1F0  }
.Ltmp43:
0x3ea: {  	s26 =	sadd.s32 $0x10, s26;
	(pc) =	sbr.rel @p0 .LBB2_88-.Ltmp43, $2  }
0x3eb: {  	_ =	sdelay $0x2  }
0x3ec: {  	s28 =	sadd.s32 $0x90, s28;
	s22 =	sadd.s32 s7, s2  }
0x3ed: {  	[hbm4b:s22+s3] =	stream.linear.scatter [tilespmem:s25], [sflag:$0x3], $0x80, $0x38;
	[tilespmem:$0x1C600] =	vst v63  }
0x3ee: {  	s2 =	sadd.s32 $0x6000, s18;
	s25 =	simm.s32 $0x17000  }
0x3ef: {  	s26 =	simm.s32 $0x10;
	s28 =	simm.s32 $0x17090;
	s22 =	sadd.s32 $0x0, s2  }
.LBB2_90:
0x3f0: {  	[hbm4b:s22+s3] =	stream.linear.scatter [tilespmem:s25], [sflag:$0x3], $0x80, $0x38;
	[tilespmem:$0x1C600] =	vst v63  }
0x3f1: {  	s7 =	smov.u32 s26;
	s25 =	smov.u32 s28;
	p0 =	sne.s32 s26, $0x1F0  }
.Ltmp44:
0x3f2: {  	s26 =	sadd.s32 $0x10, s26;
	(pc) =	sbr.rel @p0 .LBB2_90-.Ltmp44, $2  }
0x3f3: {  	_ =	sdelay $0x2  }
0x3f4: {  	s28 =	sadd.s32 $0x90, s28;
	s22 =	sadd.s32 s7, s2  }
0x3f5: {  	[hbm4b:s22+s3] =	stream.linear.scatter [tilespmem:s25], [sflag:$0x3], $0x80, $0x38;
	[tilespmem:$0x1C600] =	vst v63  }
0x3f6: {  	s2 =	sadd.s32 $0x7000, s18;
	s25 =	simm.s32 $0x18200  }
0x3f7: {  	s26 =	simm.s32 $0x10;
	s28 =	simm.s32 $0x18290;
	s22 =	sadd.s32 $0x0, s2  }
.LBB2_92:
0x3f8: {  	[hbm4b:s22+s3] =	stream.linear.scatter [tilespmem:s25], [sflag:$0x3], $0x80, $0x38;
	[tilespmem:$0x1C600] =	vst v63  }
0x3f9: {  	s7 =	smov.u32 s26;
	s25 =	smov.u32 s28;
	p0 =	sne.s32 s26, $0x1F0  }
.Ltmp45:
0x3fa: {  	s26 =	sadd.s32 $0x10, s26;
	(pc) =	sbr.rel @p0 .LBB2_92-.Ltmp45, $2  }
0x3fb: {  	_ =	sdelay $0x2  }
0x3fc: {  	s28 =	sadd.s32 $0x90, s28;
	s22 =	sadd.s32 s7, s2  }
0x3fd: {  	[hbm4b:s22+s3] =	stream.linear.scatter [tilespmem:s25], [sflag:$0x3], $0x80, $0x38;
	[tilespmem:$0x1C600] =	vst v63  }
0x3fe: {  	_ =	swait.ge [sflag:s19], $0x2000  }
0x3ff: {  	[sflag:s19] =	ssyncset.done $0x0  }
0x400: {  	[sflag:s19] =	ssyncadd.s32 $0xFFFFE000  }
0x401: {  	_ =	swait.ge [sflag:s19], $0x2000  }
0x402: {  	[sflag:s19] =	ssyncset.done $0x0  }
0x403: {  	[sflag:s19] =	ssyncadd.s32 $0xFFFFE000  }
0x404: {  	_ =	swait.ge [sflag:s19], $0x2000  }
0x405: {  	[sflag:s19] =	ssyncset.done $0x0  }
0x406: {  	[sflag:s19] =	ssyncadd.s32 $0xFFFFE000  }
0x407: {  	_ =	swait.ge [sflag:s19], $0x2000  }
0x408: {  	[sflag:s19] =	ssyncset.done $0x0  }
0x409: {  	[sflag:s19] =	ssyncadd.s32 $0xFFFFE000  }
0x40a: {  	_ =	swait.ge [sflag:s10], $0x8000  }
0x40b: {  	[sflag:s10] =	ssyncset.done $0x0  }
0x40c: {  	s12 =	rddreg [dreg:$0xa];
	[sflag:s10] =	ssyncadd.s32 $0xFFFF8000  }
0x40d: {  	s25 =	simm.s32 $0x8500;
	s2 =	simm.s32 $0x1;
	v5 =	vld [tilespmem:s12+$0x19400]  }
0x40e: {  	s26 =	simm.s32 $0x0;
	s31 =	simm.s32 $0x7;
	s2 =	sand.u32 $0x78, s2;
	v6 =	vld [tilespmem:s25+$0xFFFFFF40]  }
0x40f: {  	s7 =	simm.s32 $0x0;
	s29 =	simm.s32 $0x3;
	v9 =	vmov s2;
	s2 =	sand.u32 $0x78, s31;
	v7 =	vld [tilespmem:s25+$0x40]  }
0x410: {  	s8 =	simm.s32 $0x2;
	s30 =	sand.u32 $0x78, s26;
	v12 =	vmov s2;
	s2 =	sand.u32 $0x78, s29;
	v10 =	vld [tilespmem:s25+$0xFFFFFFC0]  }
0x411: {  	s22 =	simm.s32 $0x4;
	v8 =	vmov s7;
	s14 =	sand.u32 $0x78, s8;
	v11 =	vmov s30;
	v20 =	vmov s2;
	v21 =	vld [tilespmem:s25+$0xFFFFFF00]  }
0x412: {  	s28 =	sand.u32 $0x78, s22;
	v8 =	vmul.u32 $0x480, v8;
	v14 =	vmov s14;
	s30 =	simm.s32 $0x5;
	v20 =	vshrl.u32 v20, $0x3;
	v27 =	vld [tilespmem:s25+$0xC0]  }
0x413: {  	v16 =	vmov s28;
	v9 =	vshrl.u32 v9, $0x3;
	s31 =	sand.u32 $0x78, s30;
	v20 =	vshll.u32 v20, v1  }
0x414: {  	s9 =	simm.s32 $0x6;
	v16 =	vshrl.u32 v16, $0x3;
	v23 =	vmov s31;
	v20 =	vbroadcast v20, $0x0  }
0x415: {  	s9 =	sand.u32 $0x78, s9;
	v13 =	vadd.f32 v6, v5;
	v6 =	vshll.u32 v9, v1;
	v17 =	vadd.f32 v7, v5  }
0x416: {  	v9 =	vmov s9;
	v18 =	vadd.f32 v10, v5;
	v21 =	vadd.f32 v21, v5  }
0x417: {  	v34 =	vadd.f32 v27, v5;
	v15 =	vbroadcast v6, $0x0;
	v6 =	vshrl.u32 v12, $0x3  }
0x418: {  	v12 =	vbroadcast v8, $0x0;
	v7 =	vshrl.u32 v9, $0x3;
	v8 =	vshrl.u32 v11, $0x3  }
0x419: {  	v11 =	vshrl.u32 v14, $0x3;
	v7 =	vshll.u32 v7, v1;
	v8 =	vshll.u32 v8, v1  }
0x41a: {  	v25 =	vshll.u32 v6, v1;
	v11 =	vshll.u32 v11, v1;
	v10 =	vadd.s32 v0, v12  }
0x41b: {  	v9 =	vld [tilespmem:s25+$0x0];
	v22 =	vbroadcast v8, $0x0;
	v31 =	vadd.s32 v4, v12;
	v33 =	vbroadcast v7, $0x0  }
0x41c: {  	v25 =	vbroadcast v25, $0x0;
	v28 =	vadd.s32 v2, v12;
	v19 =	vadd.s32 v10, v15  }
0x41d: {  	v11 =	vbroadcast v11, $0x0;
	v12 =	vadd.s32 v3, v12;
	v19 =	vor.u32 $0x1, v19  }
0x41e: {  	v14 =	vld [tilespmem:s25+$0x80];
	v27 =	vadd.s32 v28, v15;
	v48 =	vadd.s32 v28, v20;
	v24 =	vadd.s32 v22, v10  }
0x41f: {  	v6 =	vld [tilespmem:s12+$0x19430];
	v63 =	vadd.s32 v31, v15;
	v30 =	vadd.s32 v28, v11;
	v32 =	vadd.s32 v10, v11  }
0x420: {  	v8 =	vld [tilespmem:s12+$0x19410];
	v27 =	vor.u32 $0x1, v27;
	v26 =	vadd.f32 v9, v5;
	v9 =	vadd.s32 v10, v33  }
0x421: {  	v7 =	vld [tilespmem:s12+$0x19420];
	v38 =	vadd.s32 v28, v25;
	v40 =	vadd.s32 v22, v28;
	v9 =	vor.u32 $0x6, v9  }
0x422: {  	v42 =	vadd.s32 v12, v25;
	[tilespmem:v19+s17+$0x0] =	vst.idx.msk $0xffff, v13;
	v13 =	vshll.u32 v16, v1;
	v16 =	vshrl.u32 v23, $0x3;
	v23 =	vld [tilespmem:s25+$0xFFFFFF80]  }
0x423: {  	v14 =	vadd.f32 v14, v5;
	v32 =	vor.u32 $0x2, v32;
	[tilespmem:v24+s17+$0x0] =	vst.idx.msk $0xffff, v21;
	v19 =	vld [tilespmem:s25+$0xFFFFFF50];
	v29 =	vbroadcast v13, $0x0  }
0x424: {  	v24 =	vadd.s32 v12, v33;
	v16 =	vshll.u32 v16, v1;
	v13 =	vadd.s32 v28, v33  }
0x425: {  	v35 =	vbroadcast v16, $0x0;
	v16 =	vadd.s32 v10, v25;
	v36 =	vadd.s32 v10, v29  }
0x426: {  	[tilespmem:v9+s17+$0x0] =	vst.idx.msk $0xffff, v14;
	v9 =	vadd.s32 v31, v25;
	v25 =	vadd.s32 v31, v20;
	v14 =	vor.u32 $0x4, v36  }
0x427: {  	v37 =	vor.u32 $0x7, v16;
	v16 =	vadd.s32 v10, v35;
	v21 =	vadd.f32 v23, v5;
	v23 =	vld [tilespmem:s25+$0xFFFFFF10]  }
0x428: {  	v39 =	vld [tilespmem:s25+$0x90];
	v41 =	vadd.s32 v28, v35;
	v61 =	vor.u32 $0x5, v16;
	v19 =	vadd.f32 v19, v8  }
0x429: {  	v13 =	vor.u32 $0x6, v13;
	v10 =	vadd.s32 v10, v20;
	v16 =	vadd.s32 v22, v12;
	[tilespmem:v32+s17+$0x0] =	vst.idx.msk $0xffff, v21  }
0x42a: {  	v45 =	vor.u32 $0x3, v10;
	v10 =	vor.u32 $0x3, v25;
	v25 =	vadd.s32 v12, v20;
	v32 =	vld [tilespmem:s25+$0xFFFFFF90];
	[tilespmem:v27+s17+$0x0] =	vst.idx.msk $0xffff, v19  }
0x42b: {  	v30 =	vor.u32 $0x2, v30;
	v20 =	vadd.s32 v31, v29;
	v21 =	vadd.s32 v12, v11;
	v43 =	vld [tilespmem:s25+$0xFFFFFF60];
	[tilespmem:v14+s17+$0x0] =	vst.idx.msk $0xffff, v26  }
0x42c: {  	v11 =	vadd.s32 v31, v11;
	v19 =	vadd.f32 v23, v8;
	v23 =	vadd.s32 v12, v15;
	v46 =	vld [tilespmem:s25+$0x10]  }
0x42d: {  	v39 =	vadd.f32 v39, v8;
	v14 =	vadd.s32 v28, v29;
	[tilespmem:v61+s17+$0x0] =	vst.idx.msk $0xffff, v17;
	v44 =	vor.u32 $0x1, v23  }
0x42e: {  	v27 =	vadd.s32 v12, v35;
	v26 =	vadd.s32 v31, v35;
	v47 =	vor.u32 $0x4, v14;
	v62 =	vld [tilespmem:s25+$0x50];
	[tilespmem:v40+s17+$0x0] =	vst.idx.msk $0xffff, v19  }
0x42f: {  	v9 =	vor.u32 $0x7, v9;
	[tilespmem:v13+s17+$0x0] =	vst.idx.msk $0xffff, v39;
	v13 =	vadd.s32 v22, v31;
	v32 =	vadd.f32 v32, v8;
	v40 =	vld [tilespmem:s25+$0xFFFFFF20]  }
0x430: {  	v14 =	vor.u32 $0x7, v42;
	[tilespmem:v45+s17+$0x0] =	vst.idx.msk $0xffff, v18;
	v23 =	vadd.s32 v12, v29;
	v28 =	vld [tilespmem:s25+$0xA0];
	v12 =	vadd.f32 v43, v7  }
0x431: {  	v18 =	vor.u32 $0x3, v48;
	v15 =	vadd.s32 v31, v33;
	[tilespmem:v30+s17+$0x0] =	vst.idx.msk $0xffff, v32;
	v22 =	vadd.f32 v46, v8;
	v30 =	vld [tilespmem:s25+$0xFFFFFFD0]  }
0x432: {  	v15 =	vor.u32 $0x6, v15;
	v19 =	vor.u32 $0x6, v24;
	v24 =	vor.u32 $0x7, v38;
	v29 =	vld [tilespmem:s25+$0xFFFFFFA0];
	[tilespmem:v44+s17+$0x0] =	vst.idx.msk $0xffff, v12  }
0x433: {  	v32 =	vor.u32 $0x5, v41;
	v12 =	vor.u32 $0x2, v11;
	v11 =	vor.u32 $0x4, v20;
	v17 =	vld [tilespmem:s25+$0xFFFFFF70];
	[tilespmem:v47+s17+$0x0] =	vst.idx.msk $0xffff, v22  }
0x434: {  	s2 =	simm.s32 $0x8700;
	[tilespmem:v37+s17+$0x0] =	vst.idx.msk $0xffff, v34;
	v20 =	vor.u32 $0x1, v63;
	v33 =	vadd.f32 v62, v8;
	v31 =	vadd.f32 v40, v7;
	v22 =	vld [tilespmem:s25+$0x20]  }
.LBB2_94:
0x435: {  	s7 =	sadd.s32 $0x9, s26  }
0x436: {  	v34 =	vld [tilespmem:s2+$0xFFFFFF40];
	s8 =	sadd.s32 $0xA, s26;
	v35 =	vor.u32 $0x4, v23;
	v23 =	vor.u32 $0x5, v26;
	v26 =	vadd.f32 v28, v7;
	s9 =	smov.u32 s26;
	s26 =	sadd.s32 $0x8, s26  }
0x437: {  	v21 =	vor.u32 $0x2, v21;
	v27 =	vor.u32 $0x5, v27;
	s12 =	sshrl.u32 s26, $0x7;
	s7 =	sand.u32 $0x78, s7;
	s14 =	sadd.s32 $0xE, s9;
	v28 =	vadd.f32 v29, v7;
	v29 =	vld [tilespmem:s25+$0xD0]  }
0x438: {  	s22 =	sadd.s32 $0xF, s9;
	v36 =	vmov s12;
	s12 =	sand.u32 $0x78, s26;
	v37 =	vmov s7;
	s7 =	sadd.s32 $0xC, s9;
	v38 =	vld [tilespmem:s2+$0x40];
	v30 =	vadd.f32 v30, v8;
	[tilespmem:v32+s17+$0x0] =	vst.idx.msk $0xffff, v33  }
0x439: {  	p0 =	slt.u32 s26, $0x1F8;
	s22 =	sand.u32 $0x78, s22;
	v32 =	vmov s12;
	v33 =	vmul.u32 $0x480, v36;
	s12 =	sadd.s32 $0xD, s9;
	[tilespmem:v16+s17+$0x0] =	vst.idx.msk $0xffff, v31;
	v16 =	vadd.f32 v17, v6;
	v31 =	vld [tilespmem:s25+$0x60]  }
0x43a: {  	v25 =	vor.u32 $0x3, v25;
	s14 =	sand.u32 $0x78, s14;
	s9 =	sadd.s32 $0xB, s9;
	s7 =	sand.u32 $0x78, s7;
	v39 =	vmov s22;
	v36 =	vld [tilespmem:s2+$0xFFFFFFC0];
	[tilespmem:v18+s17+$0x0] =	vst.idx.msk $0xffff, v30;
	v17 =	vadd.f32 v22, v7  }
0x43b: {  	s8 =	sand.u32 $0x78, s8;
	v18 =	vshrl.u32 v37, $0x3;
	s9 =	sand.u32 $0x78, s9;
	v22 =	vmov s14;
	v30 =	vadd.f32 v34, v5;
	v34 =	vld [tilespmem:s25+$0xFFFFFFE0];
	[tilespmem:v19+s17+$0x0] =	vst.idx.msk $0xffff, v26  }
0x43c: {  	v18 =	vshll.u32 v18, v1;
	v26 =	vmov s8;
	v37 =	vld [tilespmem:s25+$0xFFFFFF30];
	[tilespmem:v35+s17+$0x0] =	vst.idx.msk $0xffff, v17;
	v29 =	vadd.f32 v29, v8  }
0x43d: {  	v17 =	vbroadcast v18, $0x0;
	v35 =	vshrl.u32 v39, $0x3;
	v19 =	vadd.f32 v38, v5;
	[tilespmem:v21+s17+$0x0] =	vst.idx.msk $0xffff, v28;
	v21 =	vld [tilespmem:s25+$0xB0]  }
0x43e: {  	v22 =	vshrl.u32 v22, $0x3;
	v28 =	vmov s7;
	v38 =	vld [tilespmem:s2+$0x0];
	v31 =	vadd.f32 v31, v7;
	[tilespmem:v24+s17+$0x0] =	vst.idx.msk $0xffff, v29  }
0x43f: {  	v22 =	vshll.u32 v22, v1;
	v29 =	vbroadcast v33, $0x0;
	v18 =	vadd.f32 v36, v5;
	[tilespmem:v20+s17+$0x0] =	vst.idx.msk $0xffff, v16;
	v16 =	vld [tilespmem:s25+$0xE0]  }
0x440: {  	v26 =	vshrl.u32 v26, $0x3;
	v33 =	vmov s9;
	v36 =	vld [tilespmem:s2+$0x80];
	v20 =	vadd.f32 v34, v7;
	[tilespmem:v27+s17+$0x0] =	vst.idx.msk $0xffff, v31  }
0x441: {  	s7 =	sand.u32 $0x78, s12;
	v24 =	vshrl.u32 v32, $0x3;
	v27 =	vadd.s32 v0, v29;
	v31 =	vadd.f32 v37, v6;
	v32 =	vld [tilespmem:s25+$0x70]  }
0x442: {  	v24 =	vshll.u32 v24, v1;
	v34 =	vadd.s32 v27, v17;
	v37 =	vmov s7;
	v39 =	vld [tilespmem:s25+$0xFFFFFFB0];
	[tilespmem:v25+s17+$0x0] =	vst.idx.msk $0xffff, v20  }
0x443: {  	v24 =	vbroadcast v24, $0x0;
	v20 =	vadd.s32 v4, v29;
	v25 =	vshrl.u32 v28, $0x3;
	[tilespmem:v13+s17+$0x0] =	vst.idx.msk $0xffff, v31;
	v13 =	vld [tilespmem:s25+$0xFFFFFFF0]  }
0x444: {  	v22 =	vbroadcast v22, $0x0;
	v31 =	vor.u32 $0x1, v34;
	v28 =	vld [tilespmem:s2+$0xFFFFFF00];
	v16 =	vadd.f32 v16, v7  }
0x445: {  	v35 =	vshll.u32 v35, v1;
	v33 =	vshrl.u32 v33, $0x3;
	v34 =	vadd.s32 v24, v27;
	v40 =	vld [tilespmem:s25+$0x30]  }
0x446: {  	v35 =	vbroadcast v35, $0x0;
	v41 =	vadd.s32 v27, v22;
	v38 =	vadd.f32 v38, v5;
	v42 =	vld [tilespmem:s2+$0xC0];
	[tilespmem:v14+s17+$0x0] =	vst.idx.msk $0xffff, v16  }
0x447: {  	v14 =	vadd.s32 v2, v29;
	v16 =	vor.u32 $0x6, v41;
	v32 =	vadd.f32 v32, v6;
	v41 =	vld [tilespmem:s25+$0xF0];
	s25 =	smov.u32 s2  }
0x448: {  	v26 =	vshll.u32 v26, v1;
	v21 =	vadd.f32 v21, v6;
	v36 =	vadd.f32 v36, v5  }
0x449: {  	v25 =	vshll.u32 v25, v1;
	v28 =	vadd.f32 v28, v5;
	[tilespmem:v31+s17+$0x0] =	vst.idx.msk $0xffff, v30;
	v30 =	vshrl.u32 v37, $0x3  }
0x44a: {  	v37 =	vbroadcast v26, $0x0;
	v31 =	vld [tilespmem:s2+$0xFFFFFF50];
	v26 =	vshll.u32 v30, v1;
	v30 =	vadd.f32 v40, v6;
	[tilespmem:v15+s17+$0x0] =	vst.idx.msk $0xffff, v21  }
0x44b: {  	v15 =	vbroadcast v25, $0x0;
	v21 =	vadd.s32 v14, v22;
	v25 =	vadd.f32 v39, v6;
	[tilespmem:v23+s17+$0x0] =	vst.idx.msk $0xffff, v32  }
0x44c: {  	v32 =	vadd.s32 v14, v37;
	v39 =	vadd.f32 v42, v5;
	v23 =	vld [tilespmem:s2+$0xFFFFFF80];
	v40 =	vadd.f32 v41, v6  }
0x44d: {  	v33 =	vshll.u32 v33, v1;
	v41 =	vadd.s32 v14, v17;
	[tilespmem:v12+s17+$0x0] =	vst.idx.msk $0xffff, v25  }
0x44e: {  	v12 =	vadd.s32 v27, v37;
	v25 =	vbroadcast v26, $0x0;
	v26 =	vadd.s32 v27, v35;
	[tilespmem:v9+s17+$0x0] =	vst.idx.msk $0xffff, v40  }
0x44f: {  	v29 =	vadd.s32 v3, v29;
	v9 =	vor.u32 $0x2, v12;
	v12 =	vadd.f32 v13, v6;
	[tilespmem:v11+s17+$0x0] =	vst.idx.msk $0xffff, v30  }
0x450: {  	v13 =	vor.u32 $0x1, v41;
	v11 =	vadd.f32 v31, v8;
	[tilespmem:v34+s17+$0x0] =	vst.idx.msk $0xffff, v28;
	v28 =	vadd.s32 v27, v15  }
0x451: {  	v31 =	vadd.s32 v29, v22;
	v34 =	vor.u32 $0x7, v26;
	v30 =	vld [tilespmem:s2+$0xFFFFFF10];
	v23 =	vadd.f32 v23, v5;
	[tilespmem:v10+s17+$0x0] =	vst.idx.msk $0xffff, v12  }
0x452: {  	v12 =	vor.u32 $0x2, v32;
	v10 =	vadd.s32 v27, v25;
	v32 =	vadd.s32 v14, v35;
	[tilespmem:v16+s17+$0x0] =	vst.idx.msk $0xffff, v36  }
0x453: {  	v26 =	vor.u32 $0x4, v28;
	v28 =	vor.u32 $0x5, v10;
	v36 =	vor.u32 $0x6, v21;
	v10 =	vld [tilespmem:s2+$0x90]  }
0x454: {  	v33 =	vbroadcast v33, $0x0;
	v40 =	vadd.s32 v24, v14;
	v16 =	vadd.s32 v24, v29;
	[tilespmem:v9+s17+$0x0] =	vst.idx.msk $0xffff, v23  }
0x455: {  	v43 =	vadd.s32 v29, v35;
	v42 =	vadd.s32 v14, v25;
	v9 =	vadd.s32 v20, v35;
	v41 =	vld [tilespmem:s2+$0xFFFFFF90]  }
0x456: {  	v21 =	vadd.s32 v29, v37;
	v9 =	vor.u32 $0x7, v9;
	[tilespmem:v13+s17+$0x0] =	vst.idx.msk $0xffff, v11;
	v11 =	vadd.s32 v27, v33  }
0x457: {  	v23 =	vadd.s32 v29, v17;
	v13 =	vadd.f32 v30, v8;
	v27 =	vadd.s32 v20, v33  }
0x458: {  	v35 =	vor.u32 $0x1, v23;
	v23 =	vadd.s32 v14, v15;
	v30 =	vld [tilespmem:s2+$0xFFFFFF60];
	[tilespmem:v26+s17+$0x0] =	vst.idx.msk $0xffff, v38;
	v26 =	vadd.f32 v10, v8  }
0x459: {  	v11 =	vor.u32 $0x3, v11;
	[tilespmem:v40+s17+$0x0] =	vst.idx.msk $0xffff, v13;
	v38 =	vld [tilespmem:s2+$0x10];
	v40 =	vor.u32 $0x4, v23;
	v23 =	vadd.s32 v29, v15  }
0x45a: {  	v10 =	vor.u32 $0x3, v27;
	v27 =	vadd.s32 v29, v25;
	v44 =	vld [tilespmem:s2+$0xFFFFFF20];
	v41 =	vadd.f32 v41, v8;
	[tilespmem:v36+s17+$0x0] =	vst.idx.msk $0xffff, v26  }
0x45b: {  	v36 =	vadd.s32 v14, v33;
	v26 =	vadd.s32 v20, v25;
	[tilespmem:v28+s17+$0x0] =	vst.idx.msk $0xffff, v19;
	v28 =	vld [tilespmem:s2+$0xA0];
	v19 =	vor.u32 $0x6, v31  }
0x45c: {  	v13 =	vadd.s32 v24, v20;
	v25 =	vadd.s32 v29, v33;
	v14 =	vor.u32 $0x7, v43;
	v33 =	vld [tilespmem:s2+$0x50];
	[tilespmem:v34+s17+$0x0] =	vst.idx.msk $0xffff, v39  }
.Ltmp46:
0x45d: {  	v15 =	vadd.s32 v20, v15;
	v24 =	vor.u32 $0x7, v32;
	v30 =	vadd.f32 v30, v7;
	[tilespmem:v12+s17+$0x0] =	vst.idx.msk $0xffff, v41;
	(pc) =	sbr.rel @p0 .LBB2_94-.Ltmp46, $4  }
0x45e: {  	v12 =	vadd.s32 v20, v37;
	v29 =	vld [tilespmem:s2+$0xFFFFFFA0];
	[tilespmem:v11+s17+$0x0] =	vst.idx.msk $0xffff, v18;
	v18 =	vor.u32 $0x3, v36;
	v11 =	vadd.f32 v38, v8  }
0x45f: {  	v32 =	vor.u32 $0x5, v42;
	v34 =	vadd.s32 v20, v17;
	v20 =	vadd.s32 v20, v22;
	[tilespmem:v35+s17+$0x0] =	vst.idx.msk $0xffff, v30;
	v30 =	vld [tilespmem:s2+$0xFFFFFFD0]  }
0x460: {  	v12 =	vor.u32 $0x2, v12;
	v17 =	vld [tilespmem:s2+$0xFFFFFF70];
	[tilespmem:v40+s17+$0x0] =	vst.idx.msk $0xffff, v11;
	v11 =	vor.u32 $0x4, v15;
	v15 =	vor.u32 $0x6, v20  }
0x461: {  	v31 =	vadd.f32 v44, v7;
	v20 =	vor.u32 $0x1, v34;
	s2 =	sadd.s32 $0x200, s2;
	v22 =	vld [tilespmem:s25+$0x20];
	v33 =	vadd.f32 v33, v8  }
0x462: {  	v5 =	vld [tilespmem:s25+$0xD0];
	_ =	sdelay $0x4  }
0x463: {  	[tilespmem:v32+s17+$0x0] =	vst.idx.msk $0xffff, v33;
	v5 =	vadd.f32 v5, v8  }
0x464: {  	v32 =	vld [tilespmem:s25+$0x60]  }
0x465: {  	v50 =	vadd.f32 v30, v8;
	[tilespmem:v24+s17+$0x0] =	vst.idx.msk $0xffff, v5  }
0x466: {  	v5 =	vor.u32 $0x5, v27;
	v24 =	vld [tilespmem:s25+$0xE0]  }
0x467: {  	v21 =	vor.u32 $0x2, v21;
	[tilespmem:v18+s17+$0x0] =	vst.idx.msk $0xffff, v50  }
0x468: {  	v51 =	vadd.f32 v28, v7;
	v18 =	vld [tilespmem:s25+$0xFFFFFFE0]  }
0x469: {  	v23 =	vor.u32 $0x4, v23;
	[tilespmem:v16+s17+$0x0] =	vst.idx.msk $0xffff, v31;
	v52 =	vadd.f32 v32, v7  }
0x46a: {  	v25 =	vor.u32 $0x3, v25;
	v53 =	vadd.f32 v29, v7;
	[tilespmem:v19+s17+$0x0] =	vst.idx.msk $0xffff, v51;
	v54 =	vld [tilespmem:s25+$0xFFFFFF30]  }
0x46b: {  	v19 =	vld [tilespmem:s25+$0xB0];
	[tilespmem:v5+s17+$0x0] =	vst.idx.msk $0xffff, v52;
	v5 =	vadd.f32 v24, v7  }
0x46c: {  	v55 =	vadd.f32 v22, v7;
	[tilespmem:v21+s17+$0x0] =	vst.idx.msk $0xffff, v53;
	v56 =	vld [tilespmem:s25+$0x70]  }
0x46d: {  	v57 =	vld [tilespmem:s25+$0xFFFFFFB0];
	v7 =	vadd.f32 v18, v7;
	[tilespmem:v14+s17+$0x0] =	vst.idx.msk $0xffff, v5  }
0x46e: {  	v58 =	vadd.f32 v17, v6;
	[tilespmem:v23+s17+$0x0] =	vst.idx.msk $0xffff, v55;
	v5 =	vor.u32 $0x5, v26;
	v59 =	vld [tilespmem:s25+$0xF0]  }
0x46f: {  	v8 =	vadd.f32 v54, v6;
	[tilespmem:v25+s17+$0x0] =	vst.idx.msk $0xffff, v7;
	v7 =	vld [tilespmem:s25+$0x30]  }
0x470: {  	[tilespmem:v20+s17+$0x0] =	vst.idx.msk $0xffff, v58;
	v61 =	vadd.f32 v19, v6;
	v60 =	vld [tilespmem:s25+$0xFFFFFFF0]  }
0x471: {  	[tilespmem:v13+s17+$0x0] =	vst.idx.msk $0xffff, v8;
	v62 =	vadd.f32 v56, v6  }
0x472: {  	[tilespmem:v15+s17+$0x0] =	vst.idx.msk $0xffff, v61;
	v63 =	vadd.f32 v57, v6  }
0x473: {  	[tilespmem:v5+s17+$0x0] =	vst.idx.msk $0xffff, v62;
	v5 =	vadd.f32 v59, v6  }
0x474: {  	[tilespmem:v12+s17+$0x0] =	vst.idx.msk $0xffff, v63;
	v7 =	vadd.f32 v7, v6  }
0x475: {  	[tilespmem:v9+s17+$0x0] =	vst.idx.msk $0xffff, v5;
	v5 =	vadd.f32 v60, v6  }
0x476: {  	s2 =	simm.s32 $0x10400;
	[tilespmem:v11+s17+$0x0] =	vst.idx.msk $0xffff, v7  }
0x477: {  	s22 =	sadd.s32 $0x0, s20;
	s26 =	simm.s32 $0x10490;
	s25 =	simm.s32 $0x10;
	[tilespmem:v10+s17+$0x0] =	vst.idx.msk $0xffff, v5  }
.LBB2_96:
0x478: {  	[hbm4b:s22+s3] =	stream.linear.scatter [tilespmem:s2], [sflag:$0x3], $0x80, $0x38;
	[tilespmem:$0x1C600] =	vst v63  }
0x479: {  	s7 =	smov.u32 s25;
	s2 =	smov.u32 s26;
	p0 =	sne.s32 s25, $0x1F0  }
.Ltmp47:
0x47a: {  	s25 =	sadd.s32 $0x10, s25;
	(pc) =	sbr.rel @p0 .LBB2_96-.Ltmp47, $2  }
0x47b: {  	_ =	sdelay $0x2  }
0x47c: {  	s26 =	sadd.s32 $0x90, s26;
	s22 =	sadd.s32 s7, s20  }
0x47d: {  	[hbm4b:s22+s3] =	stream.linear.scatter [tilespmem:s2], [sflag:$0x3], $0x80, $0x38;
	[tilespmem:$0x1C600] =	vst v63  }
0x47e: {  	s2 =	sadd.s32 $0x1000, s20;
	s25 =	simm.s32 $0x11600  }
0x47f: {  	s26 =	simm.s32 $0x10;
	s28 =	simm.s32 $0x11690;
	s22 =	sadd.s32 $0x0, s2  }
.LBB2_98:
0x480: {  	[hbm4b:s22+s3] =	stream.linear.scatter [tilespmem:s25], [sflag:$0x3], $0x80, $0x38;
	[tilespmem:$0x1C600] =	vst v63  }
0x481: {  	s7 =	smov.u32 s26;
	s25 =	smov.u32 s28;
	p0 =	sne.s32 s26, $0x1F0  }
.Ltmp48:
0x482: {  	s26 =	sadd.s32 $0x10, s26;
	(pc) =	sbr.rel @p0 .LBB2_98-.Ltmp48, $2  }
0x483: {  	_ =	sdelay $0x2  }
0x484: {  	s28 =	sadd.s32 $0x90, s28;
	s22 =	sadd.s32 s7, s2  }
0x485: {  	[hbm4b:s22+s3] =	stream.linear.scatter [tilespmem:s25], [sflag:$0x3], $0x80, $0x38;
	[tilespmem:$0x1C600] =	vst v63  }
0x486: {  	s2 =	sadd.s32 $0x2000, s20;
	s25 =	simm.s32 $0x12800  }
0x487: {  	s26 =	simm.s32 $0x10;
	s28 =	simm.s32 $0x12890;
	s22 =	sadd.s32 $0x0, s2  }
.LBB2_100:
0x488: {  	[hbm4b:s22+s3] =	stream.linear.scatter [tilespmem:s25], [sflag:$0x3], $0x80, $0x38;
	[tilespmem:$0x1C600] =	vst v63  }
0x489: {  	s7 =	smov.u32 s26;
	s25 =	smov.u32 s28;
	p0 =	sne.s32 s26, $0x1F0  }
.Ltmp49:
0x48a: {  	s26 =	sadd.s32 $0x10, s26;
	(pc) =	sbr.rel @p0 .LBB2_100-.Ltmp49, $2  }
0x48b: {  	_ =	sdelay $0x2  }
0x48c: {  	s28 =	sadd.s32 $0x90, s28;
	s22 =	sadd.s32 s7, s2  }
0x48d: {  	[hbm4b:s22+s3] =	stream.linear.scatter [tilespmem:s25], [sflag:$0x3], $0x80, $0x38;
	[tilespmem:$0x1C600] =	vst v63  }
0x48e: {  	s2 =	sadd.s32 $0x3000, s20;
	s25 =	simm.s32 $0x13A00  }
0x48f: {  	s26 =	simm.s32 $0x10;
	s28 =	simm.s32 $0x13A90;
	s22 =	sadd.s32 $0x0, s2  }
.LBB2_102:
0x490: {  	[hbm4b:s22+s3] =	stream.linear.scatter [tilespmem:s25], [sflag:$0x3], $0x80, $0x38;
	[tilespmem:$0x1C600] =	vst v63  }
0x491: {  	s7 =	smov.u32 s26;
	s25 =	smov.u32 s28;
	p0 =	sne.s32 s26, $0x1F0  }
.Ltmp50:
0x492: {  	s26 =	sadd.s32 $0x10, s26;
	(pc) =	sbr.rel @p0 .LBB2_102-.Ltmp50, $2  }
0x493: {  	_ =	sdelay $0x2  }
0x494: {  	s28 =	sadd.s32 $0x90, s28;
	s22 =	sadd.s32 s7, s2  }
0x495: {  	[hbm4b:s22+s3] =	stream.linear.scatter [tilespmem:s25], [sflag:$0x3], $0x80, $0x38;
	[tilespmem:$0x1C600] =	vst v63  }
0x496: {  	s2 =	sadd.s32 $0x4000, s20;
	s25 =	simm.s32 $0x14C00  }
0x497: {  	s26 =	simm.s32 $0x10;
	s28 =	simm.s32 $0x14C90;
	s22 =	sadd.s32 $0x0, s2  }
.LBB2_104:
0x498: {  	[hbm4b:s22+s3] =	stream.linear.scatter [tilespmem:s25], [sflag:$0x3], $0x80, $0x38;
	[tilespmem:$0x1C600] =	vst v63  }
0x499: {  	s7 =	smov.u32 s26;
	s25 =	smov.u32 s28;
	p0 =	sne.s32 s26, $0x1F0  }
.Ltmp51:
0x49a: {  	s26 =	sadd.s32 $0x10, s26;
	(pc) =	sbr.rel @p0 .LBB2_104-.Ltmp51, $2  }
0x49b: {  	_ =	sdelay $0x2  }
0x49c: {  	s28 =	sadd.s32 $0x90, s28;
	s22 =	sadd.s32 s7, s2  }
0x49d: {  	[hbm4b:s22+s3] =	stream.linear.scatter [tilespmem:s25], [sflag:$0x3], $0x80, $0x38;
	[tilespmem:$0x1C600] =	vst v63  }
0x49e: {  	s2 =	sadd.s32 $0x5000, s20;
	s25 =	simm.s32 $0x15E00  }
0x49f: {  	s26 =	simm.s32 $0x10;
	s28 =	simm.s32 $0x15E90;
	s22 =	sadd.s32 $0x0, s2  }
.LBB2_106:
0x4a0: {  	[hbm4b:s22+s3] =	stream.linear.scatter [tilespmem:s25], [sflag:$0x3], $0x80, $0x38;
	[tilespmem:$0x1C600] =	vst v63  }
0x4a1: {  	s7 =	smov.u32 s26;
	s25 =	smov.u32 s28;
	p0 =	sne.s32 s26, $0x1F0  }
.Ltmp52:
0x4a2: {  	s26 =	sadd.s32 $0x10, s26;
	(pc) =	sbr.rel @p0 .LBB2_106-.Ltmp52, $2  }
0x4a3: {  	_ =	sdelay $0x2  }
0x4a4: {  	s28 =	sadd.s32 $0x90, s28;
	s22 =	sadd.s32 s7, s2  }
0x4a5: {  	[hbm4b:s22+s3] =	stream.linear.scatter [tilespmem:s25], [sflag:$0x3], $0x80, $0x38;
	[tilespmem:$0x1C600] =	vst v63  }
0x4a6: {  	s2 =	sadd.s32 $0x6000, s20;
	s25 =	simm.s32 $0x17000  }
0x4a7: {  	s26 =	simm.s32 $0x10;
	s28 =	simm.s32 $0x17090;
	s22 =	sadd.s32 $0x0, s2  }
.LBB2_108:
0x4a8: {  	[hbm4b:s22+s3] =	stream.linear.scatter [tilespmem:s25], [sflag:$0x3], $0x80, $0x38;
	[tilespmem:$0x1C600] =	vst v63  }
0x4a9: {  	s7 =	smov.u32 s26;
	s25 =	smov.u32 s28;
	p0 =	sne.s32 s26, $0x1F0  }
.Ltmp53:
0x4aa: {  	s26 =	sadd.s32 $0x10, s26;
	(pc) =	sbr.rel @p0 .LBB2_108-.Ltmp53, $2  }
0x4ab: {  	_ =	sdelay $0x2  }
0x4ac: {  	s28 =	sadd.s32 $0x90, s28;
	s22 =	sadd.s32 s7, s2  }
0x4ad: {  	[hbm4b:s22+s3] =	stream.linear.scatter [tilespmem:s25], [sflag:$0x3], $0x80, $0x38;
	[tilespmem:$0x1C600] =	vst v63  }
0x4ae: {  	s2 =	sadd.s32 $0x7000, s20;
	s25 =	simm.s32 $0x18200  }
0x4af: {  	s26 =	simm.s32 $0x10;
	s28 =	simm.s32 $0x18290;
	s22 =	sadd.s32 $0x0, s2  }
.LBB2_110:
0x4b0: {  	[hbm4b:s22+s3] =	stream.linear.scatter [tilespmem:s25], [sflag:$0x3], $0x80, $0x38;
	[tilespmem:$0x1C600] =	vst v63  }
0x4b1: {  	s7 =	smov.u32 s26;
	s25 =	smov.u32 s28;
	p0 =	sne.s32 s26, $0x1F0  }
.Ltmp54:
0x4b2: {  	s26 =	sadd.s32 $0x10, s26;
	(pc) =	sbr.rel @p0 .LBB2_110-.Ltmp54, $2  }
0x4b3: {  	_ =	sdelay $0x2  }
0x4b4: {  	s28 =	sadd.s32 $0x90, s28;
	s22 =	sadd.s32 s7, s2  }
0x4b5: {  	[hbm4b:s22+s3] =	stream.linear.scatter [tilespmem:s25], [sflag:$0x3], $0x80, $0x38;
	[tilespmem:$0x1C600] =	vst v63  }
0x4b6: {  	_ =	swait.ge [sflag:s10], $0x8000  }
0x4b7: {  	s7 =	rddreg [dreg:$0xc]  }
0x4b8: {  	s2 =	rddreg [dreg:$0xb];
	s7 =	sadd.s32 $0x1, s7  }
0x4b9: {  	p0 =	sne.s32 s7, s2  }
.Ltmp55:
0x4ba: {  	_ = 	snop;
	(pc) =	sbr.rel @p0 .LBB2_1-.Ltmp55, $3  }
0x4bb: {  	_ =	sdelay $0x1  }
0x4bc: {  	[sflag:s10] =	ssyncset.done $0x0  }
0x4bd: {  	[sflag:s10] =	ssyncadd.s32 $0xFFFF8000  }
0x4be: {  	_ =	sfence.sel $0x180000  }
0x4bf: {  	[bflag:$0x0] =	sbarrier.arrive $0xFFFF  }
0x4c0: {  	_ =	strace $0x90000047  }
0x4c1: {  	s0 =	stileid.u32;
	[bflag:$0x2] =	sbarrier.arrive $0xFFFF  }
0x4c2: {  	p0 =	sne.s32 s0, $0x0;
	s0 =	rddreg [dreg:$0x2]  }
0x4c3: {  	s0 =	sadd.s32 @!p0 $0x100000, s0  }
0x4c4: {  	[sflag:s0] =	ssyncadd.tile.s32 @!p0 $0x1;
	_ =	shalt  }
.Lfunc_end2:
_tile_overlayer_lowered:
.L_overlay_start_2:
0x4c5: {  	(tag) =	ssettag $0x2  }
0x4c6: {  	s0 =	rddreg [dreg:$0x0];
	s2 =	stileid.u32  }
0x4c7: {  	s1 =	rddreg [dreg:$0x1];
	p0 =	sne.s32 s2, $0x0  }
0x4c8: {  	s3 =	rddreg [dreg:$0x2];
	[bflag:$0x3] =	sbarrier.arrive $0xFFFF;
	s2 =	simm.s32 @!p0 $0x1C04  }
0x4c9: {  	[timem:s3], [sflag:s2] =	dma.local @!p0 [hbm:s0], s1  }
0x4ca: {  	s0 =	simm.s32 @!p0 $0x4  }
0x4cb: {  	_ =	swait.ge @!p0 [sflag:s0], s1  }
0x4cc: {  	s1 =	ssub.s32 @!p0 $0x0, s1;
	[sflag:s0] =	ssyncset.done @!p0 $0x0  }
0x4cd: {  	[sflag:s0] =	ssyncadd.s32 @!p0 s1  }
0x4ce: {  	[bflag:$0x3] =	sbarrier.arrive $0xFFFF  }
0x4cf: {  	_ =	shalt  }

</sc_bundles>
